<compile_context>
chip_gen: v7x
topology: tpu7x:2x2x1
jax: 0.10.2.dev20260603
libtpu: 0.0.44.dev20260713+nightly
codegen_flags: <defaults>
</compile_context>

<pallas_src>
import functools

import jax
import jax.numpy as jnp
import numpy as np
from jax import lax
from jax.experimental import pallas as pl
from jax.experimental.pallas import tpu as pltpu
from jax.experimental.pallas import tpu_sc as plsc

B, N = 4, 6
ogfH, ogfW = 256, 704
DS = 16
fH, fW = ogfH // DS, ogfW // DS
HW = fH * fW
D, C = 48, 64
NCAM = B * N
NX, NY = 200, 200
NVOX = NX * NY
VPAD = 40960
OFFX = np.float32(-50.0)
OFFY = np.float32(-50.0)
OFFZ = np.float32(-10.0)
DXX = np.float32(0.5)
DXY = np.float32(0.5)
DXZ = np.float32(20.0)
BXV = np.array([-49.75, -49.75, 0.0], dtype=np.float32)
DXV = np.array([0.5, 0.5, 20.0], dtype=np.float32)


def _create_frustum():
    ds = jnp.broadcast_to(jnp.linspace(2.0, 50.0, D, dtype=jnp.float32).reshape(D, 1, 1), (D, fH, fW))
    xs = jnp.broadcast_to(jnp.linspace(0.0, ogfW - 1.0, fW, dtype=jnp.float32).reshape(1, 1, fW), (D, fH, fW))
    ys = jnp.broadcast_to(jnp.linspace(0.0, ogfH - 1.0, fH, dtype=jnp.float32).reshape(1, fH, 1), (D, fH, fW))
    return jnp.stack([xs, ys, ds], axis=-1)


def _encode_body(img_ref, w_ref, b_ref, pool_ref, depth_ref, feat_ref):
    img = img_ref[0]
    a = jnp.sum(img.reshape(3, fH, DS, ogfW), axis=2)
    a2 = a.reshape(3 * fH, ogfW)
    xi44 = jnp.dot(a2, pool_ref[...], preferred_element_type=jnp.float32)
    xi3 = xi44.reshape(3, fH, fW)

    w = w_ref[...]
    bb = b_ref[...]
    out_d = (bb[0][:, None, None]
             + w[0][:, None, None] * xi3[0][None, :, :]
             + w[1][:, None, None] * xi3[1][None, :, :]
             + w[2][:, None, None] * xi3[2][None, :, :])
    logits = out_d[:D]
    m = jnp.max(logits, axis=0, keepdims=True)
    e = jnp.exp(logits - m)
    depth = e / jnp.sum(e, axis=0, keepdims=True)
    depth_ref[0] = depth

    out_c = (bb[0][None, None, :]
             + xi3[0][:, :, None] * w[0][None, None, :]
             + xi3[1][:, :, None] * w[1][None, None, :]
             + xi3[2][:, :, None] * w[2][None, None, :])
    feat_ref[0] = out_c[:, :, D:D + C]



def _encode(imgs, W_enc, b_enc, poolW):
    grid = (NCAM,)
    return pl.pallas_call(
        _encode_body,
        grid=grid,
        in_specs=[
            pl.BlockSpec((1, 3, ogfH, ogfW), lambda k: (k, 0, 0, 0)),
            pl.BlockSpec((3, D + C), lambda k: (0, 0)),
            pl.BlockSpec((1, D + C), lambda k: (0, 0)),
            pl.BlockSpec((ogfW, fW), lambda k: (0, 0)),
        ],
        out_specs=[
            pl.BlockSpec((1, D, fH, fW), lambda k: (k, 0, 0, 0)),
            pl.BlockSpec((1, fH, fW, C), lambda k: (k, 0, 0, 0)),
        ],
        out_shape=[
            jax.ShapeDtypeStruct((NCAM, D, fH, fW), jnp.float32),
            jax.ShapeDtypeStruct((NCAM, fH, fW, C), jnp.float32),
        ],
    )(imgs, W_enc, b_enc, poolW)


NSLAB = N * D
SPT = NSLAB // 16
RPT = VPAD // 16
FWORDS = HW * 16


def _bcast16(vec, l):
    dn = lax.GatherDimensionNumbers(offset_dims=(), collapsed_slice_dims=(0,),
                                    start_index_map=(0,))
    idxv = jnp.full((16,), l, jnp.int32)
    return lax.gather(vec, idxv[:, None], dn, (1,),
                      mode=lax.GatherScatterMode.PROMISE_IN_BOUNDS)


def _splat_body(depth_hbm, feat_hbm, idxp_hbm, zeros_hbm, out_hbm,
                featv, depv, ibuf, vbuf, zbuf, cbuf, tbuf, dsem, ssem, isem, wsem, acc):
    cid = lax.axis_index("c")
    tid = lax.axis_index("s")
    base = tid * RPT
    iota16 = lax.iota(jnp.int32, 16)
    pltpu.sync_copy(zeros_hbm, zbuf)
    pltpu.sync_copy(zeros_hbm.at[pl.ds(0, 64)], vbuf.at[pl.ds(704, 64)])

    def do_slab(j, b):
        s = b * NSLAB + tid * SPT + j
        h1 = pltpu.async_copy(depth_hbm.at[s], depv, dsem)
        h2 = pltpu.async_copy(idxp_hbm.at[s], ibuf, dsem)
        h1.wait()
        h2.wait()

        def grp(g, carry):
            dvec = depv[pl.ds(g * 16, 16)]
            for l in range(16):
                dj = _bcast16(dvec, l)
                r = g * 16 + l
                vbuf[r] = featv[pl.ds(r * 16, 16)] * dj
            return carry

        lax.fori_loop(0, HW // 16, grp, 0)
        hs = [pltpu.async_copy(vbuf.at[pl.ds(j6 * 128, 128)],
                               acc.at[ibuf.at[j6]], ssem, add=True)
              for j6 in range(6)]
        for hh in hs:
            hh.wait()
        return b

    def do_round(r, carry):
        b = cid * 2 + r // 4
        h = r % 4
        if True:
            z1 = pltpu.async_copy(zbuf, acc.at[pl.ds(base, 1280)], dsem)
            z2 = pltpu.async_copy(zbuf, acc.at[pl.ds(base + 1280, 1280)], dsem)
            z1.wait()
            z2.wait()
            plsc.subcore_barrier()
            s_lo = tid * SPT
            nA = s_lo // 48
            mA = jnp.minimum((nA + 1) * 48 - s_lo, SPT)
            pltpu.sync_copy(feat_hbm.at[h, b * N + nA], featv)
            lax.fori_loop(0, mA, do_slab, b)

            @pl.when(mA < SPT)
            def _():
                pltpu.sync_copy(feat_hbm.at[h, b * N + nA + 1], featv)

            lax.fori_loop(mA, SPT, do_slab, b)
            plsc.subcore_barrier()

            def xgath(c4, nrows):
                def xg(g, carry):
                    rowv = g * 16 + iota16
                    for cc in range(16):
                        vv = plsc.load_gather(cbuf.at[c4 % 2],
                                              [rowv, jnp.full((16,), cc, jnp.int32)])
                        tbuf[c4 % 2, cc, pl.ds(g * 16, 16)] = vv
                    return carry

                lax.fori_loop(0, nrows // 16, xg, 0)

            def in_dma(c4):
                return pltpu.make_async_copy(acc.at[pl.ds(base + c4 * 640, 640)],
                                             cbuf.at[c4 % 2], isem)

            def out_dma(c4):
                return pltpu.make_async_copy(
                    tbuf.at[c4 % 2],
                    out_hbm.at[b, pl.ds(h * 16, 16), pl.ds(base + c4 * 640, 640)],
                    wsem)

            def valid(c4):
                return base + (c4 + 1) * 640 <= NVOX

            for c4 in range(4):
                @pl.when(valid(c4))
                def _(c4=c4):
                    if c4 == 0:
                        in_dma(0).start()
                    in_dma(c4).wait()
                    if c4 < 3:
                        @pl.when(valid(c4 + 1))
                        def _():
                            in_dma(c4 + 1).start()
                    if c4 >= 2:
                        out_dma(c4 - 2).wait()
                    xgath(c4, 640)
                    out_dma(c4).start()

            for c4 in (2, 3):
                @pl.when(valid(c4))
                def _(c4=c4):
                    out_dma(c4).wait()

            @pl.when(tid == 15)
            def _():
                out_dma(0).wait()
                out_dma(1).wait()
                pltpu.sync_copy(acc.at[pl.ds(39680, 320)],
                                cbuf.at[0, pl.ds(0, 320)])

                def xg(g, carry):
                    rowv = g * 16 + iota16
                    for cc in range(16):
                        vv = plsc.load_gather(cbuf.at[0],
                                              [rowv, jnp.full((16,), cc, jnp.int32)])
                        tbuf[0, cc, pl.ds(g * 16, 16)] = vv
                    return carry

                lax.fori_loop(0, 20, xg, 0)
                pltpu.sync_copy(tbuf.at[0, :, pl.ds(0, 320)],
                                out_hbm.at[b, pl.ds(h * 16, 16), pl.ds(39680, 320)])

            plsc.subcore_barrier()
        return carry

    lax.fori_loop(0, 8, do_round, 0)


def _splat(depth_r, feat_r, idxp, zeros):
    mesh = plsc.VectorSubcoreMesh(core_axis_name="c", subcore_axis_name="s")
    f = pl.kernel(
        _splat_body,
        out_type=jax.ShapeDtypeStruct((B, C, NVOX), jnp.float32),
        mesh=mesh,
        scratch_types=[
            pltpu.VMEM((FWORDS,), jnp.float32),
            pltpu.VMEM((HW,), jnp.float32),
            pltpu.VMEM((6, 128), jnp.int32),
            pltpu.VMEM((768, 16), jnp.float32),
            pltpu.VMEM((1280, 16), jnp.float32),
            pltpu.VMEM((2, 640, 16), jnp.float32),
            pltpu.VMEM((2, 16, 640), jnp.float32),
            pltpu.SemaphoreType.DMA,
            pltpu.SemaphoreType.DMA,
            pltpu.SemaphoreType.DMA,
            pltpu.SemaphoreType.DMA,
            pltpu.VMEM_SHARED((VPAD, 16), jnp.float32),
        ],
        compiler_params=pltpu.CompilerParams(use_tc_tiling_on_sc=False, needs_layout_passes=False),
    )
    return f(depth_r, feat_r, idxp, zeros)


def kernel(imgs, rots, trans, intrins, post_rots, post_trans, W_enc, b_enc):
    frustum = _create_frustum()
    points = frustum[None, None] - post_trans.reshape(B, N, 1, 1, 1, 3)
    inv_post = jnp.linalg.inv(post_rots)
    points = jnp.einsum('bnij,bndhwj->bndhwi', inv_post, points)
    points = jnp.concatenate([points[..., :2] * points[..., 2:3], points[..., 2:3]], axis=-1)
    combine = jnp.einsum('bnij,bnjk->bnik', rots, jnp.linalg.inv(intrins))
    geom = jnp.einsum('bnij,bndhwj->bndhwi', combine, points) + trans.reshape(B, N, 1, 1, 1, 3)
    gf = ((geom - (jnp.asarray(BXV) - jnp.asarray(DXV) / 2.0)) / jnp.asarray(DXV)).astype(jnp.int32)
    ix, iy, iz = gf[..., 0], gf[..., 1], gf[..., 2]
    kept = (ix >= 0) & (ix < NX) & (iy >= 0) & (iy < NY) & (iz >= 0) & (iz < 1)
    lane = lax.broadcasted_iota(jnp.int32, (B, N, D, fH, fW), 4)
    idx = jnp.where(kept, iy * NX + ix, NVOX + (lane & 7))

    poolW = np.zeros((ogfW, fW), np.float32)
    for wq in range(fW):
        poolW[wq * DS:(wq + 1) * DS, wq] = 1.0 / (DS * DS)
    poolW = jnp.asarray(poolW)

    depth, feat = _encode(imgs.reshape(NCAM, 3, ogfH, ogfW), W_enc,
                          b_enc.reshape(1, D + C), poolW)

    depth_r = depth.reshape(NCAM * D, HW)
    feat_r = feat.reshape(NCAM, HW, 4, 16).transpose(2, 0, 1, 3).reshape(4, NCAM, FWORDS)
    idx_r = idx.reshape(NCAM * D, HW)
    tail = NVOX + (lax.broadcasted_iota(jnp.int32, (NCAM * D, 64), 1) & 7)
    idxp = jnp.concatenate([idx_r, tail], axis=1).reshape(NCAM * D, 6, 128)
    zeros = jnp.zeros((1280, 16), jnp.float32)
    out = _splat(depth_r, feat_r, idxp, zeros)
    return out.reshape(B, C, NY, NX)

# --- scband reference (transcript-rebuilt; emitter-appended) ---
"""Pipeline reference for scband-lift-splat-75728863363275 (READ-ONLY COPY).

The authoritative reference and input builder live on the scoring server;
editing this copy changes nothing except your own understanding.
"""

import jax, jax.numpy as jnp
import numpy as np

B, N = 4, 6
ogfH, ogfW = 256, 704
DS = 16
fH, fW = ogfH // DS, ogfW // DS
D, C = 48, 64
XB = (-50.0, 50.0, 0.5); YB = (-50.0, 50.0, 0.5); ZB = (-10.0, 10.0, 20.0)
DX = np.array([XB[2], YB[2], ZB[2]], dtype=np.float32)
BXv = np.array([XB[0] + XB[2] / 2.0, YB[0] + YB[2] / 2.0, ZB[0] + ZB[2] / 2.0], dtype=np.float32)
NXv = np.array([int((XB[1] - XB[0]) / XB[2]), int((YB[1] - YB[0]) / YB[2]), int((ZB[1] - ZB[0]) / ZB[2])])


def create_frustum():
    ds = jnp.broadcast_to(jnp.linspace(2.0, 50.0, D, dtype=jnp.float32).reshape(D, 1, 1), (D, fH, fW))
    xs = jnp.broadcast_to(jnp.linspace(0.0, ogfW - 1.0, fW, dtype=jnp.float32).reshape(1, 1, fW), (D, fH, fW))
    ys = jnp.broadcast_to(jnp.linspace(0.0, ogfH - 1.0, fH, dtype=jnp.float32).reshape(1, fH, 1), (D, fH, fW))
    return jnp.stack([xs, ys, ds], axis=-1)


def setup_inputs(seed: int = 0):
    key = jax.random.key(seed)
    ks = jax.random.split(key, 8)
    imgs = jax.random.normal(ks[0], (B, N, 3, ogfH, ogfW), jnp.float32)
    R = jnp.array([[0.0, 0.0, 1.0], [-1.0, 0.0, 0.0], [0.0, -1.0, 0.0]], jnp.float32)
    rots = jnp.broadcast_to(R, (B, N, 3, 3)) + 0.01 * jax.random.normal(ks[1], (B, N, 3, 3), jnp.float32)
    trans = 0.5 * jax.random.normal(ks[2], (B, N, 3), jnp.float32)
    K = jnp.array([[500.0, 0.0, 352.0], [0.0, 500.0, 128.0], [0.0, 0.0, 1.0]], jnp.float32)
    intrins = jnp.broadcast_to(K, (B, N, 3, 3)) + 0.1 * jax.random.normal(ks[3], (B, N, 3, 3), jnp.float32)
    post_rots = jnp.broadcast_to(jnp.eye(3, dtype=jnp.float32), (B, N, 3, 3)) + 0.01 * jax.random.normal(ks[4], (B, N, 3, 3), jnp.float32)
    post_trans = 2.0 * jax.random.normal(ks[5], (B, N, 3), jnp.float32)
    W_enc = 0.1 * jax.random.normal(ks[6], (3, D + C), jnp.float32)
    b_enc = 0.01 * jax.random.normal(ks[7], (D + C,), jnp.float32)
    return {"imgs": imgs, "rots": rots, "trans": trans, "intrins": intrins, "post_rots": post_rots, "post_trans": post_trans, "W_enc": W_enc, "b_enc": b_enc}


def reference(imgs, rots, trans, intrins, post_rots, post_trans, W_enc, b_enc):
    # --- get_geometry ---
    frustum = create_frustum()
    points = frustum[None, None] - post_trans.reshape(B, N, 1, 1, 1, 3)
    inv_post = jnp.linalg.inv(post_rots)
    points = jnp.einsum('bnij,bndhwj->bndhwi', inv_post, points)
    points = jnp.concatenate([points[..., :2] * points[..., 2:3], points[..., 2:3]], axis=-1)
    combine = jnp.einsum('bnij,bnjk->bnik', rots, jnp.linalg.inv(intrins))
    geom = jnp.einsum('bnij,bndhwj->bndhwi', combine, points) + trans.reshape(B, N, 1, 1, 1, 3)
    # --- camencode (lift): avg-pool to feature map, linear -> depth logits + features, outer product ---
    xi = imgs.reshape(B * N, 3, fH, DS, fW, DS).mean(axis=(3, 5))
    out = jnp.einsum('bchw,cd->bdhw', xi, W_enc) + b_enc.reshape(1, -1, 1, 1)
    depth = jax.nn.softmax(out[:, :D], axis=1)
    feat = out[:, D:D + C]
    x = depth[:, None, :, :, :] * feat[:, :, None, :, :]
    x = x.reshape(B, N, C, D, fH, fW).transpose(0, 1, 3, 4, 5, 2)
    # --- voxel_pooling (splat) ---
    Nprime = B * N * D * fH * fW
    xf = x.reshape(Nprime, C)
    gf = ((geom - (jnp.asarray(BXv) - jnp.asarray(DX) / 2.0)) / jnp.asarray(DX)).astype(jnp.int32).reshape(Nprime, 3)
    batch_ix = jnp.repeat(jnp.arange(B, dtype=jnp.int32), Nprime // B)
    kept = (gf[:, 0] >= 0) & (gf[:, 0] < NXv[0]) & (gf[:, 1] >= 0) & (gf[:, 1] < NXv[1]) & (gf[:, 2] >= 0) & (gf[:, 2] < NXv[2])
    nz, ny, nxn = int(NXv[2]), int(NXv[1]), int(NXv[0])
    flat = batch_ix * (nz * ny * nxn) + gf[:, 2] * (ny * nxn) + gf[:, 1] * nxn + gf[:, 0]
    total = B * nz * ny * nxn
    idx = jnp.where(kept, flat, total)
    vals = jnp.where(kept[:, None], xf, 0.0)
    pooled = jnp.zeros((total + 1, C), jnp.float32).at[idx].add(vals)[:total]
    final = pooled.reshape(B, nz, ny, nxn, C)
    return final.transpose(0, 1, 4, 2, 3).reshape(B, nz * C, ny, nxn)

if __name__ == "__main__":
    import jax
    _d = setup_inputs()
    print(jax.jit(kernel)(*tuple(_d.values())))

</pallas_src>

<mosaic_0001>
#map = affine_map<(d0, d1) -> (0, 0)>
#map1 = affine_map<(d0, d1) -> (0, 0, 0)>
module attributes {stable_mosaic.version = 14 : i64} {
  func.func @_splat_body(%arg0: i32, %arg1: i32, %arg2: memref<1152x704xf32, #tpu.memory_space<hbm>>, %arg3: memref<4x24x11264xf32, #tpu.memory_space<hbm>>, %arg4: memref<1152x6x128xi32, #tpu.memory_space<hbm>>, %arg5: memref<1280x16xf32, #tpu.memory_space<hbm>>, %arg6: memref<4x64x40000xf32, #tpu.memory_space<hbm>>, %arg7: memref<11264xf32, #tpu.memory_space<vmem>>, %arg8: memref<704xf32, #tpu.memory_space<vmem>>, %arg9: memref<6x128xi32, #tpu.memory_space<vmem>>, %arg10: memref<768x16xf32, #tpu.memory_space<vmem>>, %arg11: memref<1280x16xf32, #tpu.memory_space<vmem>>, %arg12: memref<2x640x16xf32, #tpu.memory_space<vmem>>, %arg13: memref<2x16x640xf32, #tpu.memory_space<vmem>>, %arg14: memref<!tpu.dma_semaphore, #tpu.memory_space<semaphore_mem>>, %arg15: memref<!tpu.dma_semaphore, #tpu.memory_space<semaphore_mem>>, %arg16: memref<!tpu.dma_semaphore, #tpu.memory_space<semaphore_mem>>, %arg17: memref<!tpu.dma_semaphore, #tpu.memory_space<semaphore_mem>>, %arg18: memref<40960x16xf32, #tpu.memory_space<vmem_shared>>) attributes {dimension_semantics = [#tpu.dimension_semantics<core_parallel>, #tpu.dimension_semantics<subcore_parallel>], iteration_bounds = array<i64: 2, 16>, scalar_prefetch = 0 : i64, scratch_operands = 12 : i64, tpu.core_type = #tpu.core_type<sc_vector_subcore>, window_params = [{transform_indices = #map}, {transform_indices = #map1}, {transform_indices = #map1}, {transform_indices = #map}, {transform_indices = #map1}]} {
    %mul3A = arith.constant 2560 : i32
    %mul3A_0 = arith.muli %arg1, %mul3A : i32
    %iota3A = tpu.iota {dimensions = array<i32: 0>} : vector<16xi32>
    "tpu.region"() ({
      %run_scoped3A = tpu.sem_alloc : memref<!tpu.dma_semaphore, #tpu.memory_space<semaphore_mem>>
      tpu.enqueue_dma source(%arg5 : memref<1280x16xf32, #tpu.memory_space<hbm>>) target(%arg11 : memref<1280x16xf32, #tpu.memory_space<vmem>>) target_semaphore(%run_scoped3A : memref<!tpu.dma_semaphore, #tpu.memory_space<semaphore_mem>>)
      tpu.wait_dma2 semaphore(%run_scoped3A : memref<!tpu.dma_semaphore, #tpu.memory_space<semaphore_mem>>) src(%arg5 : memref<1280x16xf32, #tpu.memory_space<hbm>>) dst(%arg11 : memref<1280x16xf32, #tpu.memory_space<vmem>>)
      tpu.yield
    }) : () -> ()
    "tpu.region"() ({
      %run_scoped3A = tpu.sem_alloc : memref<!tpu.dma_semaphore, #tpu.memory_space<semaphore_mem>>
      %dma_start3A = arith.constant 704 : i32
      %dma_start3A_6 = arith.constant 0 : i32
      %dma_start3A_7 = tpu.memref_slice %arg10[%dma_start3A, %dma_start3A_6] : memref<768x16xf32, #tpu.memory_space<vmem>> -> memref<64x16xf32, #tpu.memory_space<vmem>>
      %dma_start3A_8 = arith.constant 0 : i32
      %dma_start3A_9 = arith.constant 0 : i32
      %dma_start3A_10 = tpu.memref_slice %arg5[%dma_start3A_8, %dma_start3A_9] : memref<1280x16xf32, #tpu.memory_space<hbm>> -> memref<64x16xf32, #tpu.memory_space<hbm>>
      %dma_start3A_11 = arith.constant 704 : i32
      %dma_start3A_12 = arith.constant 0 : i32
      %dma_start3A_13 = tpu.memref_slice %arg10[%dma_start3A_11, %dma_start3A_12] : memref<768x16xf32, #tpu.memory_space<vmem>> -> memref<64x16xf32, #tpu.memory_space<vmem>>
      %dma_start3A_14 = arith.constant 0 : i32
      %dma_start3A_15 = arith.constant 0 : i32
      %dma_start3A_16 = tpu.memref_slice %arg5[%dma_start3A_14, %dma_start3A_15] : memref<1280x16xf32, #tpu.memory_space<hbm>> -> memref<64x16xf32, #tpu.memory_space<hbm>>
      tpu.enqueue_dma source(%dma_start3A_16 : memref<64x16xf32, #tpu.memory_space<hbm>>) target(%dma_start3A_13 : memref<64x16xf32, #tpu.memory_space<vmem>>) target_semaphore(%run_scoped3A : memref<!tpu.dma_semaphore, #tpu.memory_space<semaphore_mem>>)
      %dma_wait3A = arith.constant 704 : i32
      %dma_wait3A_17 = arith.constant 0 : i32
      %dma_wait3A_18 = tpu.memref_slice %arg10[%dma_wait3A, %dma_wait3A_17] : memref<768x16xf32, #tpu.memory_space<vmem>> -> memref<64x16xf32, #tpu.memory_space<vmem>>
      %dma_wait3A_19 = arith.constant 0 : i32
      %dma_wait3A_20 = arith.constant 0 : i32
      %dma_wait3A_21 = tpu.memref_slice %arg5[%dma_wait3A_19, %dma_wait3A_20] : memref<1280x16xf32, #tpu.memory_space<hbm>> -> memref<64x16xf32, #tpu.memory_space<hbm>>
      %dma_wait3A_22 = arith.constant 704 : i32
      %dma_wait3A_23 = arith.constant 0 : i32
      %dma_wait3A_24 = tpu.memref_slice %arg10[%dma_wait3A_22, %dma_wait3A_23] : memref<768x16xf32, #tpu.memory_space<vmem>> -> memref<64x16xf32, #tpu.memory_space<vmem>>
      %dma_wait3A_25 = arith.constant 0 : i32
      %dma_wait3A_26 = arith.constant 0 : i32
      %dma_wait3A_27 = tpu.memref_slice %arg5[%dma_wait3A_25, %dma_wait3A_26] : memref<1280x16xf32, #tpu.memory_space<hbm>> -> memref<64x16xf32, #tpu.memory_space<hbm>>
      tpu.wait_dma2 semaphore(%run_scoped3A : memref<!tpu.dma_semaphore, #tpu.memory_space<semaphore_mem>>) src(%dma_wait3A_27 : memref<64x16xf32, #tpu.memory_space<hbm>>) dst(%dma_wait3A_24 : memref<64x16xf32, #tpu.memory_space<vmem>>)
      tpu.yield
    }) : () -> ()
    %scan3A = arith.constant 0 : i32
    %scan3A_1 = arith.constant 0 : i32
    %scan3A_2 = arith.constant 8 : i32
    %scan3A_3 = arith.addi %scan3A_1, %scan3A_2 : i32
    %scan3A_4 = arith.constant 1 : i32
    scf.for %scan3A_6 = %scan3A_1 to %scan3A_3 step %scan3A_4  : i32 {
      %mul3A_7 = arith.constant 2 : i32
      %mul3A_8 = arith.muli %arg0, %mul3A_7 : i32
      %jit3A = arith.constant 4 : i32
      %div3A = arith.divsi %scan3A_6, %jit3A : i32
      %sign3A = arith.constant 0 : i32
      %sign3A_9 = arith.cmpi sgt, %scan3A_6, %sign3A : i32
      %sign3A_10 = arith.extui %sign3A_9 : i1 to i32
      %sign3A_11 = arith.constant 0 : i32
      %sign3A_12 = arith.cmpi slt, %scan3A_6, %sign3A_11 : i32
      %sign3A_13 = arith.extui %sign3A_12 : i1 to i32
      %sign3A_14 = arith.subi %sign3A_10, %sign3A_13 : i32
      %sign3A_15 = arith.constant 0 : i32
      %sign3A_16 = arith.cmpi sgt, %jit3A, %sign3A_15 : i32
      %sign3A_17 = arith.extui %sign3A_16 : i1 to i32
      %sign3A_18 = arith.constant 0 : i32
      %sign3A_19 = arith.cmpi slt, %jit3A, %sign3A_18 : i32
      %sign3A_20 = arith.extui %sign3A_19 : i1 to i32
      %sign3A_21 = arith.subi %sign3A_17, %sign3A_20 : i32
      %ne3A = arith.cmpi ne, %sign3A_14, %sign3A_21 : i32
      %rem3A = arith.remsi %scan3A_6, %jit3A : i32
      %ne3A_22 = arith.constant 0 : i32
      %ne3A_23 = arith.cmpi ne, %rem3A, %ne3A_22 : i32
      %and3A = arith.andi %ne3A, %ne3A_23 : i1
      %sub3A = arith.constant 1 : i32
      %sub3A_24 = arith.subi %div3A, %sub3A : i32
      %select_n3A = arith.select %and3A, %sub3A_24, %div3A : i32
      %add3A = arith.addi %mul3A_8, %select_n3A : i32
      %jit3A_25 = arith.constant 4 : i32
      %eq3A = arith.constant 0 : i32
      %eq3A_26 = arith.cmpi eq, %jit3A_25, %eq3A : i32
      %jit3A_27 = arith.constant 1 : i32
      %select_n3A_28 = arith.select %eq3A_26, %jit3A_27, %jit3A_25 : i32
      %rem3A_29 = arith.remsi %scan3A_6, %select_n3A_28 : i32
      %ne3A_30 = arith.constant 0 : i32
      %ne3A_31 = arith.cmpi ne, %rem3A_29, %ne3A_30 : i32
      %lt3A = arith.constant 0 : i32
      %lt3A_32 = arith.cmpi slt, %rem3A_29, %lt3A : i32
      %lt3A_33 = arith.constant 0 : i32
      %lt3A_34 = arith.cmpi slt, %select_n3A_28, %lt3A_33 : i32
      %ne3A_35 = arith.xori %lt3A_32, %lt3A_34 : i1
      %and3A_36 = arith.andi %ne3A_35, %ne3A_31 : i1
      %add3A_37 = arith.addi %rem3A_29, %select_n3A_28 : i32
      %select_n3A_38 = arith.select %and3A_36, %add3A_37, %rem3A_29 : i32
      %dma_start3A = arith.constant 0 : i32
      %dma_start3A_39 = tpu.memref_slice %arg18[%mul3A_0, %dma_start3A] : memref<40960x16xf32, #tpu.memory_space<vmem_shared>> -> memref<1280x16xf32, #tpu.memory_space<vmem_shared>>
      %dma_start3A_40 = arith.constant 0 : i32
      %dma_start3A_41 = tpu.memref_slice %arg18[%mul3A_0, %dma_start3A_40] : memref<40960x16xf32, #tpu.memory_space<vmem_shared>> -> memref<1280x16xf32, #tpu.memory_space<vmem_shared>>
      tpu.enqueue_dma source(%arg11 : memref<1280x16xf32, #tpu.memory_space<vmem>>) target(%dma_start3A_41 : memref<1280x16xf32, #tpu.memory_space<vmem_shared>>) target_semaphore(%arg14 : memref<!tpu.dma_semaphore, #tpu.memory_space<semaphore_mem>>)
      %add3A_42 = arith.constant 1280 : i32
      %add3A_43 = arith.addi %mul3A_0, %add3A_42 : i32
      %dma_start3A_44 = arith.constant 0 : i32
      %dma_start3A_45 = tpu.memref_slice %arg18[%add3A_43, %dma_start3A_44] : memref<40960x16xf32, #tpu.memory_space<vmem_shared>> -> memref<1280x16xf32, #tpu.memory_space<vmem_shared>>
      %dma_start3A_46 = arith.constant 0 : i32
      %dma_start3A_47 = tpu.memref_slice %arg18[%add3A_43, %dma_start3A_46] : memref<40960x16xf32, #tpu.memory_space<vmem_shared>> -> memref<1280x16xf32, #tpu.memory_space<vmem_shared>>
      tpu.enqueue_dma source(%arg11 : memref<1280x16xf32, #tpu.memory_space<vmem>>) target(%dma_start3A_47 : memref<1280x16xf32, #tpu.memory_space<vmem_shared>>) target_semaphore(%arg14 : memref<!tpu.dma_semaphore, #tpu.memory_space<semaphore_mem>>)
      %dma_wait3A = arith.constant 0 : i32
      %dma_wait3A_48 = tpu.memref_slice %arg18[%mul3A_0, %dma_wait3A] : memref<40960x16xf32, #tpu.memory_space<vmem_shared>> -> memref<1280x16xf32, #tpu.memory_space<vmem_shared>>
      %dma_wait3A_49 = arith.constant 0 : i32
      %dma_wait3A_50 = tpu.memref_slice %arg18[%mul3A_0, %dma_wait3A_49] : memref<40960x16xf32, #tpu.memory_space<vmem_shared>> -> memref<1280x16xf32, #tpu.memory_space<vmem_shared>>
      tpu.wait_dma2 semaphore(%arg14 : memref<!tpu.dma_semaphore, #tpu.memory_space<semaphore_mem>>) src(%arg11 : memref<1280x16xf32, #tpu.memory_space<vmem>>) dst(%dma_wait3A_50 : memref<1280x16xf32, #tpu.memory_space<vmem_shared>>)
      %dma_wait3A_51 = arith.constant 0 : i32
      %dma_wait3A_52 = tpu.memref_slice %arg18[%add3A_43, %dma_wait3A_51] : memref<40960x16xf32, #tpu.memory_space<vmem_shared>> -> memref<1280x16xf32, #tpu.memory_space<vmem_shared>>
      %dma_wait3A_53 = arith.constant 0 : i32
      %dma_wait3A_54 = tpu.memref_slice %arg18[%add3A_43, %dma_wait3A_53] : memref<40960x16xf32, #tpu.memory_space<vmem_shared>> -> memref<1280x16xf32, #tpu.memory_space<vmem_shared>>
      tpu.wait_dma2 semaphore(%arg14 : memref<!tpu.dma_semaphore, #tpu.memory_space<semaphore_mem>>) src(%arg11 : memref<1280x16xf32, #tpu.memory_space<vmem>>) dst(%dma_wait3A_54 : memref<1280x16xf32, #tpu.memory_space<vmem_shared>>)
      %barrier3A = arith.constant 0 : index
      tpu.barrier barrier_id(%barrier3A)
      %mul3A_55 = arith.constant 18 : i32
      %mul3A_56 = arith.muli %arg1, %mul3A_55 : i32
      %jit3A_57 = arith.constant 48 : i32
      %div3A_58 = arith.divsi %mul3A_56, %jit3A_57 : i32
      %sign3A_59 = arith.constant 0 : i32
      %sign3A_60 = arith.cmpi sgt, %mul3A_56, %sign3A_59 : i32
      %sign3A_61 = arith.extui %sign3A_60 : i1 to i32
      %sign3A_62 = arith.constant 0 : i32
      %sign3A_63 = arith.cmpi slt, %mul3A_56, %sign3A_62 : i32
      %sign3A_64 = arith.extui %sign3A_63 : i1 to i32
      %sign3A_65 = arith.subi %sign3A_61, %sign3A_64 : i32
      %sign3A_66 = arith.constant 0 : i32
      %sign3A_67 = arith.cmpi sgt, %jit3A_57, %sign3A_66 : i32
      %sign3A_68 = arith.extui %sign3A_67 : i1 to i32
      %sign3A_69 = arith.constant 0 : i32
      %sign3A_70 = arith.cmpi slt, %jit3A_57, %sign3A_69 : i32
      %sign3A_71 = arith.extui %sign3A_70 : i1 to i32
      %sign3A_72 = arith.subi %sign3A_68, %sign3A_71 : i32
      %ne3A_73 = arith.cmpi ne, %sign3A_65, %sign3A_72 : i32
      %rem3A_74 = arith.remsi %mul3A_56, %jit3A_57 : i32
      %ne3A_75 = arith.constant 0 : i32
      %ne3A_76 = arith.cmpi ne, %rem3A_74, %ne3A_75 : i32
      %and3A_77 = arith.andi %ne3A_73, %ne3A_76 : i1
      %sub3A_78 = arith.constant 1 : i32
      %sub3A_79 = arith.subi %div3A_58, %sub3A_78 : i32
      %select_n3A_80 = arith.select %and3A_77, %sub3A_79, %div3A_58 : i32
      %add3A_81 = arith.constant 1 : i32
      %add3A_82 = arith.addi %select_n3A_80, %add3A_81 : i32
      %mul3A_83 = arith.constant 48 : i32
      %mul3A_84 = arith.muli %add3A_82, %mul3A_83 : i32
      %sub3A_85 = arith.subi %mul3A_84, %mul3A_56 : i32
      %min3A = arith.constant 18 : i32
      %min3A_86 = arith.minsi %sub3A_85, %min3A : i32
      %mul3A_87 = arith.constant 6 : i32
      %mul3A_88 = arith.muli %add3A, %mul3A_87 : i32
      %add3A_89 = arith.addi %mul3A_88, %select_n3A_80 : i32
      "tpu.region"() ({
        %run_scoped3A = tpu.sem_alloc : memref<!tpu.dma_semaphore, #tpu.memory_space<semaphore_mem>>
        %dma_start3A_158 = arith.constant 0 : i32
        %dma_start3A_159 = tpu.memref_slice %arg3[%select_n3A_38, %add3A_89, %dma_start3A_158] : memref<4x24x11264xf32, #tpu.memory_space<hbm>> -> memref<1x1x11264xf32, #tpu.memory_space<hbm>>
        %dma_start3A_160 = tpu.memref_squeeze %dma_start3A_159 : memref<1x1x11264xf32, #tpu.memory_space<hbm>> -> memref<11264xf32, #tpu.memory_space<hbm>>
        %dma_start3A_161 = arith.constant 0 : i32
        %dma_start3A_162 = tpu.memref_slice %arg3[%select_n3A_38, %add3A_89, %dma_start3A_161] : memref<4x24x11264xf32, #tpu.memory_space<hbm>> -> memref<1x1x11264xf32, #tpu.memory_space<hbm>>
        %dma_start3A_163 = tpu.memref_squeeze %dma_start3A_162 : memref<1x1x11264xf32, #tpu.memory_space<hbm>> -> memref<11264xf32, #tpu.memory_space<hbm>>
        tpu.enqueue_dma source(%dma_start3A_163 : memref<11264xf32, #tpu.memory_space<hbm>>) target(%arg7 : memref<11264xf32, #tpu.memory_space<vmem>>) target_semaphore(%run_scoped3A : memref<!tpu.dma_semaphore, #tpu.memory_space<semaphore_mem>>)
        %dma_wait3A_164 = arith.constant 0 : i32
        %dma_wait3A_165 = tpu.memref_slice %arg3[%select_n3A_38, %add3A_89, %dma_wait3A_164] : memref<4x24x11264xf32, #tpu.memory_space<hbm>> -> memref<1x1x11264xf32, #tpu.memory_space<hbm>>
        %dma_wait3A_166 = tpu.memref_squeeze %dma_wait3A_165 : memref<1x1x11264xf32, #tpu.memory_space<hbm>> -> memref<11264xf32, #tpu.memory_space<hbm>>
        %dma_wait3A_167 = arith.constant 0 : i32
        %dma_wait3A_168 = tpu.memref_slice %arg3[%select_n3A_38, %add3A_89, %dma_wait3A_167] : memref<4x24x11264xf32, #tpu.memory_space<hbm>> -> memref<1x1x11264xf32, #tpu.memory_space<hbm>>
        %dma_wait3A_169 = tpu.memref_squeeze %dma_wait3A_168 : memref<1x1x11264xf32, #tpu.memory_space<hbm>> -> memref<11264xf32, #tpu.memory_space<hbm>>
        tpu.wait_dma2 semaphore(%run_scoped3A : memref<!tpu.dma_semaphore, #tpu.memory_space<semaphore_mem>>) src(%dma_wait3A_169 : memref<11264xf32, #tpu.memory_space<hbm>>) dst(%arg7 : memref<11264xf32, #tpu.memory_space<vmem>>)
        tpu.yield
      }) : () -> ()
      %while3A = arith.constant 0 : i32
      %while3A_90 = arith.subi %min3A_86, %while3A : i32
      %while3A_91 = arith.addi %while3A, %while3A_90 : i32
      %while3A_92 = arith.constant 1 : i32
      %while3A_93 = arith.divsi %while3A_90, %while3A_92 : i32
      %while3A_94 = arith.muli %while3A_93, %while3A_92 : i32
      %while3A_95 = arith.addi %while3A, %while3A_94 : i32
      %while3A_96 = arith.constant 1 : i32
      scf.for %while3A_158 = %while3A to %while3A_95 step %while3A_96  : i32 {
        %mul3A_159 = arith.constant 288 : i32
        %mul3A_160 = arith.muli %add3A, %mul3A_159 : i32
        %mul3A_161 = arith.constant 18 : i32
        %mul3A_162 = arith.muli %arg1, %mul3A_161 : i32
        %add3A_163 = arith.addi %mul3A_160, %mul3A_162 : i32
        %add3A_164 = arith.addi %add3A_163, %while3A_158 : i32
        %dma_start3A_165 = arith.constant 0 : i32
        %dma_start3A_166 = tpu.memref_slice %arg2[%add3A_164, %dma_start3A_165] : memref<1152x704xf32, #tpu.memory_space<hbm>> -> memref<1x704xf32, #tpu.memory_space<hbm>>
        %dma_start3A_167 = tpu.memref_squeeze %dma_start3A_166 : memref<1x704xf32, #tpu.memory_space<hbm>> -> memref<704xf32, #tpu.memory_space<hbm>>
        %dma_start3A_168 = arith.constant 0 : i32
        %dma_start3A_169 = tpu.memref_slice %arg2[%add3A_164, %dma_start3A_168] : memref<1152x704xf32, #tpu.memory_space<hbm>> -> memref<1x704xf32, #tpu.memory_space<hbm>>
        %dma_start3A_170 = tpu.memref_squeeze %dma_start3A_169 : memref<1x704xf32, #tpu.memory_space<hbm>> -> memref<704xf32, #tpu.memory_space<hbm>>
        tpu.enqueue_dma source(%dma_start3A_170 : memref<704xf32, #tpu.memory_space<hbm>>) target(%arg8 : memref<704xf32, #tpu.memory_space<vmem>>) target_semaphore(%arg14 : memref<!tpu.dma_semaphore, #tpu.memory_space<semaphore_mem>>)
        %dma_start3A_171 = arith.constant 0 : i32
        %dma_start3A_172 = arith.constant 0 : i32
        %dma_start3A_173 = tpu.memref_slice %arg4[%add3A_164, %dma_start3A_171, %dma_start3A_172] : memref<1152x6x128xi32, #tpu.memory_space<hbm>> -> memref<1x6x128xi32, #tpu.memory_space<hbm>>
        %dma_start3A_174 = tpu.memref_squeeze %dma_start3A_173 : memref<1x6x128xi32, #tpu.memory_space<hbm>> -> memref<6x128xi32, #tpu.memory_space<hbm>>
        %dma_start3A_175 = arith.constant 0 : i32
        %dma_start3A_176 = arith.constant 0 : i32
        %dma_start3A_177 = tpu.memref_slice %arg4[%add3A_164, %dma_start3A_175, %dma_start3A_176] : memref<1152x6x128xi32, #tpu.memory_space<hbm>> -> memref<1x6x128xi32, #tpu.memory_space<hbm>>
        %dma_start3A_178 = tpu.memref_squeeze %dma_start3A_177 : memref<1x6x128xi32, #tpu.memory_space<hbm>> -> memref<6x128xi32, #tpu.memory_space<hbm>>
        tpu.enqueue_dma source(%dma_start3A_178 : memref<6x128xi32, #tpu.memory_space<hbm>>) target(%arg9 : memref<6x128xi32, #tpu.memory_space<vmem>>) target_semaphore(%arg14 : memref<!tpu.dma_semaphore, #tpu.memory_space<semaphore_mem>>)
        %dma_wait3A_179 = arith.constant 0 : i32
        %dma_wait3A_180 = tpu.memref_slice %arg2[%add3A_164, %dma_wait3A_179] : memref<1152x704xf32, #tpu.memory_space<hbm>> -> memref<1x704xf32, #tpu.memory_space<hbm>>
        %dma_wait3A_181 = tpu.memref_squeeze %dma_wait3A_180 : memref<1x704xf32, #tpu.memory_space<hbm>> -> memref<704xf32, #tpu.memory_space<hbm>>
        %dma_wait3A_182 = arith.constant 0 : i32
        %dma_wait3A_183 = tpu.memref_slice %arg2[%add3A_164, %dma_wait3A_182] : memref<1152x704xf32, #tpu.memory_space<hbm>> -> memref<1x704xf32, #tpu.memory_space<hbm>>
        %dma_wait3A_184 = tpu.memref_squeeze %dma_wait3A_183 : memref<1x704xf32, #tpu.memory_space<hbm>> -> memref<704xf32, #tpu.memory_space<hbm>>
        tpu.wait_dma2 semaphore(%arg14 : memref<!tpu.dma_semaphore, #tpu.memory_space<semaphore_mem>>) src(%dma_wait3A_184 : memref<704xf32, #tpu.memory_space<hbm>>) dst(%arg8 : memref<704xf32, #tpu.memory_space<vmem>>)
        %dma_wait3A_185 = arith.constant 0 : i32
        %dma_wait3A_186 = arith.constant 0 : i32
        %dma_wait3A_187 = tpu.memref_slice %arg4[%add3A_164, %dma_wait3A_185, %dma_wait3A_186] : memref<1152x6x128xi32, #tpu.memory_space<hbm>> -> memref<1x6x128xi32, #tpu.memory_space<hbm>>
        %dma_wait3A_188 = tpu.memref_squeeze %dma_wait3A_187 : memref<1x6x128xi32, #tpu.memory_space<hbm>> -> memref<6x128xi32, #tpu.memory_space<hbm>>
        %dma_wait3A_189 = arith.constant 0 : i32
        %dma_wait3A_190 = arith.constant 0 : i32
        %dma_wait3A_191 = tpu.memref_slice %arg4[%add3A_164, %dma_wait3A_189, %dma_wait3A_190] : memref<1152x6x128xi32, #tpu.memory_space<hbm>> -> memref<1x6x128xi32, #tpu.memory_space<hbm>>
        %dma_wait3A_192 = tpu.memref_squeeze %dma_wait3A_191 : memref<1x6x128xi32, #tpu.memory_space<hbm>> -> memref<6x128xi32, #tpu.memory_space<hbm>>
        tpu.wait_dma2 semaphore(%arg14 : memref<!tpu.dma_semaphore, #tpu.memory_space<semaphore_mem>>) src(%dma_wait3A_192 : memref<6x128xi32, #tpu.memory_space<hbm>>) dst(%arg9 : memref<6x128xi32, #tpu.memory_space<vmem>>)
        %scan3A_193 = arith.constant 0 : i32
        %scan3A_194 = arith.constant 0 : i32
        %scan3A_195 = arith.constant 44 : i32
        %scan3A_196 = arith.addi %scan3A_194, %scan3A_195 : i32
        %scan3A_197 = arith.constant 1 : i32
        scf.for %scan3A_319 = %scan3A_194 to %scan3A_196 step %scan3A_197  : i32 {
          %mul3A_320 = arith.constant 16 : i32
          %mul3A_321 = arith.muli %scan3A_319, %mul3A_320 : i32
          %get3A = arith.index_cast %mul3A_321 : i32 to index
          %get3A_322 = tpu.vector_load %arg8[%get3A] {strides = array<i32>} : memref<704xf32, #tpu.memory_space<vmem>>, vector<16xf32>,
          %broadcast_in_dim3A = arith.constant 0 : i32
          %broadcast_in_dim3A_323 = vector.broadcast %broadcast_in_dim3A : i32 to vector<16xi32>
          %broadcast_in_dim3A_324 = vector.shape_cast %broadcast_in_dim3A_323 : vector<16xi32> to vector<16x1xi32>
          %gather3A = vector.shape_cast %broadcast_in_dim3A_324 : vector<16x1xi32> to vector<16xi32>
          %gather3A_325 = tpu.dynamic_gather %get3A_322[%gather3A] in [0] : vector<16xf32>, vector<16xi32> -> vector<16xf32>
          %mul3A_326 = arith.constant 16 : i32
          %mul3A_327 = arith.muli %scan3A_319, %mul3A_326 : i32
          %add3A_328 = arith.constant 0 : i32
          %add3A_329 = arith.addi %mul3A_327, %add3A_328 : i32
          %mul3A_330 = arith.constant 16 : i32
          %mul3A_331 = arith.muli %add3A_329, %mul3A_330 : i32
          %get3A_332 = arith.index_cast %mul3A_331 : i32 to index
          %get3A_333 = tpu.vector_load %arg7[%get3A_332] {strides = array<i32>} : memref<11264xf32, #tpu.memory_space<vmem>>, vector<16xf32>,
          %mul3A_334 = arith.mulf %get3A_333, %gather3A_325 : vector<16xf32>
          %swap3A = arith.index_cast %add3A_329 : i32 to index
          %swap3A_335 = arith.constant 0 : index
          %swap3A_336 = tpu.vector_load %arg10[%swap3A, %swap3A_335] {strides = array<i32>} : memref<768x16xf32, #tpu.memory_space<vmem>>, vector<16xf32>,
          tpu.vector_store %arg10[%swap3A, %swap3A_335], %mul3A_334 {strides = array<i32>} : memref<768x16xf32, #tpu.memory_space<vmem>>, vector<16xf32>,
          %broadcast_in_dim3A_337 = arith.constant 1 : i32
          %broadcast_in_dim3A_338 = vector.broadcast %broadcast_in_dim3A_337 : i32 to vector<16xi32>
          %broadcast_in_dim3A_339 = vector.shape_cast %broadcast_in_dim3A_338 : vector<16xi32> to vector<16x1xi32>
          %gather3A_340 = vector.shape_cast %broadcast_in_dim3A_339 : vector<16x1xi32> to vector<16xi32>
          %gather3A_341 = tpu.dynamic_gather %get3A_322[%gather3A_340] in [0] : vector<16xf32>, vector<16xi32> -> vector<16xf32>
          %mul3A_342 = arith.constant 16 : i32
          %mul3A_343 = arith.muli %scan3A_319, %mul3A_342 : i32
          %add3A_344 = arith.constant 1 : i32
          %add3A_345 = arith.addi %mul3A_343, %add3A_344 : i32
          %mul3A_346 = arith.constant 16 : i32
          %mul3A_347 = arith.muli %add3A_345, %mul3A_346 : i32
          %get3A_348 = arith.index_cast %mul3A_347 : i32 to index
          %get3A_349 = tpu.vector_load %arg7[%get3A_348] {strides = array<i32>} : memref<11264xf32, #tpu.memory_space<vmem>>, vector<16xf32>,
          %mul3A_350 = arith.mulf %get3A_349, %gather3A_341 : vector<16xf32>
          %swap3A_351 = arith.index_cast %add3A_345 : i32 to index
          %swap3A_352 = arith.constant 0 : index
          %swap3A_353 = tpu.vector_load %arg10[%swap3A_351, %swap3A_352] {strides = array<i32>} : memref<768x16xf32, #tpu.memory_space<vmem>>, vector<16xf32>,
          tpu.vector_store %arg10[%swap3A_351, %swap3A_352], %mul3A_350 {strides = array<i32>} : memref<768x16xf32, #tpu.memory_space<vmem>>, vector<16xf32>,
          %broadcast_in_dim3A_354 = arith.constant 2 : i32
          %broadcast_in_dim3A_355 = vector.broadcast %broadcast_in_dim3A_354 : i32 to vector<16xi32>
          %broadcast_in_dim3A_356 = vector.shape_cast %broadcast_in_dim3A_355 : vector<16xi32> to vector<16x1xi32>
          %gather3A_357 = vector.shape_cast %broadcast_in_dim3A_356 : vector<16x1xi32> to vector<16xi32>
          %gather3A_358 = tpu.dynamic_gather %get3A_322[%gather3A_357] in [0] : vector<16xf32>, vector<16xi32> -> vector<16xf32>
          %mul3A_359 = arith.constant 16 : i32
          %mul3A_360 = arith.muli %scan3A_319, %mul3A_359 : i32
          %add3A_361 = arith.constant 2 : i32
          %add3A_362 = arith.addi %mul3A_360, %add3A_361 : i32
          %mul3A_363 = arith.constant 16 : i32
          %mul3A_364 = arith.muli %add3A_362, %mul3A_363 : i32
          %get3A_365 = arith.index_cast %mul3A_364 : i32 to index
          %get3A_366 = tpu.vector_load %arg7[%get3A_365] {strides = array<i32>} : memref<11264xf32, #tpu.memory_space<vmem>>, vector<16xf32>,
          %mul3A_367 = arith.mulf %get3A_366, %gather3A_358 : vector<16xf32>
          %swap3A_368 = arith.index_cast %add3A_362 : i32 to index
          %swap3A_369 = arith.constant 0 : index
          %swap3A_370 = tpu.vector_load %arg10[%swap3A_368, %swap3A_369] {strides = array<i32>} : memref<768x16xf32, #tpu.memory_space<vmem>>, vector<16xf32>,
          tpu.vector_store %arg10[%swap3A_368, %swap3A_369], %mul3A_367 {strides = array<i32>} : memref<768x16xf32, #tpu.memory_space<vmem>>, vector<16xf32>,
          %broadcast_in_dim3A_371 = arith.constant 3 : i32
          %broadcast_in_dim3A_372 = vector.broadcast %broadcast_in_dim3A_371 : i32 to vector<16xi32>
          %broadcast_in_dim3A_373 = vector.shape_cast %broadcast_in_dim3A_372 : vector<16xi32> to vector<16x1xi32>
          %gather3A_374 = vector.shape_cast %broadcast_in_dim3A_373 : vector<16x1xi32> to vector<16xi32>
          %gather3A_375 = tpu.dynamic_gather %get3A_322[%gather3A_374] in [0] : vector<16xf32>, vector<16xi32> -> vector<16xf32>
          %mul3A_376 = arith.constant 16 : i32
          %mul3A_377 = arith.muli %scan3A_319, %mul3A_376 : i32
          %add3A_378 = arith.constant 3 : i32
          %add3A_379 = arith.addi %mul3A_377, %add3A_378 : i32
          %mul3A_380 = arith.constant 16 : i32
          %mul3A_381 = arith.muli %add3A_379, %mul3A_380 : i32
          %get3A_382 = arith.index_cast %mul3A_381 : i32 to index
          %get3A_383 = tpu.vector_load %arg7[%get3A_382] {strides = array<i32>} : memref<11264xf32, #tpu.memory_space<vmem>>, vector<16xf32>,
          %mul3A_384 = arith.mulf %get3A_383, %gather3A_375 : vector<16xf32>
          %swap3A_385 = arith.index_cast %add3A_379 : i32 to index
          %swap3A_386 = arith.constant 0 : index
          %swap3A_387 = tpu.vector_load %arg10[%swap3A_385, %swap3A_386] {strides = array<i32>} : memref<768x16xf32, #tpu.memory_space<vmem>>, vector<16xf32>,
          tpu.vector_store %arg10[%swap3A_385, %swap3A_386], %mul3A_384 {strides = array<i32>} : memref<768x16xf32, #tpu.memory_space<vmem>>, vector<16xf32>,
          %broadcast_in_dim3A_388 = arith.constant 4 : i32
          %broadcast_in_dim3A_389 = vector.broadcast %broadcast_in_dim3A_388 : i32 to vector<16xi32>
          %broadcast_in_dim3A_390 = vector.shape_cast %broadcast_in_dim3A_389 : vector<16xi32> to vector<16x1xi32>
          %gather3A_391 = vector.shape_cast %broadcast_in_dim3A_390 : vector<16x1xi32> to vector<16xi32>
          %gather3A_392 = tpu.dynamic_gather %get3A_322[%gather3A_391] in [0] : vector<16xf32>, vector<16xi32> -> vector<16xf32>
          %mul3A_393 = arith.constant 16 : i32
          %mul3A_394 = arith.muli %scan3A_319, %mul3A_393 : i32
          %add3A_395 = arith.constant 4 : i32
          %add3A_396 = arith.addi %mul3A_394, %add3A_395 : i32
          %mul3A_397 = arith.constant 16 : i32
          %mul3A_398 = arith.muli %add3A_396, %mul3A_397 : i32
          %get3A_399 = arith.index_cast %mul3A_398 : i32 to index
          %get3A_400 = tpu.vector_load %arg7[%get3A_399] {strides = array<i32>} : memref<11264xf32, #tpu.memory_space<vmem>>, vector<16xf32>,
          %mul3A_401 = arith.mulf %get3A_400, %gather3A_392 : vector<16xf32>
          %swap3A_402 = arith.index_cast %add3A_396 : i32 to index
          %swap3A_403 = arith.constant 0 : index
          %swap3A_404 = tpu.vector_load %arg10[%swap3A_402, %swap3A_403] {strides = array<i32>} : memref<768x16xf32, #tpu.memory_space<vmem>>, vector<16xf32>,
          tpu.vector_store %arg10[%swap3A_402, %swap3A_403], %mul3A_401 {strides = array<i32>} : memref<768x16xf32, #tpu.memory_space<vmem>>, vector<16xf32>,
          %broadcast_in_dim3A_405 = arith.constant 5 : i32
          %broadcast_in_dim3A_406 = vector.broadcast %broadcast_in_dim3A_405 : i32 to vector<16xi32>
          %broadcast_in_dim3A_407 = vector.shape_cast %broadcast_in_dim3A_406 : vector<16xi32> to vector<16x1xi32>
          %gather3A_408 = vector.shape_cast %broadcast_in_dim3A_407 : vector<16x1xi32> to vector<16xi32>
          %gather3A_409 = tpu.dynamic_gather %get3A_322[%gather3A_408] in [0] : vector<16xf32>, vector<16xi32> -> vector<16xf32>
          %mul3A_410 = arith.constant 16 : i32
          %mul3A_411 = arith.muli %scan3A_319, %mul3A_410 : i32
          %add3A_412 = arith.constant 5 : i32
          %add3A_413 = arith.addi %mul3A_411, %add3A_412 : i32
          %mul3A_414 = arith.constant 16 : i32
          %mul3A_415 = arith.muli %add3A_413, %mul3A_414 : i32
          %get3A_416 = arith.index_cast %mul3A_415 : i32 to index
          %get3A_417 = tpu.vector_load %arg7[%get3A_416] {strides = array<i32>} : memref<11264xf32, #tpu.memory_space<vmem>>, vector<16xf32>,
          %mul3A_418 = arith.mulf %get3A_417, %gather3A_409 : vector<16xf32>
          %swap3A_419 = arith.index_cast %add3A_413 : i32 to index
          %swap3A_420 = arith.constant 0 : index
          %swap3A_421 = tpu.vector_load %arg10[%swap3A_419, %swap3A_420] {strides = array<i32>} : memref<768x16xf32, #tpu.memory_space<vmem>>, vector<16xf32>,
          tpu.vector_store %arg10[%swap3A_419, %swap3A_420], %mul3A_418 {strides = array<i32>} : memref<768x16xf32, #tpu.memory_space<vmem>>, vector<16xf32>,
          %broadcast_in_dim3A_422 = arith.constant 6 : i32
          %broadcast_in_dim3A_423 = vector.broadcast %broadcast_in_dim3A_422 : i32 to vector<16xi32>
          %broadcast_in_dim3A_424 = vector.shape_cast %broadcast_in_dim3A_423 : vector<16xi32> to vector<16x1xi32>
          %gather3A_425 = vector.shape_cast %broadcast_in_dim3A_424 : vector<16x1xi32> to vector<16xi32>
          %gather3A_426 = tpu.dynamic_gather %get3A_322[%gather3A_425] in [0] : vector<16xf32>, vector<16xi32> -> vector<16xf32>
          %mul3A_427 = arith.constant 16 : i32
          %mul3A_428 = arith.muli %scan3A_319, %mul3A_427 : i32
          %add3A_429 = arith.constant 6 : i32
          %add3A_430 = arith.addi %mul3A_428, %add3A_429 : i32
          %mul3A_431 = arith.constant 16 : i32
          %mul3A_432 = arith.muli %add3A_430, %mul3A_431 : i32
          %get3A_433 = arith.index_cast %mul3A_432 : i32 to index
          %get3A_434 = tpu.vector_load %arg7[%get3A_433] {strides = array<i32>} : memref<11264xf32, #tpu.memory_space<vmem>>, vector<16xf32>,
          %mul3A_435 = arith.mulf %get3A_434, %gather3A_426 : vector<16xf32>
          %swap3A_436 = arith.index_cast %add3A_430 : i32 to index
          %swap3A_437 = arith.constant 0 : index
          %swap3A_438 = tpu.vector_load %arg10[%swap3A_436, %swap3A_437] {strides = array<i32>} : memref<768x16xf32, #tpu.memory_space<vmem>>, vector<16xf32>,
          tpu.vector_store %arg10[%swap3A_436, %swap3A_437], %mul3A_435 {strides = array<i32>} : memref<768x16xf32, #tpu.memory_space<vmem>>, vector<16xf32>,
          %broadcast_in_dim3A_439 = arith.constant 7 : i32
          %broadcast_in_dim3A_440 = vector.broadcast %broadcast_in_dim3A_439 : i32 to vector<16xi32>
          %broadcast_in_dim3A_441 = vector.shape_cast %broadcast_in_dim3A_440 : vector<16xi32> to vector<16x1xi32>
          %gather3A_442 = vector.shape_cast %broadcast_in_dim3A_441 : vector<16x1xi32> to vector<16xi32>
          %gather3A_443 = tpu.dynamic_gather %get3A_322[%gather3A_442] in [0] : vector<16xf32>, vector<16xi32> -> vector<16xf32>
          %mul3A_444 = arith.constant 16 : i32
          %mul3A_445 = arith.muli %scan3A_319, %mul3A_444 : i32
          %add3A_446 = arith.constant 7 : i32
          %add3A_447 = arith.addi %mul3A_445, %add3A_446 : i32
          %mul3A_448 = arith.constant 16 : i32
          %mul3A_449 = arith.muli %add3A_447, %mul3A_448 : i32
          %get3A_450 = arith.index_cast %mul3A_449 : i32 to index
          %get3A_451 = tpu.vector_load %arg7[%get3A_450] {strides = array<i32>} : memref<11264xf32, #tpu.memory_space<vmem>>, vector<16xf32>,
          %mul3A_452 = arith.mulf %get3A_451, %gather3A_443 : vector<16xf32>
          %swap3A_453 = arith.index_cast %add3A_447 : i32 to index
          %swap3A_454 = arith.constant 0 : index
          %swap3A_455 = tpu.vector_load %arg10[%swap3A_453, %swap3A_454] {strides = array<i32>} : memref<768x16xf32, #tpu.memory_space<vmem>>, vector<16xf32>,
          tpu.vector_store %arg10[%swap3A_453, %swap3A_454], %mul3A_452 {strides = array<i32>} : memref<768x16xf32, #tpu.memory_space<vmem>>, vector<16xf32>,
          %broadcast_in_dim3A_456 = arith.constant 8 : i32
          %broadcast_in_dim3A_457 = vector.broadcast %broadcast_in_dim3A_456 : i32 to vector<16xi32>
          %broadcast_in_dim3A_458 = vector.shape_cast %broadcast_in_dim3A_457 : vector<16xi32> to vector<16x1xi32>
          %gather3A_459 = vector.shape_cast %broadcast_in_dim3A_458 : vector<16x1xi32> to vector<16xi32>
          %gather3A_460 = tpu.dynamic_gather %get3A_322[%gather3A_459] in [0] : vector<16xf32>, vector<16xi32> -> vector<16xf32>
          %mul3A_461 = arith.constant 16 : i32
          %mul3A_462 = arith.muli %scan3A_319, %mul3A_461 : i32
          %add3A_463 = arith.constant 8 : i32
          %add3A_464 = arith.addi %mul3A_462, %add3A_463 : i32
          %mul3A_465 = arith.constant 16 : i32
          %mul3A_466 = arith.muli %add3A_464, %mul3A_465 : i32
          %get3A_467 = arith.index_cast %mul3A_466 : i32 to index
          %get3A_468 = tpu.vector_load %arg7[%get3A_467] {strides = array<i32>} : memref<11264xf32, #tpu.memory_space<vmem>>, vector<16xf32>,
          %mul3A_469 = arith.mulf %get3A_468, %gather3A_460 : vector<16xf32>
          %swap3A_470 = arith.index_cast %add3A_464 : i32 to index
          %swap3A_471 = arith.constant 0 : index
          %swap3A_472 = tpu.vector_load %arg10[%swap3A_470, %swap3A_471] {strides = array<i32>} : memref<768x16xf32, #tpu.memory_space<vmem>>, vector<16xf32>,
          tpu.vector_store %arg10[%swap3A_470, %swap3A_471], %mul3A_469 {strides = array<i32>} : memref<768x16xf32, #tpu.memory_space<vmem>>, vector<16xf32>,
          %broadcast_in_dim3A_473 = arith.constant 9 : i32
          %broadcast_in_dim3A_474 = vector.broadcast %broadcast_in_dim3A_473 : i32 to vector<16xi32>
          %broadcast_in_dim3A_475 = vector.shape_cast %broadcast_in_dim3A_474 : vector<16xi32> to vector<16x1xi32>
          %gather3A_476 = vector.shape_cast %broadcast_in_dim3A_475 : vector<16x1xi32> to vector<16xi32>
          %gather3A_477 = tpu.dynamic_gather %get3A_322[%gather3A_476] in [0] : vector<16xf32>, vector<16xi32> -> vector<16xf32>
          %mul3A_478 = arith.constant 16 : i32
          %mul3A_479 = arith.muli %scan3A_319, %mul3A_478 : i32
          %add3A_480 = arith.constant 9 : i32
          %add3A_481 = arith.addi %mul3A_479, %add3A_480 : i32
          %mul3A_482 = arith.constant 16 : i32
          %mul3A_483 = arith.muli %add3A_481, %mul3A_482 : i32
          %get3A_484 = arith.index_cast %mul3A_483 : i32 to index
          %get3A_485 = tpu.vector_load %arg7[%get3A_484] {strides = array<i32>} : memref<11264xf32, #tpu.memory_space<vmem>>, vector<16xf32>,
          %mul3A_486 = arith.mulf %get3A_485, %gather3A_477 : vector<16xf32>
          %swap3A_487 = arith.index_cast %add3A_481 : i32 to index
          %swap3A_488 = arith.constant 0 : index
          %swap3A_489 = tpu.vector_load %arg10[%swap3A_487, %swap3A_488] {strides = array<i32>} : memref<768x16xf32, #tpu.memory_space<vmem>>, vector<16xf32>,
          tpu.vector_store %arg10[%swap3A_487, %swap3A_488], %mul3A_486 {strides = array<i32>} : memref<768x16xf32, #tpu.memory_space<vmem>>, vector<16xf32>,
          %broadcast_in_dim3A_490 = arith.constant 10 : i32
          %broadcast_in_dim3A_491 = vector.broadcast %broadcast_in_dim3A_490 : i32 to vector<16xi32>
          %broadcast_in_dim3A_492 = vector.shape_cast %broadcast_in_dim3A_491 : vector<16xi32> to vector<16x1xi32>
          %gather3A_493 = vector.shape_cast %broadcast_in_dim3A_492 : vector<16x1xi32> to vector<16xi32>
          %gather3A_494 = tpu.dynamic_gather %get3A_322[%gather3A_493] in [0] : vector<16xf32>, vector<16xi32> -> vector<16xf32>
          %mul3A_495 = arith.constant 16 : i32
          %mul3A_496 = arith.muli %scan3A_319, %mul3A_495 : i32
          %add3A_497 = arith.constant 10 : i32
          %add3A_498 = arith.addi %mul3A_496, %add3A_497 : i32
          %mul3A_499 = arith.constant 16 : i32
          %mul3A_500 = arith.muli %add3A_498, %mul3A_499 : i32
          %get3A_501 = arith.index_cast %mul3A_500 : i32 to index
          %get3A_502 = tpu.vector_load %arg7[%get3A_501] {strides = array<i32>} : memref<11264xf32, #tpu.memory_space<vmem>>, vector<16xf32>,
          %mul3A_503 = arith.mulf %get3A_502, %gather3A_494 : vector<16xf32>
          %swap3A_504 = arith.index_cast %add3A_498 : i32 to index
          %swap3A_505 = arith.constant 0 : index
          %swap3A_506 = tpu.vector_load %arg10[%swap3A_504, %swap3A_505] {strides = array<i32>} : memref<768x16xf32, #tpu.memory_space<vmem>>, vector<16xf32>,
          tpu.vector_store %arg10[%swap3A_504, %swap3A_505], %mul3A_503 {strides = array<i32>} : memref<768x16xf32, #tpu.memory_space<vmem>>, vector<16xf32>,
          %broadcast_in_dim3A_507 = arith.constant 11 : i32
          %broadcast_in_dim3A_508 = vector.broadcast %broadcast_in_dim3A_507 : i32 to vector<16xi32>
          %broadcast_in_dim3A_509 = vector.shape_cast %broadcast_in_dim3A_508 : vector<16xi32> to vector<16x1xi32>
          %gather3A_510 = vector.shape_cast %broadcast_in_dim3A_509 : vector<16x1xi32> to vector<16xi32>
          %gather3A_511 = tpu.dynamic_gather %get3A_322[%gather3A_510] in [0] : vector<16xf32>, vector<16xi32> -> vector<16xf32>
          %mul3A_512 = arith.constant 16 : i32
          %mul3A_513 = arith.muli %scan3A_319, %mul3A_512 : i32
          %add3A_514 = arith.constant 11 : i32
          %add3A_515 = arith.addi %mul3A_513, %add3A_514 : i32
          %mul3A_516 = arith.constant 16 : i32
          %mul3A_517 = arith.muli %add3A_515, %mul3A_516 : i32
          %get3A_518 = arith.index_cast %mul3A_517 : i32 to index
          %get3A_519 = tpu.vector_load %arg7[%get3A_518] {strides = array<i32>} : memref<11264xf32, #tpu.memory_space<vmem>>, vector<16xf32>,
          %mul3A_520 = arith.mulf %get3A_519, %gather3A_511 : vector<16xf32>
          %swap3A_521 = arith.index_cast %add3A_515 : i32 to index
          %swap3A_522 = arith.constant 0 : index
          %swap3A_523 = tpu.vector_load %arg10[%swap3A_521, %swap3A_522] {strides = array<i32>} : memref<768x16xf32, #tpu.memory_space<vmem>>, vector<16xf32>,
          tpu.vector_store %arg10[%swap3A_521, %swap3A_522], %mul3A_520 {strides = array<i32>} : memref<768x16xf32, #tpu.memory_space<vmem>>, vector<16xf32>,
          %broadcast_in_dim3A_524 = arith.constant 12 : i32
          %broadcast_in_dim3A_525 = vector.broadcast %broadcast_in_dim3A_524 : i32 to vector<16xi32>
          %broadcast_in_dim3A_526 = vector.shape_cast %broadcast_in_dim3A_525 : vector<16xi32> to vector<16x1xi32>
          %gather3A_527 = vector.shape_cast %broadcast_in_dim3A_526 : vector<16x1xi32> to vector<16xi32>
          %gather3A_528 = tpu.dynamic_gather %get3A_322[%gather3A_527] in [0] : vector<16xf32>, vector<16xi32> -> vector<16xf32>
          %mul3A_529 = arith.constant 16 : i32
          %mul3A_530 = arith.muli %scan3A_319, %mul3A_529 : i32
          %add3A_531 = arith.constant 12 : i32
          %add3A_532 = arith.addi %mul3A_530, %add3A_531 : i32
          %mul3A_533 = arith.constant 16 : i32
          %mul3A_534 = arith.muli %add3A_532, %mul3A_533 : i32
          %get3A_535 = arith.index_cast %mul3A_534 : i32 to index
          %get3A_536 = tpu.vector_load %arg7[%get3A_535] {strides = array<i32>} : memref<11264xf32, #tpu.memory_space<vmem>>, vector<16xf32>,
          %mul3A_537 = arith.mulf %get3A_536, %gather3A_528 : vector<16xf32>
          %swap3A_538 = arith.index_cast %add3A_532 : i32 to index
          %swap3A_539 = arith.constant 0 : index
          %swap3A_540 = tpu.vector_load %arg10[%swap3A_538, %swap3A_539] {strides = array<i32>} : memref<768x16xf32, #tpu.memory_space<vmem>>, vector<16xf32>,
          tpu.vector_store %arg10[%swap3A_538, %swap3A_539], %mul3A_537 {strides = array<i32>} : memref<768x16xf32, #tpu.memory_space<vmem>>, vector<16xf32>,
          %broadcast_in_dim3A_541 = arith.constant 13 : i32
          %broadcast_in_dim3A_542 = vector.broadcast %broadcast_in_dim3A_541 : i32 to vector<16xi32>
          %broadcast_in_dim3A_543 = vector.shape_cast %broadcast_in_dim3A_542 : vector<16xi32> to vector<16x1xi32>
          %gather3A_544 = vector.shape_cast %broadcast_in_dim3A_543 : vector<16x1xi32> to vector<16xi32>
          %gather3A_545 = tpu.dynamic_gather %get3A_322[%gather3A_544] in [0] : vector<16xf32>, vector<16xi32> -> vector<16xf32>
          %mul3A_546 = arith.constant 16 : i32
          %mul3A_547 = arith.muli %scan3A_319, %mul3A_546 : i32
          %add3A_548 = arith.constant 13 : i32
          %add3A_549 = arith.addi %mul3A_547, %add3A_548 : i32
          %mul3A_550 = arith.constant 16 : i32
          %mul3A_551 = arith.muli %add3A_549, %mul3A_550 : i32
          %get3A_552 = arith.index_cast %mul3A_551 : i32 to index
          %get3A_553 = tpu.vector_load %arg7[%get3A_552] {strides = array<i32>} : memref<11264xf32, #tpu.memory_space<vmem>>, vector<16xf32>,
          %mul3A_554 = arith.mulf %get3A_553, %gather3A_545 : vector<16xf32>
          %swap3A_555 = arith.index_cast %add3A_549 : i32 to index
          %swap3A_556 = arith.constant 0 : index
          %swap3A_557 = tpu.vector_load %arg10[%swap3A_555, %swap3A_556] {strides = array<i32>} : memref<768x16xf32, #tpu.memory_space<vmem>>, vector<16xf32>,
          tpu.vector_store %arg10[%swap3A_555, %swap3A_556], %mul3A_554 {strides = array<i32>} : memref<768x16xf32, #tpu.memory_space<vmem>>, vector<16xf32>,
          %broadcast_in_dim3A_558 = arith.constant 14 : i32
          %broadcast_in_dim3A_559 = vector.broadcast %broadcast_in_dim3A_558 : i32 to vector<16xi32>
          %broadcast_in_dim3A_560 = vector.shape_cast %broadcast_in_dim3A_559 : vector<16xi32> to vector<16x1xi32>
          %gather3A_561 = vector.shape_cast %broadcast_in_dim3A_560 : vector<16x1xi32> to vector<16xi32>
          %gather3A_562 = tpu.dynamic_gather %get3A_322[%gather3A_561] in [0] : vector<16xf32>, vector<16xi32> -> vector<16xf32>
          %mul3A_563 = arith.constant 16 : i32
          %mul3A_564 = arith.muli %scan3A_319, %mul3A_563 : i32
          %add3A_565 = arith.constant 14 : i32
          %add3A_566 = arith.addi %mul3A_564, %add3A_565 : i32
          %mul3A_567 = arith.constant 16 : i32
          %mul3A_568 = arith.muli %add3A_566, %mul3A_567 : i32
          %get3A_569 = arith.index_cast %mul3A_568 : i32 to index
          %get3A_570 = tpu.vector_load %arg7[%get3A_569] {strides = array<i32>} : memref<11264xf32, #tpu.memory_space<vmem>>, vector<16xf32>,
          %mul3A_571 = arith.mulf %get3A_570, %gather3A_562 : vector<16xf32>
          %swap3A_572 = arith.index_cast %add3A_566 : i32 to index
          %swap3A_573 = arith.constant 0 : index
          %swap3A_574 = tpu.vector_load %arg10[%swap3A_572, %swap3A_573] {strides = array<i32>} : memref<768x16xf32, #tpu.memory_space<vmem>>, vector<16xf32>,
          tpu.vector_store %arg10[%swap3A_572, %swap3A_573], %mul3A_571 {strides = array<i32>} : memref<768x16xf32, #tpu.memory_space<vmem>>, vector<16xf32>,
          %broadcast_in_dim3A_575 = arith.constant 15 : i32
          %broadcast_in_dim3A_576 = vector.broadcast %broadcast_in_dim3A_575 : i32 to vector<16xi32>
          %broadcast_in_dim3A_577 = vector.shape_cast %broadcast_in_dim3A_576 : vector<16xi32> to vector<16x1xi32>
          %gather3A_578 = vector.shape_cast %broadcast_in_dim3A_577 : vector<16x1xi32> to vector<16xi32>
          %gather3A_579 = tpu.dynamic_gather %get3A_322[%gather3A_578] in [0] : vector<16xf32>, vector<16xi32> -> vector<16xf32>
          %mul3A_580 = arith.constant 16 : i32
          %mul3A_581 = arith.muli %scan3A_319, %mul3A_580 : i32
          %add3A_582 = arith.constant 15 : i32
          %add3A_583 = arith.addi %mul3A_581, %add3A_582 : i32
          %mul3A_584 = arith.constant 16 : i32
          %mul3A_585 = arith.muli %add3A_583, %mul3A_584 : i32
          %get3A_586 = arith.index_cast %mul3A_585 : i32 to index
          %get3A_587 = tpu.vector_load %arg7[%get3A_586] {strides = array<i32>} : memref<11264xf32, #tpu.memory_space<vmem>>, vector<16xf32>,
          %mul3A_588 = arith.mulf %get3A_587, %gather3A_579 : vector<16xf32>
          %swap3A_589 = arith.index_cast %add3A_583 : i32 to index
          %swap3A_590 = arith.constant 0 : index
          %swap3A_591 = tpu.vector_load %arg10[%swap3A_589, %swap3A_590] {strides = array<i32>} : memref<768x16xf32, #tpu.memory_space<vmem>>, vector<16xf32>,
          tpu.vector_store %arg10[%swap3A_589, %swap3A_590], %mul3A_588 {strides = array<i32>} : memref<768x16xf32, #tpu.memory_space<vmem>>, vector<16xf32>,
        }
        %scan3A_198 = arith.constant 44 : i32
        %dma_start3A_199 = arith.constant 0 : i32
        %dma_start3A_200 = arith.constant 0 : i32
        %dma_start3A_201 = arith.constant 0 : i32
        %dma_start3A_202 = tpu.memref_slice %arg10[%dma_start3A_200, %dma_start3A_201] : memref<768x16xf32, #tpu.memory_space<vmem>> -> memref<128x16xf32, #tpu.memory_space<vmem>>
        %dma_start3A_203 = arith.constant 0 : i32
        %dma_start3A_204 = tpu.memref_slice %arg9[%dma_start3A_199, %dma_start3A_203] : memref<6x128xi32, #tpu.memory_space<vmem>> -> memref<1x128xi32, #tpu.memory_space<vmem>>
        %dma_start3A_205 = tpu.memref_squeeze %dma_start3A_204 : memref<1x128xi32, #tpu.memory_space<vmem>> -> memref<128xi32, #tpu.memory_space<vmem>>
        %dma_start3A_206 = arith.constant 0 : i32
        %dma_start3A_207 = arith.constant 0 : i32
        %dma_start3A_208 = tpu.memref_slice %arg18[%dma_start3A_206, %dma_start3A_207] : memref<40960x16xf32, #tpu.memory_space<vmem_shared>> -> memref<40960x16xf32, #tpu.memory_space<vmem_shared>>
        tpu.enqueue_indirect_dma source(%dma_start3A_202 : memref<128x16xf32, #tpu.memory_space<vmem>>) target(%dma_start3A_208 : memref<40960x16xf32, #tpu.memory_space<vmem_shared>>) offsets(%dma_start3A_205 : memref<128xi32, #tpu.memory_space<vmem>>) semaphore(%arg15 : memref<!tpu.dma_semaphore, #tpu.memory_space<semaphore_mem>>) {add = true}
        %dma_start3A_209 = arith.constant 1 : i32
        %dma_start3A_210 = arith.constant 128 : i32
        %dma_start3A_211 = arith.constant 0 : i32
        %dma_start3A_212 = tpu.memref_slice %arg10[%dma_start3A_210, %dma_start3A_211] : memref<768x16xf32, #tpu.memory_space<vmem>> -> memref<128x16xf32, #tpu.memory_space<vmem>>
        %dma_start3A_213 = arith.constant 0 : i32
        %dma_start3A_214 = tpu.memref_slice %arg9[%dma_start3A_209, %dma_start3A_213] : memref<6x128xi32, #tpu.memory_space<vmem>> -> memref<1x128xi32, #tpu.memory_space<vmem>>
        %dma_start3A_215 = tpu.memref_squeeze %dma_start3A_214 : memref<1x128xi32, #tpu.memory_space<vmem>> -> memref<128xi32, #tpu.memory_space<vmem>>
        %dma_start3A_216 = arith.constant 0 : i32
        %dma_start3A_217 = arith.constant 0 : i32
        %dma_start3A_218 = tpu.memref_slice %arg18[%dma_start3A_216, %dma_start3A_217] : memref<40960x16xf32, #tpu.memory_space<vmem_shared>> -> memref<40960x16xf32, #tpu.memory_space<vmem_shared>>
        tpu.enqueue_indirect_dma source(%dma_start3A_212 : memref<128x16xf32, #tpu.memory_space<vmem>>) target(%dma_start3A_218 : memref<40960x16xf32, #tpu.memory_space<vmem_shared>>) offsets(%dma_start3A_215 : memref<128xi32, #tpu.memory_space<vmem>>) semaphore(%arg15 : memref<!tpu.dma_semaphore, #tpu.memory_space<semaphore_mem>>) {add = true}
        %dma_start3A_219 = arith.constant 2 : i32
        %dma_start3A_220 = arith.constant 256 : i32
        %dma_start3A_221 = arith.constant 0 : i32
        %dma_start3A_222 = tpu.memref_slice %arg10[%dma_start3A_220, %dma_start3A_221] : memref<768x16xf32, #tpu.memory_space<vmem>> -> memref<128x16xf32, #tpu.memory_space<vmem>>
        %dma_start3A_223 = arith.constant 0 : i32
        %dma_start3A_224 = tpu.memref_slice %arg9[%dma_start3A_219, %dma_start3A_223] : memref<6x128xi32, #tpu.memory_space<vmem>> -> memref<1x128xi32, #tpu.memory_space<vmem>>
        %dma_start3A_225 = tpu.memref_squeeze %dma_start3A_224 : memref<1x128xi32, #tpu.memory_space<vmem>> -> memref<128xi32, #tpu.memory_space<vmem>>
        %dma_start3A_226 = arith.constant 0 : i32
        %dma_start3A_227 = arith.constant 0 : i32
        %dma_start3A_228 = tpu.memref_slice %arg18[%dma_start3A_226, %dma_start3A_227] : memref<40960x16xf32, #tpu.memory_space<vmem_shared>> -> memref<40960x16xf32, #tpu.memory_space<vmem_shared>>
        tpu.enqueue_indirect_dma source(%dma_start3A_222 : memref<128x16xf32, #tpu.memory_space<vmem>>) target(%dma_start3A_228 : memref<40960x16xf32, #tpu.memory_space<vmem_shared>>) offsets(%dma_start3A_225 : memref<128xi32, #tpu.memory_space<vmem>>) semaphore(%arg15 : memref<!tpu.dma_semaphore, #tpu.memory_space<semaphore_mem>>) {add = true}
        %dma_start3A_229 = arith.constant 3 : i32
        %dma_start3A_230 = arith.constant 384 : i32
        %dma_start3A_231 = arith.constant 0 : i32
        %dma_start3A_232 = tpu.memref_slice %arg10[%dma_start3A_230, %dma_start3A_231] : memref<768x16xf32, #tpu.memory_space<vmem>> -> memref<128x16xf32, #tpu.memory_space<vmem>>
        %dma_start3A_233 = arith.constant 0 : i32
        %dma_start3A_234 = tpu.memref_slice %arg9[%dma_start3A_229, %dma_start3A_233] : memref<6x128xi32, #tpu.memory_space<vmem>> -> memref<1x128xi32, #tpu.memory_space<vmem>>
        %dma_start3A_235 = tpu.memref_squeeze %dma_start3A_234 : memref<1x128xi32, #tpu.memory_space<vmem>> -> memref<128xi32, #tpu.memory_space<vmem>>
        %dma_start3A_236 = arith.constant 0 : i32
        %dma_start3A_237 = arith.constant 0 : i32
        %dma_start3A_238 = tpu.memref_slice %arg18[%dma_start3A_236, %dma_start3A_237] : memref<40960x16xf32, #tpu.memory_space<vmem_shared>> -> memref<40960x16xf32, #tpu.memory_space<vmem_shared>>
        tpu.enqueue_indirect_dma source(%dma_start3A_232 : memref<128x16xf32, #tpu.memory_space<vmem>>) target(%dma_start3A_238 : memref<40960x16xf32, #tpu.memory_space<vmem_shared>>) offsets(%dma_start3A_235 : memref<128xi32, #tpu.memory_space<vmem>>) semaphore(%arg15 : memref<!tpu.dma_semaphore, #tpu.memory_space<semaphore_mem>>) {add = true}
        %dma_start3A_239 = arith.constant 4 : i32
        %dma_start3A_240 = arith.constant 512 : i32
        %dma_start3A_241 = arith.constant 0 : i32
        %dma_start3A_242 = tpu.memref_slice %arg10[%dma_start3A_240, %dma_start3A_241] : memref<768x16xf32, #tpu.memory_space<vmem>> -> memref<128x16xf32, #tpu.memory_space<vmem>>
        %dma_start3A_243 = arith.constant 0 : i32
        %dma_start3A_244 = tpu.memref_slice %arg9[%dma_start3A_239, %dma_start3A_243] : memref<6x128xi32, #tpu.memory_space<vmem>> -> memref<1x128xi32, #tpu.memory_space<vmem>>
        %dma_start3A_245 = tpu.memref_squeeze %dma_start3A_244 : memref<1x128xi32, #tpu.memory_space<vmem>> -> memref<128xi32, #tpu.memory_space<vmem>>
        %dma_start3A_246 = arith.constant 0 : i32
        %dma_start3A_247 = arith.constant 0 : i32
        %dma_start3A_248 = tpu.memref_slice %arg18[%dma_start3A_246, %dma_start3A_247] : memref<40960x16xf32, #tpu.memory_space<vmem_shared>> -> memref<40960x16xf32, #tpu.memory_space<vmem_shared>>
        tpu.enqueue_indirect_dma source(%dma_start3A_242 : memref<128x16xf32, #tpu.memory_space<vmem>>) target(%dma_start3A_248 : memref<40960x16xf32, #tpu.memory_space<vmem_shared>>) offsets(%dma_start3A_245 : memref<128xi32, #tpu.memory_space<vmem>>) semaphore(%arg15 : memref<!tpu.dma_semaphore, #tpu.memory_space<semaphore_mem>>) {add = true}
        %dma_start3A_249 = arith.constant 5 : i32
        %dma_start3A_250 = arith.constant 640 : i32
        %dma_start3A_251 = arith.constant 0 : i32
        %dma_start3A_252 = tpu.memref_slice %arg10[%dma_start3A_250, %dma_start3A_251] : memref<768x16xf32, #tpu.memory_space<vmem>> -> memref<128x16xf32, #tpu.memory_space<vmem>>
        %dma_start3A_253 = arith.constant 0 : i32
        %dma_start3A_254 = tpu.memref_slice %arg9[%dma_start3A_249, %dma_start3A_253] : memref<6x128xi32, #tpu.memory_space<vmem>> -> memref<1x128xi32, #tpu.memory_space<vmem>>
        %dma_start3A_255 = tpu.memref_squeeze %dma_start3A_254 : memref<1x128xi32, #tpu.memory_space<vmem>> -> memref<128xi32, #tpu.memory_space<vmem>>
        %dma_start3A_256 = arith.constant 0 : i32
        %dma_start3A_257 = arith.constant 0 : i32
        %dma_start3A_258 = tpu.memref_slice %arg18[%dma_start3A_256, %dma_start3A_257] : memref<40960x16xf32, #tpu.memory_space<vmem_shared>> -> memref<40960x16xf32, #tpu.memory_space<vmem_shared>>
        tpu.enqueue_indirect_dma source(%dma_start3A_252 : memref<128x16xf32, #tpu.memory_space<vmem>>) target(%dma_start3A_258 : memref<40960x16xf32, #tpu.memory_space<vmem_shared>>) offsets(%dma_start3A_255 : memref<128xi32, #tpu.memory_space<vmem>>) semaphore(%arg15 : memref<!tpu.dma_semaphore, #tpu.memory_space<semaphore_mem>>) {add = true}
        %dma_wait3A_259 = arith.constant 0 : i32
        %dma_wait3A_260 = arith.constant 0 : i32
        %dma_wait3A_261 = arith.constant 0 : i32
        %dma_wait3A_262 = tpu.memref_slice %arg10[%dma_wait3A_260, %dma_wait3A_261] : memref<768x16xf32, #tpu.memory_space<vmem>> -> memref<128x16xf32, #tpu.memory_space<vmem>>
        %dma_wait3A_263 = arith.constant 0 : i32
        %dma_wait3A_264 = tpu.memref_slice %arg9[%dma_wait3A_259, %dma_wait3A_263] : memref<6x128xi32, #tpu.memory_space<vmem>> -> memref<1x128xi32, #tpu.memory_space<vmem>>
        %dma_wait3A_265 = tpu.memref_squeeze %dma_wait3A_264 : memref<1x128xi32, #tpu.memory_space<vmem>> -> memref<128xi32, #tpu.memory_space<vmem>>
        %dma_wait3A_266 = arith.constant 0 : i32
        %dma_wait3A_267 = arith.constant 0 : i32
        %dma_wait3A_268 = tpu.memref_slice %arg18[%dma_wait3A_266, %dma_wait3A_267] : memref<40960x16xf32, #tpu.memory_space<vmem_shared>> -> memref<40960x16xf32, #tpu.memory_space<vmem_shared>>
        tpu.wait_indirect_dma semaphore(%arg15 : memref<!tpu.dma_semaphore, #tpu.memory_space<semaphore_mem>>) src(%dma_wait3A_262 : memref<128x16xf32, #tpu.memory_space<vmem>>) dst(%dma_wait3A_268 : memref<40960x16xf32, #tpu.memory_space<vmem_shared>>)
        %dma_wait3A_269 = arith.constant 1 : i32
        %dma_wait3A_270 = arith.constant 128 : i32
        %dma_wait3A_271 = arith.constant 0 : i32
        %dma_wait3A_272 = tpu.memref_slice %arg10[%dma_wait3A_270, %dma_wait3A_271] : memref<768x16xf32, #tpu.memory_space<vmem>> -> memref<128x16xf32, #tpu.memory_space<vmem>>
        %dma_wait3A_273 = arith.constant 0 : i32
        %dma_wait3A_274 = tpu.memref_slice %arg9[%dma_wait3A_269, %dma_wait3A_273] : memref<6x128xi32, #tpu.memory_space<vmem>> -> memref<1x128xi32, #tpu.memory_space<vmem>>
        %dma_wait3A_275 = tpu.memref_squeeze %dma_wait3A_274 : memref<1x128xi32, #tpu.memory_space<vmem>> -> memref<128xi32, #tpu.memory_space<vmem>>
        %dma_wait3A_276 = arith.constant 0 : i32
        %dma_wait3A_277 = arith.constant 0 : i32
        %dma_wait3A_278 = tpu.memref_slice %arg18[%dma_wait3A_276, %dma_wait3A_277] : memref<40960x16xf32, #tpu.memory_space<vmem_shared>> -> memref<40960x16xf32, #tpu.memory_space<vmem_shared>>
        tpu.wait_indirect_dma semaphore(%arg15 : memref<!tpu.dma_semaphore, #tpu.memory_space<semaphore_mem>>) src(%dma_wait3A_272 : memref<128x16xf32, #tpu.memory_space<vmem>>) dst(%dma_wait3A_278 : memref<40960x16xf32, #tpu.memory_space<vmem_shared>>)
        %dma_wait3A_279 = arith.constant 2 : i32
        %dma_wait3A_280 = arith.constant 256 : i32
        %dma_wait3A_281 = arith.constant 0 : i32
        %dma_wait3A_282 = tpu.memref_slice %arg10[%dma_wait3A_280, %dma_wait3A_281] : memref<768x16xf32, #tpu.memory_space<vmem>> -> memref<128x16xf32, #tpu.memory_space<vmem>>
        %dma_wait3A_283 = arith.constant 0 : i32
        %dma_wait3A_284 = tpu.memref_slice %arg9[%dma_wait3A_279, %dma_wait3A_283] : memref<6x128xi32, #tpu.memory_space<vmem>> -> memref<1x128xi32, #tpu.memory_space<vmem>>
        %dma_wait3A_285 = tpu.memref_squeeze %dma_wait3A_284 : memref<1x128xi32, #tpu.memory_space<vmem>> -> memref<128xi32, #tpu.memory_space<vmem>>
        %dma_wait3A_286 = arith.constant 0 : i32
        %dma_wait3A_287 = arith.constant 0 : i32
        %dma_wait3A_288 = tpu.memref_slice %arg18[%dma_wait3A_286, %dma_wait3A_287] : memref<40960x16xf32, #tpu.memory_space<vmem_shared>> -> memref<40960x16xf32, #tpu.memory_space<vmem_shared>>
        tpu.wait_indirect_dma semaphore(%arg15 : memref<!tpu.dma_semaphore, #tpu.memory_space<semaphore_mem>>) src(%dma_wait3A_282 : memref<128x16xf32, #tpu.memory_space<vmem>>) dst(%dma_wait3A_288 : memref<40960x16xf32, #tpu.memory_space<vmem_shared>>)
        %dma_wait3A_289 = arith.constant 3 : i32
        %dma_wait3A_290 = arith.constant 384 : i32
        %dma_wait3A_291 = arith.constant 0 : i32
        %dma_wait3A_292 = tpu.memref_slice %arg10[%dma_wait3A_290, %dma_wait3A_291] : memref<768x16xf32, #tpu.memory_space<vmem>> -> memref<128x16xf32, #tpu.memory_space<vmem>>
        %dma_wait3A_293 = arith.constant 0 : i32
        %dma_wait3A_294 = tpu.memref_slice %arg9[%dma_wait3A_289, %dma_wait3A_293] : memref<6x128xi32, #tpu.memory_space<vmem>> -> memref<1x128xi32, #tpu.memory_space<vmem>>
        %dma_wait3A_295 = tpu.memref_squeeze %dma_wait3A_294 : memref<1x128xi32, #tpu.memory_space<vmem>> -> memref<128xi32, #tpu.memory_space<vmem>>
        %dma_wait3A_296 = arith.constant 0 : i32
        %dma_wait3A_297 = arith.constant 0 : i32
        %dma_wait3A_298 = tpu.memref_slice %arg18[%dma_wait3A_296, %dma_wait3A_297] : memref<40960x16xf32, #tpu.memory_space<vmem_shared>> -> memref<40960x16xf32, #tpu.memory_space<vmem_shared>>
        tpu.wait_indirect_dma semaphore(%arg15 : memref<!tpu.dma_semaphore, #tpu.memory_space<semaphore_mem>>) src(%dma_wait3A_292 : memref<128x16xf32, #tpu.memory_space<vmem>>) dst(%dma_wait3A_298 : memref<40960x16xf32, #tpu.memory_space<vmem_shared>>)
        %dma_wait3A_299 = arith.constant 4 : i32
        %dma_wait3A_300 = arith.constant 512 : i32
        %dma_wait3A_301 = arith.constant 0 : i32
        %dma_wait3A_302 = tpu.memref_slice %arg10[%dma_wait3A_300, %dma_wait3A_301] : memref<768x16xf32, #tpu.memory_space<vmem>> -> memref<128x16xf32, #tpu.memory_space<vmem>>
        %dma_wait3A_303 = arith.constant 0 : i32
        %dma_wait3A_304 = tpu.memref_slice %arg9[%dma_wait3A_299, %dma_wait3A_303] : memref<6x128xi32, #tpu.memory_space<vmem>> -> memref<1x128xi32, #tpu.memory_space<vmem>>
        %dma_wait3A_305 = tpu.memref_squeeze %dma_wait3A_304 : memref<1x128xi32, #tpu.memory_space<vmem>> -> memref<128xi32, #tpu.memory_space<vmem>>
        %dma_wait3A_306 = arith.constant 0 : i32
        %dma_wait3A_307 = arith.constant 0 : i32
        %dma_wait3A_308 = tpu.memref_slice %arg18[%dma_wait3A_306, %dma_wait3A_307] : memref<40960x16xf32, #tpu.memory_space<vmem_shared>> -> memref<40960x16xf32, #tpu.memory_space<vmem_shared>>
        tpu.wait_indirect_dma semaphore(%arg15 : memref<!tpu.dma_semaphore, #tpu.memory_space<semaphore_mem>>) src(%dma_wait3A_302 : memref<128x16xf32, #tpu.memory_space<vmem>>) dst(%dma_wait3A_308 : memref<40960x16xf32, #tpu.memory_space<vmem_shared>>)
        %dma_wait3A_309 = arith.constant 5 : i32
        %dma_wait3A_310 = arith.constant 640 : i32
        %dma_wait3A_311 = arith.constant 0 : i32
        %dma_wait3A_312 = tpu.memref_slice %arg10[%dma_wait3A_310, %dma_wait3A_311] : memref<768x16xf32, #tpu.memory_space<vmem>> -> memref<128x16xf32, #tpu.memory_space<vmem>>
        %dma_wait3A_313 = arith.constant 0 : i32
        %dma_wait3A_314 = tpu.memref_slice %arg9[%dma_wait3A_309, %dma_wait3A_313] : memref<6x128xi32, #tpu.memory_space<vmem>> -> memref<1x128xi32, #tpu.memory_space<vmem>>
        %dma_wait3A_315 = tpu.memref_squeeze %dma_wait3A_314 : memref<1x128xi32, #tpu.memory_space<vmem>> -> memref<128xi32, #tpu.memory_space<vmem>>
        %dma_wait3A_316 = arith.constant 0 : i32
        %dma_wait3A_317 = arith.constant 0 : i32
        %dma_wait3A_318 = tpu.memref_slice %arg18[%dma_wait3A_316, %dma_wait3A_317] : memref<40960x16xf32, #tpu.memory_space<vmem_shared>> -> memref<40960x16xf32, #tpu.memory_space<vmem_shared>>
        tpu.wait_indirect_dma semaphore(%arg15 : memref<!tpu.dma_semaphore, #tpu.memory_space<semaphore_mem>>) src(%dma_wait3A_312 : memref<128x16xf32, #tpu.memory_space<vmem>>) dst(%dma_wait3A_318 : memref<40960x16xf32, #tpu.memory_space<vmem_shared>>)
      }
      %while3A_97 = arith.constant 1 : i32
      scf.for %while3A_158 = %while3A_95 to %while3A_91 step %while3A_97  : i32 {
        %mul3A_159 = arith.constant 288 : i32
        %mul3A_160 = arith.muli %add3A, %mul3A_159 : i32
        %mul3A_161 = arith.constant 18 : i32
        %mul3A_162 = arith.muli %arg1, %mul3A_161 : i32
        %add3A_163 = arith.addi %mul3A_160, %mul3A_162 : i32
        %add3A_164 = arith.addi %add3A_163, %while3A_158 : i32
        %dma_start3A_165 = arith.constant 0 : i32
        %dma_start3A_166 = tpu.memref_slice %arg2[%add3A_164, %dma_start3A_165] : memref<1152x704xf32, #tpu.memory_space<hbm>> -> memref<1x704xf32, #tpu.memory_space<hbm>>
        %dma_start3A_167 = tpu.memref_squeeze %dma_start3A_166 : memref<1x704xf32, #tpu.memory_space<hbm>> -> memref<704xf32, #tpu.memory_space<hbm>>
        %dma_start3A_168 = arith.constant 0 : i32
        %dma_start3A_169 = tpu.memref_slice %arg2[%add3A_164, %dma_start3A_168] : memref<1152x704xf32, #tpu.memory_space<hbm>> -> memref<1x704xf32, #tpu.memory_space<hbm>>
        %dma_start3A_170 = tpu.memref_squeeze %dma_start3A_169 : memref<1x704xf32, #tpu.memory_space<hbm>> -> memref<704xf32, #tpu.memory_space<hbm>>
        tpu.enqueue_dma source(%dma_start3A_170 : memref<704xf32, #tpu.memory_space<hbm>>) target(%arg8 : memref<704xf32, #tpu.memory_space<vmem>>) target_semaphore(%arg14 : memref<!tpu.dma_semaphore, #tpu.memory_space<semaphore_mem>>)
        %dma_start3A_171 = arith.constant 0 : i32
        %dma_start3A_172 = arith.constant 0 : i32
        %dma_start3A_173 = tpu.memref_slice %arg4[%add3A_164, %dma_start3A_171, %dma_start3A_172] : memref<1152x6x128xi32, #tpu.memory_space<hbm>> -> memref<1x6x128xi32, #tpu.memory_space<hbm>>
        %dma_start3A_174 = tpu.memref_squeeze %dma_start3A_173 : memref<1x6x128xi32, #tpu.memory_space<hbm>> -> memref<6x128xi32, #tpu.memory_space<hbm>>
        %dma_start3A_175 = arith.constant 0 : i32
        %dma_start3A_176 = arith.constant 0 : i32
        %dma_start3A_177 = tpu.memref_slice %arg4[%add3A_164, %dma_start3A_175, %dma_start3A_176] : memref<1152x6x128xi32, #tpu.memory_space<hbm>> -> memref<1x6x128xi32, #tpu.memory_space<hbm>>
        %dma_start3A_178 = tpu.memref_squeeze %dma_start3A_177 : memref<1x6x128xi32, #tpu.memory_space<hbm>> -> memref<6x128xi32, #tpu.memory_space<hbm>>
        tpu.enqueue_dma source(%dma_start3A_178 : memref<6x128xi32, #tpu.memory_space<hbm>>) target(%arg9 : memref<6x128xi32, #tpu.memory_space<vmem>>) target_semaphore(%arg14 : memref<!tpu.dma_semaphore, #tpu.memory_space<semaphore_mem>>)
        %dma_wait3A_179 = arith.constant 0 : i32
        %dma_wait3A_180 = tpu.memref_slice %arg2[%add3A_164, %dma_wait3A_179] : memref<1152x704xf32, #tpu.memory_space<hbm>> -> memref<1x704xf32, #tpu.memory_space<hbm>>
        %dma_wait3A_181 = tpu.memref_squeeze %dma_wait3A_180 : memref<1x704xf32, #tpu.memory_space<hbm>> -> memref<704xf32, #tpu.memory_space<hbm>>
        %dma_wait3A_182 = arith.constant 0 : i32
        %dma_wait3A_183 = tpu.memref_slice %arg2[%add3A_164, %dma_wait3A_182] : memref<1152x704xf32, #tpu.memory_space<hbm>> -> memref<1x704xf32, #tpu.memory_space<hbm>>
        %dma_wait3A_184 = tpu.memref_squeeze %dma_wait3A_183 : memref<1x704xf32, #tpu.memory_space<hbm>> -> memref<704xf32, #tpu.memory_space<hbm>>
        tpu.wait_dma2 semaphore(%arg14 : memref<!tpu.dma_semaphore, #tpu.memory_space<semaphore_mem>>) src(%dma_wait3A_184 : memref<704xf32, #tpu.memory_space<hbm>>) dst(%arg8 : memref<704xf32, #tpu.memory_space<vmem>>)
        %dma_wait3A_185 = arith.constant 0 : i32
        %dma_wait3A_186 = arith.constant 0 : i32
        %dma_wait3A_187 = tpu.memref_slice %arg4[%add3A_164, %dma_wait3A_185, %dma_wait3A_186] : memref<1152x6x128xi32, #tpu.memory_space<hbm>> -> memref<1x6x128xi32, #tpu.memory_space<hbm>>
        %dma_wait3A_188 = tpu.memref_squeeze %dma_wait3A_187 : memref<1x6x128xi32, #tpu.memory_space<hbm>> -> memref<6x128xi32, #tpu.memory_space<hbm>>
        %dma_wait3A_189 = arith.constant 0 : i32
        %dma_wait3A_190 = arith.constant 0 : i32
        %dma_wait3A_191 = tpu.memref_slice %arg4[%add3A_164, %dma_wait3A_189, %dma_wait3A_190] : memref<1152x6x128xi32, #tpu.memory_space<hbm>> -> memref<1x6x128xi32, #tpu.memory_space<hbm>>
        %dma_wait3A_192 = tpu.memref_squeeze %dma_wait3A_191 : memref<1x6x128xi32, #tpu.memory_space<hbm>> -> memref<6x128xi32, #tpu.memory_space<hbm>>
        tpu.wait_dma2 semaphore(%arg14 : memref<!tpu.dma_semaphore, #tpu.memory_space<semaphore_mem>>) src(%dma_wait3A_192 : memref<6x128xi32, #tpu.memory_space<hbm>>) dst(%arg9 : memref<6x128xi32, #tpu.memory_space<vmem>>)
        %scan3A_193 = arith.constant 0 : i32
        %scan3A_194 = arith.constant 0 : i32
        %scan3A_195 = arith.constant 44 : i32
        %scan3A_196 = arith.addi %scan3A_194, %scan3A_195 : i32
        %scan3A_197 = arith.constant 1 : i32
        scf.for %scan3A_319 = %scan3A_194 to %scan3A_196 step %scan3A_197  : i32 {
          %mul3A_320 = arith.constant 16 : i32
          %mul3A_321 = arith.muli %scan3A_319, %mul3A_320 : i32
          %get3A = arith.index_cast %mul3A_321 : i32 to index
          %get3A_322 = tpu.vector_load %arg8[%get3A] {strides = array<i32>} : memref<704xf32, #tpu.memory_space<vmem>>, vector<16xf32>,
          %broadcast_in_dim3A = arith.constant 0 : i32
          %broadcast_in_dim3A_323 = vector.broadcast %broadcast_in_dim3A : i32 to vector<16xi32>
          %broadcast_in_dim3A_324 = vector.shape_cast %broadcast_in_dim3A_323 : vector<16xi32> to vector<16x1xi32>
          %gather3A = vector.shape_cast %broadcast_in_dim3A_324 : vector<16x1xi32> to vector<16xi32>
          %gather3A_325 = tpu.dynamic_gather %get3A_322[%gather3A] in [0] : vector<16xf32>, vector<16xi32> -> vector<16xf32>
          %mul3A_326 = arith.constant 16 : i32
          %mul3A_327 = arith.muli %scan3A_319, %mul3A_326 : i32
          %add3A_328 = arith.constant 0 : i32
          %add3A_329 = arith.addi %mul3A_327, %add3A_328 : i32
          %mul3A_330 = arith.constant 16 : i32
          %mul3A_331 = arith.muli %add3A_329, %mul3A_330 : i32
          %get3A_332 = arith.index_cast %mul3A_331 : i32 to index
          %get3A_333 = tpu.vector_load %arg7[%get3A_332] {strides = array<i32>} : memref<11264xf32, #tpu.memory_space<vmem>>, vector<16xf32>,
          %mul3A_334 = arith.mulf %get3A_333, %gather3A_325 : vector<16xf32>
          %swap3A = arith.index_cast %add3A_329 : i32 to index
          %swap3A_335 = arith.constant 0 : index
          %swap3A_336 = tpu.vector_load %arg10[%swap3A, %swap3A_335] {strides = array<i32>} : memref<768x16xf32, #tpu.memory_space<vmem>>, vector<16xf32>,
          tpu.vector_store %arg10[%swap3A, %swap3A_335], %mul3A_334 {strides = array<i32>} : memref<768x16xf32, #tpu.memory_space<vmem>>, vector<16xf32>,
          %broadcast_in_dim3A_337 = arith.constant 1 : i32
          %broadcast_in_dim3A_338 = vector.broadcast %broadcast_in_dim3A_337 : i32 to vector<16xi32>
          %broadcast_in_dim3A_339 = vector.shape_cast %broadcast_in_dim3A_338 : vector<16xi32> to vector<16x1xi32>
          %gather3A_340 = vector.shape_cast %broadcast_in_dim3A_339 : vector<16x1xi32> to vector<16xi32>
          %gather3A_341 = tpu.dynamic_gather %get3A_322[%gather3A_340] in [0] : vector<16xf32>, vector<16xi32> -> vector<16xf32>
          %mul3A_342 = arith.constant 16 : i32
          %mul3A_343 = arith.muli %scan3A_319, %mul3A_342 : i32
          %add3A_344 = arith.constant 1 : i32
          %add3A_345 = arith.addi %mul3A_343, %add3A_344 : i32
          %mul3A_346 = arith.constant 16 : i32
          %mul3A_347 = arith.muli %add3A_345, %mul3A_346 : i32
          %get3A_348 = arith.index_cast %mul3A_347 : i32 to index
          %get3A_349 = tpu.vector_load %arg7[%get3A_348] {strides = array<i32>} : memref<11264xf32, #tpu.memory_space<vmem>>, vector<16xf32>,
          %mul3A_350 = arith.mulf %get3A_349, %gather3A_341 : vector<16xf32>
          %swap3A_351 = arith.index_cast %add3A_345 : i32 to index
          %swap3A_352 = arith.constant 0 : index
          %swap3A_353 = tpu.vector_load %arg10[%swap3A_351, %swap3A_352] {strides = array<i32>} : memref<768x16xf32, #tpu.memory_space<vmem>>, vector<16xf32>,
          tpu.vector_store %arg10[%swap3A_351, %swap3A_352], %mul3A_350 {strides = array<i32>} : memref<768x16xf32, #tpu.memory_space<vmem>>, vector<16xf32>,
          %broadcast_in_dim3A_354 = arith.constant 2 : i32
          %broadcast_in_dim3A_355 = vector.broadcast %broadcast_in_dim3A_354 : i32 to vector<16xi32>
          %broadcast_in_dim3A_356 = vector.shape_cast %broadcast_in_dim3A_355 : vector<16xi32> to vector<16x1xi32>
          %gather3A_357 = vector.shape_cast %broadcast_in_dim3A_356 : vector<16x1xi32> to vector<16xi32>
          %gather3A_358 = tpu.dynamic_gather %get3A_322[%gather3A_357] in [0] : vector<16xf32>, vector<16xi32> -> vector<16xf32>
          %mul3A_359 = arith.constant 16 : i32
          %mul3A_360 = arith.muli %scan3A_319, %mul3A_359 : i32
          %add3A_361 = arith.constant 2 : i32
          %add3A_362 = arith.addi %mul3A_360, %add3A_361 : i32
          %mul3A_363 = arith.constant 16 : i32
          %mul3A_364 = arith.muli %add3A_362, %mul3A_363 : i32
          %get3A_365 = arith.index_cast %mul3A_364 : i32 to index
          %get3A_366 = tpu.vector_load %arg7[%get3A_365] {strides = array<i32>} : memref<11264xf32, #tpu.memory_space<vmem>>, vector<16xf32>,
          %mul3A_367 = arith.mulf %get3A_366, %gather3A_358 : vector<16xf32>
          %swap3A_368 = arith.index_cast %add3A_362 : i32 to index
          %swap3A_369 = arith.constant 0 : index
          %swap3A_370 = tpu.vector_load %arg10[%swap3A_368, %swap3A_369] {strides = array<i32>} : memref<768x16xf32, #tpu.memory_space<vmem>>, vector<16xf32>,
          tpu.vector_store %arg10[%swap3A_368, %swap3A_369], %mul3A_367 {strides = array<i32>} : memref<768x16xf32, #tpu.memory_space<vmem>>, vector<16xf32>,
          %broadcast_in_dim3A_371 = arith.constant 3 : i32
          %broadcast_in_dim3A_372 = vector.broadcast %broadcast_in_dim3A_371 : i32 to vector<16xi32>
          %broadcast_in_dim3A_373 = vector.shape_cast %broadcast_in_dim3A_372 : vector<16xi32> to vector<16x1xi32>
          %gather3A_374 = vector.shape_cast %broadcast_in_dim3A_373 : vector<16x1xi32> to vector<16xi32>
          %gather3A_375 = tpu.dynamic_gather %get3A_322[%gather3A_374] in [0] : vector<16xf32>, vector<16xi32> -> vector<16xf32>
          %mul3A_376 = arith.constant 16 : i32
          %mul3A_377 = arith.muli %scan3A_319, %mul3A_376 : i32
          %add3A_378 = arith.constant 3 : i32
          %add3A_379 = arith.addi %mul3A_377, %add3A_378 : i32
          %mul3A_380 = arith.constant 16 : i32
          %mul3A_381 = arith.muli %add3A_379, %mul3A_380 : i32
          %get3A_382 = arith.index_cast %mul3A_381 : i32 to index
          %get3A_383 = tpu.vector_load %arg7[%get3A_382] {strides = array<i32>} : memref<11264xf32, #tpu.memory_space<vmem>>, vector<16xf32>,
          %mul3A_384 = arith.mulf %get3A_383, %gather3A_375 : vector<16xf32>
          %swap3A_385 = arith.index_cast %add3A_379 : i32 to index
          %swap3A_386 = arith.constant 0 : index
          %swap3A_387 = tpu.vector_load %arg10[%swap3A_385, %swap3A_386] {strides = array<i32>} : memref<768x16xf32, #tpu.memory_space<vmem>>, vector<16xf32>,
          tpu.vector_store %arg10[%swap3A_385, %swap3A_386], %mul3A_384 {strides = array<i32>} : memref<768x16xf32, #tpu.memory_space<vmem>>, vector<16xf32>,
          %broadcast_in_dim3A_388 = arith.constant 4 : i32
          %broadcast_in_dim3A_389 = vector.broadcast %broadcast_in_dim3A_388 : i32 to vector<16xi32>
          %broadcast_in_dim3A_390 = vector.shape_cast %broadcast_in_dim3A_389 : vector<16xi32> to vector<16x1xi32>
          %gather3A_391 = vector.shape_cast %broadcast_in_dim3A_390 : vector<16x1xi32> to vector<16xi32>
          %gather3A_392 = tpu.dynamic_gather %get3A_322[%gather3A_391] in [0] : vector<16xf32>, vector<16xi32> -> vector<16xf32>
          %mul3A_393 = arith.constant 16 : i32
          %mul3A_394 = arith.muli %scan3A_319, %mul3A_393 : i32
          %add3A_395 = arith.constant 4 : i32
          %add3A_396 = arith.addi %mul3A_394, %add3A_395 : i32
          %mul3A_397 = arith.constant 16 : i32
          %mul3A_398 = arith.muli %add3A_396, %mul3A_397 : i32
          %get3A_399 = arith.index_cast %mul3A_398 : i32 to index
          %get3A_400 = tpu.vector_load %arg7[%get3A_399] {strides = array<i32>} : memref<11264xf32, #tpu.memory_space<vmem>>, vector<16xf32>,
          %mul3A_401 = arith.mulf %get3A_400, %gather3A_392 : vector<16xf32>
          %swap3A_402 = arith.index_cast %add3A_396 : i32 to index
          %swap3A_403 = arith.constant 0 : index
          %swap3A_404 = tpu.vector_load %arg10[%swap3A_402, %swap3A_403] {strides = array<i32>} : memref<768x16xf32, #tpu.memory_space<vmem>>, vector<16xf32>,
          tpu.vector_store %arg10[%swap3A_402, %swap3A_403], %mul3A_401 {strides = array<i32>} : memref<768x16xf32, #tpu.memory_space<vmem>>, vector<16xf32>,
          %broadcast_in_dim3A_405 = arith.constant 5 : i32
          %broadcast_in_dim3A_406 = vector.broadcast %broadcast_in_dim3A_405 : i32 to vector<16xi32>
          %broadcast_in_dim3A_407 = vector.shape_cast %broadcast_in_dim3A_406 : vector<16xi32> to vector<16x1xi32>
          %gather3A_408 = vector.shape_cast %broadcast_in_dim3A_407 : vector<16x1xi32> to vector<16xi32>
          %gather3A_409 = tpu.dynamic_gather %get3A_322[%gather3A_408] in [0] : vector<16xf32>, vector<16xi32> -> vector<16xf32>
          %mul3A_410 = arith.constant 16 : i32
          %mul3A_411 = arith.muli %scan3A_319, %mul3A_410 : i32
          %add3A_412 = arith.constant 5 : i32
          %add3A_413 = arith.addi %mul3A_411, %add3A_412 : i32
          %mul3A_414 = arith.constant 16 : i32
          %mul3A_415 = arith.muli %add3A_413, %mul3A_414 : i32
          %get3A_416 = arith.index_cast %mul3A_415 : i32 to index
          %get3A_417 = tpu.vector_load %arg7[%get3A_416] {strides = array<i32>} : memref<11264xf32, #tpu.memory_space<vmem>>, vector<16xf32>,
          %mul3A_418 = arith.mulf %get3A_417, %gather3A_409 : vector<16xf32>
          %swap3A_419 = arith.index_cast %add3A_413 : i32 to index
          %swap3A_420 = arith.constant 0 : index
          %swap3A_421 = tpu.vector_load %arg10[%swap3A_419, %swap3A_420] {strides = array<i32>} : memref<768x16xf32, #tpu.memory_space<vmem>>, vector<16xf32>,
          tpu.vector_store %arg10[%swap3A_419, %swap3A_420], %mul3A_418 {strides = array<i32>} : memref<768x16xf32, #tpu.memory_space<vmem>>, vector<16xf32>,
          %broadcast_in_dim3A_422 = arith.constant 6 : i32
          %broadcast_in_dim3A_423 = vector.broadcast %broadcast_in_dim3A_422 : i32 to vector<16xi32>
          %broadcast_in_dim3A_424 = vector.shape_cast %broadcast_in_dim3A_423 : vector<16xi32> to vector<16x1xi32>
          %gather3A_425 = vector.shape_cast %broadcast_in_dim3A_424 : vector<16x1xi32> to vector<16xi32>
          %gather3A_426 = tpu.dynamic_gather %get3A_322[%gather3A_425] in [0] : vector<16xf32>, vector<16xi32> -> vector<16xf32>
          %mul3A_427 = arith.constant 16 : i32
          %mul3A_428 = arith.muli %scan3A_319, %mul3A_427 : i32
          %add3A_429 = arith.constant 6 : i32
          %add3A_430 = arith.addi %mul3A_428, %add3A_429 : i32
          %mul3A_431 = arith.constant 16 : i32
          %mul3A_432 = arith.muli %add3A_430, %mul3A_431 : i32
          %get3A_433 = arith.index_cast %mul3A_432 : i32 to index
          %get3A_434 = tpu.vector_load %arg7[%get3A_433] {strides = array<i32>} : memref<11264xf32, #tpu.memory_space<vmem>>, vector<16xf32>,
          %mul3A_435 = arith.mulf %get3A_434, %gather3A_426 : vector<16xf32>
          %swap3A_436 = arith.index_cast %add3A_430 : i32 to index
          %swap3A_437 = arith.constant 0 : index
          %swap3A_438 = tpu.vector_load %arg10[%swap3A_436, %swap3A_437] {strides = array<i32>} : memref<768x16xf32, #tpu.memory_space<vmem>>, vector<16xf32>,
          tpu.vector_store %arg10[%swap3A_436, %swap3A_437], %mul3A_435 {strides = array<i32>} : memref<768x16xf32, #tpu.memory_space<vmem>>, vector<16xf32>,
          %broadcast_in_dim3A_439 = arith.constant 7 : i32
          %broadcast_in_dim3A_440 = vector.broadcast %broadcast_in_dim3A_439 : i32 to vector<16xi32>
          %broadcast_in_dim3A_441 = vector.shape_cast %broadcast_in_dim3A_440 : vector<16xi32> to vector<16x1xi32>
          %gather3A_442 = vector.shape_cast %broadcast_in_dim3A_441 : vector<16x1xi32> to vector<16xi32>
          %gather3A_443 = tpu.dynamic_gather %get3A_322[%gather3A_442] in [0] : vector<16xf32>, vector<16xi32> -> vector<16xf32>
          %mul3A_444 = arith.constant 16 : i32
          %mul3A_445 = arith.muli %scan3A_319, %mul3A_444 : i32
          %add3A_446 = arith.constant 7 : i32
          %add3A_447 = arith.addi %mul3A_445, %add3A_446 : i32
          %mul3A_448 = arith.constant 16 : i32
          %mul3A_449 = arith.muli %add3A_447, %mul3A_448 : i32
          %get3A_450 = arith.index_cast %mul3A_449 : i32 to index
          %get3A_451 = tpu.vector_load %arg7[%get3A_450] {strides = array<i32>} : memref<11264xf32, #tpu.memory_space<vmem>>, vector<16xf32>,
          %mul3A_452 = arith.mulf %get3A_451, %gather3A_443 : vector<16xf32>
          %swap3A_453 = arith.index_cast %add3A_447 : i32 to index
          %swap3A_454 = arith.constant 0 : index
          %swap3A_455 = tpu.vector_load %arg10[%swap3A_453, %swap3A_454] {strides = array<i32>} : memref<768x16xf32, #tpu.memory_space<vmem>>, vector<16xf32>,
          tpu.vector_store %arg10[%swap3A_453, %swap3A_454], %mul3A_452 {strides = array<i32>} : memref<768x16xf32, #tpu.memory_space<vmem>>, vector<16xf32>,
          %broadcast_in_dim3A_456 = arith.constant 8 : i32
          %broadcast_in_dim3A_457 = vector.broadcast %broadcast_in_dim3A_456 : i32 to vector<16xi32>
          %broadcast_in_dim3A_458 = vector.shape_cast %broadcast_in_dim3A_457 : vector<16xi32> to vector<16x1xi32>
          %gather3A_459 = vector.shape_cast %broadcast_in_dim3A_458 : vector<16x1xi32> to vector<16xi32>
          %gather3A_460 = tpu.dynamic_gather %get3A_322[%gather3A_459] in [0] : vector<16xf32>, vector<16xi32> -> vector<16xf32>
          %mul3A_461 = arith.constant 16 : i32
          %mul3A_462 = arith.muli %scan3A_319, %mul3A_461 : i32
          %add3A_463 = arith.constant 8 : i32
          %add3A_464 = arith.addi %mul3A_462, %add3A_463 : i32
          %mul3A_465 = arith.constant 16 : i32
          %mul3A_466 = arith.muli %add3A_464, %mul3A_465 : i32
          %get3A_467 = arith.index_cast %mul3A_466 : i32 to index
          %get3A_468 = tpu.vector_load %arg7[%get3A_467] {strides = array<i32>} : memref<11264xf32, #tpu.memory_space<vmem>>, vector<16xf32>,
          %mul3A_469 = arith.mulf %get3A_468, %gather3A_460 : vector<16xf32>
          %swap3A_470 = arith.index_cast %add3A_464 : i32 to index
          %swap3A_471 = arith.constant 0 : index
          %swap3A_472 = tpu.vector_load %arg10[%swap3A_470, %swap3A_471] {strides = array<i32>} : memref<768x16xf32, #tpu.memory_space<vmem>>, vector<16xf32>,
          tpu.vector_store %arg10[%swap3A_470, %swap3A_471], %mul3A_469 {strides = array<i32>} : memref<768x16xf32, #tpu.memory_space<vmem>>, vector<16xf32>,
          %broadcast_in_dim3A_473 = arith.constant 9 : i32
          %broadcast_in_dim3A_474 = vector.broadcast %broadcast_in_dim3A_473 : i32 to vector<16xi32>
          %broadcast_in_dim3A_475 = vector.shape_cast %broadcast_in_dim3A_474 : vector<16xi32> to vector<16x1xi32>
          %gather3A_476 = vector.shape_cast %broadcast_in_dim3A_475 : vector<16x1xi32> to vector<16xi32>
          %gather3A_477 = tpu.dynamic_gather %get3A_322[%gather3A_476] in [0] : vector<16xf32>, vector<16xi32> -> vector<16xf32>
          %mul3A_478 = arith.constant 16 : i32
          %mul3A_479 = arith.muli %scan3A_319, %mul3A_478 : i32
          %add3A_480 = arith.constant 9 : i32
          %add3A_481 = arith.addi %mul3A_479, %add3A_480 : i32
          %mul3A_482 = arith.constant 16 : i32
          %mul3A_483 = arith.muli %add3A_481, %mul3A_482 : i32
          %get3A_484 = arith.index_cast %mul3A_483 : i32 to index
          %get3A_485 = tpu.vector_load %arg7[%get3A_484] {strides = array<i32>} : memref<11264xf32, #tpu.memory_space<vmem>>, vector<16xf32>,
          %mul3A_486 = arith.mulf %get3A_485, %gather3A_477 : vector<16xf32>
          %swap3A_487 = arith.index_cast %add3A_481 : i32 to index
          %swap3A_488 = arith.constant 0 : index
          %swap3A_489 = tpu.vector_load %arg10[%swap3A_487, %swap3A_488] {strides = array<i32>} : memref<768x16xf32, #tpu.memory_space<vmem>>, vector<16xf32>,
          tpu.vector_store %arg10[%swap3A_487, %swap3A_488], %mul3A_486 {strides = array<i32>} : memref<768x16xf32, #tpu.memory_space<vmem>>, vector<16xf32>,
          %broadcast_in_dim3A_490 = arith.constant 10 : i32
          %broadcast_in_dim3A_491 = vector.broadcast %broadcast_in_dim3A_490 : i32 to vector<16xi32>
          %broadcast_in_dim3A_492 = vector.shape_cast %broadcast_in_dim3A_491 : vector<16xi32> to vector<16x1xi32>
          %gather3A_493 = vector.shape_cast %broadcast_in_dim3A_492 : vector<16x1xi32> to vector<16xi32>
          %gather3A_494 = tpu.dynamic_gather %get3A_322[%gather3A_493] in [0] : vector<16xf32>, vector<16xi32> -> vector<16xf32>
          %mul3A_495 = arith.constant 16 : i32
          %mul3A_496 = arith.muli %scan3A_319, %mul3A_495 : i32
          %add3A_497 = arith.constant 10 : i32
          %add3A_498 = arith.addi %mul3A_496, %add3A_497 : i32
          %mul3A_499 = arith.constant 16 : i32
          %mul3A_500 = arith.muli %add3A_498, %mul3A_499 : i32
          %get3A_501 = arith.index_cast %mul3A_500 : i32 to index
          %get3A_502 = tpu.vector_load %arg7[%get3A_501] {strides = array<i32>} : memref<11264xf32, #tpu.memory_space<vmem>>, vector<16xf32>,
          %mul3A_503 = arith.mulf %get3A_502, %gather3A_494 : vector<16xf32>
          %swap3A_504 = arith.index_cast %add3A_498 : i32 to index
          %swap3A_505 = arith.constant 0 : index
          %swap3A_506 = tpu.vector_load %arg10[%swap3A_504, %swap3A_505] {strides = array<i32>} : memref<768x16xf32, #tpu.memory_space<vmem>>, vector<16xf32>,
          tpu.vector_store %arg10[%swap3A_504, %swap3A_505], %mul3A_503 {strides = array<i32>} : memref<768x16xf32, #tpu.memory_space<vmem>>, vector<16xf32>,
          %broadcast_in_dim3A_507 = arith.constant 11 : i32
          %broadcast_in_dim3A_508 = vector.broadcast %broadcast_in_dim3A_507 : i32 to vector<16xi32>
          %broadcast_in_dim3A_509 = vector.shape_cast %broadcast_in_dim3A_508 : vector<16xi32> to vector<16x1xi32>
          %gather3A_510 = vector.shape_cast %broadcast_in_dim3A_509 : vector<16x1xi32> to vector<16xi32>
          %gather3A_511 = tpu.dynamic_gather %get3A_322[%gather3A_510] in [0] : vector<16xf32>, vector<16xi32> -> vector<16xf32>
          %mul3A_512 = arith.constant 16 : i32
          %mul3A_513 = arith.muli %scan3A_319, %mul3A_512 : i32
          %add3A_514 = arith.constant 11 : i32
          %add3A_515 = arith.addi %mul3A_513, %add3A_514 : i32
          %mul3A_516 = arith.constant 16 : i32
          %mul3A_517 = arith.muli %add3A_515, %mul3A_516 : i32
          %get3A_518 = arith.index_cast %mul3A_517 : i32 to index
          %get3A_519 = tpu.vector_load %arg7[%get3A_518] {strides = array<i32>} : memref<11264xf32, #tpu.memory_space<vmem>>, vector<16xf32>,
          %mul3A_520 = arith.mulf %get3A_519, %gather3A_511 : vector<16xf32>
          %swap3A_521 = arith.index_cast %add3A_515 : i32 to index
          %swap3A_522 = arith.constant 0 : index
          %swap3A_523 = tpu.vector_load %arg10[%swap3A_521, %swap3A_522] {strides = array<i32>} : memref<768x16xf32, #tpu.memory_space<vmem>>, vector<16xf32>,
          tpu.vector_store %arg10[%swap3A_521, %swap3A_522], %mul3A_520 {strides = array<i32>} : memref<768x16xf32, #tpu.memory_space<vmem>>, vector<16xf32>,
          %broadcast_in_dim3A_524 = arith.constant 12 : i32
          %broadcast_in_dim3A_525 = vector.broadcast %broadcast_in_dim3A_524 : i32 to vector<16xi32>
          %broadcast_in_dim3A_526 = vector.shape_cast %broadcast_in_dim3A_525 : vector<16xi32> to vector<16x1xi32>
          %gather3A_527 = vector.shape_cast %broadcast_in_dim3A_526 : vector<16x1xi32> to vector<16xi32>
          %gather3A_528 = tpu.dynamic_gather %get3A_322[%gather3A_527] in [0] : vector<16xf32>, vector<16xi32> -> vector<16xf32>
          %mul3A_529 = arith.constant 16 : i32
          %mul3A_530 = arith.muli %scan3A_319, %mul3A_529 : i32
          %add3A_531 = arith.constant 12 : i32
          %add3A_532 = arith.addi %mul3A_530, %add3A_531 : i32
          %mul3A_533 = arith.constant 16 : i32
          %mul3A_534 = arith.muli %add3A_532, %mul3A_533 : i32
          %get3A_535 = arith.index_cast %mul3A_534 : i32 to index
          %get3A_536 = tpu.vector_load %arg7[%get3A_535] {strides = array<i32>} : memref<11264xf32, #tpu.memory_space<vmem>>, vector<16xf32>,
          %mul3A_537 = arith.mulf %get3A_536, %gather3A_528 : vector<16xf32>
          %swap3A_538 = arith.index_cast %add3A_532 : i32 to index
          %swap3A_539 = arith.constant 0 : index
          %swap3A_540 = tpu.vector_load %arg10[%swap3A_538, %swap3A_539] {strides = array<i32>} : memref<768x16xf32, #tpu.memory_space<vmem>>, vector<16xf32>,
          tpu.vector_store %arg10[%swap3A_538, %swap3A_539], %mul3A_537 {strides = array<i32>} : memref<768x16xf32, #tpu.memory_space<vmem>>, vector<16xf32>,
          %broadcast_in_dim3A_541 = arith.constant 13 : i32
          %broadcast_in_dim3A_542 = vector.broadcast %broadcast_in_dim3A_541 : i32 to vector<16xi32>
          %broadcast_in_dim3A_543 = vector.shape_cast %broadcast_in_dim3A_542 : vector<16xi32> to vector<16x1xi32>
          %gather3A_544 = vector.shape_cast %broadcast_in_dim3A_543 : vector<16x1xi32> to vector<16xi32>
          %gather3A_545 = tpu.dynamic_gather %get3A_322[%gather3A_544] in [0] : vector<16xf32>, vector<16xi32> -> vector<16xf32>
          %mul3A_546 = arith.constant 16 : i32
          %mul3A_547 = arith.muli %scan3A_319, %mul3A_546 : i32
          %add3A_548 = arith.constant 13 : i32
          %add3A_549 = arith.addi %mul3A_547, %add3A_548 : i32
          %mul3A_550 = arith.constant 16 : i32
          %mul3A_551 = arith.muli %add3A_549, %mul3A_550 : i32
          %get3A_552 = arith.index_cast %mul3A_551 : i32 to index
          %get3A_553 = tpu.vector_load %arg7[%get3A_552] {strides = array<i32>} : memref<11264xf32, #tpu.memory_space<vmem>>, vector<16xf32>,
          %mul3A_554 = arith.mulf %get3A_553, %gather3A_545 : vector<16xf32>
          %swap3A_555 = arith.index_cast %add3A_549 : i32 to index
          %swap3A_556 = arith.constant 0 : index
          %swap3A_557 = tpu.vector_load %arg10[%swap3A_555, %swap3A_556] {strides = array<i32>} : memref<768x16xf32, #tpu.memory_space<vmem>>, vector<16xf32>,
          tpu.vector_store %arg10[%swap3A_555, %swap3A_556], %mul3A_554 {strides = array<i32>} : memref<768x16xf32, #tpu.memory_space<vmem>>, vector<16xf32>,
          %broadcast_in_dim3A_558 = arith.constant 14 : i32
          %broadcast_in_dim3A_559 = vector.broadcast %broadcast_in_dim3A_558 : i32 to vector<16xi32>
          %broadcast_in_dim3A_560 = vector.shape_cast %broadcast_in_dim3A_559 : vector<16xi32> to vector<16x1xi32>
          %gather3A_561 = vector.shape_cast %broadcast_in_dim3A_560 : vector<16x1xi32> to vector<16xi32>
          %gather3A_562 = tpu.dynamic_gather %get3A_322[%gather3A_561] in [0] : vector<16xf32>, vector<16xi32> -> vector<16xf32>
          %mul3A_563 = arith.constant 16 : i32
          %mul3A_564 = arith.muli %scan3A_319, %mul3A_563 : i32
          %add3A_565 = arith.constant 14 : i32
          %add3A_566 = arith.addi %mul3A_564, %add3A_565 : i32
          %mul3A_567 = arith.constant 16 : i32
          %mul3A_568 = arith.muli %add3A_566, %mul3A_567 : i32
          %get3A_569 = arith.index_cast %mul3A_568 : i32 to index
          %get3A_570 = tpu.vector_load %arg7[%get3A_569] {strides = array<i32>} : memref<11264xf32, #tpu.memory_space<vmem>>, vector<16xf32>,
          %mul3A_571 = arith.mulf %get3A_570, %gather3A_562 : vector<16xf32>
          %swap3A_572 = arith.index_cast %add3A_566 : i32 to index
          %swap3A_573 = arith.constant 0 : index
          %swap3A_574 = tpu.vector_load %arg10[%swap3A_572, %swap3A_573] {strides = array<i32>} : memref<768x16xf32, #tpu.memory_space<vmem>>, vector<16xf32>,
          tpu.vector_store %arg10[%swap3A_572, %swap3A_573], %mul3A_571 {strides = array<i32>} : memref<768x16xf32, #tpu.memory_space<vmem>>, vector<16xf32>,
          %broadcast_in_dim3A_575 = arith.constant 15 : i32
          %broadcast_in_dim3A_576 = vector.broadcast %broadcast_in_dim3A_575 : i32 to vector<16xi32>
          %broadcast_in_dim3A_577 = vector.shape_cast %broadcast_in_dim3A_576 : vector<16xi32> to vector<16x1xi32>
          %gather3A_578 = vector.shape_cast %broadcast_in_dim3A_577 : vector<16x1xi32> to vector<16xi32>
          %gather3A_579 = tpu.dynamic_gather %get3A_322[%gather3A_578] in [0] : vector<16xf32>, vector<16xi32> -> vector<16xf32>
          %mul3A_580 = arith.constant 16 : i32
          %mul3A_581 = arith.muli %scan3A_319, %mul3A_580 : i32
          %add3A_582 = arith.constant 15 : i32
          %add3A_583 = arith.addi %mul3A_581, %add3A_582 : i32
          %mul3A_584 = arith.constant 16 : i32
          %mul3A_585 = arith.muli %add3A_583, %mul3A_584 : i32
          %get3A_586 = arith.index_cast %mul3A_585 : i32 to index
          %get3A_587 = tpu.vector_load %arg7[%get3A_586] {strides = array<i32>} : memref<11264xf32, #tpu.memory_space<vmem>>, vector<16xf32>,
          %mul3A_588 = arith.mulf %get3A_587, %gather3A_579 : vector<16xf32>
          %swap3A_589 = arith.index_cast %add3A_583 : i32 to index
          %swap3A_590 = arith.constant 0 : index
          %swap3A_591 = tpu.vector_load %arg10[%swap3A_589, %swap3A_590] {strides = array<i32>} : memref<768x16xf32, #tpu.memory_space<vmem>>, vector<16xf32>,
          tpu.vector_store %arg10[%swap3A_589, %swap3A_590], %mul3A_588 {strides = array<i32>} : memref<768x16xf32, #tpu.memory_space<vmem>>, vector<16xf32>,
        }
        %scan3A_198 = arith.constant 44 : i32
        %dma_start3A_199 = arith.constant 0 : i32
        %dma_start3A_200 = arith.constant 0 : i32
        %dma_start3A_201 = arith.constant 0 : i32
        %dma_start3A_202 = tpu.memref_slice %arg10[%dma_start3A_200, %dma_start3A_201] : memref<768x16xf32, #tpu.memory_space<vmem>> -> memref<128x16xf32, #tpu.memory_space<vmem>>
        %dma_start3A_203 = arith.constant 0 : i32
        %dma_start3A_204 = tpu.memref_slice %arg9[%dma_start3A_199, %dma_start3A_203] : memref<6x128xi32, #tpu.memory_space<vmem>> -> memref<1x128xi32, #tpu.memory_space<vmem>>
        %dma_start3A_205 = tpu.memref_squeeze %dma_start3A_204 : memref<1x128xi32, #tpu.memory_space<vmem>> -> memref<128xi32, #tpu.memory_space<vmem>>
        %dma_start3A_206 = arith.constant 0 : i32
        %dma_start3A_207 = arith.constant 0 : i32
        %dma_start3A_208 = tpu.memref_slice %arg18[%dma_start3A_206, %dma_start3A_207] : memref<40960x16xf32, #tpu.memory_space<vmem_shared>> -> memref<40960x16xf32, #tpu.memory_space<vmem_shared>>
        tpu.enqueue_indirect_dma source(%dma_start3A_202 : memref<128x16xf32, #tpu.memory_space<vmem>>) target(%dma_start3A_208 : memref<40960x16xf32, #tpu.memory_space<vmem_shared>>) offsets(%dma_start3A_205 : memref<128xi32, #tpu.memory_space<vmem>>) semaphore(%arg15 : memref<!tpu.dma_semaphore, #tpu.memory_space<semaphore_mem>>) {add = true}
        %dma_start3A_209 = arith.constant 1 : i32
        %dma_start3A_210 = arith.constant 128 : i32
        %dma_start3A_211 = arith.constant 0 : i32
        %dma_start3A_212 = tpu.memref_slice %arg10[%dma_start3A_210, %dma_start3A_211] : memref<768x16xf32, #tpu.memory_space<vmem>> -> memref<128x16xf32, #tpu.memory_space<vmem>>
        %dma_start3A_213 = arith.constant 0 : i32
        %dma_start3A_214 = tpu.memref_slice %arg9[%dma_start3A_209, %dma_start3A_213] : memref<6x128xi32, #tpu.memory_space<vmem>> -> memref<1x128xi32, #tpu.memory_space<vmem>>
        %dma_start3A_215 = tpu.memref_squeeze %dma_start3A_214 : memref<1x128xi32, #tpu.memory_space<vmem>> -> memref<128xi32, #tpu.memory_space<vmem>>
        %dma_start3A_216 = arith.constant 0 : i32
        %dma_start3A_217 = arith.constant 0 : i32
        %dma_start3A_218 = tpu.memref_slice %arg18[%dma_start3A_216, %dma_start3A_217] : memref<40960x16xf32, #tpu.memory_space<vmem_shared>> -> memref<40960x16xf32, #tpu.memory_space<vmem_shared>>
        tpu.enqueue_indirect_dma source(%dma_start3A_212 : memref<128x16xf32, #tpu.memory_space<vmem>>) target(%dma_start3A_218 : memref<40960x16xf32, #tpu.memory_space<vmem_shared>>) offsets(%dma_start3A_215 : memref<128xi32, #tpu.memory_space<vmem>>) semaphore(%arg15 : memref<!tpu.dma_semaphore, #tpu.memory_space<semaphore_mem>>) {add = true}
        %dma_start3A_219 = arith.constant 2 : i32
        %dma_start3A_220 = arith.constant 256 : i32
        %dma_start3A_221 = arith.constant 0 : i32
        %dma_start3A_222 = tpu.memref_slice %arg10[%dma_start3A_220, %dma_start3A_221] : memref<768x16xf32, #tpu.memory_space<vmem>> -> memref<128x16xf32, #tpu.memory_space<vmem>>
        %dma_start3A_223 = arith.constant 0 : i32
        %dma_start3A_224 = tpu.memref_slice %arg9[%dma_start3A_219, %dma_start3A_223] : memref<6x128xi32, #tpu.memory_space<vmem>> -> memref<1x128xi32, #tpu.memory_space<vmem>>
        %dma_start3A_225 = tpu.memref_squeeze %dma_start3A_224 : memref<1x128xi32, #tpu.memory_space<vmem>> -> memref<128xi32, #tpu.memory_space<vmem>>
        %dma_start3A_226 = arith.constant 0 : i32
        %dma_start3A_227 = arith.constant 0 : i32
        %dma_start3A_228 = tpu.memref_slice %arg18[%dma_start3A_226, %dma_start3A_227] : memref<40960x16xf32, #tpu.memory_space<vmem_shared>> -> memref<40960x16xf32, #tpu.memory_space<vmem_shared>>
        tpu.enqueue_indirect_dma source(%dma_start3A_222 : memref<128x16xf32, #tpu.memory_space<vmem>>) target(%dma_start3A_228 : memref<40960x16xf32, #tpu.memory_space<vmem_shared>>) offsets(%dma_start3A_225 : memref<128xi32, #tpu.memory_space<vmem>>) semaphore(%arg15 : memref<!tpu.dma_semaphore, #tpu.memory_space<semaphore_mem>>) {add = true}
        %dma_start3A_229 = arith.constant 3 : i32
        %dma_start3A_230 = arith.constant 384 : i32
        %dma_start3A_231 = arith.constant 0 : i32
        %dma_start3A_232 = tpu.memref_slice %arg10[%dma_start3A_230, %dma_start3A_231] : memref<768x16xf32, #tpu.memory_space<vmem>> -> memref<128x16xf32, #tpu.memory_space<vmem>>
        %dma_start3A_233 = arith.constant 0 : i32
        %dma_start3A_234 = tpu.memref_slice %arg9[%dma_start3A_229, %dma_start3A_233] : memref<6x128xi32, #tpu.memory_space<vmem>> -> memref<1x128xi32, #tpu.memory_space<vmem>>
        %dma_start3A_235 = tpu.memref_squeeze %dma_start3A_234 : memref<1x128xi32, #tpu.memory_space<vmem>> -> memref<128xi32, #tpu.memory_space<vmem>>
        %dma_start3A_236 = arith.constant 0 : i32
        %dma_start3A_237 = arith.constant 0 : i32
        %dma_start3A_238 = tpu.memref_slice %arg18[%dma_start3A_236, %dma_start3A_237] : memref<40960x16xf32, #tpu.memory_space<vmem_shared>> -> memref<40960x16xf32, #tpu.memory_space<vmem_shared>>
        tpu.enqueue_indirect_dma source(%dma_start3A_232 : memref<128x16xf32, #tpu.memory_space<vmem>>) target(%dma_start3A_238 : memref<40960x16xf32, #tpu.memory_space<vmem_shared>>) offsets(%dma_start3A_235 : memref<128xi32, #tpu.memory_space<vmem>>) semaphore(%arg15 : memref<!tpu.dma_semaphore, #tpu.memory_space<semaphore_mem>>) {add = true}
        %dma_start3A_239 = arith.constant 4 : i32
        %dma_start3A_240 = arith.constant 512 : i32
        %dma_start3A_241 = arith.constant 0 : i32
        %dma_start3A_242 = tpu.memref_slice %arg10[%dma_start3A_240, %dma_start3A_241] : memref<768x16xf32, #tpu.memory_space<vmem>> -> memref<128x16xf32, #tpu.memory_space<vmem>>
        %dma_start3A_243 = arith.constant 0 : i32
        %dma_start3A_244 = tpu.memref_slice %arg9[%dma_start3A_239, %dma_start3A_243] : memref<6x128xi32, #tpu.memory_space<vmem>> -> memref<1x128xi32, #tpu.memory_space<vmem>>
        %dma_start3A_245 = tpu.memref_squeeze %dma_start3A_244 : memref<1x128xi32, #tpu.memory_space<vmem>> -> memref<128xi32, #tpu.memory_space<vmem>>
        %dma_start3A_246 = arith.constant 0 : i32
        %dma_start3A_247 = arith.constant 0 : i32
        %dma_start3A_248 = tpu.memref_slice %arg18[%dma_start3A_246, %dma_start3A_247] : memref<40960x16xf32, #tpu.memory_space<vmem_shared>> -> memref<40960x16xf32, #tpu.memory_space<vmem_shared>>
        tpu.enqueue_indirect_dma source(%dma_start3A_242 : memref<128x16xf32, #tpu.memory_space<vmem>>) target(%dma_start3A_248 : memref<40960x16xf32, #tpu.memory_space<vmem_shared>>) offsets(%dma_start3A_245 : memref<128xi32, #tpu.memory_space<vmem>>) semaphore(%arg15 : memref<!tpu.dma_semaphore, #tpu.memory_space<semaphore_mem>>) {add = true}
        %dma_start3A_249 = arith.constant 5 : i32
        %dma_start3A_250 = arith.constant 640 : i32
        %dma_start3A_251 = arith.constant 0 : i32
        %dma_start3A_252 = tpu.memref_slice %arg10[%dma_start3A_250, %dma_start3A_251] : memref<768x16xf32, #tpu.memory_space<vmem>> -> memref<128x16xf32, #tpu.memory_space<vmem>>
        %dma_start3A_253 = arith.constant 0 : i32
        %dma_start3A_254 = tpu.memref_slice %arg9[%dma_start3A_249, %dma_start3A_253] : memref<6x128xi32, #tpu.memory_space<vmem>> -> memref<1x128xi32, #tpu.memory_space<vmem>>
        %dma_start3A_255 = tpu.memref_squeeze %dma_start3A_254 : memref<1x128xi32, #tpu.memory_space<vmem>> -> memref<128xi32, #tpu.memory_space<vmem>>
        %dma_start3A_256 = arith.constant 0 : i32
        %dma_start3A_257 = arith.constant 0 : i32
        %dma_start3A_258 = tpu.memref_slice %arg18[%dma_start3A_256, %dma_start3A_257] : memref<40960x16xf32, #tpu.memory_space<vmem_shared>> -> memref<40960x16xf32, #tpu.memory_space<vmem_shared>>
        tpu.enqueue_indirect_dma source(%dma_start3A_252 : memref<128x16xf32, #tpu.memory_space<vmem>>) target(%dma_start3A_258 : memref<40960x16xf32, #tpu.memory_space<vmem_shared>>) offsets(%dma_start3A_255 : memref<128xi32, #tpu.memory_space<vmem>>) semaphore(%arg15 : memref<!tpu.dma_semaphore, #tpu.memory_space<semaphore_mem>>) {add = true}
        %dma_wait3A_259 = arith.constant 0 : i32
        %dma_wait3A_260 = arith.constant 0 : i32
        %dma_wait3A_261 = arith.constant 0 : i32
        %dma_wait3A_262 = tpu.memref_slice %arg10[%dma_wait3A_260, %dma_wait3A_261] : memref<768x16xf32, #tpu.memory_space<vmem>> -> memref<128x16xf32, #tpu.memory_space<vmem>>
        %dma_wait3A_263 = arith.constant 0 : i32
        %dma_wait3A_264 = tpu.memref_slice %arg9[%dma_wait3A_259, %dma_wait3A_263] : memref<6x128xi32, #tpu.memory_space<vmem>> -> memref<1x128xi32, #tpu.memory_space<vmem>>
        %dma_wait3A_265 = tpu.memref_squeeze %dma_wait3A_264 : memref<1x128xi32, #tpu.memory_space<vmem>> -> memref<128xi32, #tpu.memory_space<vmem>>
        %dma_wait3A_266 = arith.constant 0 : i32
        %dma_wait3A_267 = arith.constant 0 : i32
        %dma_wait3A_268 = tpu.memref_slice %arg18[%dma_wait3A_266, %dma_wait3A_267] : memref<40960x16xf32, #tpu.memory_space<vmem_shared>> -> memref<40960x16xf32, #tpu.memory_space<vmem_shared>>
        tpu.wait_indirect_dma semaphore(%arg15 : memref<!tpu.dma_semaphore, #tpu.memory_space<semaphore_mem>>) src(%dma_wait3A_262 : memref<128x16xf32, #tpu.memory_space<vmem>>) dst(%dma_wait3A_268 : memref<40960x16xf32, #tpu.memory_space<vmem_shared>>)
        %dma_wait3A_269 = arith.constant 1 : i32
        %dma_wait3A_270 = arith.constant 128 : i32
        %dma_wait3A_271 = arith.constant 0 : i32
        %dma_wait3A_272 = tpu.memref_slice %arg10[%dma_wait3A_270, %dma_wait3A_271] : memref<768x16xf32, #tpu.memory_space<vmem>> -> memref<128x16xf32, #tpu.memory_space<vmem>>
        %dma_wait3A_273 = arith.constant 0 : i32
        %dma_wait3A_274 = tpu.memref_slice %arg9[%dma_wait3A_269, %dma_wait3A_273] : memref<6x128xi32, #tpu.memory_space<vmem>> -> memref<1x128xi32, #tpu.memory_space<vmem>>
        %dma_wait3A_275 = tpu.memref_squeeze %dma_wait3A_274 : memref<1x128xi32, #tpu.memory_space<vmem>> -> memref<128xi32, #tpu.memory_space<vmem>>
        %dma_wait3A_276 = arith.constant 0 : i32
        %dma_wait3A_277 = arith.constant 0 : i32
        %dma_wait3A_278 = tpu.memref_slice %arg18[%dma_wait3A_276, %dma_wait3A_277] : memref<40960x16xf32, #tpu.memory_space<vmem_shared>> -> memref<40960x16xf32, #tpu.memory_space<vmem_shared>>
        tpu.wait_indirect_dma semaphore(%arg15 : memref<!tpu.dma_semaphore, #tpu.memory_space<semaphore_mem>>) src(%dma_wait3A_272 : memref<128x16xf32, #tpu.memory_space<vmem>>) dst(%dma_wait3A_278 : memref<40960x16xf32, #tpu.memory_space<vmem_shared>>)
        %dma_wait3A_279 = arith.constant 2 : i32
        %dma_wait3A_280 = arith.constant 256 : i32
        %dma_wait3A_281 = arith.constant 0 : i32
        %dma_wait3A_282 = tpu.memref_slice %arg10[%dma_wait3A_280, %dma_wait3A_281] : memref<768x16xf32, #tpu.memory_space<vmem>> -> memref<128x16xf32, #tpu.memory_space<vmem>>
        %dma_wait3A_283 = arith.constant 0 : i32
        %dma_wait3A_284 = tpu.memref_slice %arg9[%dma_wait3A_279, %dma_wait3A_283] : memref<6x128xi32, #tpu.memory_space<vmem>> -> memref<1x128xi32, #tpu.memory_space<vmem>>
        %dma_wait3A_285 = tpu.memref_squeeze %dma_wait3A_284 : memref<1x128xi32, #tpu.memory_space<vmem>> -> memref<128xi32, #tpu.memory_space<vmem>>
        %dma_wait3A_286 = arith.constant 0 : i32
        %dma_wait3A_287 = arith.constant 0 : i32
        %dma_wait3A_288 = tpu.memref_slice %arg18[%dma_wait3A_286, %dma_wait3A_287] : memref<40960x16xf32, #tpu.memory_space<vmem_shared>> -> memref<40960x16xf32, #tpu.memory_space<vmem_shared>>
        tpu.wait_indirect_dma semaphore(%arg15 : memref<!tpu.dma_semaphore, #tpu.memory_space<semaphore_mem>>) src(%dma_wait3A_282 : memref<128x16xf32, #tpu.memory_space<vmem>>) dst(%dma_wait3A_288 : memref<40960x16xf32, #tpu.memory_space<vmem_shared>>)
        %dma_wait3A_289 = arith.constant 3 : i32
        %dma_wait3A_290 = arith.constant 384 : i32
        %dma_wait3A_291 = arith.constant 0 : i32
        %dma_wait3A_292 = tpu.memref_slice %arg10[%dma_wait3A_290, %dma_wait3A_291] : memref<768x16xf32, #tpu.memory_space<vmem>> -> memref<128x16xf32, #tpu.memory_space<vmem>>
        %dma_wait3A_293 = arith.constant 0 : i32
        %dma_wait3A_294 = tpu.memref_slice %arg9[%dma_wait3A_289, %dma_wait3A_293] : memref<6x128xi32, #tpu.memory_space<vmem>> -> memref<1x128xi32, #tpu.memory_space<vmem>>
        %dma_wait3A_295 = tpu.memref_squeeze %dma_wait3A_294 : memref<1x128xi32, #tpu.memory_space<vmem>> -> memref<128xi32, #tpu.memory_space<vmem>>
        %dma_wait3A_296 = arith.constant 0 : i32
        %dma_wait3A_297 = arith.constant 0 : i32
        %dma_wait3A_298 = tpu.memref_slice %arg18[%dma_wait3A_296, %dma_wait3A_297] : memref<40960x16xf32, #tpu.memory_space<vmem_shared>> -> memref<40960x16xf32, #tpu.memory_space<vmem_shared>>
        tpu.wait_indirect_dma semaphore(%arg15 : memref<!tpu.dma_semaphore, #tpu.memory_space<semaphore_mem>>) src(%dma_wait3A_292 : memref<128x16xf32, #tpu.memory_space<vmem>>) dst(%dma_wait3A_298 : memref<40960x16xf32, #tpu.memory_space<vmem_shared>>)
        %dma_wait3A_299 = arith.constant 4 : i32
        %dma_wait3A_300 = arith.constant 512 : i32
        %dma_wait3A_301 = arith.constant 0 : i32
        %dma_wait3A_302 = tpu.memref_slice %arg10[%dma_wait3A_300, %dma_wait3A_301] : memref<768x16xf32, #tpu.memory_space<vmem>> -> memref<128x16xf32, #tpu.memory_space<vmem>>
        %dma_wait3A_303 = arith.constant 0 : i32
        %dma_wait3A_304 = tpu.memref_slice %arg9[%dma_wait3A_299, %dma_wait3A_303] : memref<6x128xi32, #tpu.memory_space<vmem>> -> memref<1x128xi32, #tpu.memory_space<vmem>>
        %dma_wait3A_305 = tpu.memref_squeeze %dma_wait3A_304 : memref<1x128xi32, #tpu.memory_space<vmem>> -> memref<128xi32, #tpu.memory_space<vmem>>
        %dma_wait3A_306 = arith.constant 0 : i32
        %dma_wait3A_307 = arith.constant 0 : i32
        %dma_wait3A_308 = tpu.memref_slice %arg18[%dma_wait3A_306, %dma_wait3A_307] : memref<40960x16xf32, #tpu.memory_space<vmem_shared>> -> memref<40960x16xf32, #tpu.memory_space<vmem_shared>>
        tpu.wait_indirect_dma semaphore(%arg15 : memref<!tpu.dma_semaphore, #tpu.memory_space<semaphore_mem>>) src(%dma_wait3A_302 : memref<128x16xf32, #tpu.memory_space<vmem>>) dst(%dma_wait3A_308 : memref<40960x16xf32, #tpu.memory_space<vmem_shared>>)
        %dma_wait3A_309 = arith.constant 5 : i32
        %dma_wait3A_310 = arith.constant 640 : i32
        %dma_wait3A_311 = arith.constant 0 : i32
        %dma_wait3A_312 = tpu.memref_slice %arg10[%dma_wait3A_310, %dma_wait3A_311] : memref<768x16xf32, #tpu.memory_space<vmem>> -> memref<128x16xf32, #tpu.memory_space<vmem>>
        %dma_wait3A_313 = arith.constant 0 : i32
        %dma_wait3A_314 = tpu.memref_slice %arg9[%dma_wait3A_309, %dma_wait3A_313] : memref<6x128xi32, #tpu.memory_space<vmem>> -> memref<1x128xi32, #tpu.memory_space<vmem>>
        %dma_wait3A_315 = tpu.memref_squeeze %dma_wait3A_314 : memref<1x128xi32, #tpu.memory_space<vmem>> -> memref<128xi32, #tpu.memory_space<vmem>>
        %dma_wait3A_316 = arith.constant 0 : i32
        %dma_wait3A_317 = arith.constant 0 : i32
        %dma_wait3A_318 = tpu.memref_slice %arg18[%dma_wait3A_316, %dma_wait3A_317] : memref<40960x16xf32, #tpu.memory_space<vmem_shared>> -> memref<40960x16xf32, #tpu.memory_space<vmem_shared>>
        tpu.wait_indirect_dma semaphore(%arg15 : memref<!tpu.dma_semaphore, #tpu.memory_space<semaphore_mem>>) src(%dma_wait3A_312 : memref<128x16xf32, #tpu.memory_space<vmem>>) dst(%dma_wait3A_318 : memref<40960x16xf32, #tpu.memory_space<vmem_shared>>)
      }
      %lt3A_98 = arith.constant 18 : i32
      %lt3A_99 = arith.cmpi slt, %min3A_86, %lt3A_98 : i32
      %convert_element_type3A = arith.extui %lt3A_99 : i1 to i32
      %cond3A = arith.constant 0 : i32
      %cond3A_100 = arith.cmpi ne, %convert_element_type3A, %cond3A : i32
      scf.if %cond3A_100 {
        %mul3A_158 = arith.constant 6 : i32
        %mul3A_159 = arith.muli %add3A, %mul3A_158 : i32
        %add3A_160 = arith.addi %mul3A_159, %select_n3A_80 : i32
        %add3A_161 = arith.constant 1 : i32
        %add3A_162 = arith.addi %add3A_160, %add3A_161 : i32
        "tpu.region"() ({
          %run_scoped3A = tpu.sem_alloc : memref<!tpu.dma_semaphore, #tpu.memory_space<semaphore_mem>>
          %dma_start3A_163 = arith.constant 0 : i32
          %dma_start3A_164 = tpu.memref_slice %arg3[%select_n3A_38, %add3A_162, %dma_start3A_163] : memref<4x24x11264xf32, #tpu.memory_space<hbm>> -> memref<1x1x11264xf32, #tpu.memory_space<hbm>>
          %dma_start3A_165 = tpu.memref_squeeze %dma_start3A_164 : memref<1x1x11264xf32, #tpu.memory_space<hbm>> -> memref<11264xf32, #tpu.memory_space<hbm>>
          %dma_start3A_166 = arith.constant 0 : i32
          %dma_start3A_167 = tpu.memref_slice %arg3[%select_n3A_38, %add3A_162, %dma_start3A_166] : memref<4x24x11264xf32, #tpu.memory_space<hbm>> -> memref<1x1x11264xf32, #tpu.memory_space<hbm>>
          %dma_start3A_168 = tpu.memref_squeeze %dma_start3A_167 : memref<1x1x11264xf32, #tpu.memory_space<hbm>> -> memref<11264xf32, #tpu.memory_space<hbm>>
          tpu.enqueue_dma source(%dma_start3A_168 : memref<11264xf32, #tpu.memory_space<hbm>>) target(%arg7 : memref<11264xf32, #tpu.memory_space<vmem>>) target_semaphore(%run_scoped3A : memref<!tpu.dma_semaphore, #tpu.memory_space<semaphore_mem>>)
          %dma_wait3A_169 = arith.constant 0 : i32
          %dma_wait3A_170 = tpu.memref_slice %arg3[%select_n3A_38, %add3A_162, %dma_wait3A_169] : memref<4x24x11264xf32, #tpu.memory_space<hbm>> -> memref<1x1x11264xf32, #tpu.memory_space<hbm>>
          %dma_wait3A_171 = tpu.memref_squeeze %dma_wait3A_170 : memref<1x1x11264xf32, #tpu.memory_space<hbm>> -> memref<11264xf32, #tpu.memory_space<hbm>>
          %dma_wait3A_172 = arith.constant 0 : i32
          %dma_wait3A_173 = tpu.memref_slice %arg3[%select_n3A_38, %add3A_162, %dma_wait3A_172] : memref<4x24x11264xf32, #tpu.memory_space<hbm>> -> memref<1x1x11264xf32, #tpu.memory_space<hbm>>
          %dma_wait3A_174 = tpu.memref_squeeze %dma_wait3A_173 : memref<1x1x11264xf32, #tpu.memory_space<hbm>> -> memref<11264xf32, #tpu.memory_space<hbm>>
          tpu.wait_dma2 semaphore(%run_scoped3A : memref<!tpu.dma_semaphore, #tpu.memory_space<semaphore_mem>>) src(%dma_wait3A_174 : memref<11264xf32, #tpu.memory_space<hbm>>) dst(%arg7 : memref<11264xf32, #tpu.memory_space<vmem>>)
          tpu.yield
        }) : () -> ()
      } else {
      }
      %while3A_101 = arith.constant 18 : i32
      %while3A_102 = arith.subi %while3A_101, %min3A_86 : i32
      %while3A_103 = arith.addi %min3A_86, %while3A_102 : i32
      %while3A_104 = arith.constant 1 : i32
      %while3A_105 = arith.divsi %while3A_102, %while3A_104 : i32
      %while3A_106 = arith.muli %while3A_105, %while3A_104 : i32
      %while3A_107 = arith.addi %min3A_86, %while3A_106 : i32
      %while3A_108 = arith.constant 1 : i32
      scf.for %while3A_158 = %min3A_86 to %while3A_107 step %while3A_108  : i32 {
        %mul3A_159 = arith.constant 288 : i32
        %mul3A_160 = arith.muli %add3A, %mul3A_159 : i32
        %mul3A_161 = arith.constant 18 : i32
        %mul3A_162 = arith.muli %arg1, %mul3A_161 : i32
        %add3A_163 = arith.addi %mul3A_160, %mul3A_162 : i32
        %add3A_164 = arith.addi %add3A_163, %while3A_158 : i32
        %dma_start3A_165 = arith.constant 0 : i32
        %dma_start3A_166 = tpu.memref_slice %arg2[%add3A_164, %dma_start3A_165] : memref<1152x704xf32, #tpu.memory_space<hbm>> -> memref<1x704xf32, #tpu.memory_space<hbm>>
        %dma_start3A_167 = tpu.memref_squeeze %dma_start3A_166 : memref<1x704xf32, #tpu.memory_space<hbm>> -> memref<704xf32, #tpu.memory_space<hbm>>
        %dma_start3A_168 = arith.constant 0 : i32
        %dma_start3A_169 = tpu.memref_slice %arg2[%add3A_164, %dma_start3A_168] : memref<1152x704xf32, #tpu.memory_space<hbm>> -> memref<1x704xf32, #tpu.memory_space<hbm>>
        %dma_start3A_170 = tpu.memref_squeeze %dma_start3A_169 : memref<1x704xf32, #tpu.memory_space<hbm>> -> memref<704xf32, #tpu.memory_space<hbm>>
        tpu.enqueue_dma source(%dma_start3A_170 : memref<704xf32, #tpu.memory_space<hbm>>) target(%arg8 : memref<704xf32, #tpu.memory_space<vmem>>) target_semaphore(%arg14 : memref<!tpu.dma_semaphore, #tpu.memory_space<semaphore_mem>>)
        %dma_start3A_171 = arith.constant 0 : i32
        %dma_start3A_172 = arith.constant 0 : i32
        %dma_start3A_173 = tpu.memref_slice %arg4[%add3A_164, %dma_start3A_171, %dma_start3A_172] : memref<1152x6x128xi32, #tpu.memory_space<hbm>> -> memref<1x6x128xi32, #tpu.memory_space<hbm>>
        %dma_start3A_174 = tpu.memref_squeeze %dma_start3A_173 : memref<1x6x128xi32, #tpu.memory_space<hbm>> -> memref<6x128xi32, #tpu.memory_space<hbm>>
        %dma_start3A_175 = arith.constant 0 : i32
        %dma_start3A_176 = arith.constant 0 : i32
        %dma_start3A_177 = tpu.memref_slice %arg4[%add3A_164, %dma_start3A_175, %dma_start3A_176] : memref<1152x6x128xi32, #tpu.memory_space<hbm>> -> memref<1x6x128xi32, #tpu.memory_space<hbm>>
        %dma_start3A_178 = tpu.memref_squeeze %dma_start3A_177 : memref<1x6x128xi32, #tpu.memory_space<hbm>> -> memref<6x128xi32, #tpu.memory_space<hbm>>
        tpu.enqueue_dma source(%dma_start3A_178 : memref<6x128xi32, #tpu.memory_space<hbm>>) target(%arg9 : memref<6x128xi32, #tpu.memory_space<vmem>>) target_semaphore(%arg14 : memref<!tpu.dma_semaphore, #tpu.memory_space<semaphore_mem>>)
        %dma_wait3A_179 = arith.constant 0 : i32
        %dma_wait3A_180 = tpu.memref_slice %arg2[%add3A_164, %dma_wait3A_179] : memref<1152x704xf32, #tpu.memory_space<hbm>> -> memref<1x704xf32, #tpu.memory_space<hbm>>
        %dma_wait3A_181 = tpu.memref_squeeze %dma_wait3A_180 : memref<1x704xf32, #tpu.memory_space<hbm>> -> memref<704xf32, #tpu.memory_space<hbm>>
        %dma_wait3A_182 = arith.constant 0 : i32
        %dma_wait3A_183 = tpu.memref_slice %arg2[%add3A_164, %dma_wait3A_182] : memref<1152x704xf32, #tpu.memory_space<hbm>> -> memref<1x704xf32, #tpu.memory_space<hbm>>
        %dma_wait3A_184 = tpu.memref_squeeze %dma_wait3A_183 : memref<1x704xf32, #tpu.memory_space<hbm>> -> memref<704xf32, #tpu.memory_space<hbm>>
        tpu.wait_dma2 semaphore(%arg14 : memref<!tpu.dma_semaphore, #tpu.memory_space<semaphore_mem>>) src(%dma_wait3A_184 : memref<704xf32, #tpu.memory_space<hbm>>) dst(%arg8 : memref<704xf32, #tpu.memory_space<vmem>>)
        %dma_wait3A_185 = arith.constant 0 : i32
        %dma_wait3A_186 = arith.constant 0 : i32
        %dma_wait3A_187 = tpu.memref_slice %arg4[%add3A_164, %dma_wait3A_185, %dma_wait3A_186] : memref<1152x6x128xi32, #tpu.memory_space<hbm>> -> memref<1x6x128xi32, #tpu.memory_space<hbm>>
        %dma_wait3A_188 = tpu.memref_squeeze %dma_wait3A_187 : memref<1x6x128xi32, #tpu.memory_space<hbm>> -> memref<6x128xi32, #tpu.memory_space<hbm>>
        %dma_wait3A_189 = arith.constant 0 : i32
        %dma_wait3A_190 = arith.constant 0 : i32
        %dma_wait3A_191 = tpu.memref_slice %arg4[%add3A_164, %dma_wait3A_189, %dma_wait3A_190] : memref<1152x6x128xi32, #tpu.memory_space<hbm>> -> memref<1x6x128xi32, #tpu.memory_space<hbm>>
        %dma_wait3A_192 = tpu.memref_squeeze %dma_wait3A_191 : memref<1x6x128xi32, #tpu.memory_space<hbm>> -> memref<6x128xi32, #tpu.memory_space<hbm>>
        tpu.wait_dma2 semaphore(%arg14 : memref<!tpu.dma_semaphore, #tpu.memory_space<semaphore_mem>>) src(%dma_wait3A_192 : memref<6x128xi32, #tpu.memory_space<hbm>>) dst(%arg9 : memref<6x128xi32, #tpu.memory_space<vmem>>)
        %scan3A_193 = arith.constant 0 : i32
        %scan3A_194 = arith.constant 0 : i32
        %scan3A_195 = arith.constant 44 : i32
        %scan3A_196 = arith.addi %scan3A_194, %scan3A_195 : i32
        %scan3A_197 = arith.constant 1 : i32
        scf.for %scan3A_319 = %scan3A_194 to %scan3A_196 step %scan3A_197  : i32 {
          %mul3A_320 = arith.constant 16 : i32
          %mul3A_321 = arith.muli %scan3A_319, %mul3A_320 : i32
          %get3A = arith.index_cast %mul3A_321 : i32 to index
          %get3A_322 = tpu.vector_load %arg8[%get3A] {strides = array<i32>} : memref<704xf32, #tpu.memory_space<vmem>>, vector<16xf32>,
          %broadcast_in_dim3A = arith.constant 0 : i32
          %broadcast_in_dim3A_323 = vector.broadcast %broadcast_in_dim3A : i32 to vector<16xi32>
          %broadcast_in_dim3A_324 = vector.shape_cast %broadcast_in_dim3A_323 : vector<16xi32> to vector<16x1xi32>
          %gather3A = vector.shape_cast %broadcast_in_dim3A_324 : vector<16x1xi32> to vector<16xi32>
          %gather3A_325 = tpu.dynamic_gather %get3A_322[%gather3A] in [0] : vector<16xf32>, vector<16xi32> -> vector<16xf32>
          %mul3A_326 = arith.constant 16 : i32
          %mul3A_327 = arith.muli %scan3A_319, %mul3A_326 : i32
          %add3A_328 = arith.constant 0 : i32
          %add3A_329 = arith.addi %mul3A_327, %add3A_328 : i32
          %mul3A_330 = arith.constant 16 : i32
          %mul3A_331 = arith.muli %add3A_329, %mul3A_330 : i32
          %get3A_332 = arith.index_cast %mul3A_331 : i32 to index
          %get3A_333 = tpu.vector_load %arg7[%get3A_332] {strides = array<i32>} : memref<11264xf32, #tpu.memory_space<vmem>>, vector<16xf32>,
          %mul3A_334 = arith.mulf %get3A_333, %gather3A_325 : vector<16xf32>
          %swap3A = arith.index_cast %add3A_329 : i32 to index
          %swap3A_335 = arith.constant 0 : index
          %swap3A_336 = tpu.vector_load %arg10[%swap3A, %swap3A_335] {strides = array<i32>} : memref<768x16xf32, #tpu.memory_space<vmem>>, vector<16xf32>,
          tpu.vector_store %arg10[%swap3A, %swap3A_335], %mul3A_334 {strides = array<i32>} : memref<768x16xf32, #tpu.memory_space<vmem>>, vector<16xf32>,
          %broadcast_in_dim3A_337 = arith.constant 1 : i32
          %broadcast_in_dim3A_338 = vector.broadcast %broadcast_in_dim3A_337 : i32 to vector<16xi32>
          %broadcast_in_dim3A_339 = vector.shape_cast %broadcast_in_dim3A_338 : vector<16xi32> to vector<16x1xi32>
          %gather3A_340 = vector.shape_cast %broadcast_in_dim3A_339 : vector<16x1xi32> to vector<16xi32>
          %gather3A_341 = tpu.dynamic_gather %get3A_322[%gather3A_340] in [0] : vector<16xf32>, vector<16xi32> -> vector<16xf32>
          %mul3A_342 = arith.constant 16 : i32
          %mul3A_343 = arith.muli %scan3A_319, %mul3A_342 : i32
          %add3A_344 = arith.constant 1 : i32
          %add3A_345 = arith.addi %mul3A_343, %add3A_344 : i32
          %mul3A_346 = arith.constant 16 : i32
          %mul3A_347 = arith.muli %add3A_345, %mul3A_346 : i32
          %get3A_348 = arith.index_cast %mul3A_347 : i32 to index
          %get3A_349 = tpu.vector_load %arg7[%get3A_348] {strides = array<i32>} : memref<11264xf32, #tpu.memory_space<vmem>>, vector<16xf32>,
          %mul3A_350 = arith.mulf %get3A_349, %gather3A_341 : vector<16xf32>
          %swap3A_351 = arith.index_cast %add3A_345 : i32 to index
          %swap3A_352 = arith.constant 0 : index
          %swap3A_353 = tpu.vector_load %arg10[%swap3A_351, %swap3A_352] {strides = array<i32>} : memref<768x16xf32, #tpu.memory_space<vmem>>, vector<16xf32>,
          tpu.vector_store %arg10[%swap3A_351, %swap3A_352], %mul3A_350 {strides = array<i32>} : memref<768x16xf32, #tpu.memory_space<vmem>>, vector<16xf32>,
          %broadcast_in_dim3A_354 = arith.constant 2 : i32
          %broadcast_in_dim3A_355 = vector.broadcast %broadcast_in_dim3A_354 : i32 to vector<16xi32>
          %broadcast_in_dim3A_356 = vector.shape_cast %broadcast_in_dim3A_355 : vector<16xi32> to vector<16x1xi32>
          %gather3A_357 = vector.shape_cast %broadcast_in_dim3A_356 : vector<16x1xi32> to vector<16xi32>
          %gather3A_358 = tpu.dynamic_gather %get3A_322[%gather3A_357] in [0] : vector<16xf32>, vector<16xi32> -> vector<16xf32>
          %mul3A_359 = arith.constant 16 : i32
          %mul3A_360 = arith.muli %scan3A_319, %mul3A_359 : i32
          %add3A_361 = arith.constant 2 : i32
          %add3A_362 = arith.addi %mul3A_360, %add3A_361 : i32
          %mul3A_363 = arith.constant 16 : i32
          %mul3A_364 = arith.muli %add3A_362, %mul3A_363 : i32
          %get3A_365 = arith.index_cast %mul3A_364 : i32 to index
          %get3A_366 = tpu.vector_load %arg7[%get3A_365] {strides = array<i32>} : memref<11264xf32, #tpu.memory_space<vmem>>, vector<16xf32>,
          %mul3A_367 = arith.mulf %get3A_366, %gather3A_358 : vector<16xf32>
          %swap3A_368 = arith.index_cast %add3A_362 : i32 to index
          %swap3A_369 = arith.constant 0 : index
          %swap3A_370 = tpu.vector_load %arg10[%swap3A_368, %swap3A_369] {strides = array<i32>} : memref<768x16xf32, #tpu.memory_space<vmem>>, vector<16xf32>,
          tpu.vector_store %arg10[%swap3A_368, %swap3A_369], %mul3A_367 {strides = array<i32>} : memref<768x16xf32, #tpu.memory_space<vmem>>, vector<16xf32>,
          %broadcast_in_dim3A_371 = arith.constant 3 : i32
          %broadcast_in_dim3A_372 = vector.broadcast %broadcast_in_dim3A_371 : i32 to vector<16xi32>
          %broadcast_in_dim3A_373 = vector.shape_cast %broadcast_in_dim3A_372 : vector<16xi32> to vector<16x1xi32>
          %gather3A_374 = vector.shape_cast %broadcast_in_dim3A_373 : vector<16x1xi32> to vector<16xi32>
          %gather3A_375 = tpu.dynamic_gather %get3A_322[%gather3A_374] in [0] : vector<16xf32>, vector<16xi32> -> vector<16xf32>
          %mul3A_376 = arith.constant 16 : i32
          %mul3A_377 = arith.muli %scan3A_319, %mul3A_376 : i32
          %add3A_378 = arith.constant 3 : i32
          %add3A_379 = arith.addi %mul3A_377, %add3A_378 : i32
          %mul3A_380 = arith.constant 16 : i32
          %mul3A_381 = arith.muli %add3A_379, %mul3A_380 : i32
          %get3A_382 = arith.index_cast %mul3A_381 : i32 to index
          %get3A_383 = tpu.vector_load %arg7[%get3A_382] {strides = array<i32>} : memref<11264xf32, #tpu.memory_space<vmem>>, vector<16xf32>,
          %mul3A_384 = arith.mulf %get3A_383, %gather3A_375 : vector<16xf32>
          %swap3A_385 = arith.index_cast %add3A_379 : i32 to index
          %swap3A_386 = arith.constant 0 : index
          %swap3A_387 = tpu.vector_load %arg10[%swap3A_385, %swap3A_386] {strides = array<i32>} : memref<768x16xf32, #tpu.memory_space<vmem>>, vector<16xf32>,
          tpu.vector_store %arg10[%swap3A_385, %swap3A_386], %mul3A_384 {strides = array<i32>} : memref<768x16xf32, #tpu.memory_space<vmem>>, vector<16xf32>,
          %broadcast_in_dim3A_388 = arith.constant 4 : i32
          %broadcast_in_dim3A_389 = vector.broadcast %broadcast_in_dim3A_388 : i32 to vector<16xi32>
          %broadcast_in_dim3A_390 = vector.shape_cast %broadcast_in_dim3A_389 : vector<16xi32> to vector<16x1xi32>
          %gather3A_391 = vector.shape_cast %broadcast_in_dim3A_390 : vector<16x1xi32> to vector<16xi32>
          %gather3A_392 = tpu.dynamic_gather %get3A_322[%gather3A_391] in [0] : vector<16xf32>, vector<16xi32> -> vector<16xf32>
          %mul3A_393 = arith.constant 16 : i32
          %mul3A_394 = arith.muli %scan3A_319, %mul3A_393 : i32
          %add3A_395 = arith.constant 4 : i32
          %add3A_396 = arith.addi %mul3A_394, %add3A_395 : i32
          %mul3A_397 = arith.constant 16 : i32
          %mul3A_398 = arith.muli %add3A_396, %mul3A_397 : i32
          %get3A_399 = arith.index_cast %mul3A_398 : i32 to index
          %get3A_400 = tpu.vector_load %arg7[%get3A_399] {strides = array<i32>} : memref<11264xf32, #tpu.memory_space<vmem>>, vector<16xf32>,
          %mul3A_401 = arith.mulf %get3A_400, %gather3A_392 : vector<16xf32>
          %swap3A_402 = arith.index_cast %add3A_396 : i32 to index
          %swap3A_403 = arith.constant 0 : index
          %swap3A_404 = tpu.vector_load %arg10[%swap3A_402, %swap3A_403] {strides = array<i32>} : memref<768x16xf32, #tpu.memory_space<vmem>>, vector<16xf32>,
          tpu.vector_store %arg10[%swap3A_402, %swap3A_403], %mul3A_401 {strides = array<i32>} : memref<768x16xf32, #tpu.memory_space<vmem>>, vector<16xf32>,
          %broadcast_in_dim3A_405 = arith.constant 5 : i32
          %broadcast_in_dim3A_406 = vector.broadcast %broadcast_in_dim3A_405 : i32 to vector<16xi32>
          %broadcast_in_dim3A_407 = vector.shape_cast %broadcast_in_dim3A_406 : vector<16xi32> to vector<16x1xi32>
          %gather3A_408 = vector.shape_cast %broadcast_in_dim3A_407 : vector<16x1xi32> to vector<16xi32>
          %gather3A_409 = tpu.dynamic_gather %get3A_322[%gather3A_408] in [0] : vector<16xf32>, vector<16xi32> -> vector<16xf32>
          %mul3A_410 = arith.constant 16 : i32
          %mul3A_411 = arith.muli %scan3A_319, %mul3A_410 : i32
          %add3A_412 = arith.constant 5 : i32
          %add3A_413 = arith.addi %mul3A_411, %add3A_412 : i32
          %mul3A_414 = arith.constant 16 : i32
          %mul3A_415 = arith.muli %add3A_413, %mul3A_414 : i32
          %get3A_416 = arith.index_cast %mul3A_415 : i32 to index
          %get3A_417 = tpu.vector_load %arg7[%get3A_416] {strides = array<i32>} : memref<11264xf32, #tpu.memory_space<vmem>>, vector<16xf32>,
          %mul3A_418 = arith.mulf %get3A_417, %gather3A_409 : vector<16xf32>
          %swap3A_419 = arith.index_cast %add3A_413 : i32 to index
          %swap3A_420 = arith.constant 0 : index
          %swap3A_421 = tpu.vector_load %arg10[%swap3A_419, %swap3A_420] {strides = array<i32>} : memref<768x16xf32, #tpu.memory_space<vmem>>, vector<16xf32>,
          tpu.vector_store %arg10[%swap3A_419, %swap3A_420], %mul3A_418 {strides = array<i32>} : memref<768x16xf32, #tpu.memory_space<vmem>>, vector<16xf32>,
          %broadcast_in_dim3A_422 = arith.constant 6 : i32
          %broadcast_in_dim3A_423 = vector.broadcast %broadcast_in_dim3A_422 : i32 to vector<16xi32>
          %broadcast_in_dim3A_424 = vector.shape_cast %broadcast_in_dim3A_423 : vector<16xi32> to vector<16x1xi32>
          %gather3A_425 = vector.shape_cast %broadcast_in_dim3A_424 : vector<16x1xi32> to vector<16xi32>
          %gather3A_426 = tpu.dynamic_gather %get3A_322[%gather3A_425] in [0] : vector<16xf32>, vector<16xi32> -> vector<16xf32>
          %mul3A_427 = arith.constant 16 : i32
          %mul3A_428 = arith.muli %scan3A_319, %mul3A_427 : i32
          %add3A_429 = arith.constant 6 : i32
          %add3A_430 = arith.addi %mul3A_428, %add3A_429 : i32
          %mul3A_431 = arith.constant 16 : i32
          %mul3A_432 = arith.muli %add3A_430, %mul3A_431 : i32
          %get3A_433 = arith.index_cast %mul3A_432 : i32 to index
          %get3A_434 = tpu.vector_load %arg7[%get3A_433] {strides = array<i32>} : memref<11264xf32, #tpu.memory_space<vmem>>, vector<16xf32>,
          %mul3A_435 = arith.mulf %get3A_434, %gather3A_426 : vector<16xf32>
          %swap3A_436 = arith.index_cast %add3A_430 : i32 to index
          %swap3A_437 = arith.constant 0 : index
          %swap3A_438 = tpu.vector_load %arg10[%swap3A_436, %swap3A_437] {strides = array<i32>} : memref<768x16xf32, #tpu.memory_space<vmem>>, vector<16xf32>,
          tpu.vector_store %arg10[%swap3A_436, %swap3A_437], %mul3A_435 {strides = array<i32>} : memref<768x16xf32, #tpu.memory_space<vmem>>, vector<16xf32>,
          %broadcast_in_dim3A_439 = arith.constant 7 : i32
          %broadcast_in_dim3A_440 = vector.broadcast %broadcast_in_dim3A_439 : i32 to vector<16xi32>
          %broadcast_in_dim3A_441 = vector.shape_cast %broadcast_in_dim3A_440 : vector<16xi32> to vector<16x1xi32>
          %gather3A_442 = vector.shape_cast %broadcast_in_dim3A_441 : vector<16x1xi32> to vector<16xi32>
          %gather3A_443 = tpu.dynamic_gather %get3A_322[%gather3A_442] in [0] : vector<16xf32>, vector<16xi32> -> vector<16xf32>
          %mul3A_444 = arith.constant 16 : i32
          %mul3A_445 = arith.muli %scan3A_319, %mul3A_444 : i32
          %add3A_446 = arith.constant 7 : i32
          %add3A_447 = arith.addi %mul3A_445, %add3A_446 : i32
          %mul3A_448 = arith.constant 16 : i32
          %mul3A_449 = arith.muli %add3A_447, %mul3A_448 : i32
          %get3A_450 = arith.index_cast %mul3A_449 : i32 to index
          %get3A_451 = tpu.vector_load %arg7[%get3A_450] {strides = array<i32>} : memref<11264xf32, #tpu.memory_space<vmem>>, vector<16xf32>,
          %mul3A_452 = arith.mulf %get3A_451, %gather3A_443 : vector<16xf32>
          %swap3A_453 = arith.index_cast %add3A_447 : i32 to index
          %swap3A_454 = arith.constant 0 : index
          %swap3A_455 = tpu.vector_load %arg10[%swap3A_453, %swap3A_454] {strides = array<i32>} : memref<768x16xf32, #tpu.memory_space<vmem>>, vector<16xf32>,
          tpu.vector_store %arg10[%swap3A_453, %swap3A_454], %mul3A_452 {strides = array<i32>} : memref<768x16xf32, #tpu.memory_space<vmem>>, vector<16xf32>,
          %broadcast_in_dim3A_456 = arith.constant 8 : i32
          %broadcast_in_dim3A_457 = vector.broadcast %broadcast_in_dim3A_456 : i32 to vector<16xi32>
          %broadcast_in_dim3A_458 = vector.shape_cast %broadcast_in_dim3A_457 : vector<16xi32> to vector<16x1xi32>
          %gather3A_459 = vector.shape_cast %broadcast_in_dim3A_458 : vector<16x1xi32> to vector<16xi32>
          %gather3A_460 = tpu.dynamic_gather %get3A_322[%gather3A_459] in [0] : vector<16xf32>, vector<16xi32> -> vector<16xf32>
          %mul3A_461 = arith.constant 16 : i32
          %mul3A_462 = arith.muli %scan3A_319, %mul3A_461 : i32
          %add3A_463 = arith.constant 8 : i32
          %add3A_464 = arith.addi %mul3A_462, %add3A_463 : i32
          %mul3A_465 = arith.constant 16 : i32
          %mul3A_466 = arith.muli %add3A_464, %mul3A_465 : i32
          %get3A_467 = arith.index_cast %mul3A_466 : i32 to index
          %get3A_468 = tpu.vector_load %arg7[%get3A_467] {strides = array<i32>} : memref<11264xf32, #tpu.memory_space<vmem>>, vector<16xf32>,
          %mul3A_469 = arith.mulf %get3A_468, %gather3A_460 : vector<16xf32>
          %swap3A_470 = arith.index_cast %add3A_464 : i32 to index
          %swap3A_471 = arith.constant 0 : index
          %swap3A_472 = tpu.vector_load %arg10[%swap3A_470, %swap3A_471] {strides = array<i32>} : memref<768x16xf32, #tpu.memory_space<vmem>>, vector<16xf32>,
          tpu.vector_store %arg10[%swap3A_470, %swap3A_471], %mul3A_469 {strides = array<i32>} : memref<768x16xf32, #tpu.memory_space<vmem>>, vector<16xf32>,
          %broadcast_in_dim3A_473 = arith.constant 9 : i32
          %broadcast_in_dim3A_474 = vector.broadcast %broadcast_in_dim3A_473 : i32 to vector<16xi32>
          %broadcast_in_dim3A_475 = vector.shape_cast %broadcast_in_dim3A_474 : vector<16xi32> to vector<16x1xi32>
          %gather3A_476 = vector.shape_cast %broadcast_in_dim3A_475 : vector<16x1xi32> to vector<16xi32>
          %gather3A_477 = tpu.dynamic_gather %get3A_322[%gather3A_476] in [0] : vector<16xf32>, vector<16xi32> -> vector<16xf32>
          %mul3A_478 = arith.constant 16 : i32
          %mul3A_479 = arith.muli %scan3A_319, %mul3A_478 : i32
          %add3A_480 = arith.constant 9 : i32
          %add3A_481 = arith.addi %mul3A_479, %add3A_480 : i32
          %mul3A_482 = arith.constant 16 : i32
          %mul3A_483 = arith.muli %add3A_481, %mul3A_482 : i32
          %get3A_484 = arith.index_cast %mul3A_483 : i32 to index
          %get3A_485 = tpu.vector_load %arg7[%get3A_484] {strides = array<i32>} : memref<11264xf32, #tpu.memory_space<vmem>>, vector<16xf32>,
          %mul3A_486 = arith.mulf %get3A_485, %gather3A_477 : vector<16xf32>
          %swap3A_487 = arith.index_cast %add3A_481 : i32 to index
          %swap3A_488 = arith.constant 0 : index
          %swap3A_489 = tpu.vector_load %arg10[%swap3A_487, %swap3A_488] {strides = array<i32>} : memref<768x16xf32, #tpu.memory_space<vmem>>, vector<16xf32>,
          tpu.vector_store %arg10[%swap3A_487, %swap3A_488], %mul3A_486 {strides = array<i32>} : memref<768x16xf32, #tpu.memory_space<vmem>>, vector<16xf32>,
          %broadcast_in_dim3A_490 = arith.constant 10 : i32
          %broadcast_in_dim3A_491 = vector.broadcast %broadcast_in_dim3A_490 : i32 to vector<16xi32>
          %broadcast_in_dim3A_492 = vector.shape_cast %broadcast_in_dim3A_491 : vector<16xi32> to vector<16x1xi32>
          %gather3A_493 = vector.shape_cast %broadcast_in_dim3A_492 : vector<16x1xi32> to vector<16xi32>
          %gather3A_494 = tpu.dynamic_gather %get3A_322[%gather3A_493] in [0] : vector<16xf32>, vector<16xi32> -> vector<16xf32>
          %mul3A_495 = arith.constant 16 : i32
          %mul3A_496 = arith.muli %scan3A_319, %mul3A_495 : i32
          %add3A_497 = arith.constant 10 : i32
          %add3A_498 = arith.addi %mul3A_496, %add3A_497 : i32
          %mul3A_499 = arith.constant 16 : i32
          %mul3A_500 = arith.muli %add3A_498, %mul3A_499 : i32
          %get3A_501 = arith.index_cast %mul3A_500 : i32 to index
          %get3A_502 = tpu.vector_load %arg7[%get3A_501] {strides = array<i32>} : memref<11264xf32, #tpu.memory_space<vmem>>, vector<16xf32>,
          %mul3A_503 = arith.mulf %get3A_502, %gather3A_494 : vector<16xf32>
          %swap3A_504 = arith.index_cast %add3A_498 : i32 to index
          %swap3A_505 = arith.constant 0 : index
          %swap3A_506 = tpu.vector_load %arg10[%swap3A_504, %swap3A_505] {strides = array<i32>} : memref<768x16xf32, #tpu.memory_space<vmem>>, vector<16xf32>,
          tpu.vector_store %arg10[%swap3A_504, %swap3A_505], %mul3A_503 {strides = array<i32>} : memref<768x16xf32, #tpu.memory_space<vmem>>, vector<16xf32>,
          %broadcast_in_dim3A_507 = arith.constant 11 : i32
          %broadcast_in_dim3A_508 = vector.broadcast %broadcast_in_dim3A_507 : i32 to vector<16xi32>
          %broadcast_in_dim3A_509 = vector.shape_cast %broadcast_in_dim3A_508 : vector<16xi32> to vector<16x1xi32>
          %gather3A_510 = vector.shape_cast %broadcast_in_dim3A_509 : vector<16x1xi32> to vector<16xi32>
          %gather3A_511 = tpu.dynamic_gather %get3A_322[%gather3A_510] in [0] : vector<16xf32>, vector<16xi32> -> vector<16xf32>
          %mul3A_512 = arith.constant 16 : i32
          %mul3A_513 = arith.muli %scan3A_319, %mul3A_512 : i32
          %add3A_514 = arith.constant 11 : i32
          %add3A_515 = arith.addi %mul3A_513, %add3A_514 : i32
          %mul3A_516 = arith.constant 16 : i32
          %mul3A_517 = arith.muli %add3A_515, %mul3A_516 : i32
          %get3A_518 = arith.index_cast %mul3A_517 : i32 to index
          %get3A_519 = tpu.vector_load %arg7[%get3A_518] {strides = array<i32>} : memref<11264xf32, #tpu.memory_space<vmem>>, vector<16xf32>,
          %mul3A_520 = arith.mulf %get3A_519, %gather3A_511 : vector<16xf32>
          %swap3A_521 = arith.index_cast %add3A_515 : i32 to index
          %swap3A_522 = arith.constant 0 : index
          %swap3A_523 = tpu.vector_load %arg10[%swap3A_521, %swap3A_522] {strides = array<i32>} : memref<768x16xf32, #tpu.memory_space<vmem>>, vector<16xf32>,
          tpu.vector_store %arg10[%swap3A_521, %swap3A_522], %mul3A_520 {strides = array<i32>} : memref<768x16xf32, #tpu.memory_space<vmem>>, vector<16xf32>,
          %broadcast_in_dim3A_524 = arith.constant 12 : i32
          %broadcast_in_dim3A_525 = vector.broadcast %broadcast_in_dim3A_524 : i32 to vector<16xi32>
          %broadcast_in_dim3A_526 = vector.shape_cast %broadcast_in_dim3A_525 : vector<16xi32> to vector<16x1xi32>
          %gather3A_527 = vector.shape_cast %broadcast_in_dim3A_526 : vector<16x1xi32> to vector<16xi32>
          %gather3A_528 = tpu.dynamic_gather %get3A_322[%gather3A_527] in [0] : vector<16xf32>, vector<16xi32> -> vector<16xf32>
          %mul3A_529 = arith.constant 16 : i32
          %mul3A_530 = arith.muli %scan3A_319, %mul3A_529 : i32
          %add3A_531 = arith.constant 12 : i32
          %add3A_532 = arith.addi %mul3A_530, %add3A_531 : i32
          %mul3A_533 = arith.constant 16 : i32
          %mul3A_534 = arith.muli %add3A_532, %mul3A_533 : i32
          %get3A_535 = arith.index_cast %mul3A_534 : i32 to index
          %get3A_536 = tpu.vector_load %arg7[%get3A_535] {strides = array<i32>} : memref<11264xf32, #tpu.memory_space<vmem>>, vector<16xf32>,
          %mul3A_537 = arith.mulf %get3A_536, %gather3A_528 : vector<16xf32>
          %swap3A_538 = arith.index_cast %add3A_532 : i32 to index
          %swap3A_539 = arith.constant 0 : index
          %swap3A_540 = tpu.vector_load %arg10[%swap3A_538, %swap3A_539] {strides = array<i32>} : memref<768x16xf32, #tpu.memory_space<vmem>>, vector<16xf32>,
          tpu.vector_store %arg10[%swap3A_538, %swap3A_539], %mul3A_537 {strides = array<i32>} : memref<768x16xf32, #tpu.memory_space<vmem>>, vector<16xf32>,
          %broadcast_in_dim3A_541 = arith.constant 13 : i32
          %broadcast_in_dim3A_542 = vector.broadcast %broadcast_in_dim3A_541 : i32 to vector<16xi32>
          %broadcast_in_dim3A_543 = vector.shape_cast %broadcast_in_dim3A_542 : vector<16xi32> to vector<16x1xi32>
          %gather3A_544 = vector.shape_cast %broadcast_in_dim3A_543 : vector<16x1xi32> to vector<16xi32>
          %gather3A_545 = tpu.dynamic_gather %get3A_322[%gather3A_544] in [0] : vector<16xf32>, vector<16xi32> -> vector<16xf32>
          %mul3A_546 = arith.constant 16 : i32
          %mul3A_547 = arith.muli %scan3A_319, %mul3A_546 : i32
          %add3A_548 = arith.constant 13 : i32
          %add3A_549 = arith.addi %mul3A_547, %add3A_548 : i32
          %mul3A_550 = arith.constant 16 : i32
          %mul3A_551 = arith.muli %add3A_549, %mul3A_550 : i32
          %get3A_552 = arith.index_cast %mul3A_551 : i32 to index
          %get3A_553 = tpu.vector_load %arg7[%get3A_552] {strides = array<i32>} : memref<11264xf32, #tpu.memory_space<vmem>>, vector<16xf32>,
          %mul3A_554 = arith.mulf %get3A_553, %gather3A_545 : vector<16xf32>
          %swap3A_555 = arith.index_cast %add3A_549 : i32 to index
          %swap3A_556 = arith.constant 0 : index
          %swap3A_557 = tpu.vector_load %arg10[%swap3A_555, %swap3A_556] {strides = array<i32>} : memref<768x16xf32, #tpu.memory_space<vmem>>, vector<16xf32>,
          tpu.vector_store %arg10[%swap3A_555, %swap3A_556], %mul3A_554 {strides = array<i32>} : memref<768x16xf32, #tpu.memory_space<vmem>>, vector<16xf32>,
          %broadcast_in_dim3A_558 = arith.constant 14 : i32
          %broadcast_in_dim3A_559 = vector.broadcast %broadcast_in_dim3A_558 : i32 to vector<16xi32>
          %broadcast_in_dim3A_560 = vector.shape_cast %broadcast_in_dim3A_559 : vector<16xi32> to vector<16x1xi32>
          %gather3A_561 = vector.shape_cast %broadcast_in_dim3A_560 : vector<16x1xi32> to vector<16xi32>
          %gather3A_562 = tpu.dynamic_gather %get3A_322[%gather3A_561] in [0] : vector<16xf32>, vector<16xi32> -> vector<16xf32>
          %mul3A_563 = arith.constant 16 : i32
          %mul3A_564 = arith.muli %scan3A_319, %mul3A_563 : i32
          %add3A_565 = arith.constant 14 : i32
          %add3A_566 = arith.addi %mul3A_564, %add3A_565 : i32
          %mul3A_567 = arith.constant 16 : i32
          %mul3A_568 = arith.muli %add3A_566, %mul3A_567 : i32
          %get3A_569 = arith.index_cast %mul3A_568 : i32 to index
          %get3A_570 = tpu.vector_load %arg7[%get3A_569] {strides = array<i32>} : memref<11264xf32, #tpu.memory_space<vmem>>, vector<16xf32>,
          %mul3A_571 = arith.mulf %get3A_570, %gather3A_562 : vector<16xf32>
          %swap3A_572 = arith.index_cast %add3A_566 : i32 to index
          %swap3A_573 = arith.constant 0 : index
          %swap3A_574 = tpu.vector_load %arg10[%swap3A_572, %swap3A_573] {strides = array<i32>} : memref<768x16xf32, #tpu.memory_space<vmem>>, vector<16xf32>,
          tpu.vector_store %arg10[%swap3A_572, %swap3A_573], %mul3A_571 {strides = array<i32>} : memref<768x16xf32, #tpu.memory_space<vmem>>, vector<16xf32>,
          %broadcast_in_dim3A_575 = arith.constant 15 : i32
          %broadcast_in_dim3A_576 = vector.broadcast %broadcast_in_dim3A_575 : i32 to vector<16xi32>
          %broadcast_in_dim3A_577 = vector.shape_cast %broadcast_in_dim3A_576 : vector<16xi32> to vector<16x1xi32>
          %gather3A_578 = vector.shape_cast %broadcast_in_dim3A_577 : vector<16x1xi32> to vector<16xi32>
          %gather3A_579 = tpu.dynamic_gather %get3A_322[%gather3A_578] in [0] : vector<16xf32>, vector<16xi32> -> vector<16xf32>
          %mul3A_580 = arith.constant 16 : i32
          %mul3A_581 = arith.muli %scan3A_319, %mul3A_580 : i32
          %add3A_582 = arith.constant 15 : i32
          %add3A_583 = arith.addi %mul3A_581, %add3A_582 : i32
          %mul3A_584 = arith.constant 16 : i32
          %mul3A_585 = arith.muli %add3A_583, %mul3A_584 : i32
          %get3A_586 = arith.index_cast %mul3A_585 : i32 to index
          %get3A_587 = tpu.vector_load %arg7[%get3A_586] {strides = array<i32>} : memref<11264xf32, #tpu.memory_space<vmem>>, vector<16xf32>,
          %mul3A_588 = arith.mulf %get3A_587, %gather3A_579 : vector<16xf32>
          %swap3A_589 = arith.index_cast %add3A_583 : i32 to index
          %swap3A_590 = arith.constant 0 : index
          %swap3A_591 = tpu.vector_load %arg10[%swap3A_589, %swap3A_590] {strides = array<i32>} : memref<768x16xf32, #tpu.memory_space<vmem>>, vector<16xf32>,
          tpu.vector_store %arg10[%swap3A_589, %swap3A_590], %mul3A_588 {strides = array<i32>} : memref<768x16xf32, #tpu.memory_space<vmem>>, vector<16xf32>,
        }
        %scan3A_198 = arith.constant 44 : i32
        %dma_start3A_199 = arith.constant 0 : i32
        %dma_start3A_200 = arith.constant 0 : i32
        %dma_start3A_201 = arith.constant 0 : i32
        %dma_start3A_202 = tpu.memref_slice %arg10[%dma_start3A_200, %dma_start3A_201] : memref<768x16xf32, #tpu.memory_space<vmem>> -> memref<128x16xf32, #tpu.memory_space<vmem>>
        %dma_start3A_203 = arith.constant 0 : i32
        %dma_start3A_204 = tpu.memref_slice %arg9[%dma_start3A_199, %dma_start3A_203] : memref<6x128xi32, #tpu.memory_space<vmem>> -> memref<1x128xi32, #tpu.memory_space<vmem>>
        %dma_start3A_205 = tpu.memref_squeeze %dma_start3A_204 : memref<1x128xi32, #tpu.memory_space<vmem>> -> memref<128xi32, #tpu.memory_space<vmem>>
        %dma_start3A_206 = arith.constant 0 : i32
        %dma_start3A_207 = arith.constant 0 : i32
        %dma_start3A_208 = tpu.memref_slice %arg18[%dma_start3A_206, %dma_start3A_207] : memref<40960x16xf32, #tpu.memory_space<vmem_shared>> -> memref<40960x16xf32, #tpu.memory_space<vmem_shared>>
        tpu.enqueue_indirect_dma source(%dma_start3A_202 : memref<128x16xf32, #tpu.memory_space<vmem>>) target(%dma_start3A_208 : memref<40960x16xf32, #tpu.memory_space<vmem_shared>>) offsets(%dma_start3A_205 : memref<128xi32, #tpu.memory_space<vmem>>) semaphore(%arg15 : memref<!tpu.dma_semaphore, #tpu.memory_space<semaphore_mem>>) {add = true}
        %dma_start3A_209 = arith.constant 1 : i32
        %dma_start3A_210 = arith.constant 128 : i32
        %dma_start3A_211 = arith.constant 0 : i32
        %dma_start3A_212 = tpu.memref_slice %arg10[%dma_start3A_210, %dma_start3A_211] : memref<768x16xf32, #tpu.memory_space<vmem>> -> memref<128x16xf32, #tpu.memory_space<vmem>>
        %dma_start3A_213 = arith.constant 0 : i32
        %dma_start3A_214 = tpu.memref_slice %arg9[%dma_start3A_209, %dma_start3A_213] : memref<6x128xi32, #tpu.memory_space<vmem>> -> memref<1x128xi32, #tpu.memory_space<vmem>>
        %dma_start3A_215 = tpu.memref_squeeze %dma_start3A_214 : memref<1x128xi32, #tpu.memory_space<vmem>> -> memref<128xi32, #tpu.memory_space<vmem>>
        %dma_start3A_216 = arith.constant 0 : i32
        %dma_start3A_217 = arith.constant 0 : i32
        %dma_start3A_218 = tpu.memref_slice %arg18[%dma_start3A_216, %dma_start3A_217] : memref<40960x16xf32, #tpu.memory_space<vmem_shared>> -> memref<40960x16xf32, #tpu.memory_space<vmem_shared>>
        tpu.enqueue_indirect_dma source(%dma_start3A_212 : memref<128x16xf32, #tpu.memory_space<vmem>>) target(%dma_start3A_218 : memref<40960x16xf32, #tpu.memory_space<vmem_shared>>) offsets(%dma_start3A_215 : memref<128xi32, #tpu.memory_space<vmem>>) semaphore(%arg15 : memref<!tpu.dma_semaphore, #tpu.memory_space<semaphore_mem>>) {add = true}
        %dma_start3A_219 = arith.constant 2 : i32
        %dma_start3A_220 = arith.constant 256 : i32
        %dma_start3A_221 = arith.constant 0 : i32
        %dma_start3A_222 = tpu.memref_slice %arg10[%dma_start3A_220, %dma_start3A_221] : memref<768x16xf32, #tpu.memory_space<vmem>> -> memref<128x16xf32, #tpu.memory_space<vmem>>
        %dma_start3A_223 = arith.constant 0 : i32
        %dma_start3A_224 = tpu.memref_slice %arg9[%dma_start3A_219, %dma_start3A_223] : memref<6x128xi32, #tpu.memory_space<vmem>> -> memref<1x128xi32, #tpu.memory_space<vmem>>
        %dma_start3A_225 = tpu.memref_squeeze %dma_start3A_224 : memref<1x128xi32, #tpu.memory_space<vmem>> -> memref<128xi32, #tpu.memory_space<vmem>>
        %dma_start3A_226 = arith.constant 0 : i32
        %dma_start3A_227 = arith.constant 0 : i32
        %dma_start3A_228 = tpu.memref_slice %arg18[%dma_start3A_226, %dma_start3A_227] : memref<40960x16xf32, #tpu.memory_space<vmem_shared>> -> memref<40960x16xf32, #tpu.memory_space<vmem_shared>>
        tpu.enqueue_indirect_dma source(%dma_start3A_222 : memref<128x16xf32, #tpu.memory_space<vmem>>) target(%dma_start3A_228 : memref<40960x16xf32, #tpu.memory_space<vmem_shared>>) offsets(%dma_start3A_225 : memref<128xi32, #tpu.memory_space<vmem>>) semaphore(%arg15 : memref<!tpu.dma_semaphore, #tpu.memory_space<semaphore_mem>>) {add = true}
        %dma_start3A_229 = arith.constant 3 : i32
        %dma_start3A_230 = arith.constant 384 : i32
        %dma_start3A_231 = arith.constant 0 : i32
        %dma_start3A_232 = tpu.memref_slice %arg10[%dma_start3A_230, %dma_start3A_231] : memref<768x16xf32, #tpu.memory_space<vmem>> -> memref<128x16xf32, #tpu.memory_space<vmem>>
        %dma_start3A_233 = arith.constant 0 : i32
        %dma_start3A_234 = tpu.memref_slice %arg9[%dma_start3A_229, %dma_start3A_233] : memref<6x128xi32, #tpu.memory_space<vmem>> -> memref<1x128xi32, #tpu.memory_space<vmem>>
        %dma_start3A_235 = tpu.memref_squeeze %dma_start3A_234 : memref<1x128xi32, #tpu.memory_space<vmem>> -> memref<128xi32, #tpu.memory_space<vmem>>
        %dma_start3A_236 = arith.constant 0 : i32
        %dma_start3A_237 = arith.constant 0 : i32
        %dma_start3A_238 = tpu.memref_slice %arg18[%dma_start3A_236, %dma_start3A_237] : memref<40960x16xf32, #tpu.memory_space<vmem_shared>> -> memref<40960x16xf32, #tpu.memory_space<vmem_shared>>
        tpu.enqueue_indirect_dma source(%dma_start3A_232 : memref<128x16xf32, #tpu.memory_space<vmem>>) target(%dma_start3A_238 : memref<40960x16xf32, #tpu.memory_space<vmem_shared>>) offsets(%dma_start3A_235 : memref<128xi32, #tpu.memory_space<vmem>>) semaphore(%arg15 : memref<!tpu.dma_semaphore, #tpu.memory_space<semaphore_mem>>) {add = true}
        %dma_start3A_239 = arith.constant 4 : i32
        %dma_start3A_240 = arith.constant 512 : i32
        %dma_start3A_241 = arith.constant 0 : i32
        %dma_start3A_242 = tpu.memref_slice %arg10[%dma_start3A_240, %dma_start3A_241] : memref<768x16xf32, #tpu.memory_space<vmem>> -> memref<128x16xf32, #tpu.memory_space<vmem>>
        %dma_start3A_243 = arith.constant 0 : i32
        %dma_start3A_244 = tpu.memref_slice %arg9[%dma_start3A_239, %dma_start3A_243] : memref<6x128xi32, #tpu.memory_space<vmem>> -> memref<1x128xi32, #tpu.memory_space<vmem>>
        %dma_start3A_245 = tpu.memref_squeeze %dma_start3A_244 : memref<1x128xi32, #tpu.memory_space<vmem>> -> memref<128xi32, #tpu.memory_space<vmem>>
        %dma_start3A_246 = arith.constant 0 : i32
        %dma_start3A_247 = arith.constant 0 : i32
        %dma_start3A_248 = tpu.memref_slice %arg18[%dma_start3A_246, %dma_start3A_247] : memref<40960x16xf32, #tpu.memory_space<vmem_shared>> -> memref<40960x16xf32, #tpu.memory_space<vmem_shared>>
        tpu.enqueue_indirect_dma source(%dma_start3A_242 : memref<128x16xf32, #tpu.memory_space<vmem>>) target(%dma_start3A_248 : memref<40960x16xf32, #tpu.memory_space<vmem_shared>>) offsets(%dma_start3A_245 : memref<128xi32, #tpu.memory_space<vmem>>) semaphore(%arg15 : memref<!tpu.dma_semaphore, #tpu.memory_space<semaphore_mem>>) {add = true}
        %dma_start3A_249 = arith.constant 5 : i32
        %dma_start3A_250 = arith.constant 640 : i32
        %dma_start3A_251 = arith.constant 0 : i32
        %dma_start3A_252 = tpu.memref_slice %arg10[%dma_start3A_250, %dma_start3A_251] : memref<768x16xf32, #tpu.memory_space<vmem>> -> memref<128x16xf32, #tpu.memory_space<vmem>>
        %dma_start3A_253 = arith.constant 0 : i32
        %dma_start3A_254 = tpu.memref_slice %arg9[%dma_start3A_249, %dma_start3A_253] : memref<6x128xi32, #tpu.memory_space<vmem>> -> memref<1x128xi32, #tpu.memory_space<vmem>>
        %dma_start3A_255 = tpu.memref_squeeze %dma_start3A_254 : memref<1x128xi32, #tpu.memory_space<vmem>> -> memref<128xi32, #tpu.memory_space<vmem>>
        %dma_start3A_256 = arith.constant 0 : i32
        %dma_start3A_257 = arith.constant 0 : i32
        %dma_start3A_258 = tpu.memref_slice %arg18[%dma_start3A_256, %dma_start3A_257] : memref<40960x16xf32, #tpu.memory_space<vmem_shared>> -> memref<40960x16xf32, #tpu.memory_space<vmem_shared>>
        tpu.enqueue_indirect_dma source(%dma_start3A_252 : memref<128x16xf32, #tpu.memory_space<vmem>>) target(%dma_start3A_258 : memref<40960x16xf32, #tpu.memory_space<vmem_shared>>) offsets(%dma_start3A_255 : memref<128xi32, #tpu.memory_space<vmem>>) semaphore(%arg15 : memref<!tpu.dma_semaphore, #tpu.memory_space<semaphore_mem>>) {add = true}
        %dma_wait3A_259 = arith.constant 0 : i32
        %dma_wait3A_260 = arith.constant 0 : i32
        %dma_wait3A_261 = arith.constant 0 : i32
        %dma_wait3A_262 = tpu.memref_slice %arg10[%dma_wait3A_260, %dma_wait3A_261] : memref<768x16xf32, #tpu.memory_space<vmem>> -> memref<128x16xf32, #tpu.memory_space<vmem>>
        %dma_wait3A_263 = arith.constant 0 : i32
        %dma_wait3A_264 = tpu.memref_slice %arg9[%dma_wait3A_259, %dma_wait3A_263] : memref<6x128xi32, #tpu.memory_space<vmem>> -> memref<1x128xi32, #tpu.memory_space<vmem>>
        %dma_wait3A_265 = tpu.memref_squeeze %dma_wait3A_264 : memref<1x128xi32, #tpu.memory_space<vmem>> -> memref<128xi32, #tpu.memory_space<vmem>>
        %dma_wait3A_266 = arith.constant 0 : i32
        %dma_wait3A_267 = arith.constant 0 : i32
        %dma_wait3A_268 = tpu.memref_slice %arg18[%dma_wait3A_266, %dma_wait3A_267] : memref<40960x16xf32, #tpu.memory_space<vmem_shared>> -> memref<40960x16xf32, #tpu.memory_space<vmem_shared>>
        tpu.wait_indirect_dma semaphore(%arg15 : memref<!tpu.dma_semaphore, #tpu.memory_space<semaphore_mem>>) src(%dma_wait3A_262 : memref<128x16xf32, #tpu.memory_space<vmem>>) dst(%dma_wait3A_268 : memref<40960x16xf32, #tpu.memory_space<vmem_shared>>)
        %dma_wait3A_269 = arith.constant 1 : i32
        %dma_wait3A_270 = arith.constant 128 : i32
        %dma_wait3A_271 = arith.constant 0 : i32
        %dma_wait3A_272 = tpu.memref_slice %arg10[%dma_wait3A_270, %dma_wait3A_271] : memref<768x16xf32, #tpu.memory_space<vmem>> -> memref<128x16xf32, #tpu.memory_space<vmem>>
        %dma_wait3A_273 = arith.constant 0 : i32
        %dma_wait3A_274 = tpu.memref_slice %arg9[%dma_wait3A_269, %dma_wait3A_273] : memref<6x128xi32, #tpu.memory_space<vmem>> -> memref<1x128xi32, #tpu.memory_space<vmem>>
        %dma_wait3A_275 = tpu.memref_squeeze %dma_wait3A_274 : memref<1x128xi32, #tpu.memory_space<vmem>> -> memref<128xi32, #tpu.memory_space<vmem>>
        %dma_wait3A_276 = arith.constant 0 : i32
        %dma_wait3A_277 = arith.constant 0 : i32
        %dma_wait3A_278 = tpu.memref_slice %arg18[%dma_wait3A_276, %dma_wait3A_277] : memref<40960x16xf32, #tpu.memory_space<vmem_shared>> -> memref<40960x16xf32, #tpu.memory_space<vmem_shared>>
        tpu.wait_indirect_dma semaphore(%arg15 : memref<!tpu.dma_semaphore, #tpu.memory_space<semaphore_mem>>) src(%dma_wait3A_272 : memref<128x16xf32, #tpu.memory_space<vmem>>) dst(%dma_wait3A_278 : memref<40960x16xf32, #tpu.memory_space<vmem_shared>>)
        %dma_wait3A_279 = arith.constant 2 : i32
        %dma_wait3A_280 = arith.constant 256 : i32
        %dma_wait3A_281 = arith.constant 0 : i32
        %dma_wait3A_282 = tpu.memref_slice %arg10[%dma_wait3A_280, %dma_wait3A_281] : memref<768x16xf32, #tpu.memory_space<vmem>> -> memref<128x16xf32, #tpu.memory_space<vmem>>
        %dma_wait3A_283 = arith.constant 0 : i32
        %dma_wait3A_284 = tpu.memref_slice %arg9[%dma_wait3A_279, %dma_wait3A_283] : memref<6x128xi32, #tpu.memory_space<vmem>> -> memref<1x128xi32, #tpu.memory_space<vmem>>
        %dma_wait3A_285 = tpu.memref_squeeze %dma_wait3A_284 : memref<1x128xi32, #tpu.memory_space<vmem>> -> memref<128xi32, #tpu.memory_space<vmem>>
        %dma_wait3A_286 = arith.constant 0 : i32
        %dma_wait3A_287 = arith.constant 0 : i32
        %dma_wait3A_288 = tpu.memref_slice %arg18[%dma_wait3A_286, %dma_wait3A_287] : memref<40960x16xf32, #tpu.memory_space<vmem_shared>> -> memref<40960x16xf32, #tpu.memory_space<vmem_shared>>
        tpu.wait_indirect_dma semaphore(%arg15 : memref<!tpu.dma_semaphore, #tpu.memory_space<semaphore_mem>>) src(%dma_wait3A_282 : memref<128x16xf32, #tpu.memory_space<vmem>>) dst(%dma_wait3A_288 : memref<40960x16xf32, #tpu.memory_space<vmem_shared>>)
        %dma_wait3A_289 = arith.constant 3 : i32
        %dma_wait3A_290 = arith.constant 384 : i32
        %dma_wait3A_291 = arith.constant 0 : i32
        %dma_wait3A_292 = tpu.memref_slice %arg10[%dma_wait3A_290, %dma_wait3A_291] : memref<768x16xf32, #tpu.memory_space<vmem>> -> memref<128x16xf32, #tpu.memory_space<vmem>>
        %dma_wait3A_293 = arith.constant 0 : i32
        %dma_wait3A_294 = tpu.memref_slice %arg9[%dma_wait3A_289, %dma_wait3A_293] : memref<6x128xi32, #tpu.memory_space<vmem>> -> memref<1x128xi32, #tpu.memory_space<vmem>>
        %dma_wait3A_295 = tpu.memref_squeeze %dma_wait3A_294 : memref<1x128xi32, #tpu.memory_space<vmem>> -> memref<128xi32, #tpu.memory_space<vmem>>
        %dma_wait3A_296 = arith.constant 0 : i32
        %dma_wait3A_297 = arith.constant 0 : i32
        %dma_wait3A_298 = tpu.memref_slice %arg18[%dma_wait3A_296, %dma_wait3A_297] : memref<40960x16xf32, #tpu.memory_space<vmem_shared>> -> memref<40960x16xf32, #tpu.memory_space<vmem_shared>>
        tpu.wait_indirect_dma semaphore(%arg15 : memref<!tpu.dma_semaphore, #tpu.memory_space<semaphore_mem>>) src(%dma_wait3A_292 : memref<128x16xf32, #tpu.memory_space<vmem>>) dst(%dma_wait3A_298 : memref<40960x16xf32, #tpu.memory_space<vmem_shared>>)
        %dma_wait3A_299 = arith.constant 4 : i32
        %dma_wait3A_300 = arith.constant 512 : i32
        %dma_wait3A_301 = arith.constant 0 : i32
        %dma_wait3A_302 = tpu.memref_slice %arg10[%dma_wait3A_300, %dma_wait3A_301] : memref<768x16xf32, #tpu.memory_space<vmem>> -> memref<128x16xf32, #tpu.memory_space<vmem>>
        %dma_wait3A_303 = arith.constant 0 : i32
        %dma_wait3A_304 = tpu.memref_slice %arg9[%dma_wait3A_299, %dma_wait3A_303] : memref<6x128xi32, #tpu.memory_space<vmem>> -> memref<1x128xi32, #tpu.memory_space<vmem>>
        %dma_wait3A_305 = tpu.memref_squeeze %dma_wait3A_304 : memref<1x128xi32, #tpu.memory_space<vmem>> -> memref<128xi32, #tpu.memory_space<vmem>>
        %dma_wait3A_306 = arith.constant 0 : i32
        %dma_wait3A_307 = arith.constant 0 : i32
        %dma_wait3A_308 = tpu.memref_slice %arg18[%dma_wait3A_306, %dma_wait3A_307] : memref<40960x16xf32, #tpu.memory_space<vmem_shared>> -> memref<40960x16xf32, #tpu.memory_space<vmem_shared>>
        tpu.wait_indirect_dma semaphore(%arg15 : memref<!tpu.dma_semaphore, #tpu.memory_space<semaphore_mem>>) src(%dma_wait3A_302 : memref<128x16xf32, #tpu.memory_space<vmem>>) dst(%dma_wait3A_308 : memref<40960x16xf32, #tpu.memory_space<vmem_shared>>)
        %dma_wait3A_309 = arith.constant 5 : i32
        %dma_wait3A_310 = arith.constant 640 : i32
        %dma_wait3A_311 = arith.constant 0 : i32
        %dma_wait3A_312 = tpu.memref_slice %arg10[%dma_wait3A_310, %dma_wait3A_311] : memref<768x16xf32, #tpu.memory_space<vmem>> -> memref<128x16xf32, #tpu.memory_space<vmem>>
        %dma_wait3A_313 = arith.constant 0 : i32
        %dma_wait3A_314 = tpu.memref_slice %arg9[%dma_wait3A_309, %dma_wait3A_313] : memref<6x128xi32, #tpu.memory_space<vmem>> -> memref<1x128xi32, #tpu.memory_space<vmem>>
        %dma_wait3A_315 = tpu.memref_squeeze %dma_wait3A_314 : memref<1x128xi32, #tpu.memory_space<vmem>> -> memref<128xi32, #tpu.memory_space<vmem>>
        %dma_wait3A_316 = arith.constant 0 : i32
        %dma_wait3A_317 = arith.constant 0 : i32
        %dma_wait3A_318 = tpu.memref_slice %arg18[%dma_wait3A_316, %dma_wait3A_317] : memref<40960x16xf32, #tpu.memory_space<vmem_shared>> -> memref<40960x16xf32, #tpu.memory_space<vmem_shared>>
        tpu.wait_indirect_dma semaphore(%arg15 : memref<!tpu.dma_semaphore, #tpu.memory_space<semaphore_mem>>) src(%dma_wait3A_312 : memref<128x16xf32, #tpu.memory_space<vmem>>) dst(%dma_wait3A_318 : memref<40960x16xf32, #tpu.memory_space<vmem_shared>>)
      }
      %while3A_109 = arith.constant 1 : i32
      scf.for %while3A_158 = %while3A_107 to %while3A_103 step %while3A_109  : i32 {
        %mul3A_159 = arith.constant 288 : i32
        %mul3A_160 = arith.muli %add3A, %mul3A_159 : i32
        %mul3A_161 = arith.constant 18 : i32
        %mul3A_162 = arith.muli %arg1, %mul3A_161 : i32
        %add3A_163 = arith.addi %mul3A_160, %mul3A_162 : i32
        %add3A_164 = arith.addi %add3A_163, %while3A_158 : i32
        %dma_start3A_165 = arith.constant 0 : i32
        %dma_start3A_166 = tpu.memref_slice %arg2[%add3A_164, %dma_start3A_165] : memref<1152x704xf32, #tpu.memory_space<hbm>> -> memref<1x704xf32, #tpu.memory_space<hbm>>
        %dma_start3A_167 = tpu.memref_squeeze %dma_start3A_166 : memref<1x704xf32, #tpu.memory_space<hbm>> -> memref<704xf32, #tpu.memory_space<hbm>>
        %dma_start3A_168 = arith.constant 0 : i32
        %dma_start3A_169 = tpu.memref_slice %arg2[%add3A_164, %dma_start3A_168] : memref<1152x704xf32, #tpu.memory_space<hbm>> -> memref<1x704xf32, #tpu.memory_space<hbm>>
        %dma_start3A_170 = tpu.memref_squeeze %dma_start3A_169 : memref<1x704xf32, #tpu.memory_space<hbm>> -> memref<704xf32, #tpu.memory_space<hbm>>
        tpu.enqueue_dma source(%dma_start3A_170 : memref<704xf32, #tpu.memory_space<hbm>>) target(%arg8 : memref<704xf32, #tpu.memory_space<vmem>>) target_semaphore(%arg14 : memref<!tpu.dma_semaphore, #tpu.memory_space<semaphore_mem>>)
        %dma_start3A_171 = arith.constant 0 : i32
        %dma_start3A_172 = arith.constant 0 : i32
        %dma_start3A_173 = tpu.memref_slice %arg4[%add3A_164, %dma_start3A_171, %dma_start3A_172] : memref<1152x6x128xi32, #tpu.memory_space<hbm>> -> memref<1x6x128xi32, #tpu.memory_space<hbm>>
        %dma_start3A_174 = tpu.memref_squeeze %dma_start3A_173 : memref<1x6x128xi32, #tpu.memory_space<hbm>> -> memref<6x128xi32, #tpu.memory_space<hbm>>
        %dma_start3A_175 = arith.constant 0 : i32
        %dma_start3A_176 = arith.constant 0 : i32
        %dma_start3A_177 = tpu.memref_slice %arg4[%add3A_164, %dma_start3A_175, %dma_start3A_176] : memref<1152x6x128xi32, #tpu.memory_space<hbm>> -> memref<1x6x128xi32, #tpu.memory_space<hbm>>
        %dma_start3A_178 = tpu.memref_squeeze %dma_start3A_177 : memref<1x6x128xi32, #tpu.memory_space<hbm>> -> memref<6x128xi32, #tpu.memory_space<hbm>>
        tpu.enqueue_dma source(%dma_start3A_178 : memref<6x128xi32, #tpu.memory_space<hbm>>) target(%arg9 : memref<6x128xi32, #tpu.memory_space<vmem>>) target_semaphore(%arg14 : memref<!tpu.dma_semaphore, #tpu.memory_space<semaphore_mem>>)
        %dma_wait3A_179 = arith.constant 0 : i32
        %dma_wait3A_180 = tpu.memref_slice %arg2[%add3A_164, %dma_wait3A_179] : memref<1152x704xf32, #tpu.memory_space<hbm>> -> memref<1x704xf32, #tpu.memory_space<hbm>>
        %dma_wait3A_181 = tpu.memref_squeeze %dma_wait3A_180 : memref<1x704xf32, #tpu.memory_space<hbm>> -> memref<704xf32, #tpu.memory_space<hbm>>
        %dma_wait3A_182 = arith.constant 0 : i32
        %dma_wait3A_183 = tpu.memref_slice %arg2[%add3A_164, %dma_wait3A_182] : memref<1152x704xf32, #tpu.memory_space<hbm>> -> memref<1x704xf32, #tpu.memory_space<hbm>>
        %dma_wait3A_184 = tpu.memref_squeeze %dma_wait3A_183 : memref<1x704xf32, #tpu.memory_space<hbm>> -> memref<704xf32, #tpu.memory_space<hbm>>
        tpu.wait_dma2 semaphore(%arg14 : memref<!tpu.dma_semaphore, #tpu.memory_space<semaphore_mem>>) src(%dma_wait3A_184 : memref<704xf32, #tpu.memory_space<hbm>>) dst(%arg8 : memref<704xf32, #tpu.memory_space<vmem>>)
        %dma_wait3A_185 = arith.constant 0 : i32
        %dma_wait3A_186 = arith.constant 0 : i32
        %dma_wait3A_187 = tpu.memref_slice %arg4[%add3A_164, %dma_wait3A_185, %dma_wait3A_186] : memref<1152x6x128xi32, #tpu.memory_space<hbm>> -> memref<1x6x128xi32, #tpu.memory_space<hbm>>
        %dma_wait3A_188 = tpu.memref_squeeze %dma_wait3A_187 : memref<1x6x128xi32, #tpu.memory_space<hbm>> -> memref<6x128xi32, #tpu.memory_space<hbm>>
        %dma_wait3A_189 = arith.constant 0 : i32
        %dma_wait3A_190 = arith.constant 0 : i32
        %dma_wait3A_191 = tpu.memref_slice %arg4[%add3A_164, %dma_wait3A_189, %dma_wait3A_190] : memref<1152x6x128xi32, #tpu.memory_space<hbm>> -> memref<1x6x128xi32, #tpu.memory_space<hbm>>
        %dma_wait3A_192 = tpu.memref_squeeze %dma_wait3A_191 : memref<1x6x128xi32, #tpu.memory_space<hbm>> -> memref<6x128xi32, #tpu.memory_space<hbm>>
        tpu.wait_dma2 semaphore(%arg14 : memref<!tpu.dma_semaphore, #tpu.memory_space<semaphore_mem>>) src(%dma_wait3A_192 : memref<6x128xi32, #tpu.memory_space<hbm>>) dst(%arg9 : memref<6x128xi32, #tpu.memory_space<vmem>>)
        %scan3A_193 = arith.constant 0 : i32
        %scan3A_194 = arith.constant 0 : i32
        %scan3A_195 = arith.constant 44 : i32
        %scan3A_196 = arith.addi %scan3A_194, %scan3A_195 : i32
        %scan3A_197 = arith.constant 1 : i32
        scf.for %scan3A_319 = %scan3A_194 to %scan3A_196 step %scan3A_197  : i32 {
          %mul3A_320 = arith.constant 16 : i32
          %mul3A_321 = arith.muli %scan3A_319, %mul3A_320 : i32
          %get3A = arith.index_cast %mul3A_321 : i32 to index
          %get3A_322 = tpu.vector_load %arg8[%get3A] {strides = array<i32>} : memref<704xf32, #tpu.memory_space<vmem>>, vector<16xf32>,
          %broadcast_in_dim3A = arith.constant 0 : i32
          %broadcast_in_dim3A_323 = vector.broadcast %broadcast_in_dim3A : i32 to vector<16xi32>
          %broadcast_in_dim3A_324 = vector.shape_cast %broadcast_in_dim3A_323 : vector<16xi32> to vector<16x1xi32>
          %gather3A = vector.shape_cast %broadcast_in_dim3A_324 : vector<16x1xi32> to vector<16xi32>
          %gather3A_325 = tpu.dynamic_gather %get3A_322[%gather3A] in [0] : vector<16xf32>, vector<16xi32> -> vector<16xf32>
          %mul3A_326 = arith.constant 16 : i32
          %mul3A_327 = arith.muli %scan3A_319, %mul3A_326 : i32
          %add3A_328 = arith.constant 0 : i32
          %add3A_329 = arith.addi %mul3A_327, %add3A_328 : i32
          %mul3A_330 = arith.constant 16 : i32
          %mul3A_331 = arith.muli %add3A_329, %mul3A_330 : i32
          %get3A_332 = arith.index_cast %mul3A_331 : i32 to index
          %get3A_333 = tpu.vector_load %arg7[%get3A_332] {strides = array<i32>} : memref<11264xf32, #tpu.memory_space<vmem>>, vector<16xf32>,
          %mul3A_334 = arith.mulf %get3A_333, %gather3A_325 : vector<16xf32>
          %swap3A = arith.index_cast %add3A_329 : i32 to index
          %swap3A_335 = arith.constant 0 : index
          %swap3A_336 = tpu.vector_load %arg10[%swap3A, %swap3A_335] {strides = array<i32>} : memref<768x16xf32, #tpu.memory_space<vmem>>, vector<16xf32>,
          tpu.vector_store %arg10[%swap3A, %swap3A_335], %mul3A_334 {strides = array<i32>} : memref<768x16xf32, #tpu.memory_space<vmem>>, vector<16xf32>,
          %broadcast_in_dim3A_337 = arith.constant 1 : i32
          %broadcast_in_dim3A_338 = vector.broadcast %broadcast_in_dim3A_337 : i32 to vector<16xi32>
          %broadcast_in_dim3A_339 = vector.shape_cast %broadcast_in_dim3A_338 : vector<16xi32> to vector<16x1xi32>
          %gather3A_340 = vector.shape_cast %broadcast_in_dim3A_339 : vector<16x1xi32> to vector<16xi32>
          %gather3A_341 = tpu.dynamic_gather %get3A_322[%gather3A_340] in [0] : vector<16xf32>, vector<16xi32> -> vector<16xf32>
          %mul3A_342 = arith.constant 16 : i32
          %mul3A_343 = arith.muli %scan3A_319, %mul3A_342 : i32
          %add3A_344 = arith.constant 1 : i32
          %add3A_345 = arith.addi %mul3A_343, %add3A_344 : i32
          %mul3A_346 = arith.constant 16 : i32
          %mul3A_347 = arith.muli %add3A_345, %mul3A_346 : i32
          %get3A_348 = arith.index_cast %mul3A_347 : i32 to index
          %get3A_349 = tpu.vector_load %arg7[%get3A_348] {strides = array<i32>} : memref<11264xf32, #tpu.memory_space<vmem>>, vector<16xf32>,
          %mul3A_350 = arith.mulf %get3A_349, %gather3A_341 : vector<16xf32>
          %swap3A_351 = arith.index_cast %add3A_345 : i32 to index
          %swap3A_352 = arith.constant 0 : index
          %swap3A_353 = tpu.vector_load %arg10[%swap3A_351, %swap3A_352] {strides = array<i32>} : memref<768x16xf32, #tpu.memory_space<vmem>>, vector<16xf32>,
          tpu.vector_store %arg10[%swap3A_351, %swap3A_352], %mul3A_350 {strides = array<i32>} : memref<768x16xf32, #tpu.memory_space<vmem>>, vector<16xf32>,
          %broadcast_in_dim3A_354 = arith.constant 2 : i32
          %broadcast_in_dim3A_355 = vector.broadcast %broadcast_in_dim3A_354 : i32 to vector<16xi32>
          %broadcast_in_dim3A_356 = vector.shape_cast %broadcast_in_dim3A_355 : vector<16xi32> to vector<16x1xi32>
          %gather3A_357 = vector.shape_cast %broadcast_in_dim3A_356 : vector<16x1xi32> to vector<16xi32>
          %gather3A_358 = tpu.dynamic_gather %get3A_322[%gather3A_357] in [0] : vector<16xf32>, vector<16xi32> -> vector<16xf32>
          %mul3A_359 = arith.constant 16 : i32
          %mul3A_360 = arith.muli %scan3A_319, %mul3A_359 : i32
          %add3A_361 = arith.constant 2 : i32
          %add3A_362 = arith.addi %mul3A_360, %add3A_361 : i32
          %mul3A_363 = arith.constant 16 : i32
          %mul3A_364 = arith.muli %add3A_362, %mul3A_363 : i32
          %get3A_365 = arith.index_cast %mul3A_364 : i32 to index
          %get3A_366 = tpu.vector_load %arg7[%get3A_365] {strides = array<i32>} : memref<11264xf32, #tpu.memory_space<vmem>>, vector<16xf32>,
          %mul3A_367 = arith.mulf %get3A_366, %gather3A_358 : vector<16xf32>
          %swap3A_368 = arith.index_cast %add3A_362 : i32 to index
          %swap3A_369 = arith.constant 0 : index
          %swap3A_370 = tpu.vector_load %arg10[%swap3A_368, %swap3A_369] {strides = array<i32>} : memref<768x16xf32, #tpu.memory_space<vmem>>, vector<16xf32>,
          tpu.vector_store %arg10[%swap3A_368, %swap3A_369], %mul3A_367 {strides = array<i32>} : memref<768x16xf32, #tpu.memory_space<vmem>>, vector<16xf32>,
          %broadcast_in_dim3A_371 = arith.constant 3 : i32
          %broadcast_in_dim3A_372 = vector.broadcast %broadcast_in_dim3A_371 : i32 to vector<16xi32>
          %broadcast_in_dim3A_373 = vector.shape_cast %broadcast_in_dim3A_372 : vector<16xi32> to vector<16x1xi32>
          %gather3A_374 = vector.shape_cast %broadcast_in_dim3A_373 : vector<16x1xi32> to vector<16xi32>
          %gather3A_375 = tpu.dynamic_gather %get3A_322[%gather3A_374] in [0] : vector<16xf32>, vector<16xi32> -> vector<16xf32>
          %mul3A_376 = arith.constant 16 : i32
          %mul3A_377 = arith.muli %scan3A_319, %mul3A_376 : i32
          %add3A_378 = arith.constant 3 : i32
          %add3A_379 = arith.addi %mul3A_377, %add3A_378 : i32
          %mul3A_380 = arith.constant 16 : i32
          %mul3A_381 = arith.muli %add3A_379, %mul3A_380 : i32
          %get3A_382 = arith.index_cast %mul3A_381 : i32 to index
          %get3A_383 = tpu.vector_load %arg7[%get3A_382] {strides = array<i32>} : memref<11264xf32, #tpu.memory_space<vmem>>, vector<16xf32>,
          %mul3A_384 = arith.mulf %get3A_383, %gather3A_375 : vector<16xf32>
          %swap3A_385 = arith.index_cast %add3A_379 : i32 to index
          %swap3A_386 = arith.constant 0 : index
          %swap3A_387 = tpu.vector_load %arg10[%swap3A_385, %swap3A_386] {strides = array<i32>} : memref<768x16xf32, #tpu.memory_space<vmem>>, vector<16xf32>,
          tpu.vector_store %arg10[%swap3A_385, %swap3A_386], %mul3A_384 {strides = array<i32>} : memref<768x16xf32, #tpu.memory_space<vmem>>, vector<16xf32>,
          %broadcast_in_dim3A_388 = arith.constant 4 : i32
          %broadcast_in_dim3A_389 = vector.broadcast %broadcast_in_dim3A_388 : i32 to vector<16xi32>
          %broadcast_in_dim3A_390 = vector.shape_cast %broadcast_in_dim3A_389 : vector<16xi32> to vector<16x1xi32>
          %gather3A_391 = vector.shape_cast %broadcast_in_dim3A_390 : vector<16x1xi32> to vector<16xi32>
          %gather3A_392 = tpu.dynamic_gather %get3A_322[%gather3A_391] in [0] : vector<16xf32>, vector<16xi32> -> vector<16xf32>
          %mul3A_393 = arith.constant 16 : i32
          %mul3A_394 = arith.muli %scan3A_319, %mul3A_393 : i32
          %add3A_395 = arith.constant 4 : i32
          %add3A_396 = arith.addi %mul3A_394, %add3A_395 : i32
          %mul3A_397 = arith.constant 16 : i32
          %mul3A_398 = arith.muli %add3A_396, %mul3A_397 : i32
          %get3A_399 = arith.index_cast %mul3A_398 : i32 to index
          %get3A_400 = tpu.vector_load %arg7[%get3A_399] {strides = array<i32>} : memref<11264xf32, #tpu.memory_space<vmem>>, vector<16xf32>,
          %mul3A_401 = arith.mulf %get3A_400, %gather3A_392 : vector<16xf32>
          %swap3A_402 = arith.index_cast %add3A_396 : i32 to index
          %swap3A_403 = arith.constant 0 : index
          %swap3A_404 = tpu.vector_load %arg10[%swap3A_402, %swap3A_403] {strides = array<i32>} : memref<768x16xf32, #tpu.memory_space<vmem>>, vector<16xf32>,
          tpu.vector_store %arg10[%swap3A_402, %swap3A_403], %mul3A_401 {strides = array<i32>} : memref<768x16xf32, #tpu.memory_space<vmem>>, vector<16xf32>,
          %broadcast_in_dim3A_405 = arith.constant 5 : i32
          %broadcast_in_dim3A_406 = vector.broadcast %broadcast_in_dim3A_405 : i32 to vector<16xi32>
          %broadcast_in_dim3A_407 = vector.shape_cast %broadcast_in_dim3A_406 : vector<16xi32> to vector<16x1xi32>
          %gather3A_408 = vector.shape_cast %broadcast_in_dim3A_407 : vector<16x1xi32> to vector<16xi32>
          %gather3A_409 = tpu.dynamic_gather %get3A_322[%gather3A_408] in [0] : vector<16xf32>, vector<16xi32> -> vector<16xf32>
          %mul3A_410 = arith.constant 16 : i32
          %mul3A_411 = arith.muli %scan3A_319, %mul3A_410 : i32
          %add3A_412 = arith.constant 5 : i32
          %add3A_413 = arith.addi %mul3A_411, %add3A_412 : i32
          %mul3A_414 = arith.constant 16 : i32
          %mul3A_415 = arith.muli %add3A_413, %mul3A_414 : i32
          %get3A_416 = arith.index_cast %mul3A_415 : i32 to index
          %get3A_417 = tpu.vector_load %arg7[%get3A_416] {strides = array<i32>} : memref<11264xf32, #tpu.memory_space<vmem>>, vector<16xf32>,
          %mul3A_418 = arith.mulf %get3A_417, %gather3A_409 : vector<16xf32>
          %swap3A_419 = arith.index_cast %add3A_413 : i32 to index
          %swap3A_420 = arith.constant 0 : index
          %swap3A_421 = tpu.vector_load %arg10[%swap3A_419, %swap3A_420] {strides = array<i32>} : memref<768x16xf32, #tpu.memory_space<vmem>>, vector<16xf32>,
          tpu.vector_store %arg10[%swap3A_419, %swap3A_420], %mul3A_418 {strides = array<i32>} : memref<768x16xf32, #tpu.memory_space<vmem>>, vector<16xf32>,
          %broadcast_in_dim3A_422 = arith.constant 6 : i32
          %broadcast_in_dim3A_423 = vector.broadcast %broadcast_in_dim3A_422 : i32 to vector<16xi32>
          %broadcast_in_dim3A_424 = vector.shape_cast %broadcast_in_dim3A_423 : vector<16xi32> to vector<16x1xi32>
          %gather3A_425 = vector.shape_cast %broadcast_in_dim3A_424 : vector<16x1xi32> to vector<16xi32>
          %gather3A_426 = tpu.dynamic_gather %get3A_322[%gather3A_425] in [0] : vector<16xf32>, vector<16xi32> -> vector<16xf32>
          %mul3A_427 = arith.constant 16 : i32
          %mul3A_428 = arith.muli %scan3A_319, %mul3A_427 : i32
          %add3A_429 = arith.constant 6 : i32
          %add3A_430 = arith.addi %mul3A_428, %add3A_429 : i32
          %mul3A_431 = arith.constant 16 : i32
          %mul3A_432 = arith.muli %add3A_430, %mul3A_431 : i32
          %get3A_433 = arith.index_cast %mul3A_432 : i32 to index
          %get3A_434 = tpu.vector_load %arg7[%get3A_433] {strides = array<i32>} : memref<11264xf32, #tpu.memory_space<vmem>>, vector<16xf32>,
          %mul3A_435 = arith.mulf %get3A_434, %gather3A_426 : vector<16xf32>
          %swap3A_436 = arith.index_cast %add3A_430 : i32 to index
          %swap3A_437 = arith.constant 0 : index
          %swap3A_438 = tpu.vector_load %arg10[%swap3A_436, %swap3A_437] {strides = array<i32>} : memref<768x16xf32, #tpu.memory_space<vmem>>, vector<16xf32>,
          tpu.vector_store %arg10[%swap3A_436, %swap3A_437], %mul3A_435 {strides = array<i32>} : memref<768x16xf32, #tpu.memory_space<vmem>>, vector<16xf32>,
          %broadcast_in_dim3A_439 = arith.constant 7 : i32
          %broadcast_in_dim3A_440 = vector.broadcast %broadcast_in_dim3A_439 : i32 to vector<16xi32>
          %broadcast_in_dim3A_441 = vector.shape_cast %broadcast_in_dim3A_440 : vector<16xi32> to vector<16x1xi32>
          %gather3A_442 = vector.shape_cast %broadcast_in_dim3A_441 : vector<16x1xi32> to vector<16xi32>
          %gather3A_443 = tpu.dynamic_gather %get3A_322[%gather3A_442] in [0] : vector<16xf32>, vector<16xi32> -> vector<16xf32>
          %mul3A_444 = arith.constant 16 : i32
          %mul3A_445 = arith.muli %scan3A_319, %mul3A_444 : i32
          %add3A_446 = arith.constant 7 : i32
          %add3A_447 = arith.addi %mul3A_445, %add3A_446 : i32
          %mul3A_448 = arith.constant 16 : i32
          %mul3A_449 = arith.muli %add3A_447, %mul3A_448 : i32
          %get3A_450 = arith.index_cast %mul3A_449 : i32 to index
          %get3A_451 = tpu.vector_load %arg7[%get3A_450] {strides = array<i32>} : memref<11264xf32, #tpu.memory_space<vmem>>, vector<16xf32>,
          %mul3A_452 = arith.mulf %get3A_451, %gather3A_443 : vector<16xf32>
          %swap3A_453 = arith.index_cast %add3A_447 : i32 to index
          %swap3A_454 = arith.constant 0 : index
          %swap3A_455 = tpu.vector_load %arg10[%swap3A_453, %swap3A_454] {strides = array<i32>} : memref<768x16xf32, #tpu.memory_space<vmem>>, vector<16xf32>,
          tpu.vector_store %arg10[%swap3A_453, %swap3A_454], %mul3A_452 {strides = array<i32>} : memref<768x16xf32, #tpu.memory_space<vmem>>, vector<16xf32>,
          %broadcast_in_dim3A_456 = arith.constant 8 : i32
          %broadcast_in_dim3A_457 = vector.broadcast %broadcast_in_dim3A_456 : i32 to vector<16xi32>
          %broadcast_in_dim3A_458 = vector.shape_cast %broadcast_in_dim3A_457 : vector<16xi32> to vector<16x1xi32>
          %gather3A_459 = vector.shape_cast %broadcast_in_dim3A_458 : vector<16x1xi32> to vector<16xi32>
          %gather3A_460 = tpu.dynamic_gather %get3A_322[%gather3A_459] in [0] : vector<16xf32>, vector<16xi32> -> vector<16xf32>
          %mul3A_461 = arith.constant 16 : i32
          %mul3A_462 = arith.muli %scan3A_319, %mul3A_461 : i32
          %add3A_463 = arith.constant 8 : i32
          %add3A_464 = arith.addi %mul3A_462, %add3A_463 : i32
          %mul3A_465 = arith.constant 16 : i32
          %mul3A_466 = arith.muli %add3A_464, %mul3A_465 : i32
          %get3A_467 = arith.index_cast %mul3A_466 : i32 to index
          %get3A_468 = tpu.vector_load %arg7[%get3A_467] {strides = array<i32>} : memref<11264xf32, #tpu.memory_space<vmem>>, vector<16xf32>,
          %mul3A_469 = arith.mulf %get3A_468, %gather3A_460 : vector<16xf32>
          %swap3A_470 = arith.index_cast %add3A_464 : i32 to index
          %swap3A_471 = arith.constant 0 : index
          %swap3A_472 = tpu.vector_load %arg10[%swap3A_470, %swap3A_471] {strides = array<i32>} : memref<768x16xf32, #tpu.memory_space<vmem>>, vector<16xf32>,
          tpu.vector_store %arg10[%swap3A_470, %swap3A_471], %mul3A_469 {strides = array<i32>} : memref<768x16xf32, #tpu.memory_space<vmem>>, vector<16xf32>,
          %broadcast_in_dim3A_473 = arith.constant 9 : i32
          %broadcast_in_dim3A_474 = vector.broadcast %broadcast_in_dim3A_473 : i32 to vector<16xi32>
          %broadcast_in_dim3A_475 = vector.shape_cast %broadcast_in_dim3A_474 : vector<16xi32> to vector<16x1xi32>
          %gather3A_476 = vector.shape_cast %broadcast_in_dim3A_475 : vector<16x1xi32> to vector<16xi32>
          %gather3A_477 = tpu.dynamic_gather %get3A_322[%gather3A_476] in [0] : vector<16xf32>, vector<16xi32> -> vector<16xf32>
          %mul3A_478 = arith.constant 16 : i32
          %mul3A_479 = arith.muli %scan3A_319, %mul3A_478 : i32
          %add3A_480 = arith.constant 9 : i32
          %add3A_481 = arith.addi %mul3A_479, %add3A_480 : i32
          %mul3A_482 = arith.constant 16 : i32
          %mul3A_483 = arith.muli %add3A_481, %mul3A_482 : i32
          %get3A_484 = arith.index_cast %mul3A_483 : i32 to index
          %get3A_485 = tpu.vector_load %arg7[%get3A_484] {strides = array<i32>} : memref<11264xf32, #tpu.memory_space<vmem>>, vector<16xf32>,
          %mul3A_486 = arith.mulf %get3A_485, %gather3A_477 : vector<16xf32>
          %swap3A_487 = arith.index_cast %add3A_481 : i32 to index
          %swap3A_488 = arith.constant 0 : index
          %swap3A_489 = tpu.vector_load %arg10[%swap3A_487, %swap3A_488] {strides = array<i32>} : memref<768x16xf32, #tpu.memory_space<vmem>>, vector<16xf32>,
          tpu.vector_store %arg10[%swap3A_487, %swap3A_488], %mul3A_486 {strides = array<i32>} : memref<768x16xf32, #tpu.memory_space<vmem>>, vector<16xf32>,
          %broadcast_in_dim3A_490 = arith.constant 10 : i32
          %broadcast_in_dim3A_491 = vector.broadcast %broadcast_in_dim3A_490 : i32 to vector<16xi32>
          %broadcast_in_dim3A_492 = vector.shape_cast %broadcast_in_dim3A_491 : vector<16xi32> to vector<16x1xi32>
          %gather3A_493 = vector.shape_cast %broadcast_in_dim3A_492 : vector<16x1xi32> to vector<16xi32>
          %gather3A_494 = tpu.dynamic_gather %get3A_322[%gather3A_493] in [0] : vector<16xf32>, vector<16xi32> -> vector<16xf32>
          %mul3A_495 = arith.constant 16 : i32
          %mul3A_496 = arith.muli %scan3A_319, %mul3A_495 : i32
          %add3A_497 = arith.constant 10 : i32
          %add3A_498 = arith.addi %mul3A_496, %add3A_497 : i32
          %mul3A_499 = arith.constant 16 : i32
          %mul3A_500 = arith.muli %add3A_498, %mul3A_499 : i32
          %get3A_501 = arith.index_cast %mul3A_500 : i32 to index
          %get3A_502 = tpu.vector_load %arg7[%get3A_501] {strides = array<i32>} : memref<11264xf32, #tpu.memory_space<vmem>>, vector<16xf32>,
          %mul3A_503 = arith.mulf %get3A_502, %gather3A_494 : vector<16xf32>
          %swap3A_504 = arith.index_cast %add3A_498 : i32 to index
          %swap3A_505 = arith.constant 0 : index
          %swap3A_506 = tpu.vector_load %arg10[%swap3A_504, %swap3A_505] {strides = array<i32>} : memref<768x16xf32, #tpu.memory_space<vmem>>, vector<16xf32>,
          tpu.vector_store %arg10[%swap3A_504, %swap3A_505], %mul3A_503 {strides = array<i32>} : memref<768x16xf32, #tpu.memory_space<vmem>>, vector<16xf32>,
          %broadcast_in_dim3A_507 = arith.constant 11 : i32
          %broadcast_in_dim3A_508 = vector.broadcast %broadcast_in_dim3A_507 : i32 to vector<16xi32>
          %broadcast_in_dim3A_509 = vector.shape_cast %broadcast_in_dim3A_508 : vector<16xi32> to vector<16x1xi32>
          %gather3A_510 = vector.shape_cast %broadcast_in_dim3A_509 : vector<16x1xi32> to vector<16xi32>
          %gather3A_511 = tpu.dynamic_gather %get3A_322[%gather3A_510] in [0] : vector<16xf32>, vector<16xi32> -> vector<16xf32>
          %mul3A_512 = arith.constant 16 : i32
          %mul3A_513 = arith.muli %scan3A_319, %mul3A_512 : i32
          %add3A_514 = arith.constant 11 : i32
          %add3A_515 = arith.addi %mul3A_513, %add3A_514 : i32
          %mul3A_516 = arith.constant 16 : i32
          %mul3A_517 = arith.muli %add3A_515, %mul3A_516 : i32
          %get3A_518 = arith.index_cast %mul3A_517 : i32 to index
          %get3A_519 = tpu.vector_load %arg7[%get3A_518] {strides = array<i32>} : memref<11264xf32, #tpu.memory_space<vmem>>, vector<16xf32>,
          %mul3A_520 = arith.mulf %get3A_519, %gather3A_511 : vector<16xf32>
          %swap3A_521 = arith.index_cast %add3A_515 : i32 to index
          %swap3A_522 = arith.constant 0 : index
          %swap3A_523 = tpu.vector_load %arg10[%swap3A_521, %swap3A_522] {strides = array<i32>} : memref<768x16xf32, #tpu.memory_space<vmem>>, vector<16xf32>,
          tpu.vector_store %arg10[%swap3A_521, %swap3A_522], %mul3A_520 {strides = array<i32>} : memref<768x16xf32, #tpu.memory_space<vmem>>, vector<16xf32>,
          %broadcast_in_dim3A_524 = arith.constant 12 : i32
          %broadcast_in_dim3A_525 = vector.broadcast %broadcast_in_dim3A_524 : i32 to vector<16xi32>
          %broadcast_in_dim3A_526 = vector.shape_cast %broadcast_in_dim3A_525 : vector<16xi32> to vector<16x1xi32>
          %gather3A_527 = vector.shape_cast %broadcast_in_dim3A_526 : vector<16x1xi32> to vector<16xi32>
          %gather3A_528 = tpu.dynamic_gather %get3A_322[%gather3A_527] in [0] : vector<16xf32>, vector<16xi32> -> vector<16xf32>
          %mul3A_529 = arith.constant 16 : i32
          %mul3A_530 = arith.muli %scan3A_319, %mul3A_529 : i32
          %add3A_531 = arith.constant 12 : i32
          %add3A_532 = arith.addi %mul3A_530, %add3A_531 : i32
          %mul3A_533 = arith.constant 16 : i32
          %mul3A_534 = arith.muli %add3A_532, %mul3A_533 : i32
          %get3A_535 = arith.index_cast %mul3A_534 : i32 to index
          %get3A_536 = tpu.vector_load %arg7[%get3A_535] {strides = array<i32>} : memref<11264xf32, #tpu.memory_space<vmem>>, vector<16xf32>,
          %mul3A_537 = arith.mulf %get3A_536, %gather3A_528 : vector<16xf32>
          %swap3A_538 = arith.index_cast %add3A_532 : i32 to index
          %swap3A_539 = arith.constant 0 : index
          %swap3A_540 = tpu.vector_load %arg10[%swap3A_538, %swap3A_539] {strides = array<i32>} : memref<768x16xf32, #tpu.memory_space<vmem>>, vector<16xf32>,
          tpu.vector_store %arg10[%swap3A_538, %swap3A_539], %mul3A_537 {strides = array<i32>} : memref<768x16xf32, #tpu.memory_space<vmem>>, vector<16xf32>,
          %broadcast_in_dim3A_541 = arith.constant 13 : i32
          %broadcast_in_dim3A_542 = vector.broadcast %broadcast_in_dim3A_541 : i32 to vector<16xi32>
          %broadcast_in_dim3A_543 = vector.shape_cast %broadcast_in_dim3A_542 : vector<16xi32> to vector<16x1xi32>
          %gather3A_544 = vector.shape_cast %broadcast_in_dim3A_543 : vector<16x1xi32> to vector<16xi32>
          %gather3A_545 = tpu.dynamic_gather %get3A_322[%gather3A_544] in [0] : vector<16xf32>, vector<16xi32> -> vector<16xf32>
          %mul3A_546 = arith.constant 16 : i32
          %mul3A_547 = arith.muli %scan3A_319, %mul3A_546 : i32
          %add3A_548 = arith.constant 13 : i32
          %add3A_549 = arith.addi %mul3A_547, %add3A_548 : i32
          %mul3A_550 = arith.constant 16 : i32
          %mul3A_551 = arith.muli %add3A_549, %mul3A_550 : i32
          %get3A_552 = arith.index_cast %mul3A_551 : i32 to index
          %get3A_553 = tpu.vector_load %arg7[%get3A_552] {strides = array<i32>} : memref<11264xf32, #tpu.memory_space<vmem>>, vector<16xf32>,
          %mul3A_554 = arith.mulf %get3A_553, %gather3A_545 : vector<16xf32>
          %swap3A_555 = arith.index_cast %add3A_549 : i32 to index
          %swap3A_556 = arith.constant 0 : index
          %swap3A_557 = tpu.vector_load %arg10[%swap3A_555, %swap3A_556] {strides = array<i32>} : memref<768x16xf32, #tpu.memory_space<vmem>>, vector<16xf32>,
          tpu.vector_store %arg10[%swap3A_555, %swap3A_556], %mul3A_554 {strides = array<i32>} : memref<768x16xf32, #tpu.memory_space<vmem>>, vector<16xf32>,
          %broadcast_in_dim3A_558 = arith.constant 14 : i32
          %broadcast_in_dim3A_559 = vector.broadcast %broadcast_in_dim3A_558 : i32 to vector<16xi32>
          %broadcast_in_dim3A_560 = vector.shape_cast %broadcast_in_dim3A_559 : vector<16xi32> to vector<16x1xi32>
          %gather3A_561 = vector.shape_cast %broadcast_in_dim3A_560 : vector<16x1xi32> to vector<16xi32>
          %gather3A_562 = tpu.dynamic_gather %get3A_322[%gather3A_561] in [0] : vector<16xf32>, vector<16xi32> -> vector<16xf32>
          %mul3A_563 = arith.constant 16 : i32
          %mul3A_564 = arith.muli %scan3A_319, %mul3A_563 : i32
          %add3A_565 = arith.constant 14 : i32
          %add3A_566 = arith.addi %mul3A_564, %add3A_565 : i32
          %mul3A_567 = arith.constant 16 : i32
          %mul3A_568 = arith.muli %add3A_566, %mul3A_567 : i32
          %get3A_569 = arith.index_cast %mul3A_568 : i32 to index
          %get3A_570 = tpu.vector_load %arg7[%get3A_569] {strides = array<i32>} : memref<11264xf32, #tpu.memory_space<vmem>>, vector<16xf32>,
          %mul3A_571 = arith.mulf %get3A_570, %gather3A_562 : vector<16xf32>
          %swap3A_572 = arith.index_cast %add3A_566 : i32 to index
          %swap3A_573 = arith.constant 0 : index
          %swap3A_574 = tpu.vector_load %arg10[%swap3A_572, %swap3A_573] {strides = array<i32>} : memref<768x16xf32, #tpu.memory_space<vmem>>, vector<16xf32>,
          tpu.vector_store %arg10[%swap3A_572, %swap3A_573], %mul3A_571 {strides = array<i32>} : memref<768x16xf32, #tpu.memory_space<vmem>>, vector<16xf32>,
          %broadcast_in_dim3A_575 = arith.constant 15 : i32
          %broadcast_in_dim3A_576 = vector.broadcast %broadcast_in_dim3A_575 : i32 to vector<16xi32>
          %broadcast_in_dim3A_577 = vector.shape_cast %broadcast_in_dim3A_576 : vector<16xi32> to vector<16x1xi32>
          %gather3A_578 = vector.shape_cast %broadcast_in_dim3A_577 : vector<16x1xi32> to vector<16xi32>
          %gather3A_579 = tpu.dynamic_gather %get3A_322[%gather3A_578] in [0] : vector<16xf32>, vector<16xi32> -> vector<16xf32>
          %mul3A_580 = arith.constant 16 : i32
          %mul3A_581 = arith.muli %scan3A_319, %mul3A_580 : i32
          %add3A_582 = arith.constant 15 : i32
          %add3A_583 = arith.addi %mul3A_581, %add3A_582 : i32
          %mul3A_584 = arith.constant 16 : i32
          %mul3A_585 = arith.muli %add3A_583, %mul3A_584 : i32
          %get3A_586 = arith.index_cast %mul3A_585 : i32 to index
          %get3A_587 = tpu.vector_load %arg7[%get3A_586] {strides = array<i32>} : memref<11264xf32, #tpu.memory_space<vmem>>, vector<16xf32>,
          %mul3A_588 = arith.mulf %get3A_587, %gather3A_579 : vector<16xf32>
          %swap3A_589 = arith.index_cast %add3A_583 : i32 to index
          %swap3A_590 = arith.constant 0 : index
          %swap3A_591 = tpu.vector_load %arg10[%swap3A_589, %swap3A_590] {strides = array<i32>} : memref<768x16xf32, #tpu.memory_space<vmem>>, vector<16xf32>,
          tpu.vector_store %arg10[%swap3A_589, %swap3A_590], %mul3A_588 {strides = array<i32>} : memref<768x16xf32, #tpu.memory_space<vmem>>, vector<16xf32>,
        }
        %scan3A_198 = arith.constant 44 : i32
        %dma_start3A_199 = arith.constant 0 : i32
        %dma_start3A_200 = arith.constant 0 : i32
        %dma_start3A_201 = arith.constant 0 : i32
        %dma_start3A_202 = tpu.memref_slice %arg10[%dma_start3A_200, %dma_start3A_201] : memref<768x16xf32, #tpu.memory_space<vmem>> -> memref<128x16xf32, #tpu.memory_space<vmem>>
        %dma_start3A_203 = arith.constant 0 : i32
        %dma_start3A_204 = tpu.memref_slice %arg9[%dma_start3A_199, %dma_start3A_203] : memref<6x128xi32, #tpu.memory_space<vmem>> -> memref<1x128xi32, #tpu.memory_space<vmem>>
        %dma_start3A_205 = tpu.memref_squeeze %dma_start3A_204 : memref<1x128xi32, #tpu.memory_space<vmem>> -> memref<128xi32, #tpu.memory_space<vmem>>
        %dma_start3A_206 = arith.constant 0 : i32
        %dma_start3A_207 = arith.constant 0 : i32
        %dma_start3A_208 = tpu.memref_slice %arg18[%dma_start3A_206, %dma_start3A_207] : memref<40960x16xf32, #tpu.memory_space<vmem_shared>> -> memref<40960x16xf32, #tpu.memory_space<vmem_shared>>
        tpu.enqueue_indirect_dma source(%dma_start3A_202 : memref<128x16xf32, #tpu.memory_space<vmem>>) target(%dma_start3A_208 : memref<40960x16xf32, #tpu.memory_space<vmem_shared>>) offsets(%dma_start3A_205 : memref<128xi32, #tpu.memory_space<vmem>>) semaphore(%arg15 : memref<!tpu.dma_semaphore, #tpu.memory_space<semaphore_mem>>) {add = true}
        %dma_start3A_209 = arith.constant 1 : i32
        %dma_start3A_210 = arith.constant 128 : i32
        %dma_start3A_211 = arith.constant 0 : i32
        %dma_start3A_212 = tpu.memref_slice %arg10[%dma_start3A_210, %dma_start3A_211] : memref<768x16xf32, #tpu.memory_space<vmem>> -> memref<128x16xf32, #tpu.memory_space<vmem>>
        %dma_start3A_213 = arith.constant 0 : i32
        %dma_start3A_214 = tpu.memref_slice %arg9[%dma_start3A_209, %dma_start3A_213] : memref<6x128xi32, #tpu.memory_space<vmem>> -> memref<1x128xi32, #tpu.memory_space<vmem>>
        %dma_start3A_215 = tpu.memref_squeeze %dma_start3A_214 : memref<1x128xi32, #tpu.memory_space<vmem>> -> memref<128xi32, #tpu.memory_space<vmem>>
        %dma_start3A_216 = arith.constant 0 : i32
        %dma_start3A_217 = arith.constant 0 : i32
        %dma_start3A_218 = tpu.memref_slice %arg18[%dma_start3A_216, %dma_start3A_217] : memref<40960x16xf32, #tpu.memory_space<vmem_shared>> -> memref<40960x16xf32, #tpu.memory_space<vmem_shared>>
        tpu.enqueue_indirect_dma source(%dma_start3A_212 : memref<128x16xf32, #tpu.memory_space<vmem>>) target(%dma_start3A_218 : memref<40960x16xf32, #tpu.memory_space<vmem_shared>>) offsets(%dma_start3A_215 : memref<128xi32, #tpu.memory_space<vmem>>) semaphore(%arg15 : memref<!tpu.dma_semaphore, #tpu.memory_space<semaphore_mem>>) {add = true}
        %dma_start3A_219 = arith.constant 2 : i32
        %dma_start3A_220 = arith.constant 256 : i32
        %dma_start3A_221 = arith.constant 0 : i32
        %dma_start3A_222 = tpu.memref_slice %arg10[%dma_start3A_220, %dma_start3A_221] : memref<768x16xf32, #tpu.memory_space<vmem>> -> memref<128x16xf32, #tpu.memory_space<vmem>>
        %dma_start3A_223 = arith.constant 0 : i32
        %dma_start3A_224 = tpu.memref_slice %arg9[%dma_start3A_219, %dma_start3A_223] : memref<6x128xi32, #tpu.memory_space<vmem>> -> memref<1x128xi32, #tpu.memory_space<vmem>>
        %dma_start3A_225 = tpu.memref_squeeze %dma_start3A_224 : memref<1x128xi32, #tpu.memory_space<vmem>> -> memref<128xi32, #tpu.memory_space<vmem>>
        %dma_start3A_226 = arith.constant 0 : i32
        %dma_start3A_227 = arith.constant 0 : i32
        %dma_start3A_228 = tpu.memref_slice %arg18[%dma_start3A_226, %dma_start3A_227] : memref<40960x16xf32, #tpu.memory_space<vmem_shared>> -> memref<40960x16xf32, #tpu.memory_space<vmem_shared>>
        tpu.enqueue_indirect_dma source(%dma_start3A_222 : memref<128x16xf32, #tpu.memory_space<vmem>>) target(%dma_start3A_228 : memref<40960x16xf32, #tpu.memory_space<vmem_shared>>) offsets(%dma_start3A_225 : memref<128xi32, #tpu.memory_space<vmem>>) semaphore(%arg15 : memref<!tpu.dma_semaphore, #tpu.memory_space<semaphore_mem>>) {add = true}
        %dma_start3A_229 = arith.constant 3 : i32
        %dma_start3A_230 = arith.constant 384 : i32
        %dma_start3A_231 = arith.constant 0 : i32
        %dma_start3A_232 = tpu.memref_slice %arg10[%dma_start3A_230, %dma_start3A_231] : memref<768x16xf32, #tpu.memory_space<vmem>> -> memref<128x16xf32, #tpu.memory_space<vmem>>
        %dma_start3A_233 = arith.constant 0 : i32
        %dma_start3A_234 = tpu.memref_slice %arg9[%dma_start3A_229, %dma_start3A_233] : memref<6x128xi32, #tpu.memory_space<vmem>> -> memref<1x128xi32, #tpu.memory_space<vmem>>
        %dma_start3A_235 = tpu.memref_squeeze %dma_start3A_234 : memref<1x128xi32, #tpu.memory_space<vmem>> -> memref<128xi32, #tpu.memory_space<vmem>>
        %dma_start3A_236 = arith.constant 0 : i32
        %dma_start3A_237 = arith.constant 0 : i32
        %dma_start3A_238 = tpu.memref_slice %arg18[%dma_start3A_236, %dma_start3A_237] : memref<40960x16xf32, #tpu.memory_space<vmem_shared>> -> memref<40960x16xf32, #tpu.memory_space<vmem_shared>>
        tpu.enqueue_indirect_dma source(%dma_start3A_232 : memref<128x16xf32, #tpu.memory_space<vmem>>) target(%dma_start3A_238 : memref<40960x16xf32, #tpu.memory_space<vmem_shared>>) offsets(%dma_start3A_235 : memref<128xi32, #tpu.memory_space<vmem>>) semaphore(%arg15 : memref<!tpu.dma_semaphore, #tpu.memory_space<semaphore_mem>>) {add = true}
        %dma_start3A_239 = arith.constant 4 : i32
        %dma_start3A_240 = arith.constant 512 : i32
        %dma_start3A_241 = arith.constant 0 : i32
        %dma_start3A_242 = tpu.memref_slice %arg10[%dma_start3A_240, %dma_start3A_241] : memref<768x16xf32, #tpu.memory_space<vmem>> -> memref<128x16xf32, #tpu.memory_space<vmem>>
        %dma_start3A_243 = arith.constant 0 : i32
        %dma_start3A_244 = tpu.memref_slice %arg9[%dma_start3A_239, %dma_start3A_243] : memref<6x128xi32, #tpu.memory_space<vmem>> -> memref<1x128xi32, #tpu.memory_space<vmem>>
        %dma_start3A_245 = tpu.memref_squeeze %dma_start3A_244 : memref<1x128xi32, #tpu.memory_space<vmem>> -> memref<128xi32, #tpu.memory_space<vmem>>
        %dma_start3A_246 = arith.constant 0 : i32
        %dma_start3A_247 = arith.constant 0 : i32
        %dma_start3A_248 = tpu.memref_slice %arg18[%dma_start3A_246, %dma_start3A_247] : memref<40960x16xf32, #tpu.memory_space<vmem_shared>> -> memref<40960x16xf32, #tpu.memory_space<vmem_shared>>
        tpu.enqueue_indirect_dma source(%dma_start3A_242 : memref<128x16xf32, #tpu.memory_space<vmem>>) target(%dma_start3A_248 : memref<40960x16xf32, #tpu.memory_space<vmem_shared>>) offsets(%dma_start3A_245 : memref<128xi32, #tpu.memory_space<vmem>>) semaphore(%arg15 : memref<!tpu.dma_semaphore, #tpu.memory_space<semaphore_mem>>) {add = true}
        %dma_start3A_249 = arith.constant 5 : i32
        %dma_start3A_250 = arith.constant 640 : i32
        %dma_start3A_251 = arith.constant 0 : i32
        %dma_start3A_252 = tpu.memref_slice %arg10[%dma_start3A_250, %dma_start3A_251] : memref<768x16xf32, #tpu.memory_space<vmem>> -> memref<128x16xf32, #tpu.memory_space<vmem>>
        %dma_start3A_253 = arith.constant 0 : i32
        %dma_start3A_254 = tpu.memref_slice %arg9[%dma_start3A_249, %dma_start3A_253] : memref<6x128xi32, #tpu.memory_space<vmem>> -> memref<1x128xi32, #tpu.memory_space<vmem>>
        %dma_start3A_255 = tpu.memref_squeeze %dma_start3A_254 : memref<1x128xi32, #tpu.memory_space<vmem>> -> memref<128xi32, #tpu.memory_space<vmem>>
        %dma_start3A_256 = arith.constant 0 : i32
        %dma_start3A_257 = arith.constant 0 : i32
        %dma_start3A_258 = tpu.memref_slice %arg18[%dma_start3A_256, %dma_start3A_257] : memref<40960x16xf32, #tpu.memory_space<vmem_shared>> -> memref<40960x16xf32, #tpu.memory_space<vmem_shared>>
        tpu.enqueue_indirect_dma source(%dma_start3A_252 : memref<128x16xf32, #tpu.memory_space<vmem>>) target(%dma_start3A_258 : memref<40960x16xf32, #tpu.memory_space<vmem_shared>>) offsets(%dma_start3A_255 : memref<128xi32, #tpu.memory_space<vmem>>) semaphore(%arg15 : memref<!tpu.dma_semaphore, #tpu.memory_space<semaphore_mem>>) {add = true}
        %dma_wait3A_259 = arith.constant 0 : i32
        %dma_wait3A_260 = arith.constant 0 : i32
        %dma_wait3A_261 = arith.constant 0 : i32
        %dma_wait3A_262 = tpu.memref_slice %arg10[%dma_wait3A_260, %dma_wait3A_261] : memref<768x16xf32, #tpu.memory_space<vmem>> -> memref<128x16xf32, #tpu.memory_space<vmem>>
        %dma_wait3A_263 = arith.constant 0 : i32
        %dma_wait3A_264 = tpu.memref_slice %arg9[%dma_wait3A_259, %dma_wait3A_263] : memref<6x128xi32, #tpu.memory_space<vmem>> -> memref<1x128xi32, #tpu.memory_space<vmem>>
        %dma_wait3A_265 = tpu.memref_squeeze %dma_wait3A_264 : memref<1x128xi32, #tpu.memory_space<vmem>> -> memref<128xi32, #tpu.memory_space<vmem>>
        %dma_wait3A_266 = arith.constant 0 : i32
        %dma_wait3A_267 = arith.constant 0 : i32
        %dma_wait3A_268 = tpu.memref_slice %arg18[%dma_wait3A_266, %dma_wait3A_267] : memref<40960x16xf32, #tpu.memory_space<vmem_shared>> -> memref<40960x16xf32, #tpu.memory_space<vmem_shared>>
        tpu.wait_indirect_dma semaphore(%arg15 : memref<!tpu.dma_semaphore, #tpu.memory_space<semaphore_mem>>) src(%dma_wait3A_262 : memref<128x16xf32, #tpu.memory_space<vmem>>) dst(%dma_wait3A_268 : memref<40960x16xf32, #tpu.memory_space<vmem_shared>>)
        %dma_wait3A_269 = arith.constant 1 : i32
        %dma_wait3A_270 = arith.constant 128 : i32
        %dma_wait3A_271 = arith.constant 0 : i32
        %dma_wait3A_272 = tpu.memref_slice %arg10[%dma_wait3A_270, %dma_wait3A_271] : memref<768x16xf32, #tpu.memory_space<vmem>> -> memref<128x16xf32, #tpu.memory_space<vmem>>
        %dma_wait3A_273 = arith.constant 0 : i32
        %dma_wait3A_274 = tpu.memref_slice %arg9[%dma_wait3A_269, %dma_wait3A_273] : memref<6x128xi32, #tpu.memory_space<vmem>> -> memref<1x128xi32, #tpu.memory_space<vmem>>
        %dma_wait3A_275 = tpu.memref_squeeze %dma_wait3A_274 : memref<1x128xi32, #tpu.memory_space<vmem>> -> memref<128xi32, #tpu.memory_space<vmem>>
        %dma_wait3A_276 = arith.constant 0 : i32
        %dma_wait3A_277 = arith.constant 0 : i32
        %dma_wait3A_278 = tpu.memref_slice %arg18[%dma_wait3A_276, %dma_wait3A_277] : memref<40960x16xf32, #tpu.memory_space<vmem_shared>> -> memref<40960x16xf32, #tpu.memory_space<vmem_shared>>
        tpu.wait_indirect_dma semaphore(%arg15 : memref<!tpu.dma_semaphore, #tpu.memory_space<semaphore_mem>>) src(%dma_wait3A_272 : memref<128x16xf32, #tpu.memory_space<vmem>>) dst(%dma_wait3A_278 : memref<40960x16xf32, #tpu.memory_space<vmem_shared>>)
        %dma_wait3A_279 = arith.constant 2 : i32
        %dma_wait3A_280 = arith.constant 256 : i32
        %dma_wait3A_281 = arith.constant 0 : i32
        %dma_wait3A_282 = tpu.memref_slice %arg10[%dma_wait3A_280, %dma_wait3A_281] : memref<768x16xf32, #tpu.memory_space<vmem>> -> memref<128x16xf32, #tpu.memory_space<vmem>>
        %dma_wait3A_283 = arith.constant 0 : i32
        %dma_wait3A_284 = tpu.memref_slice %arg9[%dma_wait3A_279, %dma_wait3A_283] : memref<6x128xi32, #tpu.memory_space<vmem>> -> memref<1x128xi32, #tpu.memory_space<vmem>>
        %dma_wait3A_285 = tpu.memref_squeeze %dma_wait3A_284 : memref<1x128xi32, #tpu.memory_space<vmem>> -> memref<128xi32, #tpu.memory_space<vmem>>
        %dma_wait3A_286 = arith.constant 0 : i32
        %dma_wait3A_287 = arith.constant 0 : i32
        %dma_wait3A_288 = tpu.memref_slice %arg18[%dma_wait3A_286, %dma_wait3A_287] : memref<40960x16xf32, #tpu.memory_space<vmem_shared>> -> memref<40960x16xf32, #tpu.memory_space<vmem_shared>>
        tpu.wait_indirect_dma semaphore(%arg15 : memref<!tpu.dma_semaphore, #tpu.memory_space<semaphore_mem>>) src(%dma_wait3A_282 : memref<128x16xf32, #tpu.memory_space<vmem>>) dst(%dma_wait3A_288 : memref<40960x16xf32, #tpu.memory_space<vmem_shared>>)
        %dma_wait3A_289 = arith.constant 3 : i32
        %dma_wait3A_290 = arith.constant 384 : i32
        %dma_wait3A_291 = arith.constant 0 : i32
        %dma_wait3A_292 = tpu.memref_slice %arg10[%dma_wait3A_290, %dma_wait3A_291] : memref<768x16xf32, #tpu.memory_space<vmem>> -> memref<128x16xf32, #tpu.memory_space<vmem>>
        %dma_wait3A_293 = arith.constant 0 : i32
        %dma_wait3A_294 = tpu.memref_slice %arg9[%dma_wait3A_289, %dma_wait3A_293] : memref<6x128xi32, #tpu.memory_space<vmem>> -> memref<1x128xi32, #tpu.memory_space<vmem>>
        %dma_wait3A_295 = tpu.memref_squeeze %dma_wait3A_294 : memref<1x128xi32, #tpu.memory_space<vmem>> -> memref<128xi32, #tpu.memory_space<vmem>>
        %dma_wait3A_296 = arith.constant 0 : i32
        %dma_wait3A_297 = arith.constant 0 : i32
        %dma_wait3A_298 = tpu.memref_slice %arg18[%dma_wait3A_296, %dma_wait3A_297] : memref<40960x16xf32, #tpu.memory_space<vmem_shared>> -> memref<40960x16xf32, #tpu.memory_space<vmem_shared>>
        tpu.wait_indirect_dma semaphore(%arg15 : memref<!tpu.dma_semaphore, #tpu.memory_space<semaphore_mem>>) src(%dma_wait3A_292 : memref<128x16xf32, #tpu.memory_space<vmem>>) dst(%dma_wait3A_298 : memref<40960x16xf32, #tpu.memory_space<vmem_shared>>)
        %dma_wait3A_299 = arith.constant 4 : i32
        %dma_wait3A_300 = arith.constant 512 : i32
        %dma_wait3A_301 = arith.constant 0 : i32
        %dma_wait3A_302 = tpu.memref_slice %arg10[%dma_wait3A_300, %dma_wait3A_301] : memref<768x16xf32, #tpu.memory_space<vmem>> -> memref<128x16xf32, #tpu.memory_space<vmem>>
        %dma_wait3A_303 = arith.constant 0 : i32
        %dma_wait3A_304 = tpu.memref_slice %arg9[%dma_wait3A_299, %dma_wait3A_303] : memref<6x128xi32, #tpu.memory_space<vmem>> -> memref<1x128xi32, #tpu.memory_space<vmem>>
        %dma_wait3A_305 = tpu.memref_squeeze %dma_wait3A_304 : memref<1x128xi32, #tpu.memory_space<vmem>> -> memref<128xi32, #tpu.memory_space<vmem>>
        %dma_wait3A_306 = arith.constant 0 : i32
        %dma_wait3A_307 = arith.constant 0 : i32
        %dma_wait3A_308 = tpu.memref_slice %arg18[%dma_wait3A_306, %dma_wait3A_307] : memref<40960x16xf32, #tpu.memory_space<vmem_shared>> -> memref<40960x16xf32, #tpu.memory_space<vmem_shared>>
        tpu.wait_indirect_dma semaphore(%arg15 : memref<!tpu.dma_semaphore, #tpu.memory_space<semaphore_mem>>) src(%dma_wait3A_302 : memref<128x16xf32, #tpu.memory_space<vmem>>) dst(%dma_wait3A_308 : memref<40960x16xf32, #tpu.memory_space<vmem_shared>>)
        %dma_wait3A_309 = arith.constant 5 : i32
        %dma_wait3A_310 = arith.constant 640 : i32
        %dma_wait3A_311 = arith.constant 0 : i32
        %dma_wait3A_312 = tpu.memref_slice %arg10[%dma_wait3A_310, %dma_wait3A_311] : memref<768x16xf32, #tpu.memory_space<vmem>> -> memref<128x16xf32, #tpu.memory_space<vmem>>
        %dma_wait3A_313 = arith.constant 0 : i32
        %dma_wait3A_314 = tpu.memref_slice %arg9[%dma_wait3A_309, %dma_wait3A_313] : memref<6x128xi32, #tpu.memory_space<vmem>> -> memref<1x128xi32, #tpu.memory_space<vmem>>
        %dma_wait3A_315 = tpu.memref_squeeze %dma_wait3A_314 : memref<1x128xi32, #tpu.memory_space<vmem>> -> memref<128xi32, #tpu.memory_space<vmem>>
        %dma_wait3A_316 = arith.constant 0 : i32
        %dma_wait3A_317 = arith.constant 0 : i32
        %dma_wait3A_318 = tpu.memref_slice %arg18[%dma_wait3A_316, %dma_wait3A_317] : memref<40960x16xf32, #tpu.memory_space<vmem_shared>> -> memref<40960x16xf32, #tpu.memory_space<vmem_shared>>
        tpu.wait_indirect_dma semaphore(%arg15 : memref<!tpu.dma_semaphore, #tpu.memory_space<semaphore_mem>>) src(%dma_wait3A_312 : memref<128x16xf32, #tpu.memory_space<vmem>>) dst(%dma_wait3A_318 : memref<40960x16xf32, #tpu.memory_space<vmem_shared>>)
      }
      %barrier3A_110 = arith.constant 0 : index
      tpu.barrier barrier_id(%barrier3A_110)
      %add3A_111 = arith.constant 640 : i32
      %add3A_112 = arith.addi %mul3A_0, %add3A_111 : i32
      %le3A = arith.constant 40000 : i32
      %le3A_113 = arith.cmpi sle, %add3A_112, %le3A : i32
      %convert_element_type3A_114 = arith.extui %le3A_113 : i1 to i32
      %cond3A_115 = arith.constant 0 : i32
      %cond3A_116 = arith.cmpi ne, %convert_element_type3A_114, %cond3A_115 : i32
      scf.if %cond3A_116 {
        %add3A_158 = arith.constant 0 : i32
        %add3A_159 = arith.addi %mul3A_0, %add3A_158 : i32
        %dma_start3A_160 = arith.constant 0 : i32
        %dma_start3A_161 = arith.constant 0 : i32
        %dma_start3A_162 = arith.constant 0 : i32
        %dma_start3A_163 = tpu.memref_slice %arg12[%dma_start3A_160, %dma_start3A_161, %dma_start3A_162] : memref<2x640x16xf32, #tpu.memory_space<vmem>> -> memref<1x640x16xf32, #tpu.memory_space<vmem>>
        %dma_start3A_164 = tpu.memref_squeeze %dma_start3A_163 : memref<1x640x16xf32, #tpu.memory_space<vmem>> -> memref<640x16xf32, #tpu.memory_space<vmem>>
        %dma_start3A_165 = arith.constant 0 : i32
        %dma_start3A_166 = tpu.memref_slice %arg18[%add3A_159, %dma_start3A_165] : memref<40960x16xf32, #tpu.memory_space<vmem_shared>> -> memref<640x16xf32, #tpu.memory_space<vmem_shared>>
        %dma_start3A_167 = arith.constant 0 : i32
        %dma_start3A_168 = arith.constant 0 : i32
        %dma_start3A_169 = tpu.memref_slice %arg12[%dma_start3A_160, %dma_start3A_167, %dma_start3A_168] : memref<2x640x16xf32, #tpu.memory_space<vmem>> -> memref<1x640x16xf32, #tpu.memory_space<vmem>>
        %dma_start3A_170 = tpu.memref_squeeze %dma_start3A_169 : memref<1x640x16xf32, #tpu.memory_space<vmem>> -> memref<640x16xf32, #tpu.memory_space<vmem>>
        %dma_start3A_171 = arith.constant 0 : i32
        %dma_start3A_172 = tpu.memref_slice %arg18[%add3A_159, %dma_start3A_171] : memref<40960x16xf32, #tpu.memory_space<vmem_shared>> -> memref<640x16xf32, #tpu.memory_space<vmem_shared>>
        tpu.enqueue_dma source(%dma_start3A_172 : memref<640x16xf32, #tpu.memory_space<vmem_shared>>) target(%dma_start3A_170 : memref<640x16xf32, #tpu.memory_space<vmem>>) target_semaphore(%arg16 : memref<!tpu.dma_semaphore, #tpu.memory_space<semaphore_mem>>)
        %add3A_173 = arith.constant 0 : i32
        %add3A_174 = arith.addi %mul3A_0, %add3A_173 : i32
        %dma_wait3A_175 = arith.constant 0 : i32
        %dma_wait3A_176 = arith.constant 0 : i32
        %dma_wait3A_177 = arith.constant 0 : i32
        %dma_wait3A_178 = tpu.memref_slice %arg12[%dma_wait3A_175, %dma_wait3A_176, %dma_wait3A_177] : memref<2x640x16xf32, #tpu.memory_space<vmem>> -> memref<1x640x16xf32, #tpu.memory_space<vmem>>
        %dma_wait3A_179 = tpu.memref_squeeze %dma_wait3A_178 : memref<1x640x16xf32, #tpu.memory_space<vmem>> -> memref<640x16xf32, #tpu.memory_space<vmem>>
        %dma_wait3A_180 = arith.constant 0 : i32
        %dma_wait3A_181 = tpu.memref_slice %arg18[%add3A_174, %dma_wait3A_180] : memref<40960x16xf32, #tpu.memory_space<vmem_shared>> -> memref<640x16xf32, #tpu.memory_space<vmem_shared>>
        %dma_wait3A_182 = arith.constant 0 : i32
        %dma_wait3A_183 = arith.constant 0 : i32
        %dma_wait3A_184 = tpu.memref_slice %arg12[%dma_wait3A_175, %dma_wait3A_182, %dma_wait3A_183] : memref<2x640x16xf32, #tpu.memory_space<vmem>> -> memref<1x640x16xf32, #tpu.memory_space<vmem>>
        %dma_wait3A_185 = tpu.memref_squeeze %dma_wait3A_184 : memref<1x640x16xf32, #tpu.memory_space<vmem>> -> memref<640x16xf32, #tpu.memory_space<vmem>>
        %dma_wait3A_186 = arith.constant 0 : i32
        %dma_wait3A_187 = tpu.memref_slice %arg18[%add3A_174, %dma_wait3A_186] : memref<40960x16xf32, #tpu.memory_space<vmem_shared>> -> memref<640x16xf32, #tpu.memory_space<vmem_shared>>
        tpu.wait_dma2 semaphore(%arg16 : memref<!tpu.dma_semaphore, #tpu.memory_space<semaphore_mem>>) src(%dma_wait3A_187 : memref<640x16xf32, #tpu.memory_space<vmem_shared>>) dst(%dma_wait3A_185 : memref<640x16xf32, #tpu.memory_space<vmem>>)
        %add3A_188 = arith.constant 1280 : i32
        %add3A_189 = arith.addi %mul3A_0, %add3A_188 : i32
        %le3A_190 = arith.constant 40000 : i32
        %le3A_191 = arith.cmpi sle, %add3A_189, %le3A_190 : i32
        %convert_element_type3A_192 = arith.extui %le3A_191 : i1 to i32
        %cond3A_193 = arith.constant 0 : i32
        %cond3A_194 = arith.cmpi ne, %convert_element_type3A_192, %cond3A_193 : i32
        scf.if %cond3A_194 {
          %add3A_218 = arith.constant 640 : i32
          %add3A_219 = arith.addi %mul3A_0, %add3A_218 : i32
          %dma_start3A_220 = arith.constant 1 : i32
          %dma_start3A_221 = arith.constant 0 : i32
          %dma_start3A_222 = arith.constant 0 : i32
          %dma_start3A_223 = tpu.memref_slice %arg12[%dma_start3A_220, %dma_start3A_221, %dma_start3A_222] : memref<2x640x16xf32, #tpu.memory_space<vmem>> -> memref<1x640x16xf32, #tpu.memory_space<vmem>>
          %dma_start3A_224 = tpu.memref_squeeze %dma_start3A_223 : memref<1x640x16xf32, #tpu.memory_space<vmem>> -> memref<640x16xf32, #tpu.memory_space<vmem>>
          %dma_start3A_225 = arith.constant 0 : i32
          %dma_start3A_226 = tpu.memref_slice %arg18[%add3A_219, %dma_start3A_225] : memref<40960x16xf32, #tpu.memory_space<vmem_shared>> -> memref<640x16xf32, #tpu.memory_space<vmem_shared>>
          %dma_start3A_227 = arith.constant 0 : i32
          %dma_start3A_228 = arith.constant 0 : i32
          %dma_start3A_229 = tpu.memref_slice %arg12[%dma_start3A_220, %dma_start3A_227, %dma_start3A_228] : memref<2x640x16xf32, #tpu.memory_space<vmem>> -> memref<1x640x16xf32, #tpu.memory_space<vmem>>
          %dma_start3A_230 = tpu.memref_squeeze %dma_start3A_229 : memref<1x640x16xf32, #tpu.memory_space<vmem>> -> memref<640x16xf32, #tpu.memory_space<vmem>>
          %dma_start3A_231 = arith.constant 0 : i32
          %dma_start3A_232 = tpu.memref_slice %arg18[%add3A_219, %dma_start3A_231] : memref<40960x16xf32, #tpu.memory_space<vmem_shared>> -> memref<640x16xf32, #tpu.memory_space<vmem_shared>>
          tpu.enqueue_dma source(%dma_start3A_232 : memref<640x16xf32, #tpu.memory_space<vmem_shared>>) target(%dma_start3A_230 : memref<640x16xf32, #tpu.memory_space<vmem>>) target_semaphore(%arg16 : memref<!tpu.dma_semaphore, #tpu.memory_space<semaphore_mem>>)
        } else {
        }
        %scan3A_195 = arith.constant 0 : i32
        %scan3A_196 = arith.constant 0 : i32
        %scan3A_197 = arith.constant 40 : i32
        %scan3A_198 = arith.addi %scan3A_196, %scan3A_197 : i32
        %scan3A_199 = arith.constant 1 : i32
        scf.for %scan3A_218 = %scan3A_196 to %scan3A_198 step %scan3A_199  : i32 {
          %mul3A_219 = arith.constant 16 : i32
          %mul3A_220 = arith.muli %scan3A_218, %mul3A_219 : i32
          %add3A_221 = vector.broadcast %mul3A_220 : i32 to vector<16xi32>
          %add3A_222 = arith.addi %add3A_221, %iota3A : vector<16xi32>
          %broadcast_in_dim3A = arith.constant 0 : i32
          %broadcast_in_dim3A_223 = vector.broadcast %broadcast_in_dim3A : i32 to vector<16xi32>
          %gather3A = arith.constant 0 : i32
          %gather3A_224 = arith.constant 0 : i32
          %gather3A_225 = arith.constant 0 : i32
          %gather3A_226 = tpu.memref_slice %arg12[%gather3A, %gather3A_224, %gather3A_225] : memref<2x640x16xf32, #tpu.memory_space<vmem>> -> memref<1x640x16xf32, #tpu.memory_space<vmem>>
          %gather3A_227 = tpu.memref_squeeze %gather3A_226 : memref<1x640x16xf32, #tpu.memory_space<vmem>> -> memref<640x16xf32, #tpu.memory_space<vmem>>
          %gather3A_228 = tpu.vector_load_idx %gather3A_227[%add3A_222, %broadcast_in_dim3A_223] : memref<640x16xf32, #tpu.memory_space<vmem>>[vector<16xi32>, vector<16xi32>], vector<16xf32>,
          %mul3A_229 = arith.constant 16 : i32
          %mul3A_230 = arith.muli %scan3A_218, %mul3A_229 : i32
          %swap3A = arith.constant 0 : i32
          %swap3A_231 = arith.constant 0 : i32
          %swap3A_232 = arith.index_cast %swap3A : i32 to index
          %swap3A_233 = arith.index_cast %swap3A_231 : i32 to index
          %swap3A_234 = arith.index_cast %mul3A_230 : i32 to index
          %swap3A_235 = tpu.vector_load %arg13[%swap3A_232, %swap3A_233, %swap3A_234] {strides = array<i32>} : memref<2x16x640xf32, #tpu.memory_space<vmem>>, vector<16xf32>,
          tpu.vector_store %arg13[%swap3A_232, %swap3A_233, %swap3A_234], %gather3A_228 {strides = array<i32>} : memref<2x16x640xf32, #tpu.memory_space<vmem>>, vector<16xf32>,
          %broadcast_in_dim3A_236 = arith.constant 1 : i32
          %broadcast_in_dim3A_237 = vector.broadcast %broadcast_in_dim3A_236 : i32 to vector<16xi32>
          %gather3A_238 = arith.constant 0 : i32
          %gather3A_239 = arith.constant 0 : i32
          %gather3A_240 = arith.constant 0 : i32
          %gather3A_241 = tpu.memref_slice %arg12[%gather3A_238, %gather3A_239, %gather3A_240] : memref<2x640x16xf32, #tpu.memory_space<vmem>> -> memref<1x640x16xf32, #tpu.memory_space<vmem>>
          %gather3A_242 = tpu.memref_squeeze %gather3A_241 : memref<1x640x16xf32, #tpu.memory_space<vmem>> -> memref<640x16xf32, #tpu.memory_space<vmem>>
          %gather3A_243 = tpu.vector_load_idx %gather3A_242[%add3A_222, %broadcast_in_dim3A_237] : memref<640x16xf32, #tpu.memory_space<vmem>>[vector<16xi32>, vector<16xi32>], vector<16xf32>,
          %mul3A_244 = arith.constant 16 : i32
          %mul3A_245 = arith.muli %scan3A_218, %mul3A_244 : i32
          %swap3A_246 = arith.constant 0 : i32
          %swap3A_247 = arith.constant 1 : i32
          %swap3A_248 = arith.index_cast %swap3A_246 : i32 to index
          %swap3A_249 = arith.index_cast %swap3A_247 : i32 to index
          %swap3A_250 = arith.index_cast %mul3A_245 : i32 to index
          %swap3A_251 = tpu.vector_load %arg13[%swap3A_248, %swap3A_249, %swap3A_250] {strides = array<i32>} : memref<2x16x640xf32, #tpu.memory_space<vmem>>, vector<16xf32>,
          tpu.vector_store %arg13[%swap3A_248, %swap3A_249, %swap3A_250], %gather3A_243 {strides = array<i32>} : memref<2x16x640xf32, #tpu.memory_space<vmem>>, vector<16xf32>,
          %broadcast_in_dim3A_252 = arith.constant 2 : i32
          %broadcast_in_dim3A_253 = vector.broadcast %broadcast_in_dim3A_252 : i32 to vector<16xi32>
          %gather3A_254 = arith.constant 0 : i32
          %gather3A_255 = arith.constant 0 : i32
          %gather3A_256 = arith.constant 0 : i32
          %gather3A_257 = tpu.memref_slice %arg12[%gather3A_254, %gather3A_255, %gather3A_256] : memref<2x640x16xf32, #tpu.memory_space<vmem>> -> memref<1x640x16xf32, #tpu.memory_space<vmem>>
          %gather3A_258 = tpu.memref_squeeze %gather3A_257 : memref<1x640x16xf32, #tpu.memory_space<vmem>> -> memref<640x16xf32, #tpu.memory_space<vmem>>
          %gather3A_259 = tpu.vector_load_idx %gather3A_258[%add3A_222, %broadcast_in_dim3A_253] : memref<640x16xf32, #tpu.memory_space<vmem>>[vector<16xi32>, vector<16xi32>], vector<16xf32>,
          %mul3A_260 = arith.constant 16 : i32
          %mul3A_261 = arith.muli %scan3A_218, %mul3A_260 : i32
          %swap3A_262 = arith.constant 0 : i32
          %swap3A_263 = arith.constant 2 : i32
          %swap3A_264 = arith.index_cast %swap3A_262 : i32 to index
          %swap3A_265 = arith.index_cast %swap3A_263 : i32 to index
          %swap3A_266 = arith.index_cast %mul3A_261 : i32 to index
          %swap3A_267 = tpu.vector_load %arg13[%swap3A_264, %swap3A_265, %swap3A_266] {strides = array<i32>} : memref<2x16x640xf32, #tpu.memory_space<vmem>>, vector<16xf32>,
          tpu.vector_store %arg13[%swap3A_264, %swap3A_265, %swap3A_266], %gather3A_259 {strides = array<i32>} : memref<2x16x640xf32, #tpu.memory_space<vmem>>, vector<16xf32>,
          %broadcast_in_dim3A_268 = arith.constant 3 : i32
          %broadcast_in_dim3A_269 = vector.broadcast %broadcast_in_dim3A_268 : i32 to vector<16xi32>
          %gather3A_270 = arith.constant 0 : i32
          %gather3A_271 = arith.constant 0 : i32
          %gather3A_272 = arith.constant 0 : i32
          %gather3A_273 = tpu.memref_slice %arg12[%gather3A_270, %gather3A_271, %gather3A_272] : memref<2x640x16xf32, #tpu.memory_space<vmem>> -> memref<1x640x16xf32, #tpu.memory_space<vmem>>
          %gather3A_274 = tpu.memref_squeeze %gather3A_273 : memref<1x640x16xf32, #tpu.memory_space<vmem>> -> memref<640x16xf32, #tpu.memory_space<vmem>>
          %gather3A_275 = tpu.vector_load_idx %gather3A_274[%add3A_222, %broadcast_in_dim3A_269] : memref<640x16xf32, #tpu.memory_space<vmem>>[vector<16xi32>, vector<16xi32>], vector<16xf32>,
          %mul3A_276 = arith.constant 16 : i32
          %mul3A_277 = arith.muli %scan3A_218, %mul3A_276 : i32
          %swap3A_278 = arith.constant 0 : i32
          %swap3A_279 = arith.constant 3 : i32
          %swap3A_280 = arith.index_cast %swap3A_278 : i32 to index
          %swap3A_281 = arith.index_cast %swap3A_279 : i32 to index
          %swap3A_282 = arith.index_cast %mul3A_277 : i32 to index
          %swap3A_283 = tpu.vector_load %arg13[%swap3A_280, %swap3A_281, %swap3A_282] {strides = array<i32>} : memref<2x16x640xf32, #tpu.memory_space<vmem>>, vector<16xf32>,
          tpu.vector_store %arg13[%swap3A_280, %swap3A_281, %swap3A_282], %gather3A_275 {strides = array<i32>} : memref<2x16x640xf32, #tpu.memory_space<vmem>>, vector<16xf32>,
          %broadcast_in_dim3A_284 = arith.constant 4 : i32
          %broadcast_in_dim3A_285 = vector.broadcast %broadcast_in_dim3A_284 : i32 to vector<16xi32>
          %gather3A_286 = arith.constant 0 : i32
          %gather3A_287 = arith.constant 0 : i32
          %gather3A_288 = arith.constant 0 : i32
          %gather3A_289 = tpu.memref_slice %arg12[%gather3A_286, %gather3A_287, %gather3A_288] : memref<2x640x16xf32, #tpu.memory_space<vmem>> -> memref<1x640x16xf32, #tpu.memory_space<vmem>>
          %gather3A_290 = tpu.memref_squeeze %gather3A_289 : memref<1x640x16xf32, #tpu.memory_space<vmem>> -> memref<640x16xf32, #tpu.memory_space<vmem>>
          %gather3A_291 = tpu.vector_load_idx %gather3A_290[%add3A_222, %broadcast_in_dim3A_285] : memref<640x16xf32, #tpu.memory_space<vmem>>[vector<16xi32>, vector<16xi32>], vector<16xf32>,
          %mul3A_292 = arith.constant 16 : i32
          %mul3A_293 = arith.muli %scan3A_218, %mul3A_292 : i32
          %swap3A_294 = arith.constant 0 : i32
          %swap3A_295 = arith.constant 4 : i32
          %swap3A_296 = arith.index_cast %swap3A_294 : i32 to index
          %swap3A_297 = arith.index_cast %swap3A_295 : i32 to index
          %swap3A_298 = arith.index_cast %mul3A_293 : i32 to index
          %swap3A_299 = tpu.vector_load %arg13[%swap3A_296, %swap3A_297, %swap3A_298] {strides = array<i32>} : memref<2x16x640xf32, #tpu.memory_space<vmem>>, vector<16xf32>,
          tpu.vector_store %arg13[%swap3A_296, %swap3A_297, %swap3A_298], %gather3A_291 {strides = array<i32>} : memref<2x16x640xf32, #tpu.memory_space<vmem>>, vector<16xf32>,
          %broadcast_in_dim3A_300 = arith.constant 5 : i32
          %broadcast_in_dim3A_301 = vector.broadcast %broadcast_in_dim3A_300 : i32 to vector<16xi32>
          %gather3A_302 = arith.constant 0 : i32
          %gather3A_303 = arith.constant 0 : i32
          %gather3A_304 = arith.constant 0 : i32
          %gather3A_305 = tpu.memref_slice %arg12[%gather3A_302, %gather3A_303, %gather3A_304] : memref<2x640x16xf32, #tpu.memory_space<vmem>> -> memref<1x640x16xf32, #tpu.memory_space<vmem>>
          %gather3A_306 = tpu.memref_squeeze %gather3A_305 : memref<1x640x16xf32, #tpu.memory_space<vmem>> -> memref<640x16xf32, #tpu.memory_space<vmem>>
          %gather3A_307 = tpu.vector_load_idx %gather3A_306[%add3A_222, %broadcast_in_dim3A_301] : memref<640x16xf32, #tpu.memory_space<vmem>>[vector<16xi32>, vector<16xi32>], vector<16xf32>,
          %mul3A_308 = arith.constant 16 : i32
          %mul3A_309 = arith.muli %scan3A_218, %mul3A_308 : i32
          %swap3A_310 = arith.constant 0 : i32
          %swap3A_311 = arith.constant 5 : i32
          %swap3A_312 = arith.index_cast %swap3A_310 : i32 to index
          %swap3A_313 = arith.index_cast %swap3A_311 : i32 to index
          %swap3A_314 = arith.index_cast %mul3A_309 : i32 to index
          %swap3A_315 = tpu.vector_load %arg13[%swap3A_312, %swap3A_313, %swap3A_314] {strides = array<i32>} : memref<2x16x640xf32, #tpu.memory_space<vmem>>, vector<16xf32>,
          tpu.vector_store %arg13[%swap3A_312, %swap3A_313, %swap3A_314], %gather3A_307 {strides = array<i32>} : memref<2x16x640xf32, #tpu.memory_space<vmem>>, vector<16xf32>,
          %broadcast_in_dim3A_316 = arith.constant 6 : i32
          %broadcast_in_dim3A_317 = vector.broadcast %broadcast_in_dim3A_316 : i32 to vector<16xi32>
          %gather3A_318 = arith.constant 0 : i32
          %gather3A_319 = arith.constant 0 : i32
          %gather3A_320 = arith.constant 0 : i32
          %gather3A_321 = tpu.memref_slice %arg12[%gather3A_318, %gather3A_319, %gather3A_320] : memref<2x640x16xf32, #tpu.memory_space<vmem>> -> memref<1x640x16xf32, #tpu.memory_space<vmem>>
          %gather3A_322 = tpu.memref_squeeze %gather3A_321 : memref<1x640x16xf32, #tpu.memory_space<vmem>> -> memref<640x16xf32, #tpu.memory_space<vmem>>
          %gather3A_323 = tpu.vector_load_idx %gather3A_322[%add3A_222, %broadcast_in_dim3A_317] : memref<640x16xf32, #tpu.memory_space<vmem>>[vector<16xi32>, vector<16xi32>], vector<16xf32>,
          %mul3A_324 = arith.constant 16 : i32
          %mul3A_325 = arith.muli %scan3A_218, %mul3A_324 : i32
          %swap3A_326 = arith.constant 0 : i32
          %swap3A_327 = arith.constant 6 : i32
          %swap3A_328 = arith.index_cast %swap3A_326 : i32 to index
          %swap3A_329 = arith.index_cast %swap3A_327 : i32 to index
          %swap3A_330 = arith.index_cast %mul3A_325 : i32 to index
          %swap3A_331 = tpu.vector_load %arg13[%swap3A_328, %swap3A_329, %swap3A_330] {strides = array<i32>} : memref<2x16x640xf32, #tpu.memory_space<vmem>>, vector<16xf32>,
          tpu.vector_store %arg13[%swap3A_328, %swap3A_329, %swap3A_330], %gather3A_323 {strides = array<i32>} : memref<2x16x640xf32, #tpu.memory_space<vmem>>, vector<16xf32>,
          %broadcast_in_dim3A_332 = arith.constant 7 : i32
          %broadcast_in_dim3A_333 = vector.broadcast %broadcast_in_dim3A_332 : i32 to vector<16xi32>
          %gather3A_334 = arith.constant 0 : i32
          %gather3A_335 = arith.constant 0 : i32
          %gather3A_336 = arith.constant 0 : i32
          %gather3A_337 = tpu.memref_slice %arg12[%gather3A_334, %gather3A_335, %gather3A_336] : memref<2x640x16xf32, #tpu.memory_space<vmem>> -> memref<1x640x16xf32, #tpu.memory_space<vmem>>
          %gather3A_338 = tpu.memref_squeeze %gather3A_337 : memref<1x640x16xf32, #tpu.memory_space<vmem>> -> memref<640x16xf32, #tpu.memory_space<vmem>>
          %gather3A_339 = tpu.vector_load_idx %gather3A_338[%add3A_222, %broadcast_in_dim3A_333] : memref<640x16xf32, #tpu.memory_space<vmem>>[vector<16xi32>, vector<16xi32>], vector<16xf32>,
          %mul3A_340 = arith.constant 16 : i32
          %mul3A_341 = arith.muli %scan3A_218, %mul3A_340 : i32
          %swap3A_342 = arith.constant 0 : i32
          %swap3A_343 = arith.constant 7 : i32
          %swap3A_344 = arith.index_cast %swap3A_342 : i32 to index
          %swap3A_345 = arith.index_cast %swap3A_343 : i32 to index
          %swap3A_346 = arith.index_cast %mul3A_341 : i32 to index
          %swap3A_347 = tpu.vector_load %arg13[%swap3A_344, %swap3A_345, %swap3A_346] {strides = array<i32>} : memref<2x16x640xf32, #tpu.memory_space<vmem>>, vector<16xf32>,
          tpu.vector_store %arg13[%swap3A_344, %swap3A_345, %swap3A_346], %gather3A_339 {strides = array<i32>} : memref<2x16x640xf32, #tpu.memory_space<vmem>>, vector<16xf32>,
          %broadcast_in_dim3A_348 = arith.constant 8 : i32
          %broadcast_in_dim3A_349 = vector.broadcast %broadcast_in_dim3A_348 : i32 to vector<16xi32>
          %gather3A_350 = arith.constant 0 : i32
          %gather3A_351 = arith.constant 0 : i32
          %gather3A_352 = arith.constant 0 : i32
          %gather3A_353 = tpu.memref_slice %arg12[%gather3A_350, %gather3A_351, %gather3A_352] : memref<2x640x16xf32, #tpu.memory_space<vmem>> -> memref<1x640x16xf32, #tpu.memory_space<vmem>>
          %gather3A_354 = tpu.memref_squeeze %gather3A_353 : memref<1x640x16xf32, #tpu.memory_space<vmem>> -> memref<640x16xf32, #tpu.memory_space<vmem>>
          %gather3A_355 = tpu.vector_load_idx %gather3A_354[%add3A_222, %broadcast_in_dim3A_349] : memref<640x16xf32, #tpu.memory_space<vmem>>[vector<16xi32>, vector<16xi32>], vector<16xf32>,
          %mul3A_356 = arith.constant 16 : i32
          %mul3A_357 = arith.muli %scan3A_218, %mul3A_356 : i32
          %swap3A_358 = arith.constant 0 : i32
          %swap3A_359 = arith.constant 8 : i32
          %swap3A_360 = arith.index_cast %swap3A_358 : i32 to index
          %swap3A_361 = arith.index_cast %swap3A_359 : i32 to index
          %swap3A_362 = arith.index_cast %mul3A_357 : i32 to index
          %swap3A_363 = tpu.vector_load %arg13[%swap3A_360, %swap3A_361, %swap3A_362] {strides = array<i32>} : memref<2x16x640xf32, #tpu.memory_space<vmem>>, vector<16xf32>,
          tpu.vector_store %arg13[%swap3A_360, %swap3A_361, %swap3A_362], %gather3A_355 {strides = array<i32>} : memref<2x16x640xf32, #tpu.memory_space<vmem>>, vector<16xf32>,
          %broadcast_in_dim3A_364 = arith.constant 9 : i32
          %broadcast_in_dim3A_365 = vector.broadcast %broadcast_in_dim3A_364 : i32 to vector<16xi32>
          %gather3A_366 = arith.constant 0 : i32
          %gather3A_367 = arith.constant 0 : i32
          %gather3A_368 = arith.constant 0 : i32
          %gather3A_369 = tpu.memref_slice %arg12[%gather3A_366, %gather3A_367, %gather3A_368] : memref<2x640x16xf32, #tpu.memory_space<vmem>> -> memref<1x640x16xf32, #tpu.memory_space<vmem>>
          %gather3A_370 = tpu.memref_squeeze %gather3A_369 : memref<1x640x16xf32, #tpu.memory_space<vmem>> -> memref<640x16xf32, #tpu.memory_space<vmem>>
          %gather3A_371 = tpu.vector_load_idx %gather3A_370[%add3A_222, %broadcast_in_dim3A_365] : memref<640x16xf32, #tpu.memory_space<vmem>>[vector<16xi32>, vector<16xi32>], vector<16xf32>,
          %mul3A_372 = arith.constant 16 : i32
          %mul3A_373 = arith.muli %scan3A_218, %mul3A_372 : i32
          %swap3A_374 = arith.constant 0 : i32
          %swap3A_375 = arith.constant 9 : i32
          %swap3A_376 = arith.index_cast %swap3A_374 : i32 to index
          %swap3A_377 = arith.index_cast %swap3A_375 : i32 to index
          %swap3A_378 = arith.index_cast %mul3A_373 : i32 to index
          %swap3A_379 = tpu.vector_load %arg13[%swap3A_376, %swap3A_377, %swap3A_378] {strides = array<i32>} : memref<2x16x640xf32, #tpu.memory_space<vmem>>, vector<16xf32>,
          tpu.vector_store %arg13[%swap3A_376, %swap3A_377, %swap3A_378], %gather3A_371 {strides = array<i32>} : memref<2x16x640xf32, #tpu.memory_space<vmem>>, vector<16xf32>,
          %broadcast_in_dim3A_380 = arith.constant 10 : i32
          %broadcast_in_dim3A_381 = vector.broadcast %broadcast_in_dim3A_380 : i32 to vector<16xi32>
          %gather3A_382 = arith.constant 0 : i32
          %gather3A_383 = arith.constant 0 : i32
          %gather3A_384 = arith.constant 0 : i32
          %gather3A_385 = tpu.memref_slice %arg12[%gather3A_382, %gather3A_383, %gather3A_384] : memref<2x640x16xf32, #tpu.memory_space<vmem>> -> memref<1x640x16xf32, #tpu.memory_space<vmem>>
          %gather3A_386 = tpu.memref_squeeze %gather3A_385 : memref<1x640x16xf32, #tpu.memory_space<vmem>> -> memref<640x16xf32, #tpu.memory_space<vmem>>
          %gather3A_387 = tpu.vector_load_idx %gather3A_386[%add3A_222, %broadcast_in_dim3A_381] : memref<640x16xf32, #tpu.memory_space<vmem>>[vector<16xi32>, vector<16xi32>], vector<16xf32>,
          %mul3A_388 = arith.constant 16 : i32
          %mul3A_389 = arith.muli %scan3A_218, %mul3A_388 : i32
          %swap3A_390 = arith.constant 0 : i32
          %swap3A_391 = arith.constant 10 : i32
          %swap3A_392 = arith.index_cast %swap3A_390 : i32 to index
          %swap3A_393 = arith.index_cast %swap3A_391 : i32 to index
          %swap3A_394 = arith.index_cast %mul3A_389 : i32 to index
          %swap3A_395 = tpu.vector_load %arg13[%swap3A_392, %swap3A_393, %swap3A_394] {strides = array<i32>} : memref<2x16x640xf32, #tpu.memory_space<vmem>>, vector<16xf32>,
          tpu.vector_store %arg13[%swap3A_392, %swap3A_393, %swap3A_394], %gather3A_387 {strides = array<i32>} : memref<2x16x640xf32, #tpu.memory_space<vmem>>, vector<16xf32>,
          %broadcast_in_dim3A_396 = arith.constant 11 : i32
          %broadcast_in_dim3A_397 = vector.broadcast %broadcast_in_dim3A_396 : i32 to vector<16xi32>
          %gather3A_398 = arith.constant 0 : i32
          %gather3A_399 = arith.constant 0 : i32
          %gather3A_400 = arith.constant 0 : i32
          %gather3A_401 = tpu.memref_slice %arg12[%gather3A_398, %gather3A_399, %gather3A_400] : memref<2x640x16xf32, #tpu.memory_space<vmem>> -> memref<1x640x16xf32, #tpu.memory_space<vmem>>
          %gather3A_402 = tpu.memref_squeeze %gather3A_401 : memref<1x640x16xf32, #tpu.memory_space<vmem>> -> memref<640x16xf32, #tpu.memory_space<vmem>>
          %gather3A_403 = tpu.vector_load_idx %gather3A_402[%add3A_222, %broadcast_in_dim3A_397] : memref<640x16xf32, #tpu.memory_space<vmem>>[vector<16xi32>, vector<16xi32>], vector<16xf32>,
          %mul3A_404 = arith.constant 16 : i32
          %mul3A_405 = arith.muli %scan3A_218, %mul3A_404 : i32
          %swap3A_406 = arith.constant 0 : i32
          %swap3A_407 = arith.constant 11 : i32
          %swap3A_408 = arith.index_cast %swap3A_406 : i32 to index
          %swap3A_409 = arith.index_cast %swap3A_407 : i32 to index
          %swap3A_410 = arith.index_cast %mul3A_405 : i32 to index
          %swap3A_411 = tpu.vector_load %arg13[%swap3A_408, %swap3A_409, %swap3A_410] {strides = array<i32>} : memref<2x16x640xf32, #tpu.memory_space<vmem>>, vector<16xf32>,
          tpu.vector_store %arg13[%swap3A_408, %swap3A_409, %swap3A_410], %gather3A_403 {strides = array<i32>} : memref<2x16x640xf32, #tpu.memory_space<vmem>>, vector<16xf32>,
          %broadcast_in_dim3A_412 = arith.constant 12 : i32
          %broadcast_in_dim3A_413 = vector.broadcast %broadcast_in_dim3A_412 : i32 to vector<16xi32>
          %gather3A_414 = arith.constant 0 : i32
          %gather3A_415 = arith.constant 0 : i32
          %gather3A_416 = arith.constant 0 : i32
          %gather3A_417 = tpu.memref_slice %arg12[%gather3A_414, %gather3A_415, %gather3A_416] : memref<2x640x16xf32, #tpu.memory_space<vmem>> -> memref<1x640x16xf32, #tpu.memory_space<vmem>>
          %gather3A_418 = tpu.memref_squeeze %gather3A_417 : memref<1x640x16xf32, #tpu.memory_space<vmem>> -> memref<640x16xf32, #tpu.memory_space<vmem>>
          %gather3A_419 = tpu.vector_load_idx %gather3A_418[%add3A_222, %broadcast_in_dim3A_413] : memref<640x16xf32, #tpu.memory_space<vmem>>[vector<16xi32>, vector<16xi32>], vector<16xf32>,
          %mul3A_420 = arith.constant 16 : i32
          %mul3A_421 = arith.muli %scan3A_218, %mul3A_420 : i32
          %swap3A_422 = arith.constant 0 : i32
          %swap3A_423 = arith.constant 12 : i32
          %swap3A_424 = arith.index_cast %swap3A_422 : i32 to index
          %swap3A_425 = arith.index_cast %swap3A_423 : i32 to index
          %swap3A_426 = arith.index_cast %mul3A_421 : i32 to index
          %swap3A_427 = tpu.vector_load %arg13[%swap3A_424, %swap3A_425, %swap3A_426] {strides = array<i32>} : memref<2x16x640xf32, #tpu.memory_space<vmem>>, vector<16xf32>,
          tpu.vector_store %arg13[%swap3A_424, %swap3A_425, %swap3A_426], %gather3A_419 {strides = array<i32>} : memref<2x16x640xf32, #tpu.memory_space<vmem>>, vector<16xf32>,
          %broadcast_in_dim3A_428 = arith.constant 13 : i32
          %broadcast_in_dim3A_429 = vector.broadcast %broadcast_in_dim3A_428 : i32 to vector<16xi32>
          %gather3A_430 = arith.constant 0 : i32
          %gather3A_431 = arith.constant 0 : i32
          %gather3A_432 = arith.constant 0 : i32
          %gather3A_433 = tpu.memref_slice %arg12[%gather3A_430, %gather3A_431, %gather3A_432] : memref<2x640x16xf32, #tpu.memory_space<vmem>> -> memref<1x640x16xf32, #tpu.memory_space<vmem>>
          %gather3A_434 = tpu.memref_squeeze %gather3A_433 : memref<1x640x16xf32, #tpu.memory_space<vmem>> -> memref<640x16xf32, #tpu.memory_space<vmem>>
          %gather3A_435 = tpu.vector_load_idx %gather3A_434[%add3A_222, %broadcast_in_dim3A_429] : memref<640x16xf32, #tpu.memory_space<vmem>>[vector<16xi32>, vector<16xi32>], vector<16xf32>,
          %mul3A_436 = arith.constant 16 : i32
          %mul3A_437 = arith.muli %scan3A_218, %mul3A_436 : i32
          %swap3A_438 = arith.constant 0 : i32
          %swap3A_439 = arith.constant 13 : i32
          %swap3A_440 = arith.index_cast %swap3A_438 : i32 to index
          %swap3A_441 = arith.index_cast %swap3A_439 : i32 to index
          %swap3A_442 = arith.index_cast %mul3A_437 : i32 to index
          %swap3A_443 = tpu.vector_load %arg13[%swap3A_440, %swap3A_441, %swap3A_442] {strides = array<i32>} : memref<2x16x640xf32, #tpu.memory_space<vmem>>, vector<16xf32>,
          tpu.vector_store %arg13[%swap3A_440, %swap3A_441, %swap3A_442], %gather3A_435 {strides = array<i32>} : memref<2x16x640xf32, #tpu.memory_space<vmem>>, vector<16xf32>,
          %broadcast_in_dim3A_444 = arith.constant 14 : i32
          %broadcast_in_dim3A_445 = vector.broadcast %broadcast_in_dim3A_444 : i32 to vector<16xi32>
          %gather3A_446 = arith.constant 0 : i32
          %gather3A_447 = arith.constant 0 : i32
          %gather3A_448 = arith.constant 0 : i32
          %gather3A_449 = tpu.memref_slice %arg12[%gather3A_446, %gather3A_447, %gather3A_448] : memref<2x640x16xf32, #tpu.memory_space<vmem>> -> memref<1x640x16xf32, #tpu.memory_space<vmem>>
          %gather3A_450 = tpu.memref_squeeze %gather3A_449 : memref<1x640x16xf32, #tpu.memory_space<vmem>> -> memref<640x16xf32, #tpu.memory_space<vmem>>
          %gather3A_451 = tpu.vector_load_idx %gather3A_450[%add3A_222, %broadcast_in_dim3A_445] : memref<640x16xf32, #tpu.memory_space<vmem>>[vector<16xi32>, vector<16xi32>], vector<16xf32>,
          %mul3A_452 = arith.constant 16 : i32
          %mul3A_453 = arith.muli %scan3A_218, %mul3A_452 : i32
          %swap3A_454 = arith.constant 0 : i32
          %swap3A_455 = arith.constant 14 : i32
          %swap3A_456 = arith.index_cast %swap3A_454 : i32 to index
          %swap3A_457 = arith.index_cast %swap3A_455 : i32 to index
          %swap3A_458 = arith.index_cast %mul3A_453 : i32 to index
          %swap3A_459 = tpu.vector_load %arg13[%swap3A_456, %swap3A_457, %swap3A_458] {strides = array<i32>} : memref<2x16x640xf32, #tpu.memory_space<vmem>>, vector<16xf32>,
          tpu.vector_store %arg13[%swap3A_456, %swap3A_457, %swap3A_458], %gather3A_451 {strides = array<i32>} : memref<2x16x640xf32, #tpu.memory_space<vmem>>, vector<16xf32>,
          %broadcast_in_dim3A_460 = arith.constant 15 : i32
          %broadcast_in_dim3A_461 = vector.broadcast %broadcast_in_dim3A_460 : i32 to vector<16xi32>
          %gather3A_462 = arith.constant 0 : i32
          %gather3A_463 = arith.constant 0 : i32
          %gather3A_464 = arith.constant 0 : i32
          %gather3A_465 = tpu.memref_slice %arg12[%gather3A_462, %gather3A_463, %gather3A_464] : memref<2x640x16xf32, #tpu.memory_space<vmem>> -> memref<1x640x16xf32, #tpu.memory_space<vmem>>
          %gather3A_466 = tpu.memref_squeeze %gather3A_465 : memref<1x640x16xf32, #tpu.memory_space<vmem>> -> memref<640x16xf32, #tpu.memory_space<vmem>>
          %gather3A_467 = tpu.vector_load_idx %gather3A_466[%add3A_222, %broadcast_in_dim3A_461] : memref<640x16xf32, #tpu.memory_space<vmem>>[vector<16xi32>, vector<16xi32>], vector<16xf32>,
          %mul3A_468 = arith.constant 16 : i32
          %mul3A_469 = arith.muli %scan3A_218, %mul3A_468 : i32
          %swap3A_470 = arith.constant 0 : i32
          %swap3A_471 = arith.constant 15 : i32
          %swap3A_472 = arith.index_cast %swap3A_470 : i32 to index
          %swap3A_473 = arith.index_cast %swap3A_471 : i32 to index
          %swap3A_474 = arith.index_cast %mul3A_469 : i32 to index
          %swap3A_475 = tpu.vector_load %arg13[%swap3A_472, %swap3A_473, %swap3A_474] {strides = array<i32>} : memref<2x16x640xf32, #tpu.memory_space<vmem>>, vector<16xf32>,
          tpu.vector_store %arg13[%swap3A_472, %swap3A_473, %swap3A_474], %gather3A_467 {strides = array<i32>} : memref<2x16x640xf32, #tpu.memory_space<vmem>>, vector<16xf32>,
        }
        %scan3A_200 = arith.constant 40 : i32
        %mul3A_201 = arith.constant 16 : i32
        %mul3A_202 = arith.muli %select_n3A_38, %mul3A_201 : i32
        %add3A_203 = arith.constant 0 : i32
        %add3A_204 = arith.addi %mul3A_0, %add3A_203 : i32
        %dma_start3A_205 = arith.constant 0 : i32
        %dma_start3A_206 = arith.constant 0 : i32
        %dma_start3A_207 = arith.constant 0 : i32
        %dma_start3A_208 = tpu.memref_slice %arg13[%dma_start3A_205, %dma_start3A_206, %dma_start3A_207] : memref<2x16x640xf32, #tpu.memory_space<vmem>> -> memref<1x16x640xf32, #tpu.memory_space<vmem>>
        %dma_start3A_209 = tpu.memref_squeeze %dma_start3A_208 : memref<1x16x640xf32, #tpu.memory_space<vmem>> -> memref<16x640xf32, #tpu.memory_space<vmem>>
        %dma_start3A_210 = tpu.memref_slice %arg6[%add3A, %mul3A_202, %add3A_204] : memref<4x64x40000xf32, #tpu.memory_space<hbm>> -> memref<1x16x640xf32, #tpu.memory_space<hbm>>
        %dma_start3A_211 = tpu.memref_squeeze %dma_start3A_210 : memref<1x16x640xf32, #tpu.memory_space<hbm>> -> memref<16x640xf32, #tpu.memory_space<hbm>>
        %dma_start3A_212 = tpu.memref_slice %arg6[%add3A, %mul3A_202, %add3A_204] : memref<4x64x40000xf32, #tpu.memory_space<hbm>> -> memref<1x16x640xf32, #tpu.memory_space<hbm>>
        %dma_start3A_213 = tpu.memref_squeeze %dma_start3A_212 : memref<1x16x640xf32, #tpu.memory_space<hbm>> -> memref<16x640xf32, #tpu.memory_space<hbm>>
        %dma_start3A_214 = arith.constant 0 : i32
        %dma_start3A_215 = arith.constant 0 : i32
        %dma_start3A_216 = tpu.memref_slice %arg13[%dma_start3A_205, %dma_start3A_214, %dma_start3A_215] : memref<2x16x640xf32, #tpu.memory_space<vmem>> -> memref<1x16x640xf32, #tpu.memory_space<vmem>>
        %dma_start3A_217 = tpu.memref_squeeze %dma_start3A_216 : memref<1x16x640xf32, #tpu.memory_space<vmem>> -> memref<16x640xf32, #tpu.memory_space<vmem>>
        tpu.enqueue_dma source(%dma_start3A_217 : memref<16x640xf32, #tpu.memory_space<vmem>>) target(%dma_start3A_213 : memref<16x640xf32, #tpu.memory_space<hbm>>) target_semaphore(%arg17 : memref<!tpu.dma_semaphore, #tpu.memory_space<semaphore_mem>>)
      } else {
      }
      %add3A_117 = arith.constant 1280 : i32
      %add3A_118 = arith.addi %mul3A_0, %add3A_117 : i32
      %le3A_119 = arith.constant 40000 : i32
      %le3A_120 = arith.cmpi sle, %add3A_118, %le3A_119 : i32
      %convert_element_type3A_121 = arith.extui %le3A_120 : i1 to i32
      %cond3A_122 = arith.constant 0 : i32
      %cond3A_123 = arith.cmpi ne, %convert_element_type3A_121, %cond3A_122 : i32
      scf.if %cond3A_123 {
        %add3A_158 = arith.constant 640 : i32
        %add3A_159 = arith.addi %mul3A_0, %add3A_158 : i32
        %dma_wait3A_160 = arith.constant 1 : i32
        %dma_wait3A_161 = arith.constant 0 : i32
        %dma_wait3A_162 = arith.constant 0 : i32
        %dma_wait3A_163 = tpu.memref_slice %arg12[%dma_wait3A_160, %dma_wait3A_161, %dma_wait3A_162] : memref<2x640x16xf32, #tpu.memory_space<vmem>> -> memref<1x640x16xf32, #tpu.memory_space<vmem>>
        %dma_wait3A_164 = tpu.memref_squeeze %dma_wait3A_163 : memref<1x640x16xf32, #tpu.memory_space<vmem>> -> memref<640x16xf32, #tpu.memory_space<vmem>>
        %dma_wait3A_165 = arith.constant 0 : i32
        %dma_wait3A_166 = tpu.memref_slice %arg18[%add3A_159, %dma_wait3A_165] : memref<40960x16xf32, #tpu.memory_space<vmem_shared>> -> memref<640x16xf32, #tpu.memory_space<vmem_shared>>
        %dma_wait3A_167 = arith.constant 0 : i32
        %dma_wait3A_168 = arith.constant 0 : i32
        %dma_wait3A_169 = tpu.memref_slice %arg12[%dma_wait3A_160, %dma_wait3A_167, %dma_wait3A_168] : memref<2x640x16xf32, #tpu.memory_space<vmem>> -> memref<1x640x16xf32, #tpu.memory_space<vmem>>
        %dma_wait3A_170 = tpu.memref_squeeze %dma_wait3A_169 : memref<1x640x16xf32, #tpu.memory_space<vmem>> -> memref<640x16xf32, #tpu.memory_space<vmem>>
        %dma_wait3A_171 = arith.constant 0 : i32
        %dma_wait3A_172 = tpu.memref_slice %arg18[%add3A_159, %dma_wait3A_171] : memref<40960x16xf32, #tpu.memory_space<vmem_shared>> -> memref<640x16xf32, #tpu.memory_space<vmem_shared>>
        tpu.wait_dma2 semaphore(%arg16 : memref<!tpu.dma_semaphore, #tpu.memory_space<semaphore_mem>>) src(%dma_wait3A_172 : memref<640x16xf32, #tpu.memory_space<vmem_shared>>) dst(%dma_wait3A_170 : memref<640x16xf32, #tpu.memory_space<vmem>>)
        %add3A_173 = arith.constant 1920 : i32
        %add3A_174 = arith.addi %mul3A_0, %add3A_173 : i32
        %le3A_175 = arith.constant 40000 : i32
        %le3A_176 = arith.cmpi sle, %add3A_174, %le3A_175 : i32
        %convert_element_type3A_177 = arith.extui %le3A_176 : i1 to i32
        %cond3A_178 = arith.constant 0 : i32
        %cond3A_179 = arith.cmpi ne, %convert_element_type3A_177, %cond3A_178 : i32
        scf.if %cond3A_179 {
          %add3A_203 = arith.constant 1280 : i32
          %add3A_204 = arith.addi %mul3A_0, %add3A_203 : i32
          %dma_start3A_205 = arith.constant 0 : i32
          %dma_start3A_206 = arith.constant 0 : i32
          %dma_start3A_207 = arith.constant 0 : i32
          %dma_start3A_208 = tpu.memref_slice %arg12[%dma_start3A_205, %dma_start3A_206, %dma_start3A_207] : memref<2x640x16xf32, #tpu.memory_space<vmem>> -> memref<1x640x16xf32, #tpu.memory_space<vmem>>
          %dma_start3A_209 = tpu.memref_squeeze %dma_start3A_208 : memref<1x640x16xf32, #tpu.memory_space<vmem>> -> memref<640x16xf32, #tpu.memory_space<vmem>>
          %dma_start3A_210 = arith.constant 0 : i32
          %dma_start3A_211 = tpu.memref_slice %arg18[%add3A_204, %dma_start3A_210] : memref<40960x16xf32, #tpu.memory_space<vmem_shared>> -> memref<640x16xf32, #tpu.memory_space<vmem_shared>>
          %dma_start3A_212 = arith.constant 0 : i32
          %dma_start3A_213 = arith.constant 0 : i32
          %dma_start3A_214 = tpu.memref_slice %arg12[%dma_start3A_205, %dma_start3A_212, %dma_start3A_213] : memref<2x640x16xf32, #tpu.memory_space<vmem>> -> memref<1x640x16xf32, #tpu.memory_space<vmem>>
          %dma_start3A_215 = tpu.memref_squeeze %dma_start3A_214 : memref<1x640x16xf32, #tpu.memory_space<vmem>> -> memref<640x16xf32, #tpu.memory_space<vmem>>
          %dma_start3A_216 = arith.constant 0 : i32
          %dma_start3A_217 = tpu.memref_slice %arg18[%add3A_204, %dma_start3A_216] : memref<40960x16xf32, #tpu.memory_space<vmem_shared>> -> memref<640x16xf32, #tpu.memory_space<vmem_shared>>
          tpu.enqueue_dma source(%dma_start3A_217 : memref<640x16xf32, #tpu.memory_space<vmem_shared>>) target(%dma_start3A_215 : memref<640x16xf32, #tpu.memory_space<vmem>>) target_semaphore(%arg16 : memref<!tpu.dma_semaphore, #tpu.memory_space<semaphore_mem>>)
        } else {
        }
        %scan3A_180 = arith.constant 0 : i32
        %scan3A_181 = arith.constant 0 : i32
        %scan3A_182 = arith.constant 40 : i32
        %scan3A_183 = arith.addi %scan3A_181, %scan3A_182 : i32
        %scan3A_184 = arith.constant 1 : i32
        scf.for %scan3A_203 = %scan3A_181 to %scan3A_183 step %scan3A_184  : i32 {
          %mul3A_204 = arith.constant 16 : i32
          %mul3A_205 = arith.muli %scan3A_203, %mul3A_204 : i32
          %add3A_206 = vector.broadcast %mul3A_205 : i32 to vector<16xi32>
          %add3A_207 = arith.addi %add3A_206, %iota3A : vector<16xi32>
          %broadcast_in_dim3A = arith.constant 0 : i32
          %broadcast_in_dim3A_208 = vector.broadcast %broadcast_in_dim3A : i32 to vector<16xi32>
          %gather3A = arith.constant 1 : i32
          %gather3A_209 = arith.constant 0 : i32
          %gather3A_210 = arith.constant 0 : i32
          %gather3A_211 = tpu.memref_slice %arg12[%gather3A, %gather3A_209, %gather3A_210] : memref<2x640x16xf32, #tpu.memory_space<vmem>> -> memref<1x640x16xf32, #tpu.memory_space<vmem>>
          %gather3A_212 = tpu.memref_squeeze %gather3A_211 : memref<1x640x16xf32, #tpu.memory_space<vmem>> -> memref<640x16xf32, #tpu.memory_space<vmem>>
          %gather3A_213 = tpu.vector_load_idx %gather3A_212[%add3A_207, %broadcast_in_dim3A_208] : memref<640x16xf32, #tpu.memory_space<vmem>>[vector<16xi32>, vector<16xi32>], vector<16xf32>,
          %mul3A_214 = arith.constant 16 : i32
          %mul3A_215 = arith.muli %scan3A_203, %mul3A_214 : i32
          %swap3A = arith.constant 1 : i32
          %swap3A_216 = arith.constant 0 : i32
          %swap3A_217 = arith.index_cast %swap3A : i32 to index
          %swap3A_218 = arith.index_cast %swap3A_216 : i32 to index
          %swap3A_219 = arith.index_cast %mul3A_215 : i32 to index
          %swap3A_220 = tpu.vector_load %arg13[%swap3A_217, %swap3A_218, %swap3A_219] {strides = array<i32>} : memref<2x16x640xf32, #tpu.memory_space<vmem>>, vector<16xf32>,
          tpu.vector_store %arg13[%swap3A_217, %swap3A_218, %swap3A_219], %gather3A_213 {strides = array<i32>} : memref<2x16x640xf32, #tpu.memory_space<vmem>>, vector<16xf32>,
          %broadcast_in_dim3A_221 = arith.constant 1 : i32
          %broadcast_in_dim3A_222 = vector.broadcast %broadcast_in_dim3A_221 : i32 to vector<16xi32>
          %gather3A_223 = arith.constant 1 : i32
          %gather3A_224 = arith.constant 0 : i32
          %gather3A_225 = arith.constant 0 : i32
          %gather3A_226 = tpu.memref_slice %arg12[%gather3A_223, %gather3A_224, %gather3A_225] : memref<2x640x16xf32, #tpu.memory_space<vmem>> -> memref<1x640x16xf32, #tpu.memory_space<vmem>>
          %gather3A_227 = tpu.memref_squeeze %gather3A_226 : memref<1x640x16xf32, #tpu.memory_space<vmem>> -> memref<640x16xf32, #tpu.memory_space<vmem>>
          %gather3A_228 = tpu.vector_load_idx %gather3A_227[%add3A_207, %broadcast_in_dim3A_222] : memref<640x16xf32, #tpu.memory_space<vmem>>[vector<16xi32>, vector<16xi32>], vector<16xf32>,
          %mul3A_229 = arith.constant 16 : i32
          %mul3A_230 = arith.muli %scan3A_203, %mul3A_229 : i32
          %swap3A_231 = arith.constant 1 : i32
          %swap3A_232 = arith.constant 1 : i32
          %swap3A_233 = arith.index_cast %swap3A_231 : i32 to index
          %swap3A_234 = arith.index_cast %swap3A_232 : i32 to index
          %swap3A_235 = arith.index_cast %mul3A_230 : i32 to index
          %swap3A_236 = tpu.vector_load %arg13[%swap3A_233, %swap3A_234, %swap3A_235] {strides = array<i32>} : memref<2x16x640xf32, #tpu.memory_space<vmem>>, vector<16xf32>,
          tpu.vector_store %arg13[%swap3A_233, %swap3A_234, %swap3A_235], %gather3A_228 {strides = array<i32>} : memref<2x16x640xf32, #tpu.memory_space<vmem>>, vector<16xf32>,
          %broadcast_in_dim3A_237 = arith.constant 2 : i32
          %broadcast_in_dim3A_238 = vector.broadcast %broadcast_in_dim3A_237 : i32 to vector<16xi32>
          %gather3A_239 = arith.constant 1 : i32
          %gather3A_240 = arith.constant 0 : i32
          %gather3A_241 = arith.constant 0 : i32
          %gather3A_242 = tpu.memref_slice %arg12[%gather3A_239, %gather3A_240, %gather3A_241] : memref<2x640x16xf32, #tpu.memory_space<vmem>> -> memref<1x640x16xf32, #tpu.memory_space<vmem>>
          %gather3A_243 = tpu.memref_squeeze %gather3A_242 : memref<1x640x16xf32, #tpu.memory_space<vmem>> -> memref<640x16xf32, #tpu.memory_space<vmem>>
          %gather3A_244 = tpu.vector_load_idx %gather3A_243[%add3A_207, %broadcast_in_dim3A_238] : memref<640x16xf32, #tpu.memory_space<vmem>>[vector<16xi32>, vector<16xi32>], vector<16xf32>,
          %mul3A_245 = arith.constant 16 : i32
          %mul3A_246 = arith.muli %scan3A_203, %mul3A_245 : i32
          %swap3A_247 = arith.constant 1 : i32
          %swap3A_248 = arith.constant 2 : i32
          %swap3A_249 = arith.index_cast %swap3A_247 : i32 to index
          %swap3A_250 = arith.index_cast %swap3A_248 : i32 to index
          %swap3A_251 = arith.index_cast %mul3A_246 : i32 to index
          %swap3A_252 = tpu.vector_load %arg13[%swap3A_249, %swap3A_250, %swap3A_251] {strides = array<i32>} : memref<2x16x640xf32, #tpu.memory_space<vmem>>, vector<16xf32>,
          tpu.vector_store %arg13[%swap3A_249, %swap3A_250, %swap3A_251], %gather3A_244 {strides = array<i32>} : memref<2x16x640xf32, #tpu.memory_space<vmem>>, vector<16xf32>,
          %broadcast_in_dim3A_253 = arith.constant 3 : i32
          %broadcast_in_dim3A_254 = vector.broadcast %broadcast_in_dim3A_253 : i32 to vector<16xi32>
          %gather3A_255 = arith.constant 1 : i32
          %gather3A_256 = arith.constant 0 : i32
          %gather3A_257 = arith.constant 0 : i32
          %gather3A_258 = tpu.memref_slice %arg12[%gather3A_255, %gather3A_256, %gather3A_257] : memref<2x640x16xf32, #tpu.memory_space<vmem>> -> memref<1x640x16xf32, #tpu.memory_space<vmem>>
          %gather3A_259 = tpu.memref_squeeze %gather3A_258 : memref<1x640x16xf32, #tpu.memory_space<vmem>> -> memref<640x16xf32, #tpu.memory_space<vmem>>
          %gather3A_260 = tpu.vector_load_idx %gather3A_259[%add3A_207, %broadcast_in_dim3A_254] : memref<640x16xf32, #tpu.memory_space<vmem>>[vector<16xi32>, vector<16xi32>], vector<16xf32>,
          %mul3A_261 = arith.constant 16 : i32
          %mul3A_262 = arith.muli %scan3A_203, %mul3A_261 : i32
          %swap3A_263 = arith.constant 1 : i32
          %swap3A_264 = arith.constant 3 : i32
          %swap3A_265 = arith.index_cast %swap3A_263 : i32 to index
          %swap3A_266 = arith.index_cast %swap3A_264 : i32 to index
          %swap3A_267 = arith.index_cast %mul3A_262 : i32 to index
          %swap3A_268 = tpu.vector_load %arg13[%swap3A_265, %swap3A_266, %swap3A_267] {strides = array<i32>} : memref<2x16x640xf32, #tpu.memory_space<vmem>>, vector<16xf32>,
          tpu.vector_store %arg13[%swap3A_265, %swap3A_266, %swap3A_267], %gather3A_260 {strides = array<i32>} : memref<2x16x640xf32, #tpu.memory_space<vmem>>, vector<16xf32>,
          %broadcast_in_dim3A_269 = arith.constant 4 : i32
          %broadcast_in_dim3A_270 = vector.broadcast %broadcast_in_dim3A_269 : i32 to vector<16xi32>
          %gather3A_271 = arith.constant 1 : i32
          %gather3A_272 = arith.constant 0 : i32
          %gather3A_273 = arith.constant 0 : i32
          %gather3A_274 = tpu.memref_slice %arg12[%gather3A_271, %gather3A_272, %gather3A_273] : memref<2x640x16xf32, #tpu.memory_space<vmem>> -> memref<1x640x16xf32, #tpu.memory_space<vmem>>
          %gather3A_275 = tpu.memref_squeeze %gather3A_274 : memref<1x640x16xf32, #tpu.memory_space<vmem>> -> memref<640x16xf32, #tpu.memory_space<vmem>>
          %gather3A_276 = tpu.vector_load_idx %gather3A_275[%add3A_207, %broadcast_in_dim3A_270] : memref<640x16xf32, #tpu.memory_space<vmem>>[vector<16xi32>, vector<16xi32>], vector<16xf32>,
          %mul3A_277 = arith.constant 16 : i32
          %mul3A_278 = arith.muli %scan3A_203, %mul3A_277 : i32
          %swap3A_279 = arith.constant 1 : i32
          %swap3A_280 = arith.constant 4 : i32
          %swap3A_281 = arith.index_cast %swap3A_279 : i32 to index
          %swap3A_282 = arith.index_cast %swap3A_280 : i32 to index
          %swap3A_283 = arith.index_cast %mul3A_278 : i32 to index
          %swap3A_284 = tpu.vector_load %arg13[%swap3A_281, %swap3A_282, %swap3A_283] {strides = array<i32>} : memref<2x16x640xf32, #tpu.memory_space<vmem>>, vector<16xf32>,
          tpu.vector_store %arg13[%swap3A_281, %swap3A_282, %swap3A_283], %gather3A_276 {strides = array<i32>} : memref<2x16x640xf32, #tpu.memory_space<vmem>>, vector<16xf32>,
          %broadcast_in_dim3A_285 = arith.constant 5 : i32
          %broadcast_in_dim3A_286 = vector.broadcast %broadcast_in_dim3A_285 : i32 to vector<16xi32>
          %gather3A_287 = arith.constant 1 : i32
          %gather3A_288 = arith.constant 0 : i32
          %gather3A_289 = arith.constant 0 : i32
          %gather3A_290 = tpu.memref_slice %arg12[%gather3A_287, %gather3A_288, %gather3A_289] : memref<2x640x16xf32, #tpu.memory_space<vmem>> -> memref<1x640x16xf32, #tpu.memory_space<vmem>>
          %gather3A_291 = tpu.memref_squeeze %gather3A_290 : memref<1x640x16xf32, #tpu.memory_space<vmem>> -> memref<640x16xf32, #tpu.memory_space<vmem>>
          %gather3A_292 = tpu.vector_load_idx %gather3A_291[%add3A_207, %broadcast_in_dim3A_286] : memref<640x16xf32, #tpu.memory_space<vmem>>[vector<16xi32>, vector<16xi32>], vector<16xf32>,
          %mul3A_293 = arith.constant 16 : i32
          %mul3A_294 = arith.muli %scan3A_203, %mul3A_293 : i32
          %swap3A_295 = arith.constant 1 : i32
          %swap3A_296 = arith.constant 5 : i32
          %swap3A_297 = arith.index_cast %swap3A_295 : i32 to index
          %swap3A_298 = arith.index_cast %swap3A_296 : i32 to index
          %swap3A_299 = arith.index_cast %mul3A_294 : i32 to index
          %swap3A_300 = tpu.vector_load %arg13[%swap3A_297, %swap3A_298, %swap3A_299] {strides = array<i32>} : memref<2x16x640xf32, #tpu.memory_space<vmem>>, vector<16xf32>,
          tpu.vector_store %arg13[%swap3A_297, %swap3A_298, %swap3A_299], %gather3A_292 {strides = array<i32>} : memref<2x16x640xf32, #tpu.memory_space<vmem>>, vector<16xf32>,
          %broadcast_in_dim3A_301 = arith.constant 6 : i32
          %broadcast_in_dim3A_302 = vector.broadcast %broadcast_in_dim3A_301 : i32 to vector<16xi32>
          %gather3A_303 = arith.constant 1 : i32
          %gather3A_304 = arith.constant 0 : i32
          %gather3A_305 = arith.constant 0 : i32
          %gather3A_306 = tpu.memref_slice %arg12[%gather3A_303, %gather3A_304, %gather3A_305] : memref<2x640x16xf32, #tpu.memory_space<vmem>> -> memref<1x640x16xf32, #tpu.memory_space<vmem>>
          %gather3A_307 = tpu.memref_squeeze %gather3A_306 : memref<1x640x16xf32, #tpu.memory_space<vmem>> -> memref<640x16xf32, #tpu.memory_space<vmem>>
          %gather3A_308 = tpu.vector_load_idx %gather3A_307[%add3A_207, %broadcast_in_dim3A_302] : memref<640x16xf32, #tpu.memory_space<vmem>>[vector<16xi32>, vector<16xi32>], vector<16xf32>,
          %mul3A_309 = arith.constant 16 : i32
          %mul3A_310 = arith.muli %scan3A_203, %mul3A_309 : i32
          %swap3A_311 = arith.constant 1 : i32
          %swap3A_312 = arith.constant 6 : i32
          %swap3A_313 = arith.index_cast %swap3A_311 : i32 to index
          %swap3A_314 = arith.index_cast %swap3A_312 : i32 to index
          %swap3A_315 = arith.index_cast %mul3A_310 : i32 to index
          %swap3A_316 = tpu.vector_load %arg13[%swap3A_313, %swap3A_314, %swap3A_315] {strides = array<i32>} : memref<2x16x640xf32, #tpu.memory_space<vmem>>, vector<16xf32>,
          tpu.vector_store %arg13[%swap3A_313, %swap3A_314, %swap3A_315], %gather3A_308 {strides = array<i32>} : memref<2x16x640xf32, #tpu.memory_space<vmem>>, vector<16xf32>,
          %broadcast_in_dim3A_317 = arith.constant 7 : i32
          %broadcast_in_dim3A_318 = vector.broadcast %broadcast_in_dim3A_317 : i32 to vector<16xi32>
          %gather3A_319 = arith.constant 1 : i32
          %gather3A_320 = arith.constant 0 : i32
          %gather3A_321 = arith.constant 0 : i32
          %gather3A_322 = tpu.memref_slice %arg12[%gather3A_319, %gather3A_320, %gather3A_321] : memref<2x640x16xf32, #tpu.memory_space<vmem>> -> memref<1x640x16xf32, #tpu.memory_space<vmem>>
          %gather3A_323 = tpu.memref_squeeze %gather3A_322 : memref<1x640x16xf32, #tpu.memory_space<vmem>> -> memref<640x16xf32, #tpu.memory_space<vmem>>
          %gather3A_324 = tpu.vector_load_idx %gather3A_323[%add3A_207, %broadcast_in_dim3A_318] : memref<640x16xf32, #tpu.memory_space<vmem>>[vector<16xi32>, vector<16xi32>], vector<16xf32>,
          %mul3A_325 = arith.constant 16 : i32
          %mul3A_326 = arith.muli %scan3A_203, %mul3A_325 : i32
          %swap3A_327 = arith.constant 1 : i32
          %swap3A_328 = arith.constant 7 : i32
          %swap3A_329 = arith.index_cast %swap3A_327 : i32 to index
          %swap3A_330 = arith.index_cast %swap3A_328 : i32 to index
          %swap3A_331 = arith.index_cast %mul3A_326 : i32 to index
          %swap3A_332 = tpu.vector_load %arg13[%swap3A_329, %swap3A_330, %swap3A_331] {strides = array<i32>} : memref<2x16x640xf32, #tpu.memory_space<vmem>>, vector<16xf32>,
          tpu.vector_store %arg13[%swap3A_329, %swap3A_330, %swap3A_331], %gather3A_324 {strides = array<i32>} : memref<2x16x640xf32, #tpu.memory_space<vmem>>, vector<16xf32>,
          %broadcast_in_dim3A_333 = arith.constant 8 : i32
          %broadcast_in_dim3A_334 = vector.broadcast %broadcast_in_dim3A_333 : i32 to vector<16xi32>
          %gather3A_335 = arith.constant 1 : i32
          %gather3A_336 = arith.constant 0 : i32
          %gather3A_337 = arith.constant 0 : i32
          %gather3A_338 = tpu.memref_slice %arg12[%gather3A_335, %gather3A_336, %gather3A_337] : memref<2x640x16xf32, #tpu.memory_space<vmem>> -> memref<1x640x16xf32, #tpu.memory_space<vmem>>
          %gather3A_339 = tpu.memref_squeeze %gather3A_338 : memref<1x640x16xf32, #tpu.memory_space<vmem>> -> memref<640x16xf32, #tpu.memory_space<vmem>>
          %gather3A_340 = tpu.vector_load_idx %gather3A_339[%add3A_207, %broadcast_in_dim3A_334] : memref<640x16xf32, #tpu.memory_space<vmem>>[vector<16xi32>, vector<16xi32>], vector<16xf32>,
          %mul3A_341 = arith.constant 16 : i32
          %mul3A_342 = arith.muli %scan3A_203, %mul3A_341 : i32
          %swap3A_343 = arith.constant 1 : i32
          %swap3A_344 = arith.constant 8 : i32
          %swap3A_345 = arith.index_cast %swap3A_343 : i32 to index
          %swap3A_346 = arith.index_cast %swap3A_344 : i32 to index
          %swap3A_347 = arith.index_cast %mul3A_342 : i32 to index
          %swap3A_348 = tpu.vector_load %arg13[%swap3A_345, %swap3A_346, %swap3A_347] {strides = array<i32>} : memref<2x16x640xf32, #tpu.memory_space<vmem>>, vector<16xf32>,
          tpu.vector_store %arg13[%swap3A_345, %swap3A_346, %swap3A_347], %gather3A_340 {strides = array<i32>} : memref<2x16x640xf32, #tpu.memory_space<vmem>>, vector<16xf32>,
          %broadcast_in_dim3A_349 = arith.constant 9 : i32
          %broadcast_in_dim3A_350 = vector.broadcast %broadcast_in_dim3A_349 : i32 to vector<16xi32>
          %gather3A_351 = arith.constant 1 : i32
          %gather3A_352 = arith.constant 0 : i32
          %gather3A_353 = arith.constant 0 : i32
          %gather3A_354 = tpu.memref_slice %arg12[%gather3A_351, %gather3A_352, %gather3A_353] : memref<2x640x16xf32, #tpu.memory_space<vmem>> -> memref<1x640x16xf32, #tpu.memory_space<vmem>>
          %gather3A_355 = tpu.memref_squeeze %gather3A_354 : memref<1x640x16xf32, #tpu.memory_space<vmem>> -> memref<640x16xf32, #tpu.memory_space<vmem>>
          %gather3A_356 = tpu.vector_load_idx %gather3A_355[%add3A_207, %broadcast_in_dim3A_350] : memref<640x16xf32, #tpu.memory_space<vmem>>[vector<16xi32>, vector<16xi32>], vector<16xf32>,
          %mul3A_357 = arith.constant 16 : i32
          %mul3A_358 = arith.muli %scan3A_203, %mul3A_357 : i32
          %swap3A_359 = arith.constant 1 : i32
          %swap3A_360 = arith.constant 9 : i32
          %swap3A_361 = arith.index_cast %swap3A_359 : i32 to index
          %swap3A_362 = arith.index_cast %swap3A_360 : i32 to index
          %swap3A_363 = arith.index_cast %mul3A_358 : i32 to index
          %swap3A_364 = tpu.vector_load %arg13[%swap3A_361, %swap3A_362, %swap3A_363] {strides = array<i32>} : memref<2x16x640xf32, #tpu.memory_space<vmem>>, vector<16xf32>,
          tpu.vector_store %arg13[%swap3A_361, %swap3A_362, %swap3A_363], %gather3A_356 {strides = array<i32>} : memref<2x16x640xf32, #tpu.memory_space<vmem>>, vector<16xf32>,
          %broadcast_in_dim3A_365 = arith.constant 10 : i32
          %broadcast_in_dim3A_366 = vector.broadcast %broadcast_in_dim3A_365 : i32 to vector<16xi32>
          %gather3A_367 = arith.constant 1 : i32
          %gather3A_368 = arith.constant 0 : i32
          %gather3A_369 = arith.constant 0 : i32
          %gather3A_370 = tpu.memref_slice %arg12[%gather3A_367, %gather3A_368, %gather3A_369] : memref<2x640x16xf32, #tpu.memory_space<vmem>> -> memref<1x640x16xf32, #tpu.memory_space<vmem>>
          %gather3A_371 = tpu.memref_squeeze %gather3A_370 : memref<1x640x16xf32, #tpu.memory_space<vmem>> -> memref<640x16xf32, #tpu.memory_space<vmem>>
          %gather3A_372 = tpu.vector_load_idx %gather3A_371[%add3A_207, %broadcast_in_dim3A_366] : memref<640x16xf32, #tpu.memory_space<vmem>>[vector<16xi32>, vector<16xi32>], vector<16xf32>,
          %mul3A_373 = arith.constant 16 : i32
          %mul3A_374 = arith.muli %scan3A_203, %mul3A_373 : i32
          %swap3A_375 = arith.constant 1 : i32
          %swap3A_376 = arith.constant 10 : i32
          %swap3A_377 = arith.index_cast %swap3A_375 : i32 to index
          %swap3A_378 = arith.index_cast %swap3A_376 : i32 to index
          %swap3A_379 = arith.index_cast %mul3A_374 : i32 to index
          %swap3A_380 = tpu.vector_load %arg13[%swap3A_377, %swap3A_378, %swap3A_379] {strides = array<i32>} : memref<2x16x640xf32, #tpu.memory_space<vmem>>, vector<16xf32>,
          tpu.vector_store %arg13[%swap3A_377, %swap3A_378, %swap3A_379], %gather3A_372 {strides = array<i32>} : memref<2x16x640xf32, #tpu.memory_space<vmem>>, vector<16xf32>,
          %broadcast_in_dim3A_381 = arith.constant 11 : i32
          %broadcast_in_dim3A_382 = vector.broadcast %broadcast_in_dim3A_381 : i32 to vector<16xi32>
          %gather3A_383 = arith.constant 1 : i32
          %gather3A_384 = arith.constant 0 : i32
          %gather3A_385 = arith.constant 0 : i32
          %gather3A_386 = tpu.memref_slice %arg12[%gather3A_383, %gather3A_384, %gather3A_385] : memref<2x640x16xf32, #tpu.memory_space<vmem>> -> memref<1x640x16xf32, #tpu.memory_space<vmem>>
          %gather3A_387 = tpu.memref_squeeze %gather3A_386 : memref<1x640x16xf32, #tpu.memory_space<vmem>> -> memref<640x16xf32, #tpu.memory_space<vmem>>
          %gather3A_388 = tpu.vector_load_idx %gather3A_387[%add3A_207, %broadcast_in_dim3A_382] : memref<640x16xf32, #tpu.memory_space<vmem>>[vector<16xi32>, vector<16xi32>], vector<16xf32>,
          %mul3A_389 = arith.constant 16 : i32
          %mul3A_390 = arith.muli %scan3A_203, %mul3A_389 : i32
          %swap3A_391 = arith.constant 1 : i32
          %swap3A_392 = arith.constant 11 : i32
          %swap3A_393 = arith.index_cast %swap3A_391 : i32 to index
          %swap3A_394 = arith.index_cast %swap3A_392 : i32 to index
          %swap3A_395 = arith.index_cast %mul3A_390 : i32 to index
          %swap3A_396 = tpu.vector_load %arg13[%swap3A_393, %swap3A_394, %swap3A_395] {strides = array<i32>} : memref<2x16x640xf32, #tpu.memory_space<vmem>>, vector<16xf32>,
          tpu.vector_store %arg13[%swap3A_393, %swap3A_394, %swap3A_395], %gather3A_388 {strides = array<i32>} : memref<2x16x640xf32, #tpu.memory_space<vmem>>, vector<16xf32>,
          %broadcast_in_dim3A_397 = arith.constant 12 : i32
          %broadcast_in_dim3A_398 = vector.broadcast %broadcast_in_dim3A_397 : i32 to vector<16xi32>
          %gather3A_399 = arith.constant 1 : i32
          %gather3A_400 = arith.constant 0 : i32
          %gather3A_401 = arith.constant 0 : i32
          %gather3A_402 = tpu.memref_slice %arg12[%gather3A_399, %gather3A_400, %gather3A_401] : memref<2x640x16xf32, #tpu.memory_space<vmem>> -> memref<1x640x16xf32, #tpu.memory_space<vmem>>
          %gather3A_403 = tpu.memref_squeeze %gather3A_402 : memref<1x640x16xf32, #tpu.memory_space<vmem>> -> memref<640x16xf32, #tpu.memory_space<vmem>>
          %gather3A_404 = tpu.vector_load_idx %gather3A_403[%add3A_207, %broadcast_in_dim3A_398] : memref<640x16xf32, #tpu.memory_space<vmem>>[vector<16xi32>, vector<16xi32>], vector<16xf32>,
          %mul3A_405 = arith.constant 16 : i32
          %mul3A_406 = arith.muli %scan3A_203, %mul3A_405 : i32
          %swap3A_407 = arith.constant 1 : i32
          %swap3A_408 = arith.constant 12 : i32
          %swap3A_409 = arith.index_cast %swap3A_407 : i32 to index
          %swap3A_410 = arith.index_cast %swap3A_408 : i32 to index
          %swap3A_411 = arith.index_cast %mul3A_406 : i32 to index
          %swap3A_412 = tpu.vector_load %arg13[%swap3A_409, %swap3A_410, %swap3A_411] {strides = array<i32>} : memref<2x16x640xf32, #tpu.memory_space<vmem>>, vector<16xf32>,
          tpu.vector_store %arg13[%swap3A_409, %swap3A_410, %swap3A_411], %gather3A_404 {strides = array<i32>} : memref<2x16x640xf32, #tpu.memory_space<vmem>>, vector<16xf32>,
          %broadcast_in_dim3A_413 = arith.constant 13 : i32
          %broadcast_in_dim3A_414 = vector.broadcast %broadcast_in_dim3A_413 : i32 to vector<16xi32>
          %gather3A_415 = arith.constant 1 : i32
          %gather3A_416 = arith.constant 0 : i32
          %gather3A_417 = arith.constant 0 : i32
          %gather3A_418 = tpu.memref_slice %arg12[%gather3A_415, %gather3A_416, %gather3A_417] : memref<2x640x16xf32, #tpu.memory_space<vmem>> -> memref<1x640x16xf32, #tpu.memory_space<vmem>>
          %gather3A_419 = tpu.memref_squeeze %gather3A_418 : memref<1x640x16xf32, #tpu.memory_space<vmem>> -> memref<640x16xf32, #tpu.memory_space<vmem>>
          %gather3A_420 = tpu.vector_load_idx %gather3A_419[%add3A_207, %broadcast_in_dim3A_414] : memref<640x16xf32, #tpu.memory_space<vmem>>[vector<16xi32>, vector<16xi32>], vector<16xf32>,
          %mul3A_421 = arith.constant 16 : i32
          %mul3A_422 = arith.muli %scan3A_203, %mul3A_421 : i32
          %swap3A_423 = arith.constant 1 : i32
          %swap3A_424 = arith.constant 13 : i32
          %swap3A_425 = arith.index_cast %swap3A_423 : i32 to index
          %swap3A_426 = arith.index_cast %swap3A_424 : i32 to index
          %swap3A_427 = arith.index_cast %mul3A_422 : i32 to index
          %swap3A_428 = tpu.vector_load %arg13[%swap3A_425, %swap3A_426, %swap3A_427] {strides = array<i32>} : memref<2x16x640xf32, #tpu.memory_space<vmem>>, vector<16xf32>,
          tpu.vector_store %arg13[%swap3A_425, %swap3A_426, %swap3A_427], %gather3A_420 {strides = array<i32>} : memref<2x16x640xf32, #tpu.memory_space<vmem>>, vector<16xf32>,
          %broadcast_in_dim3A_429 = arith.constant 14 : i32
          %broadcast_in_dim3A_430 = vector.broadcast %broadcast_in_dim3A_429 : i32 to vector<16xi32>
          %gather3A_431 = arith.constant 1 : i32
          %gather3A_432 = arith.constant 0 : i32
          %gather3A_433 = arith.constant 0 : i32
          %gather3A_434 = tpu.memref_slice %arg12[%gather3A_431, %gather3A_432, %gather3A_433] : memref<2x640x16xf32, #tpu.memory_space<vmem>> -> memref<1x640x16xf32, #tpu.memory_space<vmem>>
          %gather3A_435 = tpu.memref_squeeze %gather3A_434 : memref<1x640x16xf32, #tpu.memory_space<vmem>> -> memref<640x16xf32, #tpu.memory_space<vmem>>
          %gather3A_436 = tpu.vector_load_idx %gather3A_435[%add3A_207, %broadcast_in_dim3A_430] : memref<640x16xf32, #tpu.memory_space<vmem>>[vector<16xi32>, vector<16xi32>], vector<16xf32>,
          %mul3A_437 = arith.constant 16 : i32
          %mul3A_438 = arith.muli %scan3A_203, %mul3A_437 : i32
          %swap3A_439 = arith.constant 1 : i32
          %swap3A_440 = arith.constant 14 : i32
          %swap3A_441 = arith.index_cast %swap3A_439 : i32 to index
          %swap3A_442 = arith.index_cast %swap3A_440 : i32 to index
          %swap3A_443 = arith.index_cast %mul3A_438 : i32 to index
          %swap3A_444 = tpu.vector_load %arg13[%swap3A_441, %swap3A_442, %swap3A_443] {strides = array<i32>} : memref<2x16x640xf32, #tpu.memory_space<vmem>>, vector<16xf32>,
          tpu.vector_store %arg13[%swap3A_441, %swap3A_442, %swap3A_443], %gather3A_436 {strides = array<i32>} : memref<2x16x640xf32, #tpu.memory_space<vmem>>, vector<16xf32>,
          %broadcast_in_dim3A_445 = arith.constant 15 : i32
          %broadcast_in_dim3A_446 = vector.broadcast %broadcast_in_dim3A_445 : i32 to vector<16xi32>
          %gather3A_447 = arith.constant 1 : i32
          %gather3A_448 = arith.constant 0 : i32
          %gather3A_449 = arith.constant 0 : i32
          %gather3A_450 = tpu.memref_slice %arg12[%gather3A_447, %gather3A_448, %gather3A_449] : memref<2x640x16xf32, #tpu.memory_space<vmem>> -> memref<1x640x16xf32, #tpu.memory_space<vmem>>
          %gather3A_451 = tpu.memref_squeeze %gather3A_450 : memref<1x640x16xf32, #tpu.memory_space<vmem>> -> memref<640x16xf32, #tpu.memory_space<vmem>>
          %gather3A_452 = tpu.vector_load_idx %gather3A_451[%add3A_207, %broadcast_in_dim3A_446] : memref<640x16xf32, #tpu.memory_space<vmem>>[vector<16xi32>, vector<16xi32>], vector<16xf32>,
          %mul3A_453 = arith.constant 16 : i32
          %mul3A_454 = arith.muli %scan3A_203, %mul3A_453 : i32
          %swap3A_455 = arith.constant 1 : i32
          %swap3A_456 = arith.constant 15 : i32
          %swap3A_457 = arith.index_cast %swap3A_455 : i32 to index
          %swap3A_458 = arith.index_cast %swap3A_456 : i32 to index
          %swap3A_459 = arith.index_cast %mul3A_454 : i32 to index
          %swap3A_460 = tpu.vector_load %arg13[%swap3A_457, %swap3A_458, %swap3A_459] {strides = array<i32>} : memref<2x16x640xf32, #tpu.memory_space<vmem>>, vector<16xf32>,
          tpu.vector_store %arg13[%swap3A_457, %swap3A_458, %swap3A_459], %gather3A_452 {strides = array<i32>} : memref<2x16x640xf32, #tpu.memory_space<vmem>>, vector<16xf32>,
        }
        %scan3A_185 = arith.constant 40 : i32
        %mul3A_186 = arith.constant 16 : i32
        %mul3A_187 = arith.muli %select_n3A_38, %mul3A_186 : i32
        %add3A_188 = arith.constant 640 : i32
        %add3A_189 = arith.addi %mul3A_0, %add3A_188 : i32
        %dma_start3A_190 = arith.constant 1 : i32
        %dma_start3A_191 = arith.constant 0 : i32
        %dma_start3A_192 = arith.constant 0 : i32
        %dma_start3A_193 = tpu.memref_slice %arg13[%dma_start3A_190, %dma_start3A_191, %dma_start3A_192] : memref<2x16x640xf32, #tpu.memory_space<vmem>> -> memref<1x16x640xf32, #tpu.memory_space<vmem>>
        %dma_start3A_194 = tpu.memref_squeeze %dma_start3A_193 : memref<1x16x640xf32, #tpu.memory_space<vmem>> -> memref<16x640xf32, #tpu.memory_space<vmem>>
        %dma_start3A_195 = tpu.memref_slice %arg6[%add3A, %mul3A_187, %add3A_189] : memref<4x64x40000xf32, #tpu.memory_space<hbm>> -> memref<1x16x640xf32, #tpu.memory_space<hbm>>
        %dma_start3A_196 = tpu.memref_squeeze %dma_start3A_195 : memref<1x16x640xf32, #tpu.memory_space<hbm>> -> memref<16x640xf32, #tpu.memory_space<hbm>>
        %dma_start3A_197 = tpu.memref_slice %arg6[%add3A, %mul3A_187, %add3A_189] : memref<4x64x40000xf32, #tpu.memory_space<hbm>> -> memref<1x16x640xf32, #tpu.memory_space<hbm>>
        %dma_start3A_198 = tpu.memref_squeeze %dma_start3A_197 : memref<1x16x640xf32, #tpu.memory_space<hbm>> -> memref<16x640xf32, #tpu.memory_space<hbm>>
        %dma_start3A_199 = arith.constant 0 : i32
        %dma_start3A_200 = arith.constant 0 : i32
        %dma_start3A_201 = tpu.memref_slice %arg13[%dma_start3A_190, %dma_start3A_199, %dma_start3A_200] : memref<2x16x640xf32, #tpu.memory_space<vmem>> -> memref<1x16x640xf32, #tpu.memory_space<vmem>>
        %dma_start3A_202 = tpu.memref_squeeze %dma_start3A_201 : memref<1x16x640xf32, #tpu.memory_space<vmem>> -> memref<16x640xf32, #tpu.memory_space<vmem>>
        tpu.enqueue_dma source(%dma_start3A_202 : memref<16x640xf32, #tpu.memory_space<vmem>>) target(%dma_start3A_198 : memref<16x640xf32, #tpu.memory_space<hbm>>) target_semaphore(%arg17 : memref<!tpu.dma_semaphore, #tpu.memory_space<semaphore_mem>>)
      } else {
      }
      %add3A_124 = arith.constant 1920 : i32
      %add3A_125 = arith.addi %mul3A_0, %add3A_124 : i32
      %le3A_126 = arith.constant 40000 : i32
      %le3A_127 = arith.cmpi sle, %add3A_125, %le3A_126 : i32
      %convert_element_type3A_128 = arith.extui %le3A_127 : i1 to i32
      %cond3A_129 = arith.constant 0 : i32
      %cond3A_130 = arith.cmpi ne, %convert_element_type3A_128, %cond3A_129 : i32
      scf.if %cond3A_130 {
        %add3A_158 = arith.constant 1280 : i32
        %add3A_159 = arith.addi %mul3A_0, %add3A_158 : i32
        %dma_wait3A_160 = arith.constant 0 : i32
        %dma_wait3A_161 = arith.constant 0 : i32
        %dma_wait3A_162 = arith.constant 0 : i32
        %dma_wait3A_163 = tpu.memref_slice %arg12[%dma_wait3A_160, %dma_wait3A_161, %dma_wait3A_162] : memref<2x640x16xf32, #tpu.memory_space<vmem>> -> memref<1x640x16xf32, #tpu.memory_space<vmem>>
        %dma_wait3A_164 = tpu.memref_squeeze %dma_wait3A_163 : memref<1x640x16xf32, #tpu.memory_space<vmem>> -> memref<640x16xf32, #tpu.memory_space<vmem>>
        %dma_wait3A_165 = arith.constant 0 : i32
        %dma_wait3A_166 = tpu.memref_slice %arg18[%add3A_159, %dma_wait3A_165] : memref<40960x16xf32, #tpu.memory_space<vmem_shared>> -> memref<640x16xf32, #tpu.memory_space<vmem_shared>>
        %dma_wait3A_167 = arith.constant 0 : i32
        %dma_wait3A_168 = arith.constant 0 : i32
        %dma_wait3A_169 = tpu.memref_slice %arg12[%dma_wait3A_160, %dma_wait3A_167, %dma_wait3A_168] : memref<2x640x16xf32, #tpu.memory_space<vmem>> -> memref<1x640x16xf32, #tpu.memory_space<vmem>>
        %dma_wait3A_170 = tpu.memref_squeeze %dma_wait3A_169 : memref<1x640x16xf32, #tpu.memory_space<vmem>> -> memref<640x16xf32, #tpu.memory_space<vmem>>
        %dma_wait3A_171 = arith.constant 0 : i32
        %dma_wait3A_172 = tpu.memref_slice %arg18[%add3A_159, %dma_wait3A_171] : memref<40960x16xf32, #tpu.memory_space<vmem_shared>> -> memref<640x16xf32, #tpu.memory_space<vmem_shared>>
        tpu.wait_dma2 semaphore(%arg16 : memref<!tpu.dma_semaphore, #tpu.memory_space<semaphore_mem>>) src(%dma_wait3A_172 : memref<640x16xf32, #tpu.memory_space<vmem_shared>>) dst(%dma_wait3A_170 : memref<640x16xf32, #tpu.memory_space<vmem>>)
        %add3A_173 = arith.constant 2560 : i32
        %add3A_174 = arith.addi %mul3A_0, %add3A_173 : i32
        %le3A_175 = arith.constant 40000 : i32
        %le3A_176 = arith.cmpi sle, %add3A_174, %le3A_175 : i32
        %convert_element_type3A_177 = arith.extui %le3A_176 : i1 to i32
        %cond3A_178 = arith.constant 0 : i32
        %cond3A_179 = arith.cmpi ne, %convert_element_type3A_177, %cond3A_178 : i32
        scf.if %cond3A_179 {
          %add3A_220 = arith.constant 1920 : i32
          %add3A_221 = arith.addi %mul3A_0, %add3A_220 : i32
          %dma_start3A_222 = arith.constant 1 : i32
          %dma_start3A_223 = arith.constant 0 : i32
          %dma_start3A_224 = arith.constant 0 : i32
          %dma_start3A_225 = tpu.memref_slice %arg12[%dma_start3A_222, %dma_start3A_223, %dma_start3A_224] : memref<2x640x16xf32, #tpu.memory_space<vmem>> -> memref<1x640x16xf32, #tpu.memory_space<vmem>>
          %dma_start3A_226 = tpu.memref_squeeze %dma_start3A_225 : memref<1x640x16xf32, #tpu.memory_space<vmem>> -> memref<640x16xf32, #tpu.memory_space<vmem>>
          %dma_start3A_227 = arith.constant 0 : i32
          %dma_start3A_228 = tpu.memref_slice %arg18[%add3A_221, %dma_start3A_227] : memref<40960x16xf32, #tpu.memory_space<vmem_shared>> -> memref<640x16xf32, #tpu.memory_space<vmem_shared>>
          %dma_start3A_229 = arith.constant 0 : i32
          %dma_start3A_230 = arith.constant 0 : i32
          %dma_start3A_231 = tpu.memref_slice %arg12[%dma_start3A_222, %dma_start3A_229, %dma_start3A_230] : memref<2x640x16xf32, #tpu.memory_space<vmem>> -> memref<1x640x16xf32, #tpu.memory_space<vmem>>
          %dma_start3A_232 = tpu.memref_squeeze %dma_start3A_231 : memref<1x640x16xf32, #tpu.memory_space<vmem>> -> memref<640x16xf32, #tpu.memory_space<vmem>>
          %dma_start3A_233 = arith.constant 0 : i32
          %dma_start3A_234 = tpu.memref_slice %arg18[%add3A_221, %dma_start3A_233] : memref<40960x16xf32, #tpu.memory_space<vmem_shared>> -> memref<640x16xf32, #tpu.memory_space<vmem_shared>>
          tpu.enqueue_dma source(%dma_start3A_234 : memref<640x16xf32, #tpu.memory_space<vmem_shared>>) target(%dma_start3A_232 : memref<640x16xf32, #tpu.memory_space<vmem>>) target_semaphore(%arg16 : memref<!tpu.dma_semaphore, #tpu.memory_space<semaphore_mem>>)
        } else {
        }
        %mul3A_180 = arith.constant 16 : i32
        %mul3A_181 = arith.muli %select_n3A_38, %mul3A_180 : i32
        %add3A_182 = arith.constant 0 : i32
        %add3A_183 = arith.addi %mul3A_0, %add3A_182 : i32
        %dma_wait3A_184 = arith.constant 0 : i32
        %dma_wait3A_185 = arith.constant 0 : i32
        %dma_wait3A_186 = arith.constant 0 : i32
        %dma_wait3A_187 = tpu.memref_slice %arg13[%dma_wait3A_184, %dma_wait3A_185, %dma_wait3A_186] : memref<2x16x640xf32, #tpu.memory_space<vmem>> -> memref<1x16x640xf32, #tpu.memory_space<vmem>>
        %dma_wait3A_188 = tpu.memref_squeeze %dma_wait3A_187 : memref<1x16x640xf32, #tpu.memory_space<vmem>> -> memref<16x640xf32, #tpu.memory_space<vmem>>
        %dma_wait3A_189 = tpu.memref_slice %arg6[%add3A, %mul3A_181, %add3A_183] : memref<4x64x40000xf32, #tpu.memory_space<hbm>> -> memref<1x16x640xf32, #tpu.memory_space<hbm>>
        %dma_wait3A_190 = tpu.memref_squeeze %dma_wait3A_189 : memref<1x16x640xf32, #tpu.memory_space<hbm>> -> memref<16x640xf32, #tpu.memory_space<hbm>>
        %dma_wait3A_191 = tpu.memref_slice %arg6[%add3A, %mul3A_181, %add3A_183] : memref<4x64x40000xf32, #tpu.memory_space<hbm>> -> memref<1x16x640xf32, #tpu.memory_space<hbm>>
        %dma_wait3A_192 = tpu.memref_squeeze %dma_wait3A_191 : memref<1x16x640xf32, #tpu.memory_space<hbm>> -> memref<16x640xf32, #tpu.memory_space<hbm>>
        %dma_wait3A_193 = arith.constant 0 : i32
        %dma_wait3A_194 = arith.constant 0 : i32
        %dma_wait3A_195 = tpu.memref_slice %arg13[%dma_wait3A_184, %dma_wait3A_193, %dma_wait3A_194] : memref<2x16x640xf32, #tpu.memory_space<vmem>> -> memref<1x16x640xf32, #tpu.memory_space<vmem>>
        %dma_wait3A_196 = tpu.memref_squeeze %dma_wait3A_195 : memref<1x16x640xf32, #tpu.memory_space<vmem>> -> memref<16x640xf32, #tpu.memory_space<vmem>>
        tpu.wait_dma2 semaphore(%arg17 : memref<!tpu.dma_semaphore, #tpu.memory_space<semaphore_mem>>) src(%dma_wait3A_196 : memref<16x640xf32, #tpu.memory_space<vmem>>) dst(%dma_wait3A_192 : memref<16x640xf32, #tpu.memory_space<hbm>>)
        %scan3A_197 = arith.constant 0 : i32
        %scan3A_198 = arith.constant 0 : i32
        %scan3A_199 = arith.constant 40 : i32
        %scan3A_200 = arith.addi %scan3A_198, %scan3A_199 : i32
        %scan3A_201 = arith.constant 1 : i32
        scf.for %scan3A_220 = %scan3A_198 to %scan3A_200 step %scan3A_201  : i32 {
          %mul3A_221 = arith.constant 16 : i32
          %mul3A_222 = arith.muli %scan3A_220, %mul3A_221 : i32
          %add3A_223 = vector.broadcast %mul3A_222 : i32 to vector<16xi32>
          %add3A_224 = arith.addi %add3A_223, %iota3A : vector<16xi32>
          %broadcast_in_dim3A = arith.constant 0 : i32
          %broadcast_in_dim3A_225 = vector.broadcast %broadcast_in_dim3A : i32 to vector<16xi32>
          %gather3A = arith.constant 0 : i32
          %gather3A_226 = arith.constant 0 : i32
          %gather3A_227 = arith.constant 0 : i32
          %gather3A_228 = tpu.memref_slice %arg12[%gather3A, %gather3A_226, %gather3A_227] : memref<2x640x16xf32, #tpu.memory_space<vmem>> -> memref<1x640x16xf32, #tpu.memory_space<vmem>>
          %gather3A_229 = tpu.memref_squeeze %gather3A_228 : memref<1x640x16xf32, #tpu.memory_space<vmem>> -> memref<640x16xf32, #tpu.memory_space<vmem>>
          %gather3A_230 = tpu.vector_load_idx %gather3A_229[%add3A_224, %broadcast_in_dim3A_225] : memref<640x16xf32, #tpu.memory_space<vmem>>[vector<16xi32>, vector<16xi32>], vector<16xf32>,
          %mul3A_231 = arith.constant 16 : i32
          %mul3A_232 = arith.muli %scan3A_220, %mul3A_231 : i32
          %swap3A = arith.constant 0 : i32
          %swap3A_233 = arith.constant 0 : i32
          %swap3A_234 = arith.index_cast %swap3A : i32 to index
          %swap3A_235 = arith.index_cast %swap3A_233 : i32 to index
          %swap3A_236 = arith.index_cast %mul3A_232 : i32 to index
          %swap3A_237 = tpu.vector_load %arg13[%swap3A_234, %swap3A_235, %swap3A_236] {strides = array<i32>} : memref<2x16x640xf32, #tpu.memory_space<vmem>>, vector<16xf32>,
          tpu.vector_store %arg13[%swap3A_234, %swap3A_235, %swap3A_236], %gather3A_230 {strides = array<i32>} : memref<2x16x640xf32, #tpu.memory_space<vmem>>, vector<16xf32>,
          %broadcast_in_dim3A_238 = arith.constant 1 : i32
          %broadcast_in_dim3A_239 = vector.broadcast %broadcast_in_dim3A_238 : i32 to vector<16xi32>
          %gather3A_240 = arith.constant 0 : i32
          %gather3A_241 = arith.constant 0 : i32
          %gather3A_242 = arith.constant 0 : i32
          %gather3A_243 = tpu.memref_slice %arg12[%gather3A_240, %gather3A_241, %gather3A_242] : memref<2x640x16xf32, #tpu.memory_space<vmem>> -> memref<1x640x16xf32, #tpu.memory_space<vmem>>
          %gather3A_244 = tpu.memref_squeeze %gather3A_243 : memref<1x640x16xf32, #tpu.memory_space<vmem>> -> memref<640x16xf32, #tpu.memory_space<vmem>>
          %gather3A_245 = tpu.vector_load_idx %gather3A_244[%add3A_224, %broadcast_in_dim3A_239] : memref<640x16xf32, #tpu.memory_space<vmem>>[vector<16xi32>, vector<16xi32>], vector<16xf32>,
          %mul3A_246 = arith.constant 16 : i32
          %mul3A_247 = arith.muli %scan3A_220, %mul3A_246 : i32
          %swap3A_248 = arith.constant 0 : i32
          %swap3A_249 = arith.constant 1 : i32
          %swap3A_250 = arith.index_cast %swap3A_248 : i32 to index
          %swap3A_251 = arith.index_cast %swap3A_249 : i32 to index
          %swap3A_252 = arith.index_cast %mul3A_247 : i32 to index
          %swap3A_253 = tpu.vector_load %arg13[%swap3A_250, %swap3A_251, %swap3A_252] {strides = array<i32>} : memref<2x16x640xf32, #tpu.memory_space<vmem>>, vector<16xf32>,
          tpu.vector_store %arg13[%swap3A_250, %swap3A_251, %swap3A_252], %gather3A_245 {strides = array<i32>} : memref<2x16x640xf32, #tpu.memory_space<vmem>>, vector<16xf32>,
          %broadcast_in_dim3A_254 = arith.constant 2 : i32
          %broadcast_in_dim3A_255 = vector.broadcast %broadcast_in_dim3A_254 : i32 to vector<16xi32>
          %gather3A_256 = arith.constant 0 : i32
          %gather3A_257 = arith.constant 0 : i32
          %gather3A_258 = arith.constant 0 : i32
          %gather3A_259 = tpu.memref_slice %arg12[%gather3A_256, %gather3A_257, %gather3A_258] : memref<2x640x16xf32, #tpu.memory_space<vmem>> -> memref<1x640x16xf32, #tpu.memory_space<vmem>>
          %gather3A_260 = tpu.memref_squeeze %gather3A_259 : memref<1x640x16xf32, #tpu.memory_space<vmem>> -> memref<640x16xf32, #tpu.memory_space<vmem>>
          %gather3A_261 = tpu.vector_load_idx %gather3A_260[%add3A_224, %broadcast_in_dim3A_255] : memref<640x16xf32, #tpu.memory_space<vmem>>[vector<16xi32>, vector<16xi32>], vector<16xf32>,
          %mul3A_262 = arith.constant 16 : i32
          %mul3A_263 = arith.muli %scan3A_220, %mul3A_262 : i32
          %swap3A_264 = arith.constant 0 : i32
          %swap3A_265 = arith.constant 2 : i32
          %swap3A_266 = arith.index_cast %swap3A_264 : i32 to index
          %swap3A_267 = arith.index_cast %swap3A_265 : i32 to index
          %swap3A_268 = arith.index_cast %mul3A_263 : i32 to index
          %swap3A_269 = tpu.vector_load %arg13[%swap3A_266, %swap3A_267, %swap3A_268] {strides = array<i32>} : memref<2x16x640xf32, #tpu.memory_space<vmem>>, vector<16xf32>,
          tpu.vector_store %arg13[%swap3A_266, %swap3A_267, %swap3A_268], %gather3A_261 {strides = array<i32>} : memref<2x16x640xf32, #tpu.memory_space<vmem>>, vector<16xf32>,
          %broadcast_in_dim3A_270 = arith.constant 3 : i32
          %broadcast_in_dim3A_271 = vector.broadcast %broadcast_in_dim3A_270 : i32 to vector<16xi32>
          %gather3A_272 = arith.constant 0 : i32
          %gather3A_273 = arith.constant 0 : i32
          %gather3A_274 = arith.constant 0 : i32
          %gather3A_275 = tpu.memref_slice %arg12[%gather3A_272, %gather3A_273, %gather3A_274] : memref<2x640x16xf32, #tpu.memory_space<vmem>> -> memref<1x640x16xf32, #tpu.memory_space<vmem>>
          %gather3A_276 = tpu.memref_squeeze %gather3A_275 : memref<1x640x16xf32, #tpu.memory_space<vmem>> -> memref<640x16xf32, #tpu.memory_space<vmem>>
          %gather3A_277 = tpu.vector_load_idx %gather3A_276[%add3A_224, %broadcast_in_dim3A_271] : memref<640x16xf32, #tpu.memory_space<vmem>>[vector<16xi32>, vector<16xi32>], vector<16xf32>,
          %mul3A_278 = arith.constant 16 : i32
          %mul3A_279 = arith.muli %scan3A_220, %mul3A_278 : i32
          %swap3A_280 = arith.constant 0 : i32
          %swap3A_281 = arith.constant 3 : i32
          %swap3A_282 = arith.index_cast %swap3A_280 : i32 to index
          %swap3A_283 = arith.index_cast %swap3A_281 : i32 to index
          %swap3A_284 = arith.index_cast %mul3A_279 : i32 to index
          %swap3A_285 = tpu.vector_load %arg13[%swap3A_282, %swap3A_283, %swap3A_284] {strides = array<i32>} : memref<2x16x640xf32, #tpu.memory_space<vmem>>, vector<16xf32>,
          tpu.vector_store %arg13[%swap3A_282, %swap3A_283, %swap3A_284], %gather3A_277 {strides = array<i32>} : memref<2x16x640xf32, #tpu.memory_space<vmem>>, vector<16xf32>,
          %broadcast_in_dim3A_286 = arith.constant 4 : i32
          %broadcast_in_dim3A_287 = vector.broadcast %broadcast_in_dim3A_286 : i32 to vector<16xi32>
          %gather3A_288 = arith.constant 0 : i32
          %gather3A_289 = arith.constant 0 : i32
          %gather3A_290 = arith.constant 0 : i32
          %gather3A_291 = tpu.memref_slice %arg12[%gather3A_288, %gather3A_289, %gather3A_290] : memref<2x640x16xf32, #tpu.memory_space<vmem>> -> memref<1x640x16xf32, #tpu.memory_space<vmem>>
          %gather3A_292 = tpu.memref_squeeze %gather3A_291 : memref<1x640x16xf32, #tpu.memory_space<vmem>> -> memref<640x16xf32, #tpu.memory_space<vmem>>
          %gather3A_293 = tpu.vector_load_idx %gather3A_292[%add3A_224, %broadcast_in_dim3A_287] : memref<640x16xf32, #tpu.memory_space<vmem>>[vector<16xi32>, vector<16xi32>], vector<16xf32>,
          %mul3A_294 = arith.constant 16 : i32
          %mul3A_295 = arith.muli %scan3A_220, %mul3A_294 : i32
          %swap3A_296 = arith.constant 0 : i32
          %swap3A_297 = arith.constant 4 : i32
          %swap3A_298 = arith.index_cast %swap3A_296 : i32 to index
          %swap3A_299 = arith.index_cast %swap3A_297 : i32 to index
          %swap3A_300 = arith.index_cast %mul3A_295 : i32 to index
          %swap3A_301 = tpu.vector_load %arg13[%swap3A_298, %swap3A_299, %swap3A_300] {strides = array<i32>} : memref<2x16x640xf32, #tpu.memory_space<vmem>>, vector<16xf32>,
          tpu.vector_store %arg13[%swap3A_298, %swap3A_299, %swap3A_300], %gather3A_293 {strides = array<i32>} : memref<2x16x640xf32, #tpu.memory_space<vmem>>, vector<16xf32>,
          %broadcast_in_dim3A_302 = arith.constant 5 : i32
          %broadcast_in_dim3A_303 = vector.broadcast %broadcast_in_dim3A_302 : i32 to vector<16xi32>
          %gather3A_304 = arith.constant 0 : i32
          %gather3A_305 = arith.constant 0 : i32
          %gather3A_306 = arith.constant 0 : i32
          %gather3A_307 = tpu.memref_slice %arg12[%gather3A_304, %gather3A_305, %gather3A_306] : memref<2x640x16xf32, #tpu.memory_space<vmem>> -> memref<1x640x16xf32, #tpu.memory_space<vmem>>
          %gather3A_308 = tpu.memref_squeeze %gather3A_307 : memref<1x640x16xf32, #tpu.memory_space<vmem>> -> memref<640x16xf32, #tpu.memory_space<vmem>>
          %gather3A_309 = tpu.vector_load_idx %gather3A_308[%add3A_224, %broadcast_in_dim3A_303] : memref<640x16xf32, #tpu.memory_space<vmem>>[vector<16xi32>, vector<16xi32>], vector<16xf32>,
          %mul3A_310 = arith.constant 16 : i32
          %mul3A_311 = arith.muli %scan3A_220, %mul3A_310 : i32
          %swap3A_312 = arith.constant 0 : i32
          %swap3A_313 = arith.constant 5 : i32
          %swap3A_314 = arith.index_cast %swap3A_312 : i32 to index
          %swap3A_315 = arith.index_cast %swap3A_313 : i32 to index
          %swap3A_316 = arith.index_cast %mul3A_311 : i32 to index
          %swap3A_317 = tpu.vector_load %arg13[%swap3A_314, %swap3A_315, %swap3A_316] {strides = array<i32>} : memref<2x16x640xf32, #tpu.memory_space<vmem>>, vector<16xf32>,
          tpu.vector_store %arg13[%swap3A_314, %swap3A_315, %swap3A_316], %gather3A_309 {strides = array<i32>} : memref<2x16x640xf32, #tpu.memory_space<vmem>>, vector<16xf32>,
          %broadcast_in_dim3A_318 = arith.constant 6 : i32
          %broadcast_in_dim3A_319 = vector.broadcast %broadcast_in_dim3A_318 : i32 to vector<16xi32>
          %gather3A_320 = arith.constant 0 : i32
          %gather3A_321 = arith.constant 0 : i32
          %gather3A_322 = arith.constant 0 : i32
          %gather3A_323 = tpu.memref_slice %arg12[%gather3A_320, %gather3A_321, %gather3A_322] : memref<2x640x16xf32, #tpu.memory_space<vmem>> -> memref<1x640x16xf32, #tpu.memory_space<vmem>>
          %gather3A_324 = tpu.memref_squeeze %gather3A_323 : memref<1x640x16xf32, #tpu.memory_space<vmem>> -> memref<640x16xf32, #tpu.memory_space<vmem>>
          %gather3A_325 = tpu.vector_load_idx %gather3A_324[%add3A_224, %broadcast_in_dim3A_319] : memref<640x16xf32, #tpu.memory_space<vmem>>[vector<16xi32>, vector<16xi32>], vector<16xf32>,
          %mul3A_326 = arith.constant 16 : i32
          %mul3A_327 = arith.muli %scan3A_220, %mul3A_326 : i32
          %swap3A_328 = arith.constant 0 : i32
          %swap3A_329 = arith.constant 6 : i32
          %swap3A_330 = arith.index_cast %swap3A_328 : i32 to index
          %swap3A_331 = arith.index_cast %swap3A_329 : i32 to index
          %swap3A_332 = arith.index_cast %mul3A_327 : i32 to index
          %swap3A_333 = tpu.vector_load %arg13[%swap3A_330, %swap3A_331, %swap3A_332] {strides = array<i32>} : memref<2x16x640xf32, #tpu.memory_space<vmem>>, vector<16xf32>,
          tpu.vector_store %arg13[%swap3A_330, %swap3A_331, %swap3A_332], %gather3A_325 {strides = array<i32>} : memref<2x16x640xf32, #tpu.memory_space<vmem>>, vector<16xf32>,
          %broadcast_in_dim3A_334 = arith.constant 7 : i32
          %broadcast_in_dim3A_335 = vector.broadcast %broadcast_in_dim3A_334 : i32 to vector<16xi32>
          %gather3A_336 = arith.constant 0 : i32
          %gather3A_337 = arith.constant 0 : i32
          %gather3A_338 = arith.constant 0 : i32
          %gather3A_339 = tpu.memref_slice %arg12[%gather3A_336, %gather3A_337, %gather3A_338] : memref<2x640x16xf32, #tpu.memory_space<vmem>> -> memref<1x640x16xf32, #tpu.memory_space<vmem>>
          %gather3A_340 = tpu.memref_squeeze %gather3A_339 : memref<1x640x16xf32, #tpu.memory_space<vmem>> -> memref<640x16xf32, #tpu.memory_space<vmem>>
          %gather3A_341 = tpu.vector_load_idx %gather3A_340[%add3A_224, %broadcast_in_dim3A_335] : memref<640x16xf32, #tpu.memory_space<vmem>>[vector<16xi32>, vector<16xi32>], vector<16xf32>,
          %mul3A_342 = arith.constant 16 : i32
          %mul3A_343 = arith.muli %scan3A_220, %mul3A_342 : i32
          %swap3A_344 = arith.constant 0 : i32
          %swap3A_345 = arith.constant 7 : i32
          %swap3A_346 = arith.index_cast %swap3A_344 : i32 to index
          %swap3A_347 = arith.index_cast %swap3A_345 : i32 to index
          %swap3A_348 = arith.index_cast %mul3A_343 : i32 to index
          %swap3A_349 = tpu.vector_load %arg13[%swap3A_346, %swap3A_347, %swap3A_348] {strides = array<i32>} : memref<2x16x640xf32, #tpu.memory_space<vmem>>, vector<16xf32>,
          tpu.vector_store %arg13[%swap3A_346, %swap3A_347, %swap3A_348], %gather3A_341 {strides = array<i32>} : memref<2x16x640xf32, #tpu.memory_space<vmem>>, vector<16xf32>,
          %broadcast_in_dim3A_350 = arith.constant 8 : i32
          %broadcast_in_dim3A_351 = vector.broadcast %broadcast_in_dim3A_350 : i32 to vector<16xi32>
          %gather3A_352 = arith.constant 0 : i32
          %gather3A_353 = arith.constant 0 : i32
          %gather3A_354 = arith.constant 0 : i32
          %gather3A_355 = tpu.memref_slice %arg12[%gather3A_352, %gather3A_353, %gather3A_354] : memref<2x640x16xf32, #tpu.memory_space<vmem>> -> memref<1x640x16xf32, #tpu.memory_space<vmem>>
          %gather3A_356 = tpu.memref_squeeze %gather3A_355 : memref<1x640x16xf32, #tpu.memory_space<vmem>> -> memref<640x16xf32, #tpu.memory_space<vmem>>
          %gather3A_357 = tpu.vector_load_idx %gather3A_356[%add3A_224, %broadcast_in_dim3A_351] : memref<640x16xf32, #tpu.memory_space<vmem>>[vector<16xi32>, vector<16xi32>], vector<16xf32>,
          %mul3A_358 = arith.constant 16 : i32
          %mul3A_359 = arith.muli %scan3A_220, %mul3A_358 : i32
          %swap3A_360 = arith.constant 0 : i32
          %swap3A_361 = arith.constant 8 : i32
          %swap3A_362 = arith.index_cast %swap3A_360 : i32 to index
          %swap3A_363 = arith.index_cast %swap3A_361 : i32 to index
          %swap3A_364 = arith.index_cast %mul3A_359 : i32 to index
          %swap3A_365 = tpu.vector_load %arg13[%swap3A_362, %swap3A_363, %swap3A_364] {strides = array<i32>} : memref<2x16x640xf32, #tpu.memory_space<vmem>>, vector<16xf32>,
          tpu.vector_store %arg13[%swap3A_362, %swap3A_363, %swap3A_364], %gather3A_357 {strides = array<i32>} : memref<2x16x640xf32, #tpu.memory_space<vmem>>, vector<16xf32>,
          %broadcast_in_dim3A_366 = arith.constant 9 : i32
          %broadcast_in_dim3A_367 = vector.broadcast %broadcast_in_dim3A_366 : i32 to vector<16xi32>
          %gather3A_368 = arith.constant 0 : i32
          %gather3A_369 = arith.constant 0 : i32
          %gather3A_370 = arith.constant 0 : i32
          %gather3A_371 = tpu.memref_slice %arg12[%gather3A_368, %gather3A_369, %gather3A_370] : memref<2x640x16xf32, #tpu.memory_space<vmem>> -> memref<1x640x16xf32, #tpu.memory_space<vmem>>
          %gather3A_372 = tpu.memref_squeeze %gather3A_371 : memref<1x640x16xf32, #tpu.memory_space<vmem>> -> memref<640x16xf32, #tpu.memory_space<vmem>>
          %gather3A_373 = tpu.vector_load_idx %gather3A_372[%add3A_224, %broadcast_in_dim3A_367] : memref<640x16xf32, #tpu.memory_space<vmem>>[vector<16xi32>, vector<16xi32>], vector<16xf32>,
          %mul3A_374 = arith.constant 16 : i32
          %mul3A_375 = arith.muli %scan3A_220, %mul3A_374 : i32
          %swap3A_376 = arith.constant 0 : i32
          %swap3A_377 = arith.constant 9 : i32
          %swap3A_378 = arith.index_cast %swap3A_376 : i32 to index
          %swap3A_379 = arith.index_cast %swap3A_377 : i32 to index
          %swap3A_380 = arith.index_cast %mul3A_375 : i32 to index
          %swap3A_381 = tpu.vector_load %arg13[%swap3A_378, %swap3A_379, %swap3A_380] {strides = array<i32>} : memref<2x16x640xf32, #tpu.memory_space<vmem>>, vector<16xf32>,
          tpu.vector_store %arg13[%swap3A_378, %swap3A_379, %swap3A_380], %gather3A_373 {strides = array<i32>} : memref<2x16x640xf32, #tpu.memory_space<vmem>>, vector<16xf32>,
          %broadcast_in_dim3A_382 = arith.constant 10 : i32
          %broadcast_in_dim3A_383 = vector.broadcast %broadcast_in_dim3A_382 : i32 to vector<16xi32>
          %gather3A_384 = arith.constant 0 : i32
          %gather3A_385 = arith.constant 0 : i32
          %gather3A_386 = arith.constant 0 : i32
          %gather3A_387 = tpu.memref_slice %arg12[%gather3A_384, %gather3A_385, %gather3A_386] : memref<2x640x16xf32, #tpu.memory_space<vmem>> -> memref<1x640x16xf32, #tpu.memory_space<vmem>>
          %gather3A_388 = tpu.memref_squeeze %gather3A_387 : memref<1x640x16xf32, #tpu.memory_space<vmem>> -> memref<640x16xf32, #tpu.memory_space<vmem>>
          %gather3A_389 = tpu.vector_load_idx %gather3A_388[%add3A_224, %broadcast_in_dim3A_383] : memref<640x16xf32, #tpu.memory_space<vmem>>[vector<16xi32>, vector<16xi32>], vector<16xf32>,
          %mul3A_390 = arith.constant 16 : i32
          %mul3A_391 = arith.muli %scan3A_220, %mul3A_390 : i32
          %swap3A_392 = arith.constant 0 : i32
          %swap3A_393 = arith.constant 10 : i32
          %swap3A_394 = arith.index_cast %swap3A_392 : i32 to index
          %swap3A_395 = arith.index_cast %swap3A_393 : i32 to index
          %swap3A_396 = arith.index_cast %mul3A_391 : i32 to index
          %swap3A_397 = tpu.vector_load %arg13[%swap3A_394, %swap3A_395, %swap3A_396] {strides = array<i32>} : memref<2x16x640xf32, #tpu.memory_space<vmem>>, vector<16xf32>,
          tpu.vector_store %arg13[%swap3A_394, %swap3A_395, %swap3A_396], %gather3A_389 {strides = array<i32>} : memref<2x16x640xf32, #tpu.memory_space<vmem>>, vector<16xf32>,
          %broadcast_in_dim3A_398 = arith.constant 11 : i32
          %broadcast_in_dim3A_399 = vector.broadcast %broadcast_in_dim3A_398 : i32 to vector<16xi32>
          %gather3A_400 = arith.constant 0 : i32
          %gather3A_401 = arith.constant 0 : i32
          %gather3A_402 = arith.constant 0 : i32
          %gather3A_403 = tpu.memref_slice %arg12[%gather3A_400, %gather3A_401, %gather3A_402] : memref<2x640x16xf32, #tpu.memory_space<vmem>> -> memref<1x640x16xf32, #tpu.memory_space<vmem>>
          %gather3A_404 = tpu.memref_squeeze %gather3A_403 : memref<1x640x16xf32, #tpu.memory_space<vmem>> -> memref<640x16xf32, #tpu.memory_space<vmem>>
          %gather3A_405 = tpu.vector_load_idx %gather3A_404[%add3A_224, %broadcast_in_dim3A_399] : memref<640x16xf32, #tpu.memory_space<vmem>>[vector<16xi32>, vector<16xi32>], vector<16xf32>,
          %mul3A_406 = arith.constant 16 : i32
          %mul3A_407 = arith.muli %scan3A_220, %mul3A_406 : i32
          %swap3A_408 = arith.constant 0 : i32
          %swap3A_409 = arith.constant 11 : i32
          %swap3A_410 = arith.index_cast %swap3A_408 : i32 to index
          %swap3A_411 = arith.index_cast %swap3A_409 : i32 to index
          %swap3A_412 = arith.index_cast %mul3A_407 : i32 to index
          %swap3A_413 = tpu.vector_load %arg13[%swap3A_410, %swap3A_411, %swap3A_412] {strides = array<i32>} : memref<2x16x640xf32, #tpu.memory_space<vmem>>, vector<16xf32>,
          tpu.vector_store %arg13[%swap3A_410, %swap3A_411, %swap3A_412], %gather3A_405 {strides = array<i32>} : memref<2x16x640xf32, #tpu.memory_space<vmem>>, vector<16xf32>,
          %broadcast_in_dim3A_414 = arith.constant 12 : i32
          %broadcast_in_dim3A_415 = vector.broadcast %broadcast_in_dim3A_414 : i32 to vector<16xi32>
          %gather3A_416 = arith.constant 0 : i32
          %gather3A_417 = arith.constant 0 : i32
          %gather3A_418 = arith.constant 0 : i32
          %gather3A_419 = tpu.memref_slice %arg12[%gather3A_416, %gather3A_417, %gather3A_418] : memref<2x640x16xf32, #tpu.memory_space<vmem>> -> memref<1x640x16xf32, #tpu.memory_space<vmem>>
          %gather3A_420 = tpu.memref_squeeze %gather3A_419 : memref<1x640x16xf32, #tpu.memory_space<vmem>> -> memref<640x16xf32, #tpu.memory_space<vmem>>
          %gather3A_421 = tpu.vector_load_idx %gather3A_420[%add3A_224, %broadcast_in_dim3A_415] : memref<640x16xf32, #tpu.memory_space<vmem>>[vector<16xi32>, vector<16xi32>], vector<16xf32>,
          %mul3A_422 = arith.constant 16 : i32
          %mul3A_423 = arith.muli %scan3A_220, %mul3A_422 : i32
          %swap3A_424 = arith.constant 0 : i32
          %swap3A_425 = arith.constant 12 : i32
          %swap3A_426 = arith.index_cast %swap3A_424 : i32 to index
          %swap3A_427 = arith.index_cast %swap3A_425 : i32 to index
          %swap3A_428 = arith.index_cast %mul3A_423 : i32 to index
          %swap3A_429 = tpu.vector_load %arg13[%swap3A_426, %swap3A_427, %swap3A_428] {strides = array<i32>} : memref<2x16x640xf32, #tpu.memory_space<vmem>>, vector<16xf32>,
          tpu.vector_store %arg13[%swap3A_426, %swap3A_427, %swap3A_428], %gather3A_421 {strides = array<i32>} : memref<2x16x640xf32, #tpu.memory_space<vmem>>, vector<16xf32>,
          %broadcast_in_dim3A_430 = arith.constant 13 : i32
          %broadcast_in_dim3A_431 = vector.broadcast %broadcast_in_dim3A_430 : i32 to vector<16xi32>
          %gather3A_432 = arith.constant 0 : i32
          %gather3A_433 = arith.constant 0 : i32
          %gather3A_434 = arith.constant 0 : i32
          %gather3A_435 = tpu.memref_slice %arg12[%gather3A_432, %gather3A_433, %gather3A_434] : memref<2x640x16xf32, #tpu.memory_space<vmem>> -> memref<1x640x16xf32, #tpu.memory_space<vmem>>
          %gather3A_436 = tpu.memref_squeeze %gather3A_435 : memref<1x640x16xf32, #tpu.memory_space<vmem>> -> memref<640x16xf32, #tpu.memory_space<vmem>>
          %gather3A_437 = tpu.vector_load_idx %gather3A_436[%add3A_224, %broadcast_in_dim3A_431] : memref<640x16xf32, #tpu.memory_space<vmem>>[vector<16xi32>, vector<16xi32>], vector<16xf32>,
          %mul3A_438 = arith.constant 16 : i32
          %mul3A_439 = arith.muli %scan3A_220, %mul3A_438 : i32
          %swap3A_440 = arith.constant 0 : i32
          %swap3A_441 = arith.constant 13 : i32
          %swap3A_442 = arith.index_cast %swap3A_440 : i32 to index
          %swap3A_443 = arith.index_cast %swap3A_441 : i32 to index
          %swap3A_444 = arith.index_cast %mul3A_439 : i32 to index
          %swap3A_445 = tpu.vector_load %arg13[%swap3A_442, %swap3A_443, %swap3A_444] {strides = array<i32>} : memref<2x16x640xf32, #tpu.memory_space<vmem>>, vector<16xf32>,
          tpu.vector_store %arg13[%swap3A_442, %swap3A_443, %swap3A_444], %gather3A_437 {strides = array<i32>} : memref<2x16x640xf32, #tpu.memory_space<vmem>>, vector<16xf32>,
          %broadcast_in_dim3A_446 = arith.constant 14 : i32
          %broadcast_in_dim3A_447 = vector.broadcast %broadcast_in_dim3A_446 : i32 to vector<16xi32>
          %gather3A_448 = arith.constant 0 : i32
          %gather3A_449 = arith.constant 0 : i32
          %gather3A_450 = arith.constant 0 : i32
          %gather3A_451 = tpu.memref_slice %arg12[%gather3A_448, %gather3A_449, %gather3A_450] : memref<2x640x16xf32, #tpu.memory_space<vmem>> -> memref<1x640x16xf32, #tpu.memory_space<vmem>>
          %gather3A_452 = tpu.memref_squeeze %gather3A_451 : memref<1x640x16xf32, #tpu.memory_space<vmem>> -> memref<640x16xf32, #tpu.memory_space<vmem>>
          %gather3A_453 = tpu.vector_load_idx %gather3A_452[%add3A_224, %broadcast_in_dim3A_447] : memref<640x16xf32, #tpu.memory_space<vmem>>[vector<16xi32>, vector<16xi32>], vector<16xf32>,
          %mul3A_454 = arith.constant 16 : i32
          %mul3A_455 = arith.muli %scan3A_220, %mul3A_454 : i32
          %swap3A_456 = arith.constant 0 : i32
          %swap3A_457 = arith.constant 14 : i32
          %swap3A_458 = arith.index_cast %swap3A_456 : i32 to index
          %swap3A_459 = arith.index_cast %swap3A_457 : i32 to index
          %swap3A_460 = arith.index_cast %mul3A_455 : i32 to index
          %swap3A_461 = tpu.vector_load %arg13[%swap3A_458, %swap3A_459, %swap3A_460] {strides = array<i32>} : memref<2x16x640xf32, #tpu.memory_space<vmem>>, vector<16xf32>,
          tpu.vector_store %arg13[%swap3A_458, %swap3A_459, %swap3A_460], %gather3A_453 {strides = array<i32>} : memref<2x16x640xf32, #tpu.memory_space<vmem>>, vector<16xf32>,
          %broadcast_in_dim3A_462 = arith.constant 15 : i32
          %broadcast_in_dim3A_463 = vector.broadcast %broadcast_in_dim3A_462 : i32 to vector<16xi32>
          %gather3A_464 = arith.constant 0 : i32
          %gather3A_465 = arith.constant 0 : i32
          %gather3A_466 = arith.constant 0 : i32
          %gather3A_467 = tpu.memref_slice %arg12[%gather3A_464, %gather3A_465, %gather3A_466] : memref<2x640x16xf32, #tpu.memory_space<vmem>> -> memref<1x640x16xf32, #tpu.memory_space<vmem>>
          %gather3A_468 = tpu.memref_squeeze %gather3A_467 : memref<1x640x16xf32, #tpu.memory_space<vmem>> -> memref<640x16xf32, #tpu.memory_space<vmem>>
          %gather3A_469 = tpu.vector_load_idx %gather3A_468[%add3A_224, %broadcast_in_dim3A_463] : memref<640x16xf32, #tpu.memory_space<vmem>>[vector<16xi32>, vector<16xi32>], vector<16xf32>,
          %mul3A_470 = arith.constant 16 : i32
          %mul3A_471 = arith.muli %scan3A_220, %mul3A_470 : i32
          %swap3A_472 = arith.constant 0 : i32
          %swap3A_473 = arith.constant 15 : i32
          %swap3A_474 = arith.index_cast %swap3A_472 : i32 to index
          %swap3A_475 = arith.index_cast %swap3A_473 : i32 to index
          %swap3A_476 = arith.index_cast %mul3A_471 : i32 to index
          %swap3A_477 = tpu.vector_load %arg13[%swap3A_474, %swap3A_475, %swap3A_476] {strides = array<i32>} : memref<2x16x640xf32, #tpu.memory_space<vmem>>, vector<16xf32>,
          tpu.vector_store %arg13[%swap3A_474, %swap3A_475, %swap3A_476], %gather3A_469 {strides = array<i32>} : memref<2x16x640xf32, #tpu.memory_space<vmem>>, vector<16xf32>,
        }
        %scan3A_202 = arith.constant 40 : i32
        %mul3A_203 = arith.constant 16 : i32
        %mul3A_204 = arith.muli %select_n3A_38, %mul3A_203 : i32
        %add3A_205 = arith.constant 1280 : i32
        %add3A_206 = arith.addi %mul3A_0, %add3A_205 : i32
        %dma_start3A_207 = arith.constant 0 : i32
        %dma_start3A_208 = arith.constant 0 : i32
        %dma_start3A_209 = arith.constant 0 : i32
        %dma_start3A_210 = tpu.memref_slice %arg13[%dma_start3A_207, %dma_start3A_208, %dma_start3A_209] : memref<2x16x640xf32, #tpu.memory_space<vmem>> -> memref<1x16x640xf32, #tpu.memory_space<vmem>>
        %dma_start3A_211 = tpu.memref_squeeze %dma_start3A_210 : memref<1x16x640xf32, #tpu.memory_space<vmem>> -> memref<16x640xf32, #tpu.memory_space<vmem>>
        %dma_start3A_212 = tpu.memref_slice %arg6[%add3A, %mul3A_204, %add3A_206] : memref<4x64x40000xf32, #tpu.memory_space<hbm>> -> memref<1x16x640xf32, #tpu.memory_space<hbm>>
        %dma_start3A_213 = tpu.memref_squeeze %dma_start3A_212 : memref<1x16x640xf32, #tpu.memory_space<hbm>> -> memref<16x640xf32, #tpu.memory_space<hbm>>
        %dma_start3A_214 = tpu.memref_slice %arg6[%add3A, %mul3A_204, %add3A_206] : memref<4x64x40000xf32, #tpu.memory_space<hbm>> -> memref<1x16x640xf32, #tpu.memory_space<hbm>>
        %dma_start3A_215 = tpu.memref_squeeze %dma_start3A_214 : memref<1x16x640xf32, #tpu.memory_space<hbm>> -> memref<16x640xf32, #tpu.memory_space<hbm>>
        %dma_start3A_216 = arith.constant 0 : i32
        %dma_start3A_217 = arith.constant 0 : i32
        %dma_start3A_218 = tpu.memref_slice %arg13[%dma_start3A_207, %dma_start3A_216, %dma_start3A_217] : memref<2x16x640xf32, #tpu.memory_space<vmem>> -> memref<1x16x640xf32, #tpu.memory_space<vmem>>
        %dma_start3A_219 = tpu.memref_squeeze %dma_start3A_218 : memref<1x16x640xf32, #tpu.memory_space<vmem>> -> memref<16x640xf32, #tpu.memory_space<vmem>>
        tpu.enqueue_dma source(%dma_start3A_219 : memref<16x640xf32, #tpu.memory_space<vmem>>) target(%dma_start3A_215 : memref<16x640xf32, #tpu.memory_space<hbm>>) target_semaphore(%arg17 : memref<!tpu.dma_semaphore, #tpu.memory_space<semaphore_mem>>)
      } else {
      }
      %add3A_131 = arith.constant 2560 : i32
      %add3A_132 = arith.addi %mul3A_0, %add3A_131 : i32
      %le3A_133 = arith.constant 40000 : i32
      %le3A_134 = arith.cmpi sle, %add3A_132, %le3A_133 : i32
      %convert_element_type3A_135 = arith.extui %le3A_134 : i1 to i32
      %cond3A_136 = arith.constant 0 : i32
      %cond3A_137 = arith.cmpi ne, %convert_element_type3A_135, %cond3A_136 : i32
      scf.if %cond3A_137 {
        %add3A_158 = arith.constant 1920 : i32
        %add3A_159 = arith.addi %mul3A_0, %add3A_158 : i32
        %dma_wait3A_160 = arith.constant 1 : i32
        %dma_wait3A_161 = arith.constant 0 : i32
        %dma_wait3A_162 = arith.constant 0 : i32
        %dma_wait3A_163 = tpu.memref_slice %arg12[%dma_wait3A_160, %dma_wait3A_161, %dma_wait3A_162] : memref<2x640x16xf32, #tpu.memory_space<vmem>> -> memref<1x640x16xf32, #tpu.memory_space<vmem>>
        %dma_wait3A_164 = tpu.memref_squeeze %dma_wait3A_163 : memref<1x640x16xf32, #tpu.memory_space<vmem>> -> memref<640x16xf32, #tpu.memory_space<vmem>>
        %dma_wait3A_165 = arith.constant 0 : i32
        %dma_wait3A_166 = tpu.memref_slice %arg18[%add3A_159, %dma_wait3A_165] : memref<40960x16xf32, #tpu.memory_space<vmem_shared>> -> memref<640x16xf32, #tpu.memory_space<vmem_shared>>
        %dma_wait3A_167 = arith.constant 0 : i32
        %dma_wait3A_168 = arith.constant 0 : i32
        %dma_wait3A_169 = tpu.memref_slice %arg12[%dma_wait3A_160, %dma_wait3A_167, %dma_wait3A_168] : memref<2x640x16xf32, #tpu.memory_space<vmem>> -> memref<1x640x16xf32, #tpu.memory_space<vmem>>
        %dma_wait3A_170 = tpu.memref_squeeze %dma_wait3A_169 : memref<1x640x16xf32, #tpu.memory_space<vmem>> -> memref<640x16xf32, #tpu.memory_space<vmem>>
        %dma_wait3A_171 = arith.constant 0 : i32
        %dma_wait3A_172 = tpu.memref_slice %arg18[%add3A_159, %dma_wait3A_171] : memref<40960x16xf32, #tpu.memory_space<vmem_shared>> -> memref<640x16xf32, #tpu.memory_space<vmem_shared>>
        tpu.wait_dma2 semaphore(%arg16 : memref<!tpu.dma_semaphore, #tpu.memory_space<semaphore_mem>>) src(%dma_wait3A_172 : memref<640x16xf32, #tpu.memory_space<vmem_shared>>) dst(%dma_wait3A_170 : memref<640x16xf32, #tpu.memory_space<vmem>>)
        %mul3A_173 = arith.constant 16 : i32
        %mul3A_174 = arith.muli %select_n3A_38, %mul3A_173 : i32
        %add3A_175 = arith.constant 640 : i32
        %add3A_176 = arith.addi %mul3A_0, %add3A_175 : i32
        %dma_wait3A_177 = arith.constant 1 : i32
        %dma_wait3A_178 = arith.constant 0 : i32
        %dma_wait3A_179 = arith.constant 0 : i32
        %dma_wait3A_180 = tpu.memref_slice %arg13[%dma_wait3A_177, %dma_wait3A_178, %dma_wait3A_179] : memref<2x16x640xf32, #tpu.memory_space<vmem>> -> memref<1x16x640xf32, #tpu.memory_space<vmem>>
        %dma_wait3A_181 = tpu.memref_squeeze %dma_wait3A_180 : memref<1x16x640xf32, #tpu.memory_space<vmem>> -> memref<16x640xf32, #tpu.memory_space<vmem>>
        %dma_wait3A_182 = tpu.memref_slice %arg6[%add3A, %mul3A_174, %add3A_176] : memref<4x64x40000xf32, #tpu.memory_space<hbm>> -> memref<1x16x640xf32, #tpu.memory_space<hbm>>
        %dma_wait3A_183 = tpu.memref_squeeze %dma_wait3A_182 : memref<1x16x640xf32, #tpu.memory_space<hbm>> -> memref<16x640xf32, #tpu.memory_space<hbm>>
        %dma_wait3A_184 = tpu.memref_slice %arg6[%add3A, %mul3A_174, %add3A_176] : memref<4x64x40000xf32, #tpu.memory_space<hbm>> -> memref<1x16x640xf32, #tpu.memory_space<hbm>>
        %dma_wait3A_185 = tpu.memref_squeeze %dma_wait3A_184 : memref<1x16x640xf32, #tpu.memory_space<hbm>> -> memref<16x640xf32, #tpu.memory_space<hbm>>
        %dma_wait3A_186 = arith.constant 0 : i32
        %dma_wait3A_187 = arith.constant 0 : i32
        %dma_wait3A_188 = tpu.memref_slice %arg13[%dma_wait3A_177, %dma_wait3A_186, %dma_wait3A_187] : memref<2x16x640xf32, #tpu.memory_space<vmem>> -> memref<1x16x640xf32, #tpu.memory_space<vmem>>
        %dma_wait3A_189 = tpu.memref_squeeze %dma_wait3A_188 : memref<1x16x640xf32, #tpu.memory_space<vmem>> -> memref<16x640xf32, #tpu.memory_space<vmem>>
        tpu.wait_dma2 semaphore(%arg17 : memref<!tpu.dma_semaphore, #tpu.memory_space<semaphore_mem>>) src(%dma_wait3A_189 : memref<16x640xf32, #tpu.memory_space<vmem>>) dst(%dma_wait3A_185 : memref<16x640xf32, #tpu.memory_space<hbm>>)
        %scan3A_190 = arith.constant 0 : i32
        %scan3A_191 = arith.constant 0 : i32
        %scan3A_192 = arith.constant 40 : i32
        %scan3A_193 = arith.addi %scan3A_191, %scan3A_192 : i32
        %scan3A_194 = arith.constant 1 : i32
        scf.for %scan3A_213 = %scan3A_191 to %scan3A_193 step %scan3A_194  : i32 {
          %mul3A_214 = arith.constant 16 : i32
          %mul3A_215 = arith.muli %scan3A_213, %mul3A_214 : i32
          %add3A_216 = vector.broadcast %mul3A_215 : i32 to vector<16xi32>
          %add3A_217 = arith.addi %add3A_216, %iota3A : vector<16xi32>
          %broadcast_in_dim3A = arith.constant 0 : i32
          %broadcast_in_dim3A_218 = vector.broadcast %broadcast_in_dim3A : i32 to vector<16xi32>
          %gather3A = arith.constant 1 : i32
          %gather3A_219 = arith.constant 0 : i32
          %gather3A_220 = arith.constant 0 : i32
          %gather3A_221 = tpu.memref_slice %arg12[%gather3A, %gather3A_219, %gather3A_220] : memref<2x640x16xf32, #tpu.memory_space<vmem>> -> memref<1x640x16xf32, #tpu.memory_space<vmem>>
          %gather3A_222 = tpu.memref_squeeze %gather3A_221 : memref<1x640x16xf32, #tpu.memory_space<vmem>> -> memref<640x16xf32, #tpu.memory_space<vmem>>
          %gather3A_223 = tpu.vector_load_idx %gather3A_222[%add3A_217, %broadcast_in_dim3A_218] : memref<640x16xf32, #tpu.memory_space<vmem>>[vector<16xi32>, vector<16xi32>], vector<16xf32>,
          %mul3A_224 = arith.constant 16 : i32
          %mul3A_225 = arith.muli %scan3A_213, %mul3A_224 : i32
          %swap3A = arith.constant 1 : i32
          %swap3A_226 = arith.constant 0 : i32
          %swap3A_227 = arith.index_cast %swap3A : i32 to index
          %swap3A_228 = arith.index_cast %swap3A_226 : i32 to index
          %swap3A_229 = arith.index_cast %mul3A_225 : i32 to index
          %swap3A_230 = tpu.vector_load %arg13[%swap3A_227, %swap3A_228, %swap3A_229] {strides = array<i32>} : memref<2x16x640xf32, #tpu.memory_space<vmem>>, vector<16xf32>,
          tpu.vector_store %arg13[%swap3A_227, %swap3A_228, %swap3A_229], %gather3A_223 {strides = array<i32>} : memref<2x16x640xf32, #tpu.memory_space<vmem>>, vector<16xf32>,
          %broadcast_in_dim3A_231 = arith.constant 1 : i32
          %broadcast_in_dim3A_232 = vector.broadcast %broadcast_in_dim3A_231 : i32 to vector<16xi32>
          %gather3A_233 = arith.constant 1 : i32
          %gather3A_234 = arith.constant 0 : i32
          %gather3A_235 = arith.constant 0 : i32
          %gather3A_236 = tpu.memref_slice %arg12[%gather3A_233, %gather3A_234, %gather3A_235] : memref<2x640x16xf32, #tpu.memory_space<vmem>> -> memref<1x640x16xf32, #tpu.memory_space<vmem>>
          %gather3A_237 = tpu.memref_squeeze %gather3A_236 : memref<1x640x16xf32, #tpu.memory_space<vmem>> -> memref<640x16xf32, #tpu.memory_space<vmem>>
          %gather3A_238 = tpu.vector_load_idx %gather3A_237[%add3A_217, %broadcast_in_dim3A_232] : memref<640x16xf32, #tpu.memory_space<vmem>>[vector<16xi32>, vector<16xi32>], vector<16xf32>,
          %mul3A_239 = arith.constant 16 : i32
          %mul3A_240 = arith.muli %scan3A_213, %mul3A_239 : i32
          %swap3A_241 = arith.constant 1 : i32
          %swap3A_242 = arith.constant 1 : i32
          %swap3A_243 = arith.index_cast %swap3A_241 : i32 to index
          %swap3A_244 = arith.index_cast %swap3A_242 : i32 to index
          %swap3A_245 = arith.index_cast %mul3A_240 : i32 to index
          %swap3A_246 = tpu.vector_load %arg13[%swap3A_243, %swap3A_244, %swap3A_245] {strides = array<i32>} : memref<2x16x640xf32, #tpu.memory_space<vmem>>, vector<16xf32>,
          tpu.vector_store %arg13[%swap3A_243, %swap3A_244, %swap3A_245], %gather3A_238 {strides = array<i32>} : memref<2x16x640xf32, #tpu.memory_space<vmem>>, vector<16xf32>,
          %broadcast_in_dim3A_247 = arith.constant 2 : i32
          %broadcast_in_dim3A_248 = vector.broadcast %broadcast_in_dim3A_247 : i32 to vector<16xi32>
          %gather3A_249 = arith.constant 1 : i32
          %gather3A_250 = arith.constant 0 : i32
          %gather3A_251 = arith.constant 0 : i32
          %gather3A_252 = tpu.memref_slice %arg12[%gather3A_249, %gather3A_250, %gather3A_251] : memref<2x640x16xf32, #tpu.memory_space<vmem>> -> memref<1x640x16xf32, #tpu.memory_space<vmem>>
          %gather3A_253 = tpu.memref_squeeze %gather3A_252 : memref<1x640x16xf32, #tpu.memory_space<vmem>> -> memref<640x16xf32, #tpu.memory_space<vmem>>
          %gather3A_254 = tpu.vector_load_idx %gather3A_253[%add3A_217, %broadcast_in_dim3A_248] : memref<640x16xf32, #tpu.memory_space<vmem>>[vector<16xi32>, vector<16xi32>], vector<16xf32>,
          %mul3A_255 = arith.constant 16 : i32
          %mul3A_256 = arith.muli %scan3A_213, %mul3A_255 : i32
          %swap3A_257 = arith.constant 1 : i32
          %swap3A_258 = arith.constant 2 : i32
          %swap3A_259 = arith.index_cast %swap3A_257 : i32 to index
          %swap3A_260 = arith.index_cast %swap3A_258 : i32 to index
          %swap3A_261 = arith.index_cast %mul3A_256 : i32 to index
          %swap3A_262 = tpu.vector_load %arg13[%swap3A_259, %swap3A_260, %swap3A_261] {strides = array<i32>} : memref<2x16x640xf32, #tpu.memory_space<vmem>>, vector<16xf32>,
          tpu.vector_store %arg13[%swap3A_259, %swap3A_260, %swap3A_261], %gather3A_254 {strides = array<i32>} : memref<2x16x640xf32, #tpu.memory_space<vmem>>, vector<16xf32>,
          %broadcast_in_dim3A_263 = arith.constant 3 : i32
          %broadcast_in_dim3A_264 = vector.broadcast %broadcast_in_dim3A_263 : i32 to vector<16xi32>
          %gather3A_265 = arith.constant 1 : i32
          %gather3A_266 = arith.constant 0 : i32
          %gather3A_267 = arith.constant 0 : i32
          %gather3A_268 = tpu.memref_slice %arg12[%gather3A_265, %gather3A_266, %gather3A_267] : memref<2x640x16xf32, #tpu.memory_space<vmem>> -> memref<1x640x16xf32, #tpu.memory_space<vmem>>
          %gather3A_269 = tpu.memref_squeeze %gather3A_268 : memref<1x640x16xf32, #tpu.memory_space<vmem>> -> memref<640x16xf32, #tpu.memory_space<vmem>>
          %gather3A_270 = tpu.vector_load_idx %gather3A_269[%add3A_217, %broadcast_in_dim3A_264] : memref<640x16xf32, #tpu.memory_space<vmem>>[vector<16xi32>, vector<16xi32>], vector<16xf32>,
          %mul3A_271 = arith.constant 16 : i32
          %mul3A_272 = arith.muli %scan3A_213, %mul3A_271 : i32
          %swap3A_273 = arith.constant 1 : i32
          %swap3A_274 = arith.constant 3 : i32
          %swap3A_275 = arith.index_cast %swap3A_273 : i32 to index
          %swap3A_276 = arith.index_cast %swap3A_274 : i32 to index
          %swap3A_277 = arith.index_cast %mul3A_272 : i32 to index
          %swap3A_278 = tpu.vector_load %arg13[%swap3A_275, %swap3A_276, %swap3A_277] {strides = array<i32>} : memref<2x16x640xf32, #tpu.memory_space<vmem>>, vector<16xf32>,
          tpu.vector_store %arg13[%swap3A_275, %swap3A_276, %swap3A_277], %gather3A_270 {strides = array<i32>} : memref<2x16x640xf32, #tpu.memory_space<vmem>>, vector<16xf32>,
          %broadcast_in_dim3A_279 = arith.constant 4 : i32
          %broadcast_in_dim3A_280 = vector.broadcast %broadcast_in_dim3A_279 : i32 to vector<16xi32>
          %gather3A_281 = arith.constant 1 : i32
          %gather3A_282 = arith.constant 0 : i32
          %gather3A_283 = arith.constant 0 : i32
          %gather3A_284 = tpu.memref_slice %arg12[%gather3A_281, %gather3A_282, %gather3A_283] : memref<2x640x16xf32, #tpu.memory_space<vmem>> -> memref<1x640x16xf32, #tpu.memory_space<vmem>>
          %gather3A_285 = tpu.memref_squeeze %gather3A_284 : memref<1x640x16xf32, #tpu.memory_space<vmem>> -> memref<640x16xf32, #tpu.memory_space<vmem>>
          %gather3A_286 = tpu.vector_load_idx %gather3A_285[%add3A_217, %broadcast_in_dim3A_280] : memref<640x16xf32, #tpu.memory_space<vmem>>[vector<16xi32>, vector<16xi32>], vector<16xf32>,
          %mul3A_287 = arith.constant 16 : i32
          %mul3A_288 = arith.muli %scan3A_213, %mul3A_287 : i32
          %swap3A_289 = arith.constant 1 : i32
          %swap3A_290 = arith.constant 4 : i32
          %swap3A_291 = arith.index_cast %swap3A_289 : i32 to index
          %swap3A_292 = arith.index_cast %swap3A_290 : i32 to index
          %swap3A_293 = arith.index_cast %mul3A_288 : i32 to index
          %swap3A_294 = tpu.vector_load %arg13[%swap3A_291, %swap3A_292, %swap3A_293] {strides = array<i32>} : memref<2x16x640xf32, #tpu.memory_space<vmem>>, vector<16xf32>,
          tpu.vector_store %arg13[%swap3A_291, %swap3A_292, %swap3A_293], %gather3A_286 {strides = array<i32>} : memref<2x16x640xf32, #tpu.memory_space<vmem>>, vector<16xf32>,
          %broadcast_in_dim3A_295 = arith.constant 5 : i32
          %broadcast_in_dim3A_296 = vector.broadcast %broadcast_in_dim3A_295 : i32 to vector<16xi32>
          %gather3A_297 = arith.constant 1 : i32
          %gather3A_298 = arith.constant 0 : i32
          %gather3A_299 = arith.constant 0 : i32
          %gather3A_300 = tpu.memref_slice %arg12[%gather3A_297, %gather3A_298, %gather3A_299] : memref<2x640x16xf32, #tpu.memory_space<vmem>> -> memref<1x640x16xf32, #tpu.memory_space<vmem>>
          %gather3A_301 = tpu.memref_squeeze %gather3A_300 : memref<1x640x16xf32, #tpu.memory_space<vmem>> -> memref<640x16xf32, #tpu.memory_space<vmem>>
          %gather3A_302 = tpu.vector_load_idx %gather3A_301[%add3A_217, %broadcast_in_dim3A_296] : memref<640x16xf32, #tpu.memory_space<vmem>>[vector<16xi32>, vector<16xi32>], vector<16xf32>,
          %mul3A_303 = arith.constant 16 : i32
          %mul3A_304 = arith.muli %scan3A_213, %mul3A_303 : i32
          %swap3A_305 = arith.constant 1 : i32
          %swap3A_306 = arith.constant 5 : i32
          %swap3A_307 = arith.index_cast %swap3A_305 : i32 to index
          %swap3A_308 = arith.index_cast %swap3A_306 : i32 to index
          %swap3A_309 = arith.index_cast %mul3A_304 : i32 to index
          %swap3A_310 = tpu.vector_load %arg13[%swap3A_307, %swap3A_308, %swap3A_309] {strides = array<i32>} : memref<2x16x640xf32, #tpu.memory_space<vmem>>, vector<16xf32>,
          tpu.vector_store %arg13[%swap3A_307, %swap3A_308, %swap3A_309], %gather3A_302 {strides = array<i32>} : memref<2x16x640xf32, #tpu.memory_space<vmem>>, vector<16xf32>,
          %broadcast_in_dim3A_311 = arith.constant 6 : i32
          %broadcast_in_dim3A_312 = vector.broadcast %broadcast_in_dim3A_311 : i32 to vector<16xi32>
          %gather3A_313 = arith.constant 1 : i32
          %gather3A_314 = arith.constant 0 : i32
          %gather3A_315 = arith.constant 0 : i32
          %gather3A_316 = tpu.memref_slice %arg12[%gather3A_313, %gather3A_314, %gather3A_315] : memref<2x640x16xf32, #tpu.memory_space<vmem>> -> memref<1x640x16xf32, #tpu.memory_space<vmem>>
          %gather3A_317 = tpu.memref_squeeze %gather3A_316 : memref<1x640x16xf32, #tpu.memory_space<vmem>> -> memref<640x16xf32, #tpu.memory_space<vmem>>
          %gather3A_318 = tpu.vector_load_idx %gather3A_317[%add3A_217, %broadcast_in_dim3A_312] : memref<640x16xf32, #tpu.memory_space<vmem>>[vector<16xi32>, vector<16xi32>], vector<16xf32>,
          %mul3A_319 = arith.constant 16 : i32
          %mul3A_320 = arith.muli %scan3A_213, %mul3A_319 : i32
          %swap3A_321 = arith.constant 1 : i32
          %swap3A_322 = arith.constant 6 : i32
          %swap3A_323 = arith.index_cast %swap3A_321 : i32 to index
          %swap3A_324 = arith.index_cast %swap3A_322 : i32 to index
          %swap3A_325 = arith.index_cast %mul3A_320 : i32 to index
          %swap3A_326 = tpu.vector_load %arg13[%swap3A_323, %swap3A_324, %swap3A_325] {strides = array<i32>} : memref<2x16x640xf32, #tpu.memory_space<vmem>>, vector<16xf32>,
          tpu.vector_store %arg13[%swap3A_323, %swap3A_324, %swap3A_325], %gather3A_318 {strides = array<i32>} : memref<2x16x640xf32, #tpu.memory_space<vmem>>, vector<16xf32>,
          %broadcast_in_dim3A_327 = arith.constant 7 : i32
          %broadcast_in_dim3A_328 = vector.broadcast %broadcast_in_dim3A_327 : i32 to vector<16xi32>
          %gather3A_329 = arith.constant 1 : i32
          %gather3A_330 = arith.constant 0 : i32
          %gather3A_331 = arith.constant 0 : i32
          %gather3A_332 = tpu.memref_slice %arg12[%gather3A_329, %gather3A_330, %gather3A_331] : memref<2x640x16xf32, #tpu.memory_space<vmem>> -> memref<1x640x16xf32, #tpu.memory_space<vmem>>
          %gather3A_333 = tpu.memref_squeeze %gather3A_332 : memref<1x640x16xf32, #tpu.memory_space<vmem>> -> memref<640x16xf32, #tpu.memory_space<vmem>>
          %gather3A_334 = tpu.vector_load_idx %gather3A_333[%add3A_217, %broadcast_in_dim3A_328] : memref<640x16xf32, #tpu.memory_space<vmem>>[vector<16xi32>, vector<16xi32>], vector<16xf32>,
          %mul3A_335 = arith.constant 16 : i32
          %mul3A_336 = arith.muli %scan3A_213, %mul3A_335 : i32
          %swap3A_337 = arith.constant 1 : i32
          %swap3A_338 = arith.constant 7 : i32
          %swap3A_339 = arith.index_cast %swap3A_337 : i32 to index
          %swap3A_340 = arith.index_cast %swap3A_338 : i32 to index
          %swap3A_341 = arith.index_cast %mul3A_336 : i32 to index
          %swap3A_342 = tpu.vector_load %arg13[%swap3A_339, %swap3A_340, %swap3A_341] {strides = array<i32>} : memref<2x16x640xf32, #tpu.memory_space<vmem>>, vector<16xf32>,
          tpu.vector_store %arg13[%swap3A_339, %swap3A_340, %swap3A_341], %gather3A_334 {strides = array<i32>} : memref<2x16x640xf32, #tpu.memory_space<vmem>>, vector<16xf32>,
          %broadcast_in_dim3A_343 = arith.constant 8 : i32
          %broadcast_in_dim3A_344 = vector.broadcast %broadcast_in_dim3A_343 : i32 to vector<16xi32>
          %gather3A_345 = arith.constant 1 : i32
          %gather3A_346 = arith.constant 0 : i32
          %gather3A_347 = arith.constant 0 : i32
          %gather3A_348 = tpu.memref_slice %arg12[%gather3A_345, %gather3A_346, %gather3A_347] : memref<2x640x16xf32, #tpu.memory_space<vmem>> -> memref<1x640x16xf32, #tpu.memory_space<vmem>>
          %gather3A_349 = tpu.memref_squeeze %gather3A_348 : memref<1x640x16xf32, #tpu.memory_space<vmem>> -> memref<640x16xf32, #tpu.memory_space<vmem>>
          %gather3A_350 = tpu.vector_load_idx %gather3A_349[%add3A_217, %broadcast_in_dim3A_344] : memref<640x16xf32, #tpu.memory_space<vmem>>[vector<16xi32>, vector<16xi32>], vector<16xf32>,
          %mul3A_351 = arith.constant 16 : i32
          %mul3A_352 = arith.muli %scan3A_213, %mul3A_351 : i32
          %swap3A_353 = arith.constant 1 : i32
          %swap3A_354 = arith.constant 8 : i32
          %swap3A_355 = arith.index_cast %swap3A_353 : i32 to index
          %swap3A_356 = arith.index_cast %swap3A_354 : i32 to index
          %swap3A_357 = arith.index_cast %mul3A_352 : i32 to index
          %swap3A_358 = tpu.vector_load %arg13[%swap3A_355, %swap3A_356, %swap3A_357] {strides = array<i32>} : memref<2x16x640xf32, #tpu.memory_space<vmem>>, vector<16xf32>,
          tpu.vector_store %arg13[%swap3A_355, %swap3A_356, %swap3A_357], %gather3A_350 {strides = array<i32>} : memref<2x16x640xf32, #tpu.memory_space<vmem>>, vector<16xf32>,
          %broadcast_in_dim3A_359 = arith.constant 9 : i32
          %broadcast_in_dim3A_360 = vector.broadcast %broadcast_in_dim3A_359 : i32 to vector<16xi32>
          %gather3A_361 = arith.constant 1 : i32
          %gather3A_362 = arith.constant 0 : i32
          %gather3A_363 = arith.constant 0 : i32
          %gather3A_364 = tpu.memref_slice %arg12[%gather3A_361, %gather3A_362, %gather3A_363] : memref<2x640x16xf32, #tpu.memory_space<vmem>> -> memref<1x640x16xf32, #tpu.memory_space<vmem>>
          %gather3A_365 = tpu.memref_squeeze %gather3A_364 : memref<1x640x16xf32, #tpu.memory_space<vmem>> -> memref<640x16xf32, #tpu.memory_space<vmem>>
          %gather3A_366 = tpu.vector_load_idx %gather3A_365[%add3A_217, %broadcast_in_dim3A_360] : memref<640x16xf32, #tpu.memory_space<vmem>>[vector<16xi32>, vector<16xi32>], vector<16xf32>,
          %mul3A_367 = arith.constant 16 : i32
          %mul3A_368 = arith.muli %scan3A_213, %mul3A_367 : i32
          %swap3A_369 = arith.constant 1 : i32
          %swap3A_370 = arith.constant 9 : i32
          %swap3A_371 = arith.index_cast %swap3A_369 : i32 to index
          %swap3A_372 = arith.index_cast %swap3A_370 : i32 to index
          %swap3A_373 = arith.index_cast %mul3A_368 : i32 to index
          %swap3A_374 = tpu.vector_load %arg13[%swap3A_371, %swap3A_372, %swap3A_373] {strides = array<i32>} : memref<2x16x640xf32, #tpu.memory_space<vmem>>, vector<16xf32>,
          tpu.vector_store %arg13[%swap3A_371, %swap3A_372, %swap3A_373], %gather3A_366 {strides = array<i32>} : memref<2x16x640xf32, #tpu.memory_space<vmem>>, vector<16xf32>,
          %broadcast_in_dim3A_375 = arith.constant 10 : i32
          %broadcast_in_dim3A_376 = vector.broadcast %broadcast_in_dim3A_375 : i32 to vector<16xi32>
          %gather3A_377 = arith.constant 1 : i32
          %gather3A_378 = arith.constant 0 : i32
          %gather3A_379 = arith.constant 0 : i32
          %gather3A_380 = tpu.memref_slice %arg12[%gather3A_377, %gather3A_378, %gather3A_379] : memref<2x640x16xf32, #tpu.memory_space<vmem>> -> memref<1x640x16xf32, #tpu.memory_space<vmem>>
          %gather3A_381 = tpu.memref_squeeze %gather3A_380 : memref<1x640x16xf32, #tpu.memory_space<vmem>> -> memref<640x16xf32, #tpu.memory_space<vmem>>
          %gather3A_382 = tpu.vector_load_idx %gather3A_381[%add3A_217, %broadcast_in_dim3A_376] : memref<640x16xf32, #tpu.memory_space<vmem>>[vector<16xi32>, vector<16xi32>], vector<16xf32>,
          %mul3A_383 = arith.constant 16 : i32
          %mul3A_384 = arith.muli %scan3A_213, %mul3A_383 : i32
          %swap3A_385 = arith.constant 1 : i32
          %swap3A_386 = arith.constant 10 : i32
          %swap3A_387 = arith.index_cast %swap3A_385 : i32 to index
          %swap3A_388 = arith.index_cast %swap3A_386 : i32 to index
          %swap3A_389 = arith.index_cast %mul3A_384 : i32 to index
          %swap3A_390 = tpu.vector_load %arg13[%swap3A_387, %swap3A_388, %swap3A_389] {strides = array<i32>} : memref<2x16x640xf32, #tpu.memory_space<vmem>>, vector<16xf32>,
          tpu.vector_store %arg13[%swap3A_387, %swap3A_388, %swap3A_389], %gather3A_382 {strides = array<i32>} : memref<2x16x640xf32, #tpu.memory_space<vmem>>, vector<16xf32>,
          %broadcast_in_dim3A_391 = arith.constant 11 : i32
          %broadcast_in_dim3A_392 = vector.broadcast %broadcast_in_dim3A_391 : i32 to vector<16xi32>
          %gather3A_393 = arith.constant 1 : i32
          %gather3A_394 = arith.constant 0 : i32
          %gather3A_395 = arith.constant 0 : i32
          %gather3A_396 = tpu.memref_slice %arg12[%gather3A_393, %gather3A_394, %gather3A_395] : memref<2x640x16xf32, #tpu.memory_space<vmem>> -> memref<1x640x16xf32, #tpu.memory_space<vmem>>
          %gather3A_397 = tpu.memref_squeeze %gather3A_396 : memref<1x640x16xf32, #tpu.memory_space<vmem>> -> memref<640x16xf32, #tpu.memory_space<vmem>>
          %gather3A_398 = tpu.vector_load_idx %gather3A_397[%add3A_217, %broadcast_in_dim3A_392] : memref<640x16xf32, #tpu.memory_space<vmem>>[vector<16xi32>, vector<16xi32>], vector<16xf32>,
          %mul3A_399 = arith.constant 16 : i32
          %mul3A_400 = arith.muli %scan3A_213, %mul3A_399 : i32
          %swap3A_401 = arith.constant 1 : i32
          %swap3A_402 = arith.constant 11 : i32
          %swap3A_403 = arith.index_cast %swap3A_401 : i32 to index
          %swap3A_404 = arith.index_cast %swap3A_402 : i32 to index
          %swap3A_405 = arith.index_cast %mul3A_400 : i32 to index
          %swap3A_406 = tpu.vector_load %arg13[%swap3A_403, %swap3A_404, %swap3A_405] {strides = array<i32>} : memref<2x16x640xf32, #tpu.memory_space<vmem>>, vector<16xf32>,
          tpu.vector_store %arg13[%swap3A_403, %swap3A_404, %swap3A_405], %gather3A_398 {strides = array<i32>} : memref<2x16x640xf32, #tpu.memory_space<vmem>>, vector<16xf32>,
          %broadcast_in_dim3A_407 = arith.constant 12 : i32
          %broadcast_in_dim3A_408 = vector.broadcast %broadcast_in_dim3A_407 : i32 to vector<16xi32>
          %gather3A_409 = arith.constant 1 : i32
          %gather3A_410 = arith.constant 0 : i32
          %gather3A_411 = arith.constant 0 : i32
          %gather3A_412 = tpu.memref_slice %arg12[%gather3A_409, %gather3A_410, %gather3A_411] : memref<2x640x16xf32, #tpu.memory_space<vmem>> -> memref<1x640x16xf32, #tpu.memory_space<vmem>>
          %gather3A_413 = tpu.memref_squeeze %gather3A_412 : memref<1x640x16xf32, #tpu.memory_space<vmem>> -> memref<640x16xf32, #tpu.memory_space<vmem>>
          %gather3A_414 = tpu.vector_load_idx %gather3A_413[%add3A_217, %broadcast_in_dim3A_408] : memref<640x16xf32, #tpu.memory_space<vmem>>[vector<16xi32>, vector<16xi32>], vector<16xf32>,
          %mul3A_415 = arith.constant 16 : i32
          %mul3A_416 = arith.muli %scan3A_213, %mul3A_415 : i32
          %swap3A_417 = arith.constant 1 : i32
          %swap3A_418 = arith.constant 12 : i32
          %swap3A_419 = arith.index_cast %swap3A_417 : i32 to index
          %swap3A_420 = arith.index_cast %swap3A_418 : i32 to index
          %swap3A_421 = arith.index_cast %mul3A_416 : i32 to index
          %swap3A_422 = tpu.vector_load %arg13[%swap3A_419, %swap3A_420, %swap3A_421] {strides = array<i32>} : memref<2x16x640xf32, #tpu.memory_space<vmem>>, vector<16xf32>,
          tpu.vector_store %arg13[%swap3A_419, %swap3A_420, %swap3A_421], %gather3A_414 {strides = array<i32>} : memref<2x16x640xf32, #tpu.memory_space<vmem>>, vector<16xf32>,
          %broadcast_in_dim3A_423 = arith.constant 13 : i32
          %broadcast_in_dim3A_424 = vector.broadcast %broadcast_in_dim3A_423 : i32 to vector<16xi32>
          %gather3A_425 = arith.constant 1 : i32
          %gather3A_426 = arith.constant 0 : i32
          %gather3A_427 = arith.constant 0 : i32
          %gather3A_428 = tpu.memref_slice %arg12[%gather3A_425, %gather3A_426, %gather3A_427] : memref<2x640x16xf32, #tpu.memory_space<vmem>> -> memref<1x640x16xf32, #tpu.memory_space<vmem>>
          %gather3A_429 = tpu.memref_squeeze %gather3A_428 : memref<1x640x16xf32, #tpu.memory_space<vmem>> -> memref<640x16xf32, #tpu.memory_space<vmem>>
          %gather3A_430 = tpu.vector_load_idx %gather3A_429[%add3A_217, %broadcast_in_dim3A_424] : memref<640x16xf32, #tpu.memory_space<vmem>>[vector<16xi32>, vector<16xi32>], vector<16xf32>,
          %mul3A_431 = arith.constant 16 : i32
          %mul3A_432 = arith.muli %scan3A_213, %mul3A_431 : i32
          %swap3A_433 = arith.constant 1 : i32
          %swap3A_434 = arith.constant 13 : i32
          %swap3A_435 = arith.index_cast %swap3A_433 : i32 to index
          %swap3A_436 = arith.index_cast %swap3A_434 : i32 to index
          %swap3A_437 = arith.index_cast %mul3A_432 : i32 to index
          %swap3A_438 = tpu.vector_load %arg13[%swap3A_435, %swap3A_436, %swap3A_437] {strides = array<i32>} : memref<2x16x640xf32, #tpu.memory_space<vmem>>, vector<16xf32>,
          tpu.vector_store %arg13[%swap3A_435, %swap3A_436, %swap3A_437], %gather3A_430 {strides = array<i32>} : memref<2x16x640xf32, #tpu.memory_space<vmem>>, vector<16xf32>,
          %broadcast_in_dim3A_439 = arith.constant 14 : i32
          %broadcast_in_dim3A_440 = vector.broadcast %broadcast_in_dim3A_439 : i32 to vector<16xi32>
          %gather3A_441 = arith.constant 1 : i32
          %gather3A_442 = arith.constant 0 : i32
          %gather3A_443 = arith.constant 0 : i32
          %gather3A_444 = tpu.memref_slice %arg12[%gather3A_441, %gather3A_442, %gather3A_443] : memref<2x640x16xf32, #tpu.memory_space<vmem>> -> memref<1x640x16xf32, #tpu.memory_space<vmem>>
          %gather3A_445 = tpu.memref_squeeze %gather3A_444 : memref<1x640x16xf32, #tpu.memory_space<vmem>> -> memref<640x16xf32, #tpu.memory_space<vmem>>
          %gather3A_446 = tpu.vector_load_idx %gather3A_445[%add3A_217, %broadcast_in_dim3A_440] : memref<640x16xf32, #tpu.memory_space<vmem>>[vector<16xi32>, vector<16xi32>], vector<16xf32>,
          %mul3A_447 = arith.constant 16 : i32
          %mul3A_448 = arith.muli %scan3A_213, %mul3A_447 : i32
          %swap3A_449 = arith.constant 1 : i32
          %swap3A_450 = arith.constant 14 : i32
          %swap3A_451 = arith.index_cast %swap3A_449 : i32 to index
          %swap3A_452 = arith.index_cast %swap3A_450 : i32 to index
          %swap3A_453 = arith.index_cast %mul3A_448 : i32 to index
          %swap3A_454 = tpu.vector_load %arg13[%swap3A_451, %swap3A_452, %swap3A_453] {strides = array<i32>} : memref<2x16x640xf32, #tpu.memory_space<vmem>>, vector<16xf32>,
          tpu.vector_store %arg13[%swap3A_451, %swap3A_452, %swap3A_453], %gather3A_446 {strides = array<i32>} : memref<2x16x640xf32, #tpu.memory_space<vmem>>, vector<16xf32>,
          %broadcast_in_dim3A_455 = arith.constant 15 : i32
          %broadcast_in_dim3A_456 = vector.broadcast %broadcast_in_dim3A_455 : i32 to vector<16xi32>
          %gather3A_457 = arith.constant 1 : i32
          %gather3A_458 = arith.constant 0 : i32
          %gather3A_459 = arith.constant 0 : i32
          %gather3A_460 = tpu.memref_slice %arg12[%gather3A_457, %gather3A_458, %gather3A_459] : memref<2x640x16xf32, #tpu.memory_space<vmem>> -> memref<1x640x16xf32, #tpu.memory_space<vmem>>
          %gather3A_461 = tpu.memref_squeeze %gather3A_460 : memref<1x640x16xf32, #tpu.memory_space<vmem>> -> memref<640x16xf32, #tpu.memory_space<vmem>>
          %gather3A_462 = tpu.vector_load_idx %gather3A_461[%add3A_217, %broadcast_in_dim3A_456] : memref<640x16xf32, #tpu.memory_space<vmem>>[vector<16xi32>, vector<16xi32>], vector<16xf32>,
          %mul3A_463 = arith.constant 16 : i32
          %mul3A_464 = arith.muli %scan3A_213, %mul3A_463 : i32
          %swap3A_465 = arith.constant 1 : i32
          %swap3A_466 = arith.constant 15 : i32
          %swap3A_467 = arith.index_cast %swap3A_465 : i32 to index
          %swap3A_468 = arith.index_cast %swap3A_466 : i32 to index
          %swap3A_469 = arith.index_cast %mul3A_464 : i32 to index
          %swap3A_470 = tpu.vector_load %arg13[%swap3A_467, %swap3A_468, %swap3A_469] {strides = array<i32>} : memref<2x16x640xf32, #tpu.memory_space<vmem>>, vector<16xf32>,
          tpu.vector_store %arg13[%swap3A_467, %swap3A_468, %swap3A_469], %gather3A_462 {strides = array<i32>} : memref<2x16x640xf32, #tpu.memory_space<vmem>>, vector<16xf32>,
        }
        %scan3A_195 = arith.constant 40 : i32
        %mul3A_196 = arith.constant 16 : i32
        %mul3A_197 = arith.muli %select_n3A_38, %mul3A_196 : i32
        %add3A_198 = arith.constant 1920 : i32
        %add3A_199 = arith.addi %mul3A_0, %add3A_198 : i32
        %dma_start3A_200 = arith.constant 1 : i32
        %dma_start3A_201 = arith.constant 0 : i32
        %dma_start3A_202 = arith.constant 0 : i32
        %dma_start3A_203 = tpu.memref_slice %arg13[%dma_start3A_200, %dma_start3A_201, %dma_start3A_202] : memref<2x16x640xf32, #tpu.memory_space<vmem>> -> memref<1x16x640xf32, #tpu.memory_space<vmem>>
        %dma_start3A_204 = tpu.memref_squeeze %dma_start3A_203 : memref<1x16x640xf32, #tpu.memory_space<vmem>> -> memref<16x640xf32, #tpu.memory_space<vmem>>
        %dma_start3A_205 = tpu.memref_slice %arg6[%add3A, %mul3A_197, %add3A_199] : memref<4x64x40000xf32, #tpu.memory_space<hbm>> -> memref<1x16x640xf32, #tpu.memory_space<hbm>>
        %dma_start3A_206 = tpu.memref_squeeze %dma_start3A_205 : memref<1x16x640xf32, #tpu.memory_space<hbm>> -> memref<16x640xf32, #tpu.memory_space<hbm>>
        %dma_start3A_207 = tpu.memref_slice %arg6[%add3A, %mul3A_197, %add3A_199] : memref<4x64x40000xf32, #tpu.memory_space<hbm>> -> memref<1x16x640xf32, #tpu.memory_space<hbm>>
        %dma_start3A_208 = tpu.memref_squeeze %dma_start3A_207 : memref<1x16x640xf32, #tpu.memory_space<hbm>> -> memref<16x640xf32, #tpu.memory_space<hbm>>
        %dma_start3A_209 = arith.constant 0 : i32
        %dma_start3A_210 = arith.constant 0 : i32
        %dma_start3A_211 = tpu.memref_slice %arg13[%dma_start3A_200, %dma_start3A_209, %dma_start3A_210] : memref<2x16x640xf32, #tpu.memory_space<vmem>> -> memref<1x16x640xf32, #tpu.memory_space<vmem>>
        %dma_start3A_212 = tpu.memref_squeeze %dma_start3A_211 : memref<1x16x640xf32, #tpu.memory_space<vmem>> -> memref<16x640xf32, #tpu.memory_space<vmem>>
        tpu.enqueue_dma source(%dma_start3A_212 : memref<16x640xf32, #tpu.memory_space<vmem>>) target(%dma_start3A_208 : memref<16x640xf32, #tpu.memory_space<hbm>>) target_semaphore(%arg17 : memref<!tpu.dma_semaphore, #tpu.memory_space<semaphore_mem>>)
      } else {
      }
      %add3A_138 = arith.constant 1920 : i32
      %add3A_139 = arith.addi %mul3A_0, %add3A_138 : i32
      %le3A_140 = arith.constant 40000 : i32
      %le3A_141 = arith.cmpi sle, %add3A_139, %le3A_140 : i32
      %convert_element_type3A_142 = arith.extui %le3A_141 : i1 to i32
      %cond3A_143 = arith.constant 0 : i32
      %cond3A_144 = arith.cmpi ne, %convert_element_type3A_142, %cond3A_143 : i32
      scf.if %cond3A_144 {
        %mul3A_158 = arith.constant 16 : i32
        %mul3A_159 = arith.muli %select_n3A_38, %mul3A_158 : i32
        %add3A_160 = arith.constant 1280 : i32
        %add3A_161 = arith.addi %mul3A_0, %add3A_160 : i32
        %dma_wait3A_162 = arith.constant 0 : i32
        %dma_wait3A_163 = arith.constant 0 : i32
        %dma_wait3A_164 = arith.constant 0 : i32
        %dma_wait3A_165 = tpu.memref_slice %arg13[%dma_wait3A_162, %dma_wait3A_163, %dma_wait3A_164] : memref<2x16x640xf32, #tpu.memory_space<vmem>> -> memref<1x16x640xf32, #tpu.memory_space<vmem>>
        %dma_wait3A_166 = tpu.memref_squeeze %dma_wait3A_165 : memref<1x16x640xf32, #tpu.memory_space<vmem>> -> memref<16x640xf32, #tpu.memory_space<vmem>>
        %dma_wait3A_167 = tpu.memref_slice %arg6[%add3A, %mul3A_159, %add3A_161] : memref<4x64x40000xf32, #tpu.memory_space<hbm>> -> memref<1x16x640xf32, #tpu.memory_space<hbm>>
        %dma_wait3A_168 = tpu.memref_squeeze %dma_wait3A_167 : memref<1x16x640xf32, #tpu.memory_space<hbm>> -> memref<16x640xf32, #tpu.memory_space<hbm>>
        %dma_wait3A_169 = tpu.memref_slice %arg6[%add3A, %mul3A_159, %add3A_161] : memref<4x64x40000xf32, #tpu.memory_space<hbm>> -> memref<1x16x640xf32, #tpu.memory_space<hbm>>
        %dma_wait3A_170 = tpu.memref_squeeze %dma_wait3A_169 : memref<1x16x640xf32, #tpu.memory_space<hbm>> -> memref<16x640xf32, #tpu.memory_space<hbm>>
        %dma_wait3A_171 = arith.constant 0 : i32
        %dma_wait3A_172 = arith.constant 0 : i32
        %dma_wait3A_173 = tpu.memref_slice %arg13[%dma_wait3A_162, %dma_wait3A_171, %dma_wait3A_172] : memref<2x16x640xf32, #tpu.memory_space<vmem>> -> memref<1x16x640xf32, #tpu.memory_space<vmem>>
        %dma_wait3A_174 = tpu.memref_squeeze %dma_wait3A_173 : memref<1x16x640xf32, #tpu.memory_space<vmem>> -> memref<16x640xf32, #tpu.memory_space<vmem>>
        tpu.wait_dma2 semaphore(%arg17 : memref<!tpu.dma_semaphore, #tpu.memory_space<semaphore_mem>>) src(%dma_wait3A_174 : memref<16x640xf32, #tpu.memory_space<vmem>>) dst(%dma_wait3A_170 : memref<16x640xf32, #tpu.memory_space<hbm>>)
      } else {
      }
      %add3A_145 = arith.constant 2560 : i32
      %add3A_146 = arith.addi %mul3A_0, %add3A_145 : i32
      %le3A_147 = arith.constant 40000 : i32
      %le3A_148 = arith.cmpi sle, %add3A_146, %le3A_147 : i32
      %convert_element_type3A_149 = arith.extui %le3A_148 : i1 to i32
      %cond3A_150 = arith.constant 0 : i32
      %cond3A_151 = arith.cmpi ne, %convert_element_type3A_149, %cond3A_150 : i32
      scf.if %cond3A_151 {
        %mul3A_158 = arith.constant 16 : i32
        %mul3A_159 = arith.muli %select_n3A_38, %mul3A_158 : i32
        %add3A_160 = arith.constant 1920 : i32
        %add3A_161 = arith.addi %mul3A_0, %add3A_160 : i32
        %dma_wait3A_162 = arith.constant 1 : i32
        %dma_wait3A_163 = arith.constant 0 : i32
        %dma_wait3A_164 = arith.constant 0 : i32
        %dma_wait3A_165 = tpu.memref_slice %arg13[%dma_wait3A_162, %dma_wait3A_163, %dma_wait3A_164] : memref<2x16x640xf32, #tpu.memory_space<vmem>> -> memref<1x16x640xf32, #tpu.memory_space<vmem>>
        %dma_wait3A_166 = tpu.memref_squeeze %dma_wait3A_165 : memref<1x16x640xf32, #tpu.memory_space<vmem>> -> memref<16x640xf32, #tpu.memory_space<vmem>>
        %dma_wait3A_167 = tpu.memref_slice %arg6[%add3A, %mul3A_159, %add3A_161] : memref<4x64x40000xf32, #tpu.memory_space<hbm>> -> memref<1x16x640xf32, #tpu.memory_space<hbm>>
        %dma_wait3A_168 = tpu.memref_squeeze %dma_wait3A_167 : memref<1x16x640xf32, #tpu.memory_space<hbm>> -> memref<16x640xf32, #tpu.memory_space<hbm>>
        %dma_wait3A_169 = tpu.memref_slice %arg6[%add3A, %mul3A_159, %add3A_161] : memref<4x64x40000xf32, #tpu.memory_space<hbm>> -> memref<1x16x640xf32, #tpu.memory_space<hbm>>
        %dma_wait3A_170 = tpu.memref_squeeze %dma_wait3A_169 : memref<1x16x640xf32, #tpu.memory_space<hbm>> -> memref<16x640xf32, #tpu.memory_space<hbm>>
        %dma_wait3A_171 = arith.constant 0 : i32
        %dma_wait3A_172 = arith.constant 0 : i32
        %dma_wait3A_173 = tpu.memref_slice %arg13[%dma_wait3A_162, %dma_wait3A_171, %dma_wait3A_172] : memref<2x16x640xf32, #tpu.memory_space<vmem>> -> memref<1x16x640xf32, #tpu.memory_space<vmem>>
        %dma_wait3A_174 = tpu.memref_squeeze %dma_wait3A_173 : memref<1x16x640xf32, #tpu.memory_space<vmem>> -> memref<16x640xf32, #tpu.memory_space<vmem>>
        tpu.wait_dma2 semaphore(%arg17 : memref<!tpu.dma_semaphore, #tpu.memory_space<semaphore_mem>>) src(%dma_wait3A_174 : memref<16x640xf32, #tpu.memory_space<vmem>>) dst(%dma_wait3A_170 : memref<16x640xf32, #tpu.memory_space<hbm>>)
      } else {
      }
      %eq3A_152 = arith.constant 15 : i32
      %eq3A_153 = arith.cmpi eq, %arg1, %eq3A_152 : i32
      %convert_element_type3A_154 = arith.extui %eq3A_153 : i1 to i32
      %cond3A_155 = arith.constant 0 : i32
      %cond3A_156 = arith.cmpi ne, %convert_element_type3A_154, %cond3A_155 : i32
      scf.if %cond3A_156 {
        %mul3A_158 = arith.constant 16 : i32
        %mul3A_159 = arith.muli %select_n3A_38, %mul3A_158 : i32
        %add3A_160 = arith.constant 0 : i32
        %add3A_161 = arith.addi %mul3A_0, %add3A_160 : i32
        %dma_wait3A_162 = arith.constant 0 : i32
        %dma_wait3A_163 = arith.constant 0 : i32
        %dma_wait3A_164 = arith.constant 0 : i32
        %dma_wait3A_165 = tpu.memref_slice %arg13[%dma_wait3A_162, %dma_wait3A_163, %dma_wait3A_164] : memref<2x16x640xf32, #tpu.memory_space<vmem>> -> memref<1x16x640xf32, #tpu.memory_space<vmem>>
        %dma_wait3A_166 = tpu.memref_squeeze %dma_wait3A_165 : memref<1x16x640xf32, #tpu.memory_space<vmem>> -> memref<16x640xf32, #tpu.memory_space<vmem>>
        %dma_wait3A_167 = tpu.memref_slice %arg6[%add3A, %mul3A_159, %add3A_161] : memref<4x64x40000xf32, #tpu.memory_space<hbm>> -> memref<1x16x640xf32, #tpu.memory_space<hbm>>
        %dma_wait3A_168 = tpu.memref_squeeze %dma_wait3A_167 : memref<1x16x640xf32, #tpu.memory_space<hbm>> -> memref<16x640xf32, #tpu.memory_space<hbm>>
        %dma_wait3A_169 = tpu.memref_slice %arg6[%add3A, %mul3A_159, %add3A_161] : memref<4x64x40000xf32, #tpu.memory_space<hbm>> -> memref<1x16x640xf32, #tpu.memory_space<hbm>>
        %dma_wait3A_170 = tpu.memref_squeeze %dma_wait3A_169 : memref<1x16x640xf32, #tpu.memory_space<hbm>> -> memref<16x640xf32, #tpu.memory_space<hbm>>
        %dma_wait3A_171 = arith.constant 0 : i32
        %dma_wait3A_172 = arith.constant 0 : i32
        %dma_wait3A_173 = tpu.memref_slice %arg13[%dma_wait3A_162, %dma_wait3A_171, %dma_wait3A_172] : memref<2x16x640xf32, #tpu.memory_space<vmem>> -> memref<1x16x640xf32, #tpu.memory_space<vmem>>
        %dma_wait3A_174 = tpu.memref_squeeze %dma_wait3A_173 : memref<1x16x640xf32, #tpu.memory_space<vmem>> -> memref<16x640xf32, #tpu.memory_space<vmem>>
        tpu.wait_dma2 semaphore(%arg17 : memref<!tpu.dma_semaphore, #tpu.memory_space<semaphore_mem>>) src(%dma_wait3A_174 : memref<16x640xf32, #tpu.memory_space<vmem>>) dst(%dma_wait3A_170 : memref<16x640xf32, #tpu.memory_space<hbm>>)
        %mul3A_175 = arith.constant 16 : i32
        %mul3A_176 = arith.muli %select_n3A_38, %mul3A_175 : i32
        %add3A_177 = arith.constant 640 : i32
        %add3A_178 = arith.addi %mul3A_0, %add3A_177 : i32
        %dma_wait3A_179 = arith.constant 1 : i32
        %dma_wait3A_180 = arith.constant 0 : i32
        %dma_wait3A_181 = arith.constant 0 : i32
        %dma_wait3A_182 = tpu.memref_slice %arg13[%dma_wait3A_179, %dma_wait3A_180, %dma_wait3A_181] : memref<2x16x640xf32, #tpu.memory_space<vmem>> -> memref<1x16x640xf32, #tpu.memory_space<vmem>>
        %dma_wait3A_183 = tpu.memref_squeeze %dma_wait3A_182 : memref<1x16x640xf32, #tpu.memory_space<vmem>> -> memref<16x640xf32, #tpu.memory_space<vmem>>
        %dma_wait3A_184 = tpu.memref_slice %arg6[%add3A, %mul3A_176, %add3A_178] : memref<4x64x40000xf32, #tpu.memory_space<hbm>> -> memref<1x16x640xf32, #tpu.memory_space<hbm>>
        %dma_wait3A_185 = tpu.memref_squeeze %dma_wait3A_184 : memref<1x16x640xf32, #tpu.memory_space<hbm>> -> memref<16x640xf32, #tpu.memory_space<hbm>>
        %dma_wait3A_186 = tpu.memref_slice %arg6[%add3A, %mul3A_176, %add3A_178] : memref<4x64x40000xf32, #tpu.memory_space<hbm>> -> memref<1x16x640xf32, #tpu.memory_space<hbm>>
        %dma_wait3A_187 = tpu.memref_squeeze %dma_wait3A_186 : memref<1x16x640xf32, #tpu.memory_space<hbm>> -> memref<16x640xf32, #tpu.memory_space<hbm>>
        %dma_wait3A_188 = arith.constant 0 : i32
        %dma_wait3A_189 = arith.constant 0 : i32
        %dma_wait3A_190 = tpu.memref_slice %arg13[%dma_wait3A_179, %dma_wait3A_188, %dma_wait3A_189] : memref<2x16x640xf32, #tpu.memory_space<vmem>> -> memref<1x16x640xf32, #tpu.memory_space<vmem>>
        %dma_wait3A_191 = tpu.memref_squeeze %dma_wait3A_190 : memref<1x16x640xf32, #tpu.memory_space<vmem>> -> memref<16x640xf32, #tpu.memory_space<vmem>>
        tpu.wait_dma2 semaphore(%arg17 : memref<!tpu.dma_semaphore, #tpu.memory_space<semaphore_mem>>) src(%dma_wait3A_191 : memref<16x640xf32, #tpu.memory_space<vmem>>) dst(%dma_wait3A_187 : memref<16x640xf32, #tpu.memory_space<hbm>>)
        %run_scoped3A = arith.constant 0 : i32
        "tpu.region"() ({
          %run_scoped3A_201 = tpu.sem_alloc : memref<!tpu.dma_semaphore, #tpu.memory_space<semaphore_mem>>
          %dma_start3A_202 = arith.constant 0 : i32
          %dma_start3A_203 = arith.constant 0 : i32
          %dma_start3A_204 = tpu.memref_slice %arg12[%run_scoped3A, %dma_start3A_202, %dma_start3A_203] : memref<2x640x16xf32, #tpu.memory_space<vmem>> -> memref<1x320x16xf32, #tpu.memory_space<vmem>>
          %dma_start3A_205 = tpu.memref_squeeze %dma_start3A_204 : memref<1x320x16xf32, #tpu.memory_space<vmem>> -> memref<320x16xf32, #tpu.memory_space<vmem>>
          %dma_start3A_206 = arith.constant 39680 : i32
          %dma_start3A_207 = arith.constant 0 : i32
          %dma_start3A_208 = tpu.memref_slice %arg18[%dma_start3A_206, %dma_start3A_207] : memref<40960x16xf32, #tpu.memory_space<vmem_shared>> -> memref<320x16xf32, #tpu.memory_space<vmem_shared>>
          %dma_start3A_209 = arith.constant 0 : i32
          %dma_start3A_210 = arith.constant 0 : i32
          %dma_start3A_211 = tpu.memref_slice %arg12[%run_scoped3A, %dma_start3A_209, %dma_start3A_210] : memref<2x640x16xf32, #tpu.memory_space<vmem>> -> memref<1x320x16xf32, #tpu.memory_space<vmem>>
          %dma_start3A_212 = tpu.memref_squeeze %dma_start3A_211 : memref<1x320x16xf32, #tpu.memory_space<vmem>> -> memref<320x16xf32, #tpu.memory_space<vmem>>
          %dma_start3A_213 = arith.constant 39680 : i32
          %dma_start3A_214 = arith.constant 0 : i32
          %dma_start3A_215 = tpu.memref_slice %arg18[%dma_start3A_213, %dma_start3A_214] : memref<40960x16xf32, #tpu.memory_space<vmem_shared>> -> memref<320x16xf32, #tpu.memory_space<vmem_shared>>
          tpu.enqueue_dma source(%dma_start3A_215 : memref<320x16xf32, #tpu.memory_space<vmem_shared>>) target(%dma_start3A_212 : memref<320x16xf32, #tpu.memory_space<vmem>>) target_semaphore(%run_scoped3A_201 : memref<!tpu.dma_semaphore, #tpu.memory_space<semaphore_mem>>)
          %dma_wait3A_216 = arith.constant 0 : i32
          %dma_wait3A_217 = arith.constant 0 : i32
          %dma_wait3A_218 = tpu.memref_slice %arg12[%run_scoped3A, %dma_wait3A_216, %dma_wait3A_217] : memref<2x640x16xf32, #tpu.memory_space<vmem>> -> memref<1x320x16xf32, #tpu.memory_space<vmem>>
          %dma_wait3A_219 = tpu.memref_squeeze %dma_wait3A_218 : memref<1x320x16xf32, #tpu.memory_space<vmem>> -> memref<320x16xf32, #tpu.memory_space<vmem>>
          %dma_wait3A_220 = arith.constant 39680 : i32
          %dma_wait3A_221 = arith.constant 0 : i32
          %dma_wait3A_222 = tpu.memref_slice %arg18[%dma_wait3A_220, %dma_wait3A_221] : memref<40960x16xf32, #tpu.memory_space<vmem_shared>> -> memref<320x16xf32, #tpu.memory_space<vmem_shared>>
          %dma_wait3A_223 = arith.constant 0 : i32
          %dma_wait3A_224 = arith.constant 0 : i32
          %dma_wait3A_225 = tpu.memref_slice %arg12[%run_scoped3A, %dma_wait3A_223, %dma_wait3A_224] : memref<2x640x16xf32, #tpu.memory_space<vmem>> -> memref<1x320x16xf32, #tpu.memory_space<vmem>>
          %dma_wait3A_226 = tpu.memref_squeeze %dma_wait3A_225 : memref<1x320x16xf32, #tpu.memory_space<vmem>> -> memref<320x16xf32, #tpu.memory_space<vmem>>
          %dma_wait3A_227 = arith.constant 39680 : i32
          %dma_wait3A_228 = arith.constant 0 : i32
          %dma_wait3A_229 = tpu.memref_slice %arg18[%dma_wait3A_227, %dma_wait3A_228] : memref<40960x16xf32, #tpu.memory_space<vmem_shared>> -> memref<320x16xf32, #tpu.memory_space<vmem_shared>>
          tpu.wait_dma2 semaphore(%run_scoped3A_201 : memref<!tpu.dma_semaphore, #tpu.memory_space<semaphore_mem>>) src(%dma_wait3A_229 : memref<320x16xf32, #tpu.memory_space<vmem_shared>>) dst(%dma_wait3A_226 : memref<320x16xf32, #tpu.memory_space<vmem>>)
          tpu.yield
        }) : () -> ()
        %scan3A_192 = arith.constant 0 : i32
        %scan3A_193 = arith.constant 0 : i32
        %scan3A_194 = arith.constant 20 : i32
        %scan3A_195 = arith.addi %scan3A_193, %scan3A_194 : i32
        %scan3A_196 = arith.constant 1 : i32
        scf.for %scan3A_201 = %scan3A_193 to %scan3A_195 step %scan3A_196  : i32 {
          %mul3A_202 = arith.constant 16 : i32
          %mul3A_203 = arith.muli %scan3A_201, %mul3A_202 : i32
          %add3A_204 = vector.broadcast %mul3A_203 : i32 to vector<16xi32>
          %add3A_205 = arith.addi %add3A_204, %iota3A : vector<16xi32>
          %broadcast_in_dim3A = arith.constant 0 : i32
          %broadcast_in_dim3A_206 = vector.broadcast %broadcast_in_dim3A : i32 to vector<16xi32>
          %gather3A = arith.constant 0 : i32
          %gather3A_207 = arith.constant 0 : i32
          %gather3A_208 = arith.constant 0 : i32
          %gather3A_209 = tpu.memref_slice %arg12[%gather3A, %gather3A_207, %gather3A_208] : memref<2x640x16xf32, #tpu.memory_space<vmem>> -> memref<1x640x16xf32, #tpu.memory_space<vmem>>
          %gather3A_210 = tpu.memref_squeeze %gather3A_209 : memref<1x640x16xf32, #tpu.memory_space<vmem>> -> memref<640x16xf32, #tpu.memory_space<vmem>>
          %gather3A_211 = tpu.vector_load_idx %gather3A_210[%add3A_205, %broadcast_in_dim3A_206] : memref<640x16xf32, #tpu.memory_space<vmem>>[vector<16xi32>, vector<16xi32>], vector<16xf32>,
          %mul3A_212 = arith.constant 16 : i32
          %mul3A_213 = arith.muli %scan3A_201, %mul3A_212 : i32
          %swap3A = arith.constant 0 : i32
          %swap3A_214 = arith.constant 0 : i32
          %swap3A_215 = arith.index_cast %swap3A : i32 to index
          %swap3A_216 = arith.index_cast %swap3A_214 : i32 to index
          %swap3A_217 = arith.index_cast %mul3A_213 : i32 to index
          %swap3A_218 = tpu.vector_load %arg13[%swap3A_215, %swap3A_216, %swap3A_217] {strides = array<i32>} : memref<2x16x640xf32, #tpu.memory_space<vmem>>, vector<16xf32>,
          tpu.vector_store %arg13[%swap3A_215, %swap3A_216, %swap3A_217], %gather3A_211 {strides = array<i32>} : memref<2x16x640xf32, #tpu.memory_space<vmem>>, vector<16xf32>,
          %broadcast_in_dim3A_219 = arith.constant 1 : i32
          %broadcast_in_dim3A_220 = vector.broadcast %broadcast_in_dim3A_219 : i32 to vector<16xi32>
          %gather3A_221 = arith.constant 0 : i32
          %gather3A_222 = arith.constant 0 : i32
          %gather3A_223 = arith.constant 0 : i32
          %gather3A_224 = tpu.memref_slice %arg12[%gather3A_221, %gather3A_222, %gather3A_223] : memref<2x640x16xf32, #tpu.memory_space<vmem>> -> memref<1x640x16xf32, #tpu.memory_space<vmem>>
          %gather3A_225 = tpu.memref_squeeze %gather3A_224 : memref<1x640x16xf32, #tpu.memory_space<vmem>> -> memref<640x16xf32, #tpu.memory_space<vmem>>
          %gather3A_226 = tpu.vector_load_idx %gather3A_225[%add3A_205, %broadcast_in_dim3A_220] : memref<640x16xf32, #tpu.memory_space<vmem>>[vector<16xi32>, vector<16xi32>], vector<16xf32>,
          %mul3A_227 = arith.constant 16 : i32
          %mul3A_228 = arith.muli %scan3A_201, %mul3A_227 : i32
          %swap3A_229 = arith.constant 0 : i32
          %swap3A_230 = arith.constant 1 : i32
          %swap3A_231 = arith.index_cast %swap3A_229 : i32 to index
          %swap3A_232 = arith.index_cast %swap3A_230 : i32 to index
          %swap3A_233 = arith.index_cast %mul3A_228 : i32 to index
          %swap3A_234 = tpu.vector_load %arg13[%swap3A_231, %swap3A_232, %swap3A_233] {strides = array<i32>} : memref<2x16x640xf32, #tpu.memory_space<vmem>>, vector<16xf32>,
          tpu.vector_store %arg13[%swap3A_231, %swap3A_232, %swap3A_233], %gather3A_226 {strides = array<i32>} : memref<2x16x640xf32, #tpu.memory_space<vmem>>, vector<16xf32>,
          %broadcast_in_dim3A_235 = arith.constant 2 : i32
          %broadcast_in_dim3A_236 = vector.broadcast %broadcast_in_dim3A_235 : i32 to vector<16xi32>
          %gather3A_237 = arith.constant 0 : i32
          %gather3A_238 = arith.constant 0 : i32
          %gather3A_239 = arith.constant 0 : i32
          %gather3A_240 = tpu.memref_slice %arg12[%gather3A_237, %gather3A_238, %gather3A_239] : memref<2x640x16xf32, #tpu.memory_space<vmem>> -> memref<1x640x16xf32, #tpu.memory_space<vmem>>
          %gather3A_241 = tpu.memref_squeeze %gather3A_240 : memref<1x640x16xf32, #tpu.memory_space<vmem>> -> memref<640x16xf32, #tpu.memory_space<vmem>>
          %gather3A_242 = tpu.vector_load_idx %gather3A_241[%add3A_205, %broadcast_in_dim3A_236] : memref<640x16xf32, #tpu.memory_space<vmem>>[vector<16xi32>, vector<16xi32>], vector<16xf32>,
          %mul3A_243 = arith.constant 16 : i32
          %mul3A_244 = arith.muli %scan3A_201, %mul3A_243 : i32
          %swap3A_245 = arith.constant 0 : i32
          %swap3A_246 = arith.constant 2 : i32
          %swap3A_247 = arith.index_cast %swap3A_245 : i32 to index
          %swap3A_248 = arith.index_cast %swap3A_246 : i32 to index
          %swap3A_249 = arith.index_cast %mul3A_244 : i32 to index
          %swap3A_250 = tpu.vector_load %arg13[%swap3A_247, %swap3A_248, %swap3A_249] {strides = array<i32>} : memref<2x16x640xf32, #tpu.memory_space<vmem>>, vector<16xf32>,
          tpu.vector_store %arg13[%swap3A_247, %swap3A_248, %swap3A_249], %gather3A_242 {strides = array<i32>} : memref<2x16x640xf32, #tpu.memory_space<vmem>>, vector<16xf32>,
          %broadcast_in_dim3A_251 = arith.constant 3 : i32
          %broadcast_in_dim3A_252 = vector.broadcast %broadcast_in_dim3A_251 : i32 to vector<16xi32>
          %gather3A_253 = arith.constant 0 : i32
          %gather3A_254 = arith.constant 0 : i32
          %gather3A_255 = arith.constant 0 : i32
          %gather3A_256 = tpu.memref_slice %arg12[%gather3A_253, %gather3A_254, %gather3A_255] : memref<2x640x16xf32, #tpu.memory_space<vmem>> -> memref<1x640x16xf32, #tpu.memory_space<vmem>>
          %gather3A_257 = tpu.memref_squeeze %gather3A_256 : memref<1x640x16xf32, #tpu.memory_space<vmem>> -> memref<640x16xf32, #tpu.memory_space<vmem>>
          %gather3A_258 = tpu.vector_load_idx %gather3A_257[%add3A_205, %broadcast_in_dim3A_252] : memref<640x16xf32, #tpu.memory_space<vmem>>[vector<16xi32>, vector<16xi32>], vector<16xf32>,
          %mul3A_259 = arith.constant 16 : i32
          %mul3A_260 = arith.muli %scan3A_201, %mul3A_259 : i32
          %swap3A_261 = arith.constant 0 : i32
          %swap3A_262 = arith.constant 3 : i32
          %swap3A_263 = arith.index_cast %swap3A_261 : i32 to index
          %swap3A_264 = arith.index_cast %swap3A_262 : i32 to index
          %swap3A_265 = arith.index_cast %mul3A_260 : i32 to index
          %swap3A_266 = tpu.vector_load %arg13[%swap3A_263, %swap3A_264, %swap3A_265] {strides = array<i32>} : memref<2x16x640xf32, #tpu.memory_space<vmem>>, vector<16xf32>,
          tpu.vector_store %arg13[%swap3A_263, %swap3A_264, %swap3A_265], %gather3A_258 {strides = array<i32>} : memref<2x16x640xf32, #tpu.memory_space<vmem>>, vector<16xf32>,
          %broadcast_in_dim3A_267 = arith.constant 4 : i32
          %broadcast_in_dim3A_268 = vector.broadcast %broadcast_in_dim3A_267 : i32 to vector<16xi32>
          %gather3A_269 = arith.constant 0 : i32
          %gather3A_270 = arith.constant 0 : i32
          %gather3A_271 = arith.constant 0 : i32
          %gather3A_272 = tpu.memref_slice %arg12[%gather3A_269, %gather3A_270, %gather3A_271] : memref<2x640x16xf32, #tpu.memory_space<vmem>> -> memref<1x640x16xf32, #tpu.memory_space<vmem>>
          %gather3A_273 = tpu.memref_squeeze %gather3A_272 : memref<1x640x16xf32, #tpu.memory_space<vmem>> -> memref<640x16xf32, #tpu.memory_space<vmem>>
          %gather3A_274 = tpu.vector_load_idx %gather3A_273[%add3A_205, %broadcast_in_dim3A_268] : memref<640x16xf32, #tpu.memory_space<vmem>>[vector<16xi32>, vector<16xi32>], vector<16xf32>,
          %mul3A_275 = arith.constant 16 : i32
          %mul3A_276 = arith.muli %scan3A_201, %mul3A_275 : i32
          %swap3A_277 = arith.constant 0 : i32
          %swap3A_278 = arith.constant 4 : i32
          %swap3A_279 = arith.index_cast %swap3A_277 : i32 to index
          %swap3A_280 = arith.index_cast %swap3A_278 : i32 to index
          %swap3A_281 = arith.index_cast %mul3A_276 : i32 to index
          %swap3A_282 = tpu.vector_load %arg13[%swap3A_279, %swap3A_280, %swap3A_281] {strides = array<i32>} : memref<2x16x640xf32, #tpu.memory_space<vmem>>, vector<16xf32>,
          tpu.vector_store %arg13[%swap3A_279, %swap3A_280, %swap3A_281], %gather3A_274 {strides = array<i32>} : memref<2x16x640xf32, #tpu.memory_space<vmem>>, vector<16xf32>,
          %broadcast_in_dim3A_283 = arith.constant 5 : i32
          %broadcast_in_dim3A_284 = vector.broadcast %broadcast_in_dim3A_283 : i32 to vector<16xi32>
          %gather3A_285 = arith.constant 0 : i32
          %gather3A_286 = arith.constant 0 : i32
          %gather3A_287 = arith.constant 0 : i32
          %gather3A_288 = tpu.memref_slice %arg12[%gather3A_285, %gather3A_286, %gather3A_287] : memref<2x640x16xf32, #tpu.memory_space<vmem>> -> memref<1x640x16xf32, #tpu.memory_space<vmem>>
          %gather3A_289 = tpu.memref_squeeze %gather3A_288 : memref<1x640x16xf32, #tpu.memory_space<vmem>> -> memref<640x16xf32, #tpu.memory_space<vmem>>
          %gather3A_290 = tpu.vector_load_idx %gather3A_289[%add3A_205, %broadcast_in_dim3A_284] : memref<640x16xf32, #tpu.memory_space<vmem>>[vector<16xi32>, vector<16xi32>], vector<16xf32>,
          %mul3A_291 = arith.constant 16 : i32
          %mul3A_292 = arith.muli %scan3A_201, %mul3A_291 : i32
          %swap3A_293 = arith.constant 0 : i32
          %swap3A_294 = arith.constant 5 : i32
          %swap3A_295 = arith.index_cast %swap3A_293 : i32 to index
          %swap3A_296 = arith.index_cast %swap3A_294 : i32 to index
          %swap3A_297 = arith.index_cast %mul3A_292 : i32 to index
          %swap3A_298 = tpu.vector_load %arg13[%swap3A_295, %swap3A_296, %swap3A_297] {strides = array<i32>} : memref<2x16x640xf32, #tpu.memory_space<vmem>>, vector<16xf32>,
          tpu.vector_store %arg13[%swap3A_295, %swap3A_296, %swap3A_297], %gather3A_290 {strides = array<i32>} : memref<2x16x640xf32, #tpu.memory_space<vmem>>, vector<16xf32>,
          %broadcast_in_dim3A_299 = arith.constant 6 : i32
          %broadcast_in_dim3A_300 = vector.broadcast %broadcast_in_dim3A_299 : i32 to vector<16xi32>
          %gather3A_301 = arith.constant 0 : i32
          %gather3A_302 = arith.constant 0 : i32
          %gather3A_303 = arith.constant 0 : i32
          %gather3A_304 = tpu.memref_slice %arg12[%gather3A_301, %gather3A_302, %gather3A_303] : memref<2x640x16xf32, #tpu.memory_space<vmem>> -> memref<1x640x16xf32, #tpu.memory_space<vmem>>
          %gather3A_305 = tpu.memref_squeeze %gather3A_304 : memref<1x640x16xf32, #tpu.memory_space<vmem>> -> memref<640x16xf32, #tpu.memory_space<vmem>>
          %gather3A_306 = tpu.vector_load_idx %gather3A_305[%add3A_205, %broadcast_in_dim3A_300] : memref<640x16xf32, #tpu.memory_space<vmem>>[vector<16xi32>, vector<16xi32>], vector<16xf32>,
          %mul3A_307 = arith.constant 16 : i32
          %mul3A_308 = arith.muli %scan3A_201, %mul3A_307 : i32
          %swap3A_309 = arith.constant 0 : i32
          %swap3A_310 = arith.constant 6 : i32
          %swap3A_311 = arith.index_cast %swap3A_309 : i32 to index
          %swap3A_312 = arith.index_cast %swap3A_310 : i32 to index
          %swap3A_313 = arith.index_cast %mul3A_308 : i32 to index
          %swap3A_314 = tpu.vector_load %arg13[%swap3A_311, %swap3A_312, %swap3A_313] {strides = array<i32>} : memref<2x16x640xf32, #tpu.memory_space<vmem>>, vector<16xf32>,
          tpu.vector_store %arg13[%swap3A_311, %swap3A_312, %swap3A_313], %gather3A_306 {strides = array<i32>} : memref<2x16x640xf32, #tpu.memory_space<vmem>>, vector<16xf32>,
          %broadcast_in_dim3A_315 = arith.constant 7 : i32
          %broadcast_in_dim3A_316 = vector.broadcast %broadcast_in_dim3A_315 : i32 to vector<16xi32>
          %gather3A_317 = arith.constant 0 : i32
          %gather3A_318 = arith.constant 0 : i32
          %gather3A_319 = arith.constant 0 : i32
          %gather3A_320 = tpu.memref_slice %arg12[%gather3A_317, %gather3A_318, %gather3A_319] : memref<2x640x16xf32, #tpu.memory_space<vmem>> -> memref<1x640x16xf32, #tpu.memory_space<vmem>>
          %gather3A_321 = tpu.memref_squeeze %gather3A_320 : memref<1x640x16xf32, #tpu.memory_space<vmem>> -> memref<640x16xf32, #tpu.memory_space<vmem>>
          %gather3A_322 = tpu.vector_load_idx %gather3A_321[%add3A_205, %broadcast_in_dim3A_316] : memref<640x16xf32, #tpu.memory_space<vmem>>[vector<16xi32>, vector<16xi32>], vector<16xf32>,
          %mul3A_323 = arith.constant 16 : i32
          %mul3A_324 = arith.muli %scan3A_201, %mul3A_323 : i32
          %swap3A_325 = arith.constant 0 : i32
          %swap3A_326 = arith.constant 7 : i32
          %swap3A_327 = arith.index_cast %swap3A_325 : i32 to index
          %swap3A_328 = arith.index_cast %swap3A_326 : i32 to index
          %swap3A_329 = arith.index_cast %mul3A_324 : i32 to index
          %swap3A_330 = tpu.vector_load %arg13[%swap3A_327, %swap3A_328, %swap3A_329] {strides = array<i32>} : memref<2x16x640xf32, #tpu.memory_space<vmem>>, vector<16xf32>,
          tpu.vector_store %arg13[%swap3A_327, %swap3A_328, %swap3A_329], %gather3A_322 {strides = array<i32>} : memref<2x16x640xf32, #tpu.memory_space<vmem>>, vector<16xf32>,
          %broadcast_in_dim3A_331 = arith.constant 8 : i32
          %broadcast_in_dim3A_332 = vector.broadcast %broadcast_in_dim3A_331 : i32 to vector<16xi32>
          %gather3A_333 = arith.constant 0 : i32
          %gather3A_334 = arith.constant 0 : i32
          %gather3A_335 = arith.constant 0 : i32
          %gather3A_336 = tpu.memref_slice %arg12[%gather3A_333, %gather3A_334, %gather3A_335] : memref<2x640x16xf32, #tpu.memory_space<vmem>> -> memref<1x640x16xf32, #tpu.memory_space<vmem>>
          %gather3A_337 = tpu.memref_squeeze %gather3A_336 : memref<1x640x16xf32, #tpu.memory_space<vmem>> -> memref<640x16xf32, #tpu.memory_space<vmem>>
          %gather3A_338 = tpu.vector_load_idx %gather3A_337[%add3A_205, %broadcast_in_dim3A_332] : memref<640x16xf32, #tpu.memory_space<vmem>>[vector<16xi32>, vector<16xi32>], vector<16xf32>,
          %mul3A_339 = arith.constant 16 : i32
          %mul3A_340 = arith.muli %scan3A_201, %mul3A_339 : i32
          %swap3A_341 = arith.constant 0 : i32
          %swap3A_342 = arith.constant 8 : i32
          %swap3A_343 = arith.index_cast %swap3A_341 : i32 to index
          %swap3A_344 = arith.index_cast %swap3A_342 : i32 to index
          %swap3A_345 = arith.index_cast %mul3A_340 : i32 to index
          %swap3A_346 = tpu.vector_load %arg13[%swap3A_343, %swap3A_344, %swap3A_345] {strides = array<i32>} : memref<2x16x640xf32, #tpu.memory_space<vmem>>, vector<16xf32>,
          tpu.vector_store %arg13[%swap3A_343, %swap3A_344, %swap3A_345], %gather3A_338 {strides = array<i32>} : memref<2x16x640xf32, #tpu.memory_space<vmem>>, vector<16xf32>,
          %broadcast_in_dim3A_347 = arith.constant 9 : i32
          %broadcast_in_dim3A_348 = vector.broadcast %broadcast_in_dim3A_347 : i32 to vector<16xi32>
          %gather3A_349 = arith.constant 0 : i32
          %gather3A_350 = arith.constant 0 : i32
          %gather3A_351 = arith.constant 0 : i32
          %gather3A_352 = tpu.memref_slice %arg12[%gather3A_349, %gather3A_350, %gather3A_351] : memref<2x640x16xf32, #tpu.memory_space<vmem>> -> memref<1x640x16xf32, #tpu.memory_space<vmem>>
          %gather3A_353 = tpu.memref_squeeze %gather3A_352 : memref<1x640x16xf32, #tpu.memory_space<vmem>> -> memref<640x16xf32, #tpu.memory_space<vmem>>
          %gather3A_354 = tpu.vector_load_idx %gather3A_353[%add3A_205, %broadcast_in_dim3A_348] : memref<640x16xf32, #tpu.memory_space<vmem>>[vector<16xi32>, vector<16xi32>], vector<16xf32>,
          %mul3A_355 = arith.constant 16 : i32
          %mul3A_356 = arith.muli %scan3A_201, %mul3A_355 : i32
          %swap3A_357 = arith.constant 0 : i32
          %swap3A_358 = arith.constant 9 : i32
          %swap3A_359 = arith.index_cast %swap3A_357 : i32 to index
          %swap3A_360 = arith.index_cast %swap3A_358 : i32 to index
          %swap3A_361 = arith.index_cast %mul3A_356 : i32 to index
          %swap3A_362 = tpu.vector_load %arg13[%swap3A_359, %swap3A_360, %swap3A_361] {strides = array<i32>} : memref<2x16x640xf32, #tpu.memory_space<vmem>>, vector<16xf32>,
          tpu.vector_store %arg13[%swap3A_359, %swap3A_360, %swap3A_361], %gather3A_354 {strides = array<i32>} : memref<2x16x640xf32, #tpu.memory_space<vmem>>, vector<16xf32>,
          %broadcast_in_dim3A_363 = arith.constant 10 : i32
          %broadcast_in_dim3A_364 = vector.broadcast %broadcast_in_dim3A_363 : i32 to vector<16xi32>
          %gather3A_365 = arith.constant 0 : i32
          %gather3A_366 = arith.constant 0 : i32
          %gather3A_367 = arith.constant 0 : i32
          %gather3A_368 = tpu.memref_slice %arg12[%gather3A_365, %gather3A_366, %gather3A_367] : memref<2x640x16xf32, #tpu.memory_space<vmem>> -> memref<1x640x16xf32, #tpu.memory_space<vmem>>
          %gather3A_369 = tpu.memref_squeeze %gather3A_368 : memref<1x640x16xf32, #tpu.memory_space<vmem>> -> memref<640x16xf32, #tpu.memory_space<vmem>>
          %gather3A_370 = tpu.vector_load_idx %gather3A_369[%add3A_205, %broadcast_in_dim3A_364] : memref<640x16xf32, #tpu.memory_space<vmem>>[vector<16xi32>, vector<16xi32>], vector<16xf32>,
          %mul3A_371 = arith.constant 16 : i32
          %mul3A_372 = arith.muli %scan3A_201, %mul3A_371 : i32
          %swap3A_373 = arith.constant 0 : i32
          %swap3A_374 = arith.constant 10 : i32
          %swap3A_375 = arith.index_cast %swap3A_373 : i32 to index
          %swap3A_376 = arith.index_cast %swap3A_374 : i32 to index
          %swap3A_377 = arith.index_cast %mul3A_372 : i32 to index
          %swap3A_378 = tpu.vector_load %arg13[%swap3A_375, %swap3A_376, %swap3A_377] {strides = array<i32>} : memref<2x16x640xf32, #tpu.memory_space<vmem>>, vector<16xf32>,
          tpu.vector_store %arg13[%swap3A_375, %swap3A_376, %swap3A_377], %gather3A_370 {strides = array<i32>} : memref<2x16x640xf32, #tpu.memory_space<vmem>>, vector<16xf32>,
          %broadcast_in_dim3A_379 = arith.constant 11 : i32
          %broadcast_in_dim3A_380 = vector.broadcast %broadcast_in_dim3A_379 : i32 to vector<16xi32>
          %gather3A_381 = arith.constant 0 : i32
          %gather3A_382 = arith.constant 0 : i32
          %gather3A_383 = arith.constant 0 : i32
          %gather3A_384 = tpu.memref_slice %arg12[%gather3A_381, %gather3A_382, %gather3A_383] : memref<2x640x16xf32, #tpu.memory_space<vmem>> -> memref<1x640x16xf32, #tpu.memory_space<vmem>>
          %gather3A_385 = tpu.memref_squeeze %gather3A_384 : memref<1x640x16xf32, #tpu.memory_space<vmem>> -> memref<640x16xf32, #tpu.memory_space<vmem>>
          %gather3A_386 = tpu.vector_load_idx %gather3A_385[%add3A_205, %broadcast_in_dim3A_380] : memref<640x16xf32, #tpu.memory_space<vmem>>[vector<16xi32>, vector<16xi32>], vector<16xf32>,
          %mul3A_387 = arith.constant 16 : i32
          %mul3A_388 = arith.muli %scan3A_201, %mul3A_387 : i32
          %swap3A_389 = arith.constant 0 : i32
          %swap3A_390 = arith.constant 11 : i32
          %swap3A_391 = arith.index_cast %swap3A_389 : i32 to index
          %swap3A_392 = arith.index_cast %swap3A_390 : i32 to index
          %swap3A_393 = arith.index_cast %mul3A_388 : i32 to index
          %swap3A_394 = tpu.vector_load %arg13[%swap3A_391, %swap3A_392, %swap3A_393] {strides = array<i32>} : memref<2x16x640xf32, #tpu.memory_space<vmem>>, vector<16xf32>,
          tpu.vector_store %arg13[%swap3A_391, %swap3A_392, %swap3A_393], %gather3A_386 {strides = array<i32>} : memref<2x16x640xf32, #tpu.memory_space<vmem>>, vector<16xf32>,
          %broadcast_in_dim3A_395 = arith.constant 12 : i32
          %broadcast_in_dim3A_396 = vector.broadcast %broadcast_in_dim3A_395 : i32 to vector<16xi32>
          %gather3A_397 = arith.constant 0 : i32
          %gather3A_398 = arith.constant 0 : i32
          %gather3A_399 = arith.constant 0 : i32
          %gather3A_400 = tpu.memref_slice %arg12[%gather3A_397, %gather3A_398, %gather3A_399] : memref<2x640x16xf32, #tpu.memory_space<vmem>> -> memref<1x640x16xf32, #tpu.memory_space<vmem>>
          %gather3A_401 = tpu.memref_squeeze %gather3A_400 : memref<1x640x16xf32, #tpu.memory_space<vmem>> -> memref<640x16xf32, #tpu.memory_space<vmem>>
          %gather3A_402 = tpu.vector_load_idx %gather3A_401[%add3A_205, %broadcast_in_dim3A_396] : memref<640x16xf32, #tpu.memory_space<vmem>>[vector<16xi32>, vector<16xi32>], vector<16xf32>,
          %mul3A_403 = arith.constant 16 : i32
          %mul3A_404 = arith.muli %scan3A_201, %mul3A_403 : i32
          %swap3A_405 = arith.constant 0 : i32
          %swap3A_406 = arith.constant 12 : i32
          %swap3A_407 = arith.index_cast %swap3A_405 : i32 to index
          %swap3A_408 = arith.index_cast %swap3A_406 : i32 to index
          %swap3A_409 = arith.index_cast %mul3A_404 : i32 to index
          %swap3A_410 = tpu.vector_load %arg13[%swap3A_407, %swap3A_408, %swap3A_409] {strides = array<i32>} : memref<2x16x640xf32, #tpu.memory_space<vmem>>, vector<16xf32>,
          tpu.vector_store %arg13[%swap3A_407, %swap3A_408, %swap3A_409], %gather3A_402 {strides = array<i32>} : memref<2x16x640xf32, #tpu.memory_space<vmem>>, vector<16xf32>,
          %broadcast_in_dim3A_411 = arith.constant 13 : i32
          %broadcast_in_dim3A_412 = vector.broadcast %broadcast_in_dim3A_411 : i32 to vector<16xi32>
          %gather3A_413 = arith.constant 0 : i32
          %gather3A_414 = arith.constant 0 : i32
          %gather3A_415 = arith.constant 0 : i32
          %gather3A_416 = tpu.memref_slice %arg12[%gather3A_413, %gather3A_414, %gather3A_415] : memref<2x640x16xf32, #tpu.memory_space<vmem>> -> memref<1x640x16xf32, #tpu.memory_space<vmem>>
          %gather3A_417 = tpu.memref_squeeze %gather3A_416 : memref<1x640x16xf32, #tpu.memory_space<vmem>> -> memref<640x16xf32, #tpu.memory_space<vmem>>
          %gather3A_418 = tpu.vector_load_idx %gather3A_417[%add3A_205, %broadcast_in_dim3A_412] : memref<640x16xf32, #tpu.memory_space<vmem>>[vector<16xi32>, vector<16xi32>], vector<16xf32>,
          %mul3A_419 = arith.constant 16 : i32
          %mul3A_420 = arith.muli %scan3A_201, %mul3A_419 : i32
          %swap3A_421 = arith.constant 0 : i32
          %swap3A_422 = arith.constant 13 : i32
          %swap3A_423 = arith.index_cast %swap3A_421 : i32 to index
          %swap3A_424 = arith.index_cast %swap3A_422 : i32 to index
          %swap3A_425 = arith.index_cast %mul3A_420 : i32 to index
          %swap3A_426 = tpu.vector_load %arg13[%swap3A_423, %swap3A_424, %swap3A_425] {strides = array<i32>} : memref<2x16x640xf32, #tpu.memory_space<vmem>>, vector<16xf32>,
          tpu.vector_store %arg13[%swap3A_423, %swap3A_424, %swap3A_425], %gather3A_418 {strides = array<i32>} : memref<2x16x640xf32, #tpu.memory_space<vmem>>, vector<16xf32>,
          %broadcast_in_dim3A_427 = arith.constant 14 : i32
          %broadcast_in_dim3A_428 = vector.broadcast %broadcast_in_dim3A_427 : i32 to vector<16xi32>
          %gather3A_429 = arith.constant 0 : i32
          %gather3A_430 = arith.constant 0 : i32
          %gather3A_431 = arith.constant 0 : i32
          %gather3A_432 = tpu.memref_slice %arg12[%gather3A_429, %gather3A_430, %gather3A_431] : memref<2x640x16xf32, #tpu.memory_space<vmem>> -> memref<1x640x16xf32, #tpu.memory_space<vmem>>
          %gather3A_433 = tpu.memref_squeeze %gather3A_432 : memref<1x640x16xf32, #tpu.memory_space<vmem>> -> memref<640x16xf32, #tpu.memory_space<vmem>>
          %gather3A_434 = tpu.vector_load_idx %gather3A_433[%add3A_205, %broadcast_in_dim3A_428] : memref<640x16xf32, #tpu.memory_space<vmem>>[vector<16xi32>, vector<16xi32>], vector<16xf32>,
          %mul3A_435 = arith.constant 16 : i32
          %mul3A_436 = arith.muli %scan3A_201, %mul3A_435 : i32
          %swap3A_437 = arith.constant 0 : i32
          %swap3A_438 = arith.constant 14 : i32
          %swap3A_439 = arith.index_cast %swap3A_437 : i32 to index
          %swap3A_440 = arith.index_cast %swap3A_438 : i32 to index
          %swap3A_441 = arith.index_cast %mul3A_436 : i32 to index
          %swap3A_442 = tpu.vector_load %arg13[%swap3A_439, %swap3A_440, %swap3A_441] {strides = array<i32>} : memref<2x16x640xf32, #tpu.memory_space<vmem>>, vector<16xf32>,
          tpu.vector_store %arg13[%swap3A_439, %swap3A_440, %swap3A_441], %gather3A_434 {strides = array<i32>} : memref<2x16x640xf32, #tpu.memory_space<vmem>>, vector<16xf32>,
          %broadcast_in_dim3A_443 = arith.constant 15 : i32
          %broadcast_in_dim3A_444 = vector.broadcast %broadcast_in_dim3A_443 : i32 to vector<16xi32>
          %gather3A_445 = arith.constant 0 : i32
          %gather3A_446 = arith.constant 0 : i32
          %gather3A_447 = arith.constant 0 : i32
          %gather3A_448 = tpu.memref_slice %arg12[%gather3A_445, %gather3A_446, %gather3A_447] : memref<2x640x16xf32, #tpu.memory_space<vmem>> -> memref<1x640x16xf32, #tpu.memory_space<vmem>>
          %gather3A_449 = tpu.memref_squeeze %gather3A_448 : memref<1x640x16xf32, #tpu.memory_space<vmem>> -> memref<640x16xf32, #tpu.memory_space<vmem>>
          %gather3A_450 = tpu.vector_load_idx %gather3A_449[%add3A_205, %broadcast_in_dim3A_444] : memref<640x16xf32, #tpu.memory_space<vmem>>[vector<16xi32>, vector<16xi32>], vector<16xf32>,
          %mul3A_451 = arith.constant 16 : i32
          %mul3A_452 = arith.muli %scan3A_201, %mul3A_451 : i32
          %swap3A_453 = arith.constant 0 : i32
          %swap3A_454 = arith.constant 15 : i32
          %swap3A_455 = arith.index_cast %swap3A_453 : i32 to index
          %swap3A_456 = arith.index_cast %swap3A_454 : i32 to index
          %swap3A_457 = arith.index_cast %mul3A_452 : i32 to index
          %swap3A_458 = tpu.vector_load %arg13[%swap3A_455, %swap3A_456, %swap3A_457] {strides = array<i32>} : memref<2x16x640xf32, #tpu.memory_space<vmem>>, vector<16xf32>,
          tpu.vector_store %arg13[%swap3A_455, %swap3A_456, %swap3A_457], %gather3A_450 {strides = array<i32>} : memref<2x16x640xf32, #tpu.memory_space<vmem>>, vector<16xf32>,
        }
        %scan3A_197 = arith.constant 20 : i32
        %mul3A_198 = arith.constant 16 : i32
        %mul3A_199 = arith.muli %select_n3A_38, %mul3A_198 : i32
        %run_scoped3A_200 = arith.constant 0 : i32
        "tpu.region"() ({
          %run_scoped3A_201 = tpu.sem_alloc : memref<!tpu.dma_semaphore, #tpu.memory_space<semaphore_mem>>
          %dma_start3A_202 = arith.constant 0 : i32
          %dma_start3A_203 = arith.constant 0 : i32
          %dma_start3A_204 = tpu.memref_slice %arg13[%run_scoped3A_200, %dma_start3A_202, %dma_start3A_203] : memref<2x16x640xf32, #tpu.memory_space<vmem>> -> memref<1x16x320xf32, #tpu.memory_space<vmem>>
          %dma_start3A_205 = tpu.memref_squeeze %dma_start3A_204 : memref<1x16x320xf32, #tpu.memory_space<vmem>> -> memref<16x320xf32, #tpu.memory_space<vmem>>
          %dma_start3A_206 = arith.constant 39680 : i32
          %dma_start3A_207 = tpu.memref_slice %arg6[%add3A, %mul3A_199, %dma_start3A_206] : memref<4x64x40000xf32, #tpu.memory_space<hbm>> -> memref<1x16x320xf32, #tpu.memory_space<hbm>>
          %dma_start3A_208 = tpu.memref_squeeze %dma_start3A_207 : memref<1x16x320xf32, #tpu.memory_space<hbm>> -> memref<16x320xf32, #tpu.memory_space<hbm>>
          %dma_start3A_209 = arith.constant 39680 : i32
          %dma_start3A_210 = tpu.memref_slice %arg6[%add3A, %mul3A_199, %dma_start3A_209] : memref<4x64x40000xf32, #tpu.memory_space<hbm>> -> memref<1x16x320xf32, #tpu.memory_space<hbm>>
          %dma_start3A_211 = tpu.memref_squeeze %dma_start3A_210 : memref<1x16x320xf32, #tpu.memory_space<hbm>> -> memref<16x320xf32, #tpu.memory_space<hbm>>
          %dma_start3A_212 = arith.constant 0 : i32
          %dma_start3A_213 = arith.constant 0 : i32
          %dma_start3A_214 = tpu.memref_slice %arg13[%run_scoped3A_200, %dma_start3A_212, %dma_start3A_213] : memref<2x16x640xf32, #tpu.memory_space<vmem>> -> memref<1x16x320xf32, #tpu.memory_space<vmem>>
          %dma_start3A_215 = tpu.memref_squeeze %dma_start3A_214 : memref<1x16x320xf32, #tpu.memory_space<vmem>> -> memref<16x320xf32, #tpu.memory_space<vmem>>
          tpu.enqueue_dma source(%dma_start3A_215 : memref<16x320xf32, #tpu.memory_space<vmem>>) target(%dma_start3A_211 : memref<16x320xf32, #tpu.memory_space<hbm>>) target_semaphore(%run_scoped3A_201 : memref<!tpu.dma_semaphore, #tpu.memory_space<semaphore_mem>>)
          %dma_wait3A_216 = arith.constant 0 : i32
          %dma_wait3A_217 = arith.constant 0 : i32
          %dma_wait3A_218 = tpu.memref_slice %arg13[%run_scoped3A_200, %dma_wait3A_216, %dma_wait3A_217] : memref<2x16x640xf32, #tpu.memory_space<vmem>> -> memref<1x16x320xf32, #tpu.memory_space<vmem>>
          %dma_wait3A_219 = tpu.memref_squeeze %dma_wait3A_218 : memref<1x16x320xf32, #tpu.memory_space<vmem>> -> memref<16x320xf32, #tpu.memory_space<vmem>>
          %dma_wait3A_220 = arith.constant 39680 : i32
          %dma_wait3A_221 = tpu.memref_slice %arg6[%add3A, %mul3A_199, %dma_wait3A_220] : memref<4x64x40000xf32, #tpu.memory_space<hbm>> -> memref<1x16x320xf32, #tpu.memory_space<hbm>>
          %dma_wait3A_222 = tpu.memref_squeeze %dma_wait3A_221 : memref<1x16x320xf32, #tpu.memory_space<hbm>> -> memref<16x320xf32, #tpu.memory_space<hbm>>
          %dma_wait3A_223 = arith.constant 39680 : i32
          %dma_wait3A_224 = tpu.memref_slice %arg6[%add3A, %mul3A_199, %dma_wait3A_223] : memref<4x64x40000xf32, #tpu.memory_space<hbm>> -> memref<1x16x320xf32, #tpu.memory_space<hbm>>
          %dma_wait3A_225 = tpu.memref_squeeze %dma_wait3A_224 : memref<1x16x320xf32, #tpu.memory_space<hbm>> -> memref<16x320xf32, #tpu.memory_space<hbm>>
          %dma_wait3A_226 = arith.constant 0 : i32
          %dma_wait3A_227 = arith.constant 0 : i32
          %dma_wait3A_228 = tpu.memref_slice %arg13[%run_scoped3A_200, %dma_wait3A_226, %dma_wait3A_227] : memref<2x16x640xf32, #tpu.memory_space<vmem>> -> memref<1x16x320xf32, #tpu.memory_space<vmem>>
          %dma_wait3A_229 = tpu.memref_squeeze %dma_wait3A_228 : memref<1x16x320xf32, #tpu.memory_space<vmem>> -> memref<16x320xf32, #tpu.memory_space<vmem>>
          tpu.wait_dma2 semaphore(%run_scoped3A_201 : memref<!tpu.dma_semaphore, #tpu.memory_space<semaphore_mem>>) src(%dma_wait3A_229 : memref<16x320xf32, #tpu.memory_space<vmem>>) dst(%dma_wait3A_225 : memref<16x320xf32, #tpu.memory_space<hbm>>)
          tpu.yield
        }) : () -> ()
      } else {
      }
      %barrier3A_157 = arith.constant 0 : index
      tpu.barrier barrier_id(%barrier3A_157)
    }
    %scan3A_5 = arith.constant 8 : i32
    return
  }
}

module attributes {stable_mosaic.version = 14 : i64} {
  func.func @_encode_body(%arg0: i32, %arg1: memref<1x3x256x704xf32, #tpu.memory_space<vmem>>, %arg2: memref<3x112xf32, #tpu.memory_space<vmem>>, %arg3: memref<1x112xf32, #tpu.memory_space<vmem>>, %arg4: memref<704x44xf32, #tpu.memory_space<vmem>>, %arg5: memref<1x48x16x44xf32, #tpu.memory_space<vmem>>, %arg6: memref<1x16x44x64xf32, #tpu.memory_space<vmem>>) attributes {dimension_semantics = [#tpu.dimension_semantics<arbitrary>], iteration_bounds = array<i64: 24>, scalar_prefetch = 0 : i64, scratch_operands = 0 : i64, tpu.core_type = #tpu.core_type<tc>, window_params = [{transform_indices = @transform_0, window_bounds = array<i64: 1, 3, 256, 704>}, {pipeline_mode = #tpu.pipeline_mode<synchronous>, transform_indices = @transform_1, window_bounds = array<i64: 3, 112>}, {pipeline_mode = #tpu.pipeline_mode<synchronous>, transform_indices = @transform_2, window_bounds = array<i64: 1, 112>}, {pipeline_mode = #tpu.pipeline_mode<synchronous>, transform_indices = @transform_3, window_bounds = array<i64: 704, 44>}, {transform_indices = @transform_4, window_bounds = array<i64: 1, 48, 16, 44>}, {transform_indices = @transform_5, window_bounds = array<i64: 1, 16, 44, 64>}]} {
    %get3A = arith.constant 0 : index
    %get3A_0 = arith.constant 0 : index
    %get3A_1 = arith.constant 0 : index
    %get3A_2 = arith.constant 0 : index
    %get3A_3 = vector.load %arg1[%get3A, %get3A_0, %get3A_1, %get3A_2] : memref<1x3x256x704xf32, #tpu.memory_space<vmem>>, vector<1x3x256x704xf32>
    %get3A_4 = vector.shape_cast %get3A_3 : vector<1x3x256x704xf32> to vector<3x256x704xf32>
    %reshape3A = vector.shape_cast %get3A_4 : vector<3x256x704xf32> to vector<3x16x16x704xf32>
    %reduce_sum3A = arith.constant dense<0.000000e+00> : vector<3x16x704xf32>
    %reduce_sum3A_5 = vector.multi_reduction <add>, %reshape3A, %reduce_sum3A [2] : vector<3x16x16x704xf32> to vector<3x16x704xf32>
    %reshape3A_6 = vector.shape_cast %reduce_sum3A_5 : vector<3x16x704xf32> to vector<48x704xf32>
    %get3A_7 = arith.constant 0 : index
    %get3A_8 = arith.constant 0 : index
    %get3A_9 = vector.load %arg4[%get3A_7, %get3A_8] : memref<704x44xf32, #tpu.memory_space<vmem>>, vector<704x44xf32>
    %dot_general3A = arith.constant dense<0.000000e+00> : vector<48x44xf32>
    %dot_general3A_10 = tpu.matmul %reshape3A_6, %get3A_9, %dot_general3A {dimension_numbers = #tpu.dot_dimension_numbers<[1], [0], [0], [1], [0, 0, 1, 1], [], []>, transpose_lhs_hint = false} : vector<48x704xf32>, vector<704x44xf32>, vector<48x44xf32> -> vector<48x44xf32>
    %reshape3A_11 = vector.shape_cast %dot_general3A_10 : vector<48x44xf32> to vector<3x16x44xf32>
    %get3A_12 = arith.constant 0 : index
    %get3A_13 = arith.constant 0 : index
    %get3A_14 = vector.load %arg2[%get3A_12, %get3A_13] : memref<3x112xf32, #tpu.memory_space<vmem>>, vector<3x112xf32>
    %get3A_15 = arith.constant 0 : index
    %get3A_16 = arith.constant 0 : index
    %get3A_17 = vector.load %arg3[%get3A_15, %get3A_16] : memref<1x112xf32, #tpu.memory_space<vmem>>, vector<1x112xf32>
    %squeeze3A = vector.shape_cast %get3A_17 : vector<1x112xf32> to vector<112xf32>
    %broadcast_in_dim3A = vector.shape_cast %squeeze3A : vector<112xf32> to vector<112x1x1xf32>
    %slice3A = vector.extract_strided_slice %get3A_14 {offsets = [0, 0], sizes = [1, 112], strides = [1, 1]} : vector<3x112xf32> to vector<1x112xf32>
    %squeeze3A_18 = vector.shape_cast %slice3A : vector<1x112xf32> to vector<112xf32>
    %broadcast_in_dim3A_19 = vector.shape_cast %squeeze3A_18 : vector<112xf32> to vector<112x1x1xf32>
    %slice3A_20 = vector.extract_strided_slice %reshape3A_11 {offsets = [0, 0, 0], sizes = [1, 16, 44], strides = [1, 1, 1]} : vector<3x16x44xf32> to vector<1x16x44xf32>
    %squeeze3A_21 = vector.shape_cast %slice3A_20 : vector<1x16x44xf32> to vector<16x44xf32>
    %broadcast_in_dim3A_22 = vector.shape_cast %squeeze3A_21 : vector<16x44xf32> to vector<1x16x44xf32>
    %mul3A = vector.broadcast %broadcast_in_dim3A_19 : vector<112x1x1xf32> to vector<112x16x44xf32>
    %mul3A_23 = vector.broadcast %broadcast_in_dim3A_22 : vector<1x16x44xf32> to vector<112x16x44xf32>
    %mul3A_24 = arith.mulf %mul3A, %mul3A_23 : vector<112x16x44xf32>
    %add3A = vector.broadcast %broadcast_in_dim3A : vector<112x1x1xf32> to vector<112x16x44xf32>
    %add3A_25 = arith.addf %add3A, %mul3A_24 : vector<112x16x44xf32>
    %slice3A_26 = vector.extract_strided_slice %get3A_14 {offsets = [1, 0], sizes = [1, 112], strides = [1, 1]} : vector<3x112xf32> to vector<1x112xf32>
    %squeeze3A_27 = vector.shape_cast %slice3A_26 : vector<1x112xf32> to vector<112xf32>
    %broadcast_in_dim3A_28 = vector.shape_cast %squeeze3A_27 : vector<112xf32> to vector<112x1x1xf32>
    %slice3A_29 = vector.extract_strided_slice %reshape3A_11 {offsets = [1, 0, 0], sizes = [1, 16, 44], strides = [1, 1, 1]} : vector<3x16x44xf32> to vector<1x16x44xf32>
    %squeeze3A_30 = vector.shape_cast %slice3A_29 : vector<1x16x44xf32> to vector<16x44xf32>
    %broadcast_in_dim3A_31 = vector.shape_cast %squeeze3A_30 : vector<16x44xf32> to vector<1x16x44xf32>
    %mul3A_32 = vector.broadcast %broadcast_in_dim3A_28 : vector<112x1x1xf32> to vector<112x16x44xf32>
    %mul3A_33 = vector.broadcast %broadcast_in_dim3A_31 : vector<1x16x44xf32> to vector<112x16x44xf32>
    %mul3A_34 = arith.mulf %mul3A_32, %mul3A_33 : vector<112x16x44xf32>
    %add3A_35 = arith.addf %add3A_25, %mul3A_34 : vector<112x16x44xf32>
    %slice3A_36 = vector.extract_strided_slice %get3A_14 {offsets = [2, 0], sizes = [1, 112], strides = [1, 1]} : vector<3x112xf32> to vector<1x112xf32>
    %squeeze3A_37 = vector.shape_cast %slice3A_36 : vector<1x112xf32> to vector<112xf32>
    %broadcast_in_dim3A_38 = vector.shape_cast %squeeze3A_37 : vector<112xf32> to vector<112x1x1xf32>
    %slice3A_39 = vector.extract_strided_slice %reshape3A_11 {offsets = [2, 0, 0], sizes = [1, 16, 44], strides = [1, 1, 1]} : vector<3x16x44xf32> to vector<1x16x44xf32>
    %squeeze3A_40 = vector.shape_cast %slice3A_39 : vector<1x16x44xf32> to vector<16x44xf32>
    %broadcast_in_dim3A_41 = vector.shape_cast %squeeze3A_40 : vector<16x44xf32> to vector<1x16x44xf32>
    %mul3A_42 = vector.broadcast %broadcast_in_dim3A_38 : vector<112x1x1xf32> to vector<112x16x44xf32>
    %mul3A_43 = vector.broadcast %broadcast_in_dim3A_41 : vector<1x16x44xf32> to vector<112x16x44xf32>
    %mul3A_44 = arith.mulf %mul3A_42, %mul3A_43 : vector<112x16x44xf32>
    %add3A_45 = arith.addf %add3A_35, %mul3A_44 : vector<112x16x44xf32>
    %slice3A_46 = vector.extract_strided_slice %add3A_45 {offsets = [0, 0, 0], sizes = [48, 16, 44], strides = [1, 1, 1]} : vector<112x16x44xf32> to vector<48x16x44xf32>
    %reduce_max3A = arith.constant dense<0xFF800000> : vector<16x44xf32>
    %reduce_max3A_47 = vector.multi_reduction <maximumf>, %slice3A_46, %reduce_max3A [0] : vector<48x16x44xf32> to vector<16x44xf32>
    %broadcast_in_dim3A_48 = vector.shape_cast %reduce_max3A_47 : vector<16x44xf32> to vector<1x16x44xf32>
    %sub3A = vector.broadcast %broadcast_in_dim3A_48 : vector<1x16x44xf32> to vector<48x16x44xf32>
    %sub3A_49 = arith.subf %slice3A_46, %sub3A : vector<48x16x44xf32>
    %exp3A = math.exp %sub3A_49 : vector<48x16x44xf32>
    %reduce_sum3A_50 = arith.constant dense<0.000000e+00> : vector<16x44xf32>
    %reduce_sum3A_51 = vector.multi_reduction <add>, %exp3A, %reduce_sum3A_50 [0] : vector<48x16x44xf32> to vector<16x44xf32>
    %broadcast_in_dim3A_52 = vector.shape_cast %reduce_sum3A_51 : vector<16x44xf32> to vector<1x16x44xf32>
    %div3A = vector.broadcast %broadcast_in_dim3A_52 : vector<1x16x44xf32> to vector<48x16x44xf32>
    %div3A_53 = arith.divf %exp3A, %div3A : vector<48x16x44xf32>
    %swap3A = arith.constant 0 : index
    %swap3A_54 = arith.constant 0 : index
    %swap3A_55 = arith.constant 0 : index
    %swap3A_56 = arith.constant 0 : index
    %swap3A_57 = vector.load %arg5[%swap3A, %swap3A_54, %swap3A_55, %swap3A_56] : memref<1x48x16x44xf32, #tpu.memory_space<vmem>>, vector<1x48x16x44xf32>
    %swap3A_58 = vector.shape_cast %swap3A_57 : vector<1x48x16x44xf32> to vector<48x16x44xf32>
    %swap3A_59 = vector.shape_cast %div3A_53 : vector<48x16x44xf32> to vector<1x48x16x44xf32>
    tpu.vector_store %arg5[%swap3A, %swap3A_54, %swap3A_55, %swap3A_56], %swap3A_59 {strides = array<i32>} : memref<1x48x16x44xf32, #tpu.memory_space<vmem>>, vector<1x48x16x44xf32>,
    %squeeze3A_60 = vector.shape_cast %get3A_17 : vector<1x112xf32> to vector<112xf32>
    %broadcast_in_dim3A_61 = vector.shape_cast %squeeze3A_60 : vector<112xf32> to vector<1x1x112xf32>
    %slice3A_62 = vector.extract_strided_slice %reshape3A_11 {offsets = [0, 0, 0], sizes = [1, 16, 44], strides = [1, 1, 1]} : vector<3x16x44xf32> to vector<1x16x44xf32>
    %squeeze3A_63 = vector.shape_cast %slice3A_62 : vector<1x16x44xf32> to vector<16x44xf32>
    %broadcast_in_dim3A_64 = vector.shape_cast %squeeze3A_63 : vector<16x44xf32> to vector<16x44x1xf32>
    %slice3A_65 = vector.extract_strided_slice %get3A_14 {offsets = [0, 0], sizes = [1, 112], strides = [1, 1]} : vector<3x112xf32> to vector<1x112xf32>
    %squeeze3A_66 = vector.shape_cast %slice3A_65 : vector<1x112xf32> to vector<112xf32>
    %broadcast_in_dim3A_67 = vector.shape_cast %squeeze3A_66 : vector<112xf32> to vector<1x1x112xf32>
    %mul3A_68 = vector.broadcast %broadcast_in_dim3A_64 : vector<16x44x1xf32> to vector<16x44x112xf32>
    %mul3A_69 = vector.broadcast %broadcast_in_dim3A_67 : vector<1x1x112xf32> to vector<16x44x112xf32>
    %mul3A_70 = arith.mulf %mul3A_68, %mul3A_69 : vector<16x44x112xf32>
    %add3A_71 = vector.broadcast %broadcast_in_dim3A_61 : vector<1x1x112xf32> to vector<16x44x112xf32>
    %add3A_72 = arith.addf %add3A_71, %mul3A_70 : vector<16x44x112xf32>
    %slice3A_73 = vector.extract_strided_slice %reshape3A_11 {offsets = [1, 0, 0], sizes = [1, 16, 44], strides = [1, 1, 1]} : vector<3x16x44xf32> to vector<1x16x44xf32>
    %squeeze3A_74 = vector.shape_cast %slice3A_73 : vector<1x16x44xf32> to vector<16x44xf32>
    %broadcast_in_dim3A_75 = vector.shape_cast %squeeze3A_74 : vector<16x44xf32> to vector<16x44x1xf32>
    %slice3A_76 = vector.extract_strided_slice %get3A_14 {offsets = [1, 0], sizes = [1, 112], strides = [1, 1]} : vector<3x112xf32> to vector<1x112xf32>
    %squeeze3A_77 = vector.shape_cast %slice3A_76 : vector<1x112xf32> to vector<112xf32>
    %broadcast_in_dim3A_78 = vector.shape_cast %squeeze3A_77 : vector<112xf32> to vector<1x1x112xf32>
    %mul3A_79 = vector.broadcast %broadcast_in_dim3A_75 : vector<16x44x1xf32> to vector<16x44x112xf32>
    %mul3A_80 = vector.broadcast %broadcast_in_dim3A_78 : vector<1x1x112xf32> to vector<16x44x112xf32>
    %mul3A_81 = arith.mulf %mul3A_79, %mul3A_80 : vector<16x44x112xf32>
    %add3A_82 = arith.addf %add3A_72, %mul3A_81 : vector<16x44x112xf32>
    %slice3A_83 = vector.extract_strided_slice %reshape3A_11 {offsets = [2, 0, 0], sizes = [1, 16, 44], strides = [1, 1, 1]} : vector<3x16x44xf32> to vector<1x16x44xf32>
    %squeeze3A_84 = vector.shape_cast %slice3A_83 : vector<1x16x44xf32> to vector<16x44xf32>
    %broadcast_in_dim3A_85 = vector.shape_cast %squeeze3A_84 : vector<16x44xf32> to vector<16x44x1xf32>
    %slice3A_86 = vector.extract_strided_slice %get3A_14 {offsets = [2, 0], sizes = [1, 112], strides = [1, 1]} : vector<3x112xf32> to vector<1x112xf32>
    %squeeze3A_87 = vector.shape_cast %slice3A_86 : vector<1x112xf32> to vector<112xf32>
    %broadcast_in_dim3A_88 = vector.shape_cast %squeeze3A_87 : vector<112xf32> to vector<1x1x112xf32>
    %mul3A_89 = vector.broadcast %broadcast_in_dim3A_85 : vector<16x44x1xf32> to vector<16x44x112xf32>
    %mul3A_90 = vector.broadcast %broadcast_in_dim3A_88 : vector<1x1x112xf32> to vector<16x44x112xf32>
    %mul3A_91 = arith.mulf %mul3A_89, %mul3A_90 : vector<16x44x112xf32>
    %add3A_92 = arith.addf %add3A_82, %mul3A_91 : vector<16x44x112xf32>
    %slice3A_93 = vector.extract_strided_slice %add3A_92 {offsets = [0, 0, 48], sizes = [16, 44, 64], strides = [1, 1, 1]} : vector<16x44x112xf32> to vector<16x44x64xf32>
    %swap3A_94 = arith.constant 0 : index
    %swap3A_95 = arith.constant 0 : index
    %swap3A_96 = arith.constant 0 : index
    %swap3A_97 = arith.constant 0 : index
    %swap3A_98 = vector.load %arg6[%swap3A_94, %swap3A_95, %swap3A_96, %swap3A_97] : memref<1x16x44x64xf32, #tpu.memory_space<vmem>>, vector<1x16x44x64xf32>
    %swap3A_99 = vector.shape_cast %swap3A_98 : vector<1x16x44x64xf32> to vector<16x44x64xf32>
    %swap3A_100 = vector.shape_cast %slice3A_93 : vector<16x44x64xf32> to vector<1x16x44x64xf32>
    tpu.vector_store %arg6[%swap3A_94, %swap3A_95, %swap3A_96, %swap3A_97], %swap3A_100 {strides = array<i32>} : memref<1x16x44x64xf32, #tpu.memory_space<vmem>>, vector<1x16x44x64xf32>,
    return
  }
  func.func @transform_0(%arg0: i32) -> (i32, i32, i32, i32) {
    %c0_i32 = arith.constant 0 : i32
    %c0_i32_0 = arith.constant 0 : i32
    %c0_i32_1 = arith.constant 0 : i32
    %c0_i32_2 = arith.constant 0 : i32
    return %arg0, %c0_i32, %c0_i32_0, %c0_i32_1 : i32, i32, i32, i32
  }
  func.func @transform_1(%arg0: i32) -> (i32, i32) {
    %c0_i32 = arith.constant 0 : i32
    %c0_i32_0 = arith.constant 0 : i32
    %c0_i32_1 = arith.constant 0 : i32
    return %c0_i32, %c0_i32_0 : i32, i32
  }
  func.func @transform_2(%arg0: i32) -> (i32, i32) {
    %c0_i32 = arith.constant 0 : i32
    %c0_i32_0 = arith.constant 0 : i32
    %c0_i32_1 = arith.constant 0 : i32
    return %c0_i32, %c0_i32_0 : i32, i32
  }
  func.func @transform_3(%arg0: i32) -> (i32, i32) {
    %c0_i32 = arith.constant 0 : i32
    %c0_i32_0 = arith.constant 0 : i32
    %c0_i32_1 = arith.constant 0 : i32
    return %c0_i32, %c0_i32_0 : i32, i32
  }
  func.func @transform_4(%arg0: i32) -> (i32, i32, i32, i32) {
    %c0_i32 = arith.constant 0 : i32
    %c0_i32_0 = arith.constant 0 : i32
    %c0_i32_1 = arith.constant 0 : i32
    %c0_i32_2 = arith.constant 0 : i32
    return %arg0, %c0_i32, %c0_i32_0, %c0_i32_1 : i32, i32, i32, i32
  }
  func.func @transform_5(%arg0: i32) -> (i32, i32, i32, i32) {
    %c0_i32 = arith.constant 0 : i32
    %c0_i32_0 = arith.constant 0 : i32
    %c0_i32_1 = arith.constant 0 : i32
    %c0_i32_2 = arith.constant 0 : i32
    return %arg0, %c0_i32, %c0_i32_0, %c0_i32_1 : i32, i32, i32, i32
  }
}

</mosaic_0001>

<sc_bundles>
// kernel: kernel.4.cloned.1.call-start
scs
__scs_entry_jumppad:
0x0: {  	(pc) =	sbr.rel $0x88, $3  }
0x1: {  	(tag) =	ssettag $0x0;
	lr =	simm.s32 $0x1  }
0x2: {  	[smem:$0x3F99] =	sst lr;
	_ =	strace $0xD0000000  }
0x3: {  	_ = 	snop  }
0x4: {  	_ = 	snop  }
0x5: {  	_ = 	snop  }
0x6: {  	_ = 	snop  }
0x7: {  	_ = 	snop  }
__scs_overlays_trampoline_lowered:
0x8: {  	[smem:$0x3FA8] =	sst s0  }
0x9: {  	[smem:$0x3FA9] =	sst s1  }
0xa: {  	[smem:$0x3FAA] =	sst s2  }
0xb: {  	[smem:$0x3FAB] =	sst s3  }
0xc: {  	[smem:$0x3FAC] =	sst s4  }
0xd: {  	[smem:$0x3FAD] =	sst s5  }
0xe: {  	[smem:$0x3FAE] =	sst s6  }
0xf: {  	[smem:$0x3FAF] =	sst s7  }
0x10: {  	[smem:$0x3FB0] =	sst s8  }
0x11: {  	[smem:$0x3FB1] =	sst s9;
	s0 =	simm.s32 @!p0 $0x0  }
0x12: {  	s1 =	sld [smem:$0x3F97];
	s0 =	simm.s32 @p0 $0x1  }
0x13: {  	[smem:$0x3FB2] =	sst s0;
	s0 =	simm.s32 @!p1 $0x0  }
0x14: {  	s2 =	sld [smem:$0x3F96];
	s0 =	simm.s32 @p1 $0x1  }
0x15: {  	[smem:$0x3FB3] =	sst s0;
	s0 =	simm.s32 @!p2 $0x0  }
0x16: {  	s3 =	sld [smem:$0x3FDB];
	s0 =	simm.s32 @p2 $0x1  }
0x17: {  	s4 =	simm.s32 $0x1BF5;
	[smem:$0x3FB5] =	sst s0  }
0x18: {  	s0 =	sld [smem:$0x3F98];
	_ =	swait.ge [sflag:s4], $0x0  }
0x19: {  	s7 =	sld [smem:$0x3F99]  }
0x1a: {  	s8 =	sadd.s32 $0xFFFFE003, lr  }
0x1b: {  	s9 =	sadd.s32 $0xFFFFFEF7, lr;
	s5 =	simm.s32 $0xFFFFFFFF;
	p2 =	slt.u32 s8, $0xFFFFF086  }
0x1c: {  	p1 =	slt.u32 s9, $0xF7A;
	s5 =	simm.s32 @!p2 $0x0  }
0x1d: {  	s5 =	simm.s32 @p1 $0x1;
	p0 =	seq.s32 s7, s2  }
0x1e: {  	s7 =	smul.u32 @!p0 $0xF7A, s2;
	p2 =	seq.s32 @!p0 s5, $0x0  }
0x1f: {  	s9 =	smul.u32 $0xF7A, s1;
	s8 =	simm.s32 @!p0 $0x1BF5;
	p2 =	por !p2, p0  }
0x20: {  	[sflag:s8] =	ssyncset.s32 @!p0 $0xFFFFF086;
	s6 =	sadd.s32 @!p0 s3, s7;
	s7 =	simm.s32 @!p0 $0x108  }
0x21: {  	s3 =	sadd.s32 s3, s9;
	s6 =	sadd.s32 @!p0 $0x88, s6;
	s7 =	simm.s32 @p2 $0x1082  }
0x22: {  	[simem:s7], [sflag:s8] =	dma.local @!p0 [hbm:s6], $0xF7A  }
0x23: {  	s9 =	sor.u32 $0xD0000000, s2;
	s6 =	simm.s32 $0x108;
	_ =	swait.ge @!p0 [sflag:s8], $0x0  }
0x24: {  	s3 =	sadd.s32 $0x88, s3;
	s6 =	simm.s32 @!p1 $0x1082;
	[sflag:s4] =	ssyncset.s32 $0xFFFFF086  }
0x25: {  	[simem:s6], [sflag:s4] =	dma.local [hbm:s3], $0xF7A  }
0x26: {  	[smem:$0x3F99] =	sst s1;
	(tag) =	ssettag s2;
	_ =	strace s9  }
0x27: {  	s1 =	sld [smem:$0x3FA9]  }
0x28: {  	s2 =	sld [smem:$0x3FAA]  }
0x29: {  	s4 =	sld [smem:$0x3FAC]  }
0x2a: {  	p0 =	seq.s32 s5, $0x0;
	s5 =	sld [smem:$0x3FAD]  }
0x2b: {  	s6 =	sld [smem:$0x3FAE]  }
0x2c: {  	s7 =	sld [smem:$0x3FAF]  }
0x2d: {  	s3 =	simm.s32 $0x108;
	s8 =	sld [smem:$0x3FB0]  }
0x2e: {  	s3 =	simm.s32 @!p0 $0x1082;
	s9 =	sld [smem:$0x3FB1]  }
0x2f: {  	lr =	sadd.s32 s0, s3;
	s0 =	sld [smem:$0x3FA8]  }
0x30: {  	s3 =	sld [smem:$0x3FAB]  }
0x31: {  	[smem:$0x3FB4] =	sst s10  }
0x32: {  	s10 =	sld [smem:$0x3FB2];
	_ =	sdelay $0x3  }
0x33: {  	p0 =	seq.s32 s10, $0x1;
	s10 =	sld [smem:$0x3FB4];
	_ =	sdelay $0x3  }
0x34: {  	[smem:$0x3FB4] =	sst s10  }
0x35: {  	s10 =	sld [smem:$0x3FB3];
	_ =	sdelay $0x3  }
0x36: {  	p1 =	seq.s32 s10, $0x1;
	s10 =	sld [smem:$0x3FB4];
	_ =	sdelay $0x3  }
0x37: {  	[smem:$0x3FB4] =	sst s10  }
0x38: {  	s10 =	sld [smem:$0x3FB5]  }
0x39: {  	_ = 	snop;
	(pc) =	sbr.ind lr, $3  }
0x3a: {  	_ = 	snop  }
0x3b: {  	_ = 	snop  }
0x3c: {  	p2 =	seq.s32 s10, $0x1;
	s10 =	sld [smem:$0x3FB4]  }
0x3d: {  	_ =	shalt  }
0x3e: {  	_ =	shalt  }
0x3f: {  	_ =	shalt  }
0x40: {  	_ =	shalt  }
0x41: {  	_ =	shalt  }
0x42: {  	_ =	shalt  }
0x43: {  	_ =	shalt  }
0x44: {  	_ =	shalt  }
0x45: {  	_ =	shalt  }
0x46: {  	_ =	shalt  }
0x47: {  	_ =	shalt  }
0x48: {  	_ =	shalt  }
0x49: {  	_ =	shalt  }
0x4a: {  	_ =	shalt  }
0x4b: {  	_ =	shalt  }
0x4c: {  	_ =	shalt  }
0x4d: {  	_ =	shalt  }
0x4e: {  	_ =	shalt  }
0x4f: {  	_ =	shalt  }
0x50: {  	_ =	shalt  }
0x51: {  	_ =	shalt  }
0x52: {  	_ =	shalt  }
0x53: {  	_ =	shalt  }
0x54: {  	_ =	shalt  }
0x55: {  	_ =	shalt  }
0x56: {  	_ =	shalt  }
0x57: {  	_ =	shalt  }
0x58: {  	_ =	shalt  }
0x59: {  	_ =	shalt  }
0x5a: {  	_ =	shalt  }
0x5b: {  	_ =	shalt  }
0x5c: {  	_ =	shalt  }
0x5d: {  	_ =	shalt  }
0x5e: {  	_ =	shalt  }
0x5f: {  	_ =	shalt  }
0x60: {  	_ =	shalt  }
0x61: {  	_ =	shalt  }
0x62: {  	_ =	shalt  }
0x63: {  	_ =	shalt  }
0x64: {  	_ =	shalt  }
0x65: {  	_ =	shalt  }
0x66: {  	_ =	shalt  }
0x67: {  	_ =	shalt  }
0x68: {  	_ =	shalt  }
0x69: {  	_ =	shalt  }
0x6a: {  	_ =	shalt  }
0x6b: {  	_ =	shalt  }
0x6c: {  	_ =	shalt  }
0x6d: {  	_ =	shalt  }
0x6e: {  	_ =	shalt  }
0x6f: {  	_ =	shalt  }
0x70: {  	_ =	shalt  }
0x71: {  	_ =	shalt  }
0x72: {  	_ =	shalt  }
0x73: {  	_ =	shalt  }
0x74: {  	_ =	shalt  }
0x75: {  	_ =	shalt  }
0x76: {  	_ =	shalt  }
0x77: {  	_ =	shalt  }
0x78: {  	_ =	shalt  }
0x79: {  	_ =	shalt  }
0x7a: {  	_ =	shalt  }
0x7b: {  	_ =	shalt  }
0x7c: {  	_ =	shalt  }
0x7d: {  	_ =	shalt  }
0x7e: {  	_ =	shalt  }
0x7f: {  	_ =	shalt  }
0x80: {  	_ =	shalt  }
0x81: {  	_ =	shalt  }
0x82: {  	_ =	shalt  }
0x83: {  	_ =	shalt  }
0x84: {  	_ =	shalt  }
0x85: {  	_ =	shalt  }
0x86: {  	_ =	shalt  }
0x87: {  	_ =	shalt  }
.Lfunc_end0:
.L_simem_size_0:
called_computation_lowered:
.L_overlay_start_0:
0x88: {  	s2 =	sld [smem:$0x3FD9]  }
0x89: {  	s3 =	sld [smem:$0x3FFE];
	_ =	sdelay $0x1  }
0x8a: {  	s1 =	srdreg.scid  }
0x8b: {  	s0 =	sand.u32 $0x1, s1  }
0x8c: {  	s17 =	sshll.u32 s0, $0xA;
	s2 =	sadd.s32 s3, s2  }
0x8d: {  	s2 =	sadd.s32 s2, s17  }
0x8e: {  	[smem:$0x3FC0] =	sst s2  }
0x8f: {  	_ = 	snop  }
0x90: {  	s2 =	sld [smem:$0x3FD0];
	(tm) =	ssettm $0x1  }
0x91: {  	s18 =	sld [smem:$0x3FFB];
	_ =	sdelay $0x3  }
0x92: {  	_ =	strace s18  }
0x93: {  	s3 =	sld [smem:$0x3FFC];
	_ =	sdelay $0x3  }
0x94: {  	_ =	strace s3  }
0x95: {  	s3 =	sld [smem:$0x3FFD];
	_ =	sdelay $0x3  }
0x96: {  	_ =	strace s3  }
0x97: {  	_ =	strace $0x8FFFFFFF  }
0x98: {  	s19 =	sld [smem:$0x3FDB];
	_ =	sdelay $0x1  }
0x99: {  	s4 =	simm.s32 $_scs_section_size  }
0x9a: {  	s5 =	simm.s32 $_size__tile_overlayer_lowered;
	s6 =	simm.s32 $_tile_overlayer_lowered  }
0x9b: {  	s22 =	simm.s32 $0x1BFF;
	s21 =	sshll.u32 s6, $0x1;
	s3 =	sadd.s32 s4, s19  }
0x9c: {  	s7 =	simm.s32 $0x0;
	s20 =	sshll.u32 s5, $0x1;
	s5 =	sadd.s32 s21, s3  }
0x9d: {  	[timem:s7], [sflag:s22] =	dma.local [hbm:s5], s20  }
0x9e: {  	_ =	swait.ge [sflag:s22], s20  }
0x9f: {  	s4 =	ssub.s32 $0x0, s20;
	[sflag:s22] =	ssyncset.done $0x0  }
0xa0: {  	[sflag:s22] =	ssyncadd.s32 s4;
	_ =	sdelay $0x1  }
0xa1: {  	s23 =	simm.s32 $0x1B8B  }
0xa2: {  	_ =	swait.ge [sflag:s23], $0x1  }
0xa3: {  	[sflag:s23] =	ssyncset.done $0x0  }
0xa4: {  	s25 =	simm.s32 $0x1B8E;
	s24 =	sld [smem:$0x3FFE];
	[sflag:s23] =	ssyncadd.s32 $0xFFFFFFFF  }
0xa5: {  	s26 =	simm.s32 $execute0_lowered;
	[smem:$0x3FD2] =	sst s25  }
0xa6: {  	s5 =	sshll.u32 s26, $0x1;
	_ =	strace $0x80000046;
	[dreg:$0x1] =	wrdreg $0xFFFFFFFF  }
0xa7: {  	s28 =	simm.s32 $_size_execute0_lowered;
	s3 =	sadd.s32 s3, s5;
	[dreg:$0x0] =	wrdreg $0x0  }
0xa8: {  	s5 =	sshll.u32 s28, $0x1;
	[dreg:$0x2] =	wrdreg s3  }
0xa9: {  	[dreg:$0x3] =	wrdreg s5  }
0xaa: {  	[dreg:$0x4] =	wrdreg $0xC0  }
0xab: {  	_ =	task [dreg:s7], $0x5FFFF  }
0xac: {  	[dreg:$0x1] =	wrdreg $0xFFFFFFFF  }
0xad: {  	[dreg:$0x0] =	wrdreg $0x60  }
0xae: {  	[dreg:$0x2] =	wrdreg s24  }
0xaf: {  	[dreg:$0x3] =	wrdreg s2  }
0xb0: {  	[dreg:$0x4] =	wrdreg $0x151C00  }
0xb1: {  	[dreg:$0x5] =	wrdreg $0x9  }
0xb2: {  	_ =	task.clear_ibuf [dreg:s7], $0x6FFFF;
	_ =	strace $0x90000046  }
0xb3: {  	s29 =	simm.s32 $0x9;
	_ =	strace $0x80000048  }
0xb4: {  	_ =	swait.ge [sflag:s29], $0x1  }
0xb5: {  	[sflag:s29] =	ssyncadd.s32 $0xFFFFFFFF  }
0xb6: {  	_ =	strace $0x90000048  }
0xb7: {  	_ =	sfence  }
0xb8: {  	s30 =	sld [smem:$0x0];
	_ =	sdelay $0x2  }
0xb9: {  	s31 =	sshll.u32 s1, $0xD;
	s1 =	sshrl.u32 s1, $0x2  }
0xba: {  	s3 =	sand.u32 $0x4000, s31;
	s1 =	sadd.s32 s1, s30  }
0xbb: {  	s0 =	sor.u32 s3, s0;
	s1 =	sshll.u32 s1, $0x11  }
0xbc: {  	s0 =	sor.u32 s1, s0  }
0xbd: {  	s0 =	sadd.s32 $0x8F2B, s0  }
0xbe: {  	[sflag:s0] =	ssyncadd.remote.s32 $0x1  }
0xbf: {  	_ =	sfence.sel $0xFFFF  }
0xc0: {  	[dreg:$0x0] =	wrdreg $0xFFFFFFFF;
	(pc) =	sbr.abs _section_cstart, $3  }
0xc1: {  	[dreg:$0x1] =	wrdreg $0xFFFFFFFF  }
0xc2: {  	_ =	task.clear_ibuf [dreg:s7], $0x2FFFF;
	_ =	strace $0x9FFFFFFF  }
0xc3: {  	(tm) =	ssettm $0x7FFFFFFF  }
tec
execute0_lowered:
.L_overlay_start_1:
0x0: {  	(tag) =	ssettag $0x1  }
0x1: {  	s0 =	rddreg [dreg:$0x0]  }
0x2: {  	s2 =	rddreg [dreg:$0x2];
	s19 =	simm.s32 $0x0  }
0x3: {  	s9 =	stileid.u32;
	s1 =	srdreg.scid;
	s28 =	simm.s32 $0x1  }
0x4: {  	s29 =	simm.s32 $0x2EC0;
	s30 =	simm.s32 $0x80;
	s31 =	simm.s32 $0x31C0  }
0x5: {  	s13 =	simm.s32 $0x49C0;
	[smem:$0x7FF] =	sst s19;
	s25 =	smul.u32 $0xA00, s9  }
0x6: {  	s5 =	sadd.s32 $0x1CA00, s0;
	s3 =	sadd.s32 $0x35600, s0;
	s16 =	smul.u32 $0x600C, s9  }
0x7: {  	s1 =	sand.u32 $0x1, s1;
	s8 =	sadd.s32 $0x1A00, s0;
	s6 =	smul.u32 $0x28000, s9  }
0x8: {  	s10 =	smul.u32 $0x12, s9;
	s0 =	sadd.s32 $0x56600, s0;
	s26 =	sadd.s32 $0x9B000, s2  }
0x9: {  	p3 =	seq.s32 s9, $0xF;
	_ =	strace $0x80000047;
	[dreg:$0x5] =	wrdreg s3  }
0xa: {  	s9 =	simm.s32 $0x0;
	s4 =	ssub.s32 $0x2, s1;
	[dreg:$0x8] =	wrdreg s0  }
0xb: {  	s1 =	sshll.u32 s1, $0x1;
	[dreg:$0x12] =	wrdreg s26;
	s26 =	simm.s32 $0x2FC0  }
0xc: {  	s7 =	sshrl.u32 s4, $0x1;
	s3 =	sshrl.u32 s16, $0x10;
	[dreg:$0x9] =	wrdreg s1  }
0xd: {  	s18 =	sshrl.u32 s6, $0x2;
	s20 =	sadd.s32 $0x500, s25;
	[dreg:$0x6] =	wrdreg s10  }
0xe: {  	s22 =	sadd.s32 $0x280, s25;
	s23 =	sadd.s32 $0x780, s25;
	[dreg:$0x4] =	wrdreg s25  }
0xf: {  	s6 =	simm.s32 $0xB1C0;
	s17 =	ssub.s32 s4, s7;
	[dreg:$0x7] =	wrdreg s3  }
0x10: {  	s3 =	smul.u32 $0x30, s3;
	s1 =	sadd.s32 s18, s2;
	[dreg:$0xa] =	wrdreg s20  }
0x11: {  	s21 =	sshll.u32 s20, $0x4;
	[dreg:$0xd] =	wrdreg s22;
	s4 =	sshll.u32 s22, $0x4  }
0x12: {  	[dreg:$0xe] =	wrdreg s23;
	s24 =	sshll.u32 s23, $0x4;
	s23 =	simm.s32 $0x3040  }
0x13: {  	s20 =	simm.s32 $0x30C0;
	s18 =	simm.s32 $0x59C0;
	s7 =	simm.s32 $0x2  }
0x14: {  	[dreg:$0xb] =	wrdreg s1;
	s1 =	sadd.s32 s21, s2;
	s4 =	sadd.s32 s4, s2  }
0x15: {  	s0 =	smax.u32 s17, $0x1;
	s17 =	simm.s32 $0x51C0;
	[dreg:$0xc] =	wrdreg s1  }
0x16: {  	s21 =	simm.s32 $0x3140;
	s3 =	ssub.s32 s3, s10;
	[dreg:$0x10] =	wrdreg s4  }
0x17: {  	v0 =	vimm.s32 $0x0;
	v1 =	vimm.s32 $0x1;
	v2 =	vimm.s32 $0x2;
	s4 =	sadd.s32 s24, s2;
	[dreg:$0x13] =	wrdreg s0;
	s0 =	simm.s32 $0x2F40  }
.Ltmp0:
0x18: {  	v3 =	vimm.s32 $0x3;
	v4 =	vimm.s32 $0x4;
	v5 =	vimm.s32 $0x5;
	p0 =	slt.s32 s3, $0xFFFFFFE2;
	s1 =	smov.u32 s3;
	(pc) =	sbr.rel .LBB2_1-.Ltmp0, $4  }
0x19: {  	v6 =	vimm.s32 $0x6;
	v7 =	vimm.s32 $0x7;
	v8 =	vimm.s32 $0x8;
	s10 =	simm.s32 $0xD9C0;
	[dreg:$0x11] =	wrdreg s4;
	s1 =	simm.s32 @!p0 $0xFFFFFFE2  }
0x1a: {  	v9 =	vimm.s32 $0x9;
	v10 =	vimm.s32 $0xA;
	v11 =	vimm.s32 $0xB;
	p1 =	sgt.s32 s3, $0xFFFFFFE1;
	s22 =	sadd.s32 $0x30, s1;
	p2 =	sgt.u32 s1, $0xFFFFFFE1  }
0x1b: {  	v12 =	vimm.s32 $0xC;
	v13 =	vimm.s32 $0xD;
	v16 =	vlaneseq.u32;
	s1 =	simm.s32 $0x41C0;
	p0 =	sgt.s32 s22, $0x1;
	[dreg:$0xf] =	wrdreg s22  }
0x1c: {  	v14 =	vimm.s32 $0xE;
	v15 =	vimm.s32 $0xF;
	v16 =	vmul.u32 $0x10, v16;
	s22 =	simm.s32 @!p0 $0x1;
	p0 =	slt.s32 s3, $0xFFFFFFD1;
	s3 =	simm.s32 $0x39C0  }
.LBB2_28:
0x1d: {  	s9 =	rddreg [dreg:$0x14]  }
0x1e: {  	s4 =	rddreg [dreg:$0x13];
	s9 =	sadd.s32 $0x1, s9  }
0x1f: {  	p4 =	sne.s32 s9, s4  }
.Ltmp1:
0x20: {  	_ = 	snop;
	(pc) =	sbr.rel @!p4 .LBB2_29-.Ltmp1, $1  }
0x21: {  	_ =	sdelay $0x3  }
.LBB2_1:
0x22: {  	[dreg:$0x14] =	wrdreg s9  }
0x23: {  	s4 =	rddreg [dreg:$0x1];
	s16 =	simm.s32 $0x61C0;
	s24 =	simm.s32 $0x5  }
0x24: {  	[tilespmem:s16], [sflag:$0x5] =	stream.linear.gather [hbm4b:s4+s19], $0x5000, $0x38;
	[tilespmem:$0x1F1C0] =	vst v63  }
0x25: {  	_ =	swait.ge [sflag:s24], $0x5000  }
0x26: {  	[sflag:s24] =	ssyncset.done $0x0  }
.Ltmp2:
0x27: {  	s11 =	simm.s32 $0x5DC0;
	[sflag:s24] =	ssyncadd.s32 $0xFFFFB000;
	(pc) =	sbr.rel .LBB2_2-.Ltmp2, $4  }
0x28: {  	[tilespmem:s11], [sflag:$0x5] =	stream.linear.gather [hbm4b:s4+s19], $0x400, $0x38;
	[tilespmem:$0x1F1C0] =	vst v63  }
0x29: {  	_ =	swait.ge [sflag:s24], $0x400  }
0x2a: {  	[sflag:s24] =	ssyncset.done $0x0  }
0x2b: {  	[sflag:s24] =	ssyncadd.s32 $0xFFFFFC00;
	s24 =	simm.s32 $0x0  }
.LBB2_27:
0x2c: {  	s24 =	sadd.s32 $0x1, s24  }
0x2d: {  	p4 =	sne.s32 s24, $0x8  }
.Ltmp3:
0x2e: {  	_ = 	snop;
	(pc) =	sbr.rel @!p4 .LBB2_28-.Ltmp3, $2  }
0x2f: {  	_ =	sdelay $0x1  }
0x30: {  	[bflag:$0x0] =	sbarrier.arrive $0xFFFF;
	_ =	sdelay $0x1  }
.LBB2_2:
0x31: {  	s9 =	rddreg [dreg:$0xb]  }
0x32: {  	s11 =	simm.s32 $0x61C0;
	s12 =	rddreg [dreg:$0x9]  }
0x33: {  	[spmem:s9] =	stream.linear.scatter [tilespmem:s11], [sflag:$0x1], $0x5000, $0x38;
	[tilespmem:$0x1F1C0] =	vst v63  }
0x34: {  	s4 =	sshrl.u32 s24, $0x2;
	s14 =	rddreg [dreg:$0xc]  }
0x35: {  	[spmem:s14] =	stream.linear.scatter [tilespmem:s11], [sflag:$0x1], $0x5000, $0x38;
	[tilespmem:$0x1F1C0] =	vst v63  }
0x36: {  	s16 =	sand.u32 $0x3, s24;
	s12 =	sadd.s32 s12, s4;
	_ =	swait.ge [sflag:s28], $0x5000  }
0x37: {  	s15 =	smul.u32 $0x6, s12;
	[dreg:$0x15] =	wrdreg s16;
	[sflag:s28] =	ssyncset.done $0x0  }
0x38: {  	s14 =	rddreg [dreg:$0x7];
	[sflag:s28] =	ssyncadd.s32 $0xFFFFB000  }
0x39: {  	s4 =	sadd.s32 s14, s15;
	s15 =	smul.u32 $0x42000, s16;
	_ =	swait.ge [sflag:s28], $0x5000  }
0x3a: {  	s4 =	smul.u32 $0x2C00, s4;
	[sflag:s28] =	ssyncset.done $0x0  }
0x3b: {  	[sflag:s28] =	ssyncadd.s32 $0xFFFFB000  }
0x3c: {  	s4 =	sadd.s32 s15, s4;
	[bflag:$0x0] =	sbarrier.arrive $0xFFFF  }
0x3d: {  	s4 =	sshrl.u32 s4, $0x3;
	s16 =	rddreg [dreg:$0x5]  }
.Ltmp4:
0x3e: {  	s11 =	simm.s32 $0x5;
	s15 =	sadd.s32 s16, s4;
	(pc) =	sbr.rel @p0 .LBB2_8-.Ltmp4, $4  }
0x3f: {  	[tilespmem:s19], [sflag:$0x5] =	stream.linear.gather [hbm4b:s15+s19], $0x2C00, $0x38;
	[tilespmem:$0x1F1C0] =	vst v63  }
0x40: {  	s14 =	smul.u32 $0x120, s12;
	_ =	swait.ge [sflag:s11], $0x2C00  }
0x41: {  	[sflag:s11] =	ssyncset.done $0x0;
	s16 =	rddreg [dreg:$0x6]  }
0x42: {  	[sflag:s11] =	ssyncadd.s32 $0xFFFFD400;
	s14 =	sadd.s32 s16, s14  }
0x43: {  	s11 =	simm.s32 $0x0;
	s25 =	simm.s32 $0x0  }
.LBB2_4:
0x44: {  	s4 =	sadd.s32 s25, s14  }
0x45: {  	s9 =	smul.u32 $0x58, s4;
	_ =	sdelay $0x1  }
0x46: {  	s19 =	simm.s32 $0x2C00;
	s4 =	smul.u32 $0x60, s4;
	s9 =	sadd.s32 s5, s9  }
0x47: {  	[tilespmem:s19], [sflag:$0x1] =	stream.linear.gather [hbm4b:s9+s11], $0x2C0, $0x38;
	[tilespmem:$0x1F1C0] =	vst v63  }
0x48: {  	s4 =	sadd.s32 s8, s4  }
0x49: {  	[tilespmem:s29], [sflag:$0x1] =	stream.linear.gather [hbm4b:s4+s11], $0x300, $0x38;
	[tilespmem:$0x1F1C0] =	vst v63  }
0x4a: {  	_ =	swait.ge [sflag:s28], $0x2C0  }
0x4b: {  	[sflag:s28] =	ssyncset.done $0x0  }
0x4c: {  	[sflag:s28] =	ssyncadd.s32 $0xFFFFFD40  }
0x4d: {  	_ =	swait.ge [sflag:s28], $0x300  }
0x4e: {  	[sflag:s28] =	ssyncset.done $0x0  }
0x4f: {  	s9 =	simm.s32 $0x0;
	[sflag:s28] =	ssyncadd.s32 $0xFFFFFD00  }
0x50: {  	v18 =	vld [tilespmem:s9+$0x0]  }
0x51: {  	s4 =	simm.s32 $0x400;
	v17 =	vld [tilespmem:s19+$0x0]  }
.LBB2_5:
0x52: {  	p4 =	sne.s32 s4, $0xAC00;
	v19 =	vld [tilespmem:s9+$0x10]  }
0x53: {  	v20 =	vld [tilespmem:s9+$0x20]  }
0x54: {  	v21 =	vld [tilespmem:s9+$0x30]  }
0x55: {  	v22 =	vld [tilespmem:s9+$0x40]  }
0x56: {  	v23 =	vperm.xlane v17, v0;
	v24 =	vperm.xlane v17, v1;
	v25 =	vld [tilespmem:s9+$0x50]  }
0x57: {  	v26 =	vperm.xlane v17, v2;
	v27 =	vperm.xlane v17, v3;
	v28 =	vld [tilespmem:s9+$0x60]  }
0x58: {  	v18 =	vmul.f32 v18, v23;
	v19 =	vmul.f32 v19, v24;
	v23 =	vld [tilespmem:s9+$0x70]  }
0x59: {  	v20 =	vmul.f32 v20, v26;
	v21 =	vmul.f32 v21, v27;
	v24 =	vld [tilespmem:s9+$0x80]  }
0x5a: {  	v26 =	vperm.xlane v17, v5;
	[tilespmem:s9+$0x31C0] =	vst v18;
	v18 =	vperm.xlane v17, v4;
	v27 =	vld [tilespmem:s9+$0x90]  }
0x5b: {  	v29 =	vperm.xlane v17, v7;
	[tilespmem:s9+$0x31D0] =	vst v19;
	v19 =	vperm.xlane v17, v6;
	v30 =	vld [tilespmem:s9+$0xA0]  }
0x5c: {  	[tilespmem:s9+$0x31E0] =	vst v20;
	v18 =	vmul.f32 v22, v18;
	v20 =	vmul.f32 v25, v26;
	v22 =	vld [tilespmem:s9+$0xB0]  }
0x5d: {  	[tilespmem:s9+$0x31F0] =	vst v21;
	v19 =	vmul.f32 v28, v19;
	v21 =	vmul.f32 v23, v29;
	v23 =	vld [tilespmem:s9+$0xC0]  }
0x5e: {  	v25 =	vperm.xlane v17, v9;
	[tilespmem:s9+$0x3200] =	vst v18;
	v18 =	vperm.xlane v17, v8;
	v26 =	vld [tilespmem:s9+$0xD0]  }
0x5f: {  	v28 =	vperm.xlane v17, v11;
	[tilespmem:s9+$0x3210] =	vst v20;
	v20 =	vperm.xlane v17, v10;
	v29 =	vld [tilespmem:s9+$0xE0]  }
0x60: {  	[tilespmem:s9+$0x3220] =	vst v19;
	v18 =	vmul.f32 v24, v18;
	v19 =	vmul.f32 v27, v25;
	v24 =	vld [tilespmem:s9+$0xF0]  }
0x61: {  	[tilespmem:s9+$0x3230] =	vst v21;
	v20 =	vmul.f32 v30, v20;
	v21 =	vmul.f32 v22, v28  }
0x62: {  	v22 =	vperm.xlane v17, v13;
	[tilespmem:s9+$0x3240] =	vst v18;
	v18 =	vperm.xlane v17, v12  }
0x63: {  	[tilespmem:s9+$0x3250] =	vst v19;
	v19 =	vperm.xlane v17, v14;
	v17 =	vperm.xlane v17, v15  }
0x64: {  	[tilespmem:s9+$0x3260] =	vst v20;
	v18 =	vmul.f32 v23, v18;
	v20 =	vmul.f32 v26, v22  }
0x65: {  	[tilespmem:s9+$0x3270] =	vst v21;
	v19 =	vmul.f32 v29, v19;
	v17 =	vmul.f32 v24, v17  }
.Ltmp5:
0x66: {  	[tilespmem:s9+$0x3280] =	vst v18;
	(pc) =	sbr.rel @p4 .LBB2_5-.Ltmp5, $4  }
0x67: {  	[tilespmem:s9+$0x3290] =	vst v20  }
0x68: {  	s16 =	sshra.s32 s4, $0x2;
	[tilespmem:s9+$0x32A0] =	vst v19  }
0x69: {  	s19 =	sadd.s32 $0x10, s19;
	v18 =	vld [tilespmem:s16+$0x0];
	[tilespmem:s9+$0x32B0] =	vst v17;
	s9 =	smov.u32 s16  }
0x6a: {  	s4 =	sadd.s32 $0x400, s4;
	v17 =	vld [tilespmem:s19+$0x0]  }
0x6b: {  	_ =	sdelay $0x1  }
0x6c: {  	v19 =	vld [tilespmem:s9+$0x10]  }
0x6d: {  	v20 =	vld [tilespmem:s9+$0x20]  }
0x6e: {  	v21 =	vld [tilespmem:s9+$0x30];
	v23 =	vperm.xlane v17, v0  }
0x6f: {  	v22 =	vld [tilespmem:s9+$0x40];
	v26 =	vperm.xlane v17, v1  }
0x70: {  	v24 =	vld [tilespmem:s9+$0x50];
	v28 =	vperm.xlane v17, v2;
	v18 =	vmul.f32 v18, v23  }
0x71: {  	v25 =	vld [tilespmem:s9+$0x60];
	v48 =	vperm.xlane v17, v3;
	v19 =	vmul.f32 v19, v26  }
0x72: {  	v47 =	vld [tilespmem:s9+$0x70];
	v49 =	vperm.xlane v17, v4;
	v20 =	vmul.f32 v20, v28;
	[tilespmem:s9+$0x31C0] =	vst v18  }
0x73: {  	v54 =	vld [tilespmem:s9+$0xD0];
	v51 =	vperm.xlane v17, v5;
	v21 =	vmul.f32 v21, v48;
	[tilespmem:s9+$0x31D0] =	vst v19  }
0x74: {  	v27 =	vld [tilespmem:s9+$0x80];
	v53 =	vperm.xlane v17, v6;
	v22 =	vmul.f32 v22, v49;
	[tilespmem:s9+$0x31E0] =	vst v20  }
0x75: {  	v55 =	vperm.xlane v17, v7;
	v24 =	vmul.f32 v24, v51;
	v18 =	vld [tilespmem:s9+$0x90];
	[tilespmem:s9+$0x31F0] =	vst v21  }
0x76: {  	v62 =	vperm.xlane v17, v13;
	v25 =	vmul.f32 v25, v53;
	v19 =	vld [tilespmem:s9+$0xA0];
	[tilespmem:s9+$0x3200] =	vst v22  }
0x77: {  	v50 =	vld [tilespmem:s9+$0xB0];
	v56 =	vperm.xlane v17, v8;
	v23 =	vmul.f32 v47, v55;
	[tilespmem:s9+$0x3210] =	vst v24  }
0x78: {  	v52 =	vld [tilespmem:s9+$0xC0];
	v58 =	vperm.xlane v17, v9;
	v63 =	vmul.f32 v54, v62;
	[tilespmem:s9+$0x3220] =	vst v25  }
0x79: {  	v57 =	vld [tilespmem:s9+$0xE0];
	v59 =	vperm.xlane v17, v10;
	v24 =	vmul.f32 v27, v56;
	[tilespmem:s9+$0x3230] =	vst v23  }
0x7a: {  	v60 =	vld [tilespmem:s9+$0xF0];
	v29 =	vperm.xlane v17, v11;
	[tilespmem:s9+$0x3290] =	vst v63;
	v18 =	vmul.f32 v18, v58  }
0x7b: {  	v61 =	vperm.xlane v17, v12;
	[tilespmem:s9+$0x3240] =	vst v24;
	v19 =	vmul.f32 v19, v59  }
0x7c: {  	v20 =	vmul.f32 v50, v29;
	[tilespmem:s9+$0x3250] =	vst v18;
	v18 =	vperm.xlane v17, v14  }
0x7d: {  	[tilespmem:s9+$0x3260] =	vst v19;
	v19 =	vmul.f32 v52, v61;
	v17 =	vperm.xlane v17, v15  }
0x7e: {  	[tilespmem:s9+$0x3270] =	vst v20;
	v18 =	vmul.f32 v57, v18  }
0x7f: {  	[tilespmem:s9+$0x3280] =	vst v19;
	v17 =	vmul.f32 v60, v17  }
0x80: {  	[tilespmem:s9+$0x32A0] =	vst v18  }
0x81: {  	[tilespmem:s9+$0x32B0] =	vst v17  }
0x82: {  	[spmem:s2] =	stream.indirect.scatter.add.f32 [tilespmem:s31], [sflag:$0x2], $0x10, s29, s30, $0xb8;
	[tilespmem:$0x1F1C0] =	vst v63  }
0x83: {  	_ = 	snop  }
0x84: {  	[spmem:s2] =	stream.indirect.scatter.add.f32 [tilespmem:s3], [sflag:$0x2], $0x10, s0, s30, $0xb8;
	[tilespmem:$0x1F1C0] =	vst v63  }
0x85: {  	_ = 	snop  }
0x86: {  	[spmem:s2] =	stream.indirect.scatter.add.f32 [tilespmem:s1], [sflag:$0x2], $0x10, s26, s30, $0xb8;
	[tilespmem:$0x1F1C0] =	vst v63  }
0x87: {  	_ = 	snop  }
0x88: {  	[spmem:s2] =	stream.indirect.scatter.add.f32 [tilespmem:s13], [sflag:$0x2], $0x10, s23, s30, $0xb8;
	[tilespmem:$0x1F1C0] =	vst v63  }
0x89: {  	_ = 	snop  }
0x8a: {  	[spmem:s2] =	stream.indirect.scatter.add.f32 [tilespmem:s17], [sflag:$0x2], $0x10, s20, s30, $0xb8;
	[tilespmem:$0x1F1C0] =	vst v63  }
0x8b: {  	_ = 	snop  }
0x8c: {  	[spmem:s2] =	stream.indirect.scatter.add.f32 [tilespmem:s18], [sflag:$0x2], $0x10, s21, s30, $0xb8;
	[tilespmem:$0x1F1C0] =	vst v63  }
0x8d: {  	_ =	swait.ge [sflag:s7], $0x800  }
0x8e: {  	[sflag:s7] =	ssyncset.done $0x0  }
0x8f: {  	[sflag:s7] =	ssyncadd.s32 $0xFFFFF800  }
0x90: {  	_ =	swait.ge [sflag:s7], $0x800  }
0x91: {  	[sflag:s7] =	ssyncset.done $0x0  }
0x92: {  	[sflag:s7] =	ssyncadd.s32 $0xFFFFF800  }
0x93: {  	_ =	swait.ge [sflag:s7], $0x800  }
0x94: {  	[sflag:s7] =	ssyncset.done $0x0  }
0x95: {  	[sflag:s7] =	ssyncadd.s32 $0xFFFFF800  }
0x96: {  	_ =	swait.ge [sflag:s7], $0x800  }
0x97: {  	[sflag:s7] =	ssyncset.done $0x0  }
0x98: {  	s25 =	sadd.s32 $0x1, s25;
	[sflag:s7] =	ssyncadd.s32 $0xFFFFF800  }
0x99: {  	p4 =	sne.s32 s25, s22;
	_ =	swait.ge [sflag:s7], $0x800  }
.Ltmp6:
0x9a: {  	[sflag:s7] =	ssyncset.done $0x0;
	(pc) =	sbr.rel @p4 .LBB2_4-.Ltmp6, $4  }
0x9b: {  	[sflag:s7] =	ssyncadd.s32 $0xFFFFF800  }
0x9c: {  	_ =	swait.ge [sflag:s7], $0x800  }
0x9d: {  	[sflag:s7] =	ssyncset.done $0x0  }
0x9e: {  	[sflag:s7] =	ssyncadd.s32 $0xFFFFF800  }
.Ltmp7:
0x9f: {  	(pc) =	sbr.rel @p1 .LBB2_9-.Ltmp7, $2  }
0xa0: {  	_ =	sdelay $0x2  }
0xa1: {  	s19 =	simm.s32 $0x0;
	s25 =	rddreg [dreg:$0x4]  }
.LBB2_8:
0xa2: {  	s4 =	sadd.s32 $0x580, s15;
	s16 =	simm.s32 $0x5  }
0xa3: {  	[tilespmem:s19], [sflag:$0x5] =	stream.linear.gather [hbm4b:s4+s19], $0x2C00, $0x38;
	[tilespmem:$0x1F1C0] =	vst v63  }
0xa4: {  	_ =	swait.ge [sflag:s16], $0x2C00  }
0xa5: {  	[sflag:s16] =	ssyncset.done $0x0  }
0xa6: {  	[sflag:s16] =	ssyncadd.s32 $0xFFFFD400  }
.LBB2_9:
.Ltmp8:
0xa7: {  	(pc) =	sbr.rel @p2 .LBB2_14-.Ltmp8, $1  }
0xa8: {  	_ =	sdelay $0x3  }
0xa9: {  	s15 =	rddreg [dreg:$0xf]  }
.LBB2_11:
0xaa: {  	s4 =	sadd.s32 s15, s14  }
0xab: {  	s9 =	smul.u32 $0x2C0, s4  }
0xac: {  	s4 =	smul.u32 $0x300, s4  }
0xad: {  	s16 =	simm.s32 $0x0;
	s9 =	sshrl.u32 s9, $0x3  }
0xae: {  	s11 =	simm.s32 $0x2C00;
	s4 =	sshrl.u32 s4, $0x3;
	s9 =	sadd.s32 s5, s9  }
0xaf: {  	[tilespmem:s11], [sflag:$0x1] =	stream.linear.gather [hbm4b:s9+s16], $0x2C0, $0x38;
	[tilespmem:$0x1F1C0] =	vst v63  }
0xb0: {  	s4 =	sadd.s32 s8, s4  }
0xb1: {  	[tilespmem:s29], [sflag:$0x1] =	stream.linear.gather [hbm4b:s4+s16], $0x300, $0x38;
	[tilespmem:$0x1F1C0] =	vst v63  }
0xb2: {  	_ =	swait.ge [sflag:s28], $0x2C0  }
0xb3: {  	[sflag:s28] =	ssyncset.done $0x0  }
0xb4: {  	[sflag:s28] =	ssyncadd.s32 $0xFFFFFD40  }
0xb5: {  	_ =	swait.ge [sflag:s28], $0x300  }
0xb6: {  	[sflag:s28] =	ssyncset.done $0x0  }
0xb7: {  	s9 =	simm.s32 $0x0;
	[sflag:s28] =	ssyncadd.s32 $0xFFFFFD00  }
0xb8: {  	v18 =	vld [tilespmem:s9+$0x0]  }
0xb9: {  	s4 =	simm.s32 $0x400;
	v17 =	vld [tilespmem:s11+$0x0]  }
.LBB2_12:
0xba: {  	p4 =	sne.s32 s4, $0xAC00;
	v19 =	vld [tilespmem:s9+$0x10]  }
0xbb: {  	v20 =	vld [tilespmem:s9+$0x20]  }
0xbc: {  	v21 =	vld [tilespmem:s9+$0x30]  }
0xbd: {  	v22 =	vld [tilespmem:s9+$0x40]  }
0xbe: {  	v23 =	vperm.xlane v17, v0;
	v24 =	vperm.xlane v17, v1;
	v25 =	vld [tilespmem:s9+$0x50]  }
0xbf: {  	v26 =	vperm.xlane v17, v2;
	v27 =	vperm.xlane v17, v3;
	v28 =	vld [tilespmem:s9+$0x60]  }
0xc0: {  	v18 =	vmul.f32 v18, v23;
	v19 =	vmul.f32 v19, v24;
	v23 =	vld [tilespmem:s9+$0x70]  }
0xc1: {  	v20 =	vmul.f32 v20, v26;
	v21 =	vmul.f32 v21, v27;
	v24 =	vld [tilespmem:s9+$0x80]  }
0xc2: {  	v26 =	vperm.xlane v17, v5;
	[tilespmem:s9+$0x31C0] =	vst v18;
	v18 =	vperm.xlane v17, v4;
	v27 =	vld [tilespmem:s9+$0x90]  }
0xc3: {  	v29 =	vperm.xlane v17, v7;
	[tilespmem:s9+$0x31D0] =	vst v19;
	v19 =	vperm.xlane v17, v6;
	v30 =	vld [tilespmem:s9+$0xA0]  }
0xc4: {  	[tilespmem:s9+$0x31E0] =	vst v20;
	v18 =	vmul.f32 v22, v18;
	v20 =	vmul.f32 v25, v26;
	v22 =	vld [tilespmem:s9+$0xB0]  }
0xc5: {  	[tilespmem:s9+$0x31F0] =	vst v21;
	v19 =	vmul.f32 v28, v19;
	v21 =	vmul.f32 v23, v29;
	v23 =	vld [tilespmem:s9+$0xC0]  }
0xc6: {  	v25 =	vperm.xlane v17, v9;
	[tilespmem:s9+$0x3200] =	vst v18;
	v18 =	vperm.xlane v17, v8;
	v26 =	vld [tilespmem:s9+$0xD0]  }
0xc7: {  	v28 =	vperm.xlane v17, v11;
	[tilespmem:s9+$0x3210] =	vst v20;
	v20 =	vperm.xlane v17, v10;
	v29 =	vld [tilespmem:s9+$0xE0]  }
0xc8: {  	[tilespmem:s9+$0x3220] =	vst v19;
	v18 =	vmul.f32 v24, v18;
	v19 =	vmul.f32 v27, v25;
	v24 =	vld [tilespmem:s9+$0xF0]  }
0xc9: {  	[tilespmem:s9+$0x3230] =	vst v21;
	v20 =	vmul.f32 v30, v20;
	v21 =	vmul.f32 v22, v28  }
0xca: {  	v22 =	vperm.xlane v17, v13;
	[tilespmem:s9+$0x3240] =	vst v18;
	v18 =	vperm.xlane v17, v12  }
0xcb: {  	[tilespmem:s9+$0x3250] =	vst v19;
	v19 =	vperm.xlane v17, v14;
	v17 =	vperm.xlane v17, v15  }
0xcc: {  	[tilespmem:s9+$0x3260] =	vst v20;
	v18 =	vmul.f32 v23, v18;
	v20 =	vmul.f32 v26, v22  }
0xcd: {  	[tilespmem:s9+$0x3270] =	vst v21;
	v19 =	vmul.f32 v29, v19;
	v17 =	vmul.f32 v24, v17  }
.Ltmp9:
0xce: {  	[tilespmem:s9+$0x3280] =	vst v18;
	(pc) =	sbr.rel @p4 .LBB2_12-.Ltmp9, $4  }
0xcf: {  	[tilespmem:s9+$0x3290] =	vst v20  }
0xd0: {  	s16 =	sshra.s32 s4, $0x2;
	[tilespmem:s9+$0x32A0] =	vst v19  }
0xd1: {  	s11 =	sadd.s32 $0x10, s11;
	v18 =	vld [tilespmem:s16+$0x0];
	[tilespmem:s9+$0x32B0] =	vst v17;
	s9 =	smov.u32 s16  }
0xd2: {  	s4 =	sadd.s32 $0x400, s4;
	v17 =	vld [tilespmem:s11+$0x0]  }
0xd3: {  	_ =	sdelay $0x1  }
0xd4: {  	v19 =	vld [tilespmem:s9+$0x10]  }
0xd5: {  	v20 =	vld [tilespmem:s9+$0x20]  }
0xd6: {  	v21 =	vld [tilespmem:s9+$0x30];
	v23 =	vperm.xlane v17, v0  }
0xd7: {  	v22 =	vld [tilespmem:s9+$0x40];
	v26 =	vperm.xlane v17, v1  }
0xd8: {  	v24 =	vld [tilespmem:s9+$0x50];
	v28 =	vperm.xlane v17, v2;
	v18 =	vmul.f32 v18, v23  }
0xd9: {  	v25 =	vld [tilespmem:s9+$0x60];
	v48 =	vperm.xlane v17, v3;
	v19 =	vmul.f32 v19, v26  }
0xda: {  	v47 =	vld [tilespmem:s9+$0x70];
	v49 =	vperm.xlane v17, v4;
	v20 =	vmul.f32 v20, v28;
	[tilespmem:s9+$0x31C0] =	vst v18  }
0xdb: {  	v54 =	vld [tilespmem:s9+$0xD0];
	v51 =	vperm.xlane v17, v5;
	v21 =	vmul.f32 v21, v48;
	[tilespmem:s9+$0x31D0] =	vst v19  }
0xdc: {  	v27 =	vld [tilespmem:s9+$0x80];
	v53 =	vperm.xlane v17, v6;
	v22 =	vmul.f32 v22, v49;
	[tilespmem:s9+$0x31E0] =	vst v20  }
0xdd: {  	v55 =	vperm.xlane v17, v7;
	v24 =	vmul.f32 v24, v51;
	v18 =	vld [tilespmem:s9+$0x90];
	[tilespmem:s9+$0x31F0] =	vst v21  }
0xde: {  	v62 =	vperm.xlane v17, v13;
	v25 =	vmul.f32 v25, v53;
	v19 =	vld [tilespmem:s9+$0xA0];
	[tilespmem:s9+$0x3200] =	vst v22  }
0xdf: {  	v50 =	vld [tilespmem:s9+$0xB0];
	v56 =	vperm.xlane v17, v8;
	v23 =	vmul.f32 v47, v55;
	[tilespmem:s9+$0x3210] =	vst v24  }
0xe0: {  	v52 =	vld [tilespmem:s9+$0xC0];
	v58 =	vperm.xlane v17, v9;
	v63 =	vmul.f32 v54, v62;
	[tilespmem:s9+$0x3220] =	vst v25  }
0xe1: {  	v57 =	vld [tilespmem:s9+$0xE0];
	v59 =	vperm.xlane v17, v10;
	v24 =	vmul.f32 v27, v56;
	[tilespmem:s9+$0x3230] =	vst v23  }
0xe2: {  	v60 =	vld [tilespmem:s9+$0xF0];
	v29 =	vperm.xlane v17, v11;
	[tilespmem:s9+$0x3290] =	vst v63;
	v18 =	vmul.f32 v18, v58  }
0xe3: {  	v61 =	vperm.xlane v17, v12;
	[tilespmem:s9+$0x3240] =	vst v24;
	v19 =	vmul.f32 v19, v59  }
0xe4: {  	v20 =	vmul.f32 v50, v29;
	[tilespmem:s9+$0x3250] =	vst v18;
	v18 =	vperm.xlane v17, v14  }
0xe5: {  	[tilespmem:s9+$0x3260] =	vst v19;
	v19 =	vmul.f32 v52, v61;
	v17 =	vperm.xlane v17, v15  }
0xe6: {  	[tilespmem:s9+$0x3270] =	vst v20;
	v18 =	vmul.f32 v57, v18  }
0xe7: {  	[tilespmem:s9+$0x3280] =	vst v19;
	v17 =	vmul.f32 v60, v17  }
0xe8: {  	[tilespmem:s9+$0x32A0] =	vst v18  }
0xe9: {  	[tilespmem:s9+$0x32B0] =	vst v17  }
0xea: {  	[spmem:s2] =	stream.indirect.scatter.add.f32 [tilespmem:s31], [sflag:$0x2], $0x10, s29, s30, $0xb8;
	[tilespmem:$0x1F1C0] =	vst v63  }
0xeb: {  	_ = 	snop  }
0xec: {  	[spmem:s2] =	stream.indirect.scatter.add.f32 [tilespmem:s3], [sflag:$0x2], $0x10, s0, s30, $0xb8;
	[tilespmem:$0x1F1C0] =	vst v63  }
0xed: {  	_ = 	snop  }
0xee: {  	[spmem:s2] =	stream.indirect.scatter.add.f32 [tilespmem:s1], [sflag:$0x2], $0x10, s26, s30, $0xb8;
	[tilespmem:$0x1F1C0] =	vst v63  }
0xef: {  	_ = 	snop  }
0xf0: {  	[spmem:s2] =	stream.indirect.scatter.add.f32 [tilespmem:s13], [sflag:$0x2], $0x10, s23, s30, $0xb8;
	[tilespmem:$0x1F1C0] =	vst v63  }
0xf1: {  	_ = 	snop  }
0xf2: {  	[spmem:s2] =	stream.indirect.scatter.add.f32 [tilespmem:s17], [sflag:$0x2], $0x10, s20, s30, $0xb8;
	[tilespmem:$0x1F1C0] =	vst v63  }
0xf3: {  	_ = 	snop  }
0xf4: {  	[spmem:s2] =	stream.indirect.scatter.add.f32 [tilespmem:s18], [sflag:$0x2], $0x10, s21, s30, $0xb8;
	[tilespmem:$0x1F1C0] =	vst v63  }
0xf5: {  	_ =	swait.ge [sflag:s7], $0x800  }
0xf6: {  	[sflag:s7] =	ssyncset.done $0x0  }
0xf7: {  	[sflag:s7] =	ssyncadd.s32 $0xFFFFF800  }
0xf8: {  	_ =	swait.ge [sflag:s7], $0x800  }
0xf9: {  	[sflag:s7] =	ssyncset.done $0x0  }
0xfa: {  	[sflag:s7] =	ssyncadd.s32 $0xFFFFF800  }
0xfb: {  	_ =	swait.ge [sflag:s7], $0x800  }
0xfc: {  	[sflag:s7] =	ssyncset.done $0x0  }
0xfd: {  	[sflag:s7] =	ssyncadd.s32 $0xFFFFF800  }
0xfe: {  	_ =	swait.ge [sflag:s7], $0x800  }
0xff: {  	[sflag:s7] =	ssyncset.done $0x0  }
0x100: {  	s15 =	sadd.s32 $0x1, s15;
	[sflag:s7] =	ssyncadd.s32 $0xFFFFF800  }
0x101: {  	p4 =	sne.s32 s15, $0x12;
	_ =	swait.ge [sflag:s7], $0x800  }
.Ltmp10:
0x102: {  	[sflag:s7] =	ssyncset.done $0x0;
	(pc) =	sbr.rel @p4 .LBB2_11-.Ltmp10, $4  }
0x103: {  	[sflag:s7] =	ssyncadd.s32 $0xFFFFF800  }
0x104: {  	_ =	swait.ge [sflag:s7], $0x800  }
0x105: {  	[sflag:s7] =	ssyncset.done $0x0  }
0x106: {  	[sflag:s7] =	ssyncadd.s32 $0xFFFFF800  }
.LBB2_14:
0x107: {  	s4 =	simm.s32 $0x0  }
0x108: {  	[bflag:$0x0] =	sbarrier.arrive $0xFFFF;
	v17 =	vmov s4  }
0x109: {  	s14 =	simm.s32 $0x3;
	s11 =	rddreg [dreg:$0xb];
	v17 =	vshll.u32 v17, $0x4  }
0x10a: {  	[tilespmem:s6], [sflag:$0x3] =	stream.linear.gather [spmem:s11], $0x2800, $0x38;
	v17 =	vor.u32 v16, v17;
	[tilespmem:$0x1F1C0] =	vst v63  }
0x10b: {  	_ =	swait.ge [sflag:s14], $0x2800  }
0x10c: {  	[sflag:s14] =	ssyncset.done $0x0  }
0x10d: {  	s15 =	rddreg [dreg:$0x10];
	[sflag:s14] =	ssyncadd.s32 $0xFFFFD800  }
0x10e: {  	[tilespmem:s10], [sflag:$0x3] =	stream.linear.gather [spmem:s15], $0x2800, $0x38;
	[tilespmem:$0x1F1C0] =	vst v63  }
0x10f: {  	v18 =	vld.idx.msk [tilespmem:v17+s6+$0x0], $0xffff  }
0x110: {  	v19 =	vor.u32 $0x1, v17;
	_ =	sdelay $0x2  }
0x111: {  	s14 =	simm.s32 $0x115C0  }
0x112: {  	[tilespmem:s14+$0xFFFFEC00] =	vst v18  }
0x113: {  	v18 =	vld.idx.msk [tilespmem:v19+s6+$0x0], $0xffff  }
0x114: {  	v19 =	vor.u32 $0x2, v17;
	_ =	sdelay $0x3  }
0x115: {  	[tilespmem:s14+$0xFFFFEE80] =	vst v18  }
0x116: {  	v18 =	vld.idx.msk [tilespmem:v19+s6+$0x0], $0xffff  }
0x117: {  	v19 =	vor.u32 $0x3, v17;
	_ =	sdelay $0x3  }
0x118: {  	[tilespmem:s14+$0xFFFFF100] =	vst v18  }
0x119: {  	v18 =	vld.idx.msk [tilespmem:v19+s6+$0x0], $0xffff  }
0x11a: {  	v19 =	vor.u32 $0x4, v17;
	_ =	sdelay $0x3  }
0x11b: {  	[tilespmem:s14+$0xFFFFF380] =	vst v18  }
0x11c: {  	v18 =	vld.idx.msk [tilespmem:v19+s6+$0x0], $0xffff  }
0x11d: {  	v19 =	vor.u32 $0x5, v17;
	_ =	sdelay $0x3  }
0x11e: {  	[tilespmem:s14+$0xFFFFF600] =	vst v18  }
0x11f: {  	v18 =	vld.idx.msk [tilespmem:v19+s6+$0x0], $0xffff  }
0x120: {  	v19 =	vor.u32 $0x6, v17;
	_ =	sdelay $0x3  }
0x121: {  	[tilespmem:s14+$0xFFFFF880] =	vst v18  }
0x122: {  	v18 =	vld.idx.msk [tilespmem:v19+s6+$0x0], $0xffff  }
0x123: {  	v19 =	vor.u32 $0x7, v17;
	_ =	sdelay $0x3  }
0x124: {  	[tilespmem:s14+$0xFFFFFB00] =	vst v18  }
0x125: {  	v18 =	vld.idx.msk [tilespmem:v19+s6+$0x0], $0xffff  }
0x126: {  	v19 =	vor.u32 $0x8, v17;
	_ =	sdelay $0x3  }
0x127: {  	[tilespmem:s14+$0xFFFFFD80] =	vst v18  }
0x128: {  	v18 =	vld.idx.msk [tilespmem:v19+s6+$0x0], $0xffff  }
0x129: {  	v19 =	vor.u32 $0x9, v17;
	_ =	sdelay $0x3  }
0x12a: {  	[tilespmem:s14+$0x0] =	vst v18  }
0x12b: {  	v18 =	vld.idx.msk [tilespmem:v19+s6+$0x0], $0xffff  }
0x12c: {  	v19 =	vor.u32 $0xA, v17;
	_ =	sdelay $0x3  }
0x12d: {  	[tilespmem:s14+$0x280] =	vst v18  }
0x12e: {  	v18 =	vld.idx.msk [tilespmem:v19+s6+$0x0], $0xffff  }
0x12f: {  	v19 =	vor.u32 $0xB, v17;
	_ =	sdelay $0x3  }
0x130: {  	[tilespmem:s14+$0x500] =	vst v18  }
0x131: {  	v18 =	vld.idx.msk [tilespmem:v19+s6+$0x0], $0xffff  }
0x132: {  	v19 =	vor.u32 $0xC, v17;
	_ =	sdelay $0x3  }
0x133: {  	[tilespmem:s14+$0x780] =	vst v18  }
0x134: {  	v18 =	vld.idx.msk [tilespmem:v19+s6+$0x0], $0xffff  }
0x135: {  	v19 =	vor.u32 $0xD, v17;
	_ =	sdelay $0x3  }
0x136: {  	[tilespmem:s14+$0xA00] =	vst v18  }
0x137: {  	v18 =	vld.idx.msk [tilespmem:v19+s6+$0x0], $0xffff  }
0x138: {  	v19 =	vor.u32 $0xE, v17;
	_ =	sdelay $0x3  }
0x139: {  	[tilespmem:s14+$0xC80] =	vst v18  }
0x13a: {  	v18 =	vld.idx.msk [tilespmem:v19+s6+$0x0], $0xffff  }
0x13b: {  	v19 =	vor.u32 $0xF, v17;
	_ =	sdelay $0x3  }
0x13c: {  	s16 =	simm.s32 $0x10;
	[tilespmem:s14+$0xF00] =	vst v18  }
0x13d: {  	s11 =	simm.s32 $0x20;
	v17 =	vmov s16;
	v18 =	vld.idx.msk [tilespmem:v19+s6+$0x0], $0xffff  }
.LBB2_15:
0x13e: {  	p4 =	sne.s32 s11, $0x270;
	v17 =	vshll.u32 v17, $0x4  }
0x13f: {  	v17 =	vor.u32 v16, v17;
	_ =	sdelay $0x3  }
0x140: {  	[tilespmem:s14+$0x1180] =	vst v18  }
0x141: {  	v18 =	vld.idx.msk [tilespmem:v17+s6+$0x0], $0xffff;
	_ =	sdelay $0x1  }
0x142: {  	v19 =	vor.u32 $0x1, v17;
	_ =	sdelay $0x2  }
0x143: {  	s14 =	sadd.s32 $0x10, s14  }
0x144: {  	[tilespmem:s14+$0xFFFFEC00] =	vst v18  }
0x145: {  	v18 =	vld.idx.msk [tilespmem:v19+s6+$0x0], $0xffff;
	_ =	sdelay $0x1  }
0x146: {  	v19 =	vor.u32 $0x2, v17;
	_ =	sdelay $0x3  }
0x147: {  	[tilespmem:s14+$0xFFFFEE80] =	vst v18  }
0x148: {  	v18 =	vld.idx.msk [tilespmem:v19+s6+$0x0], $0xffff;
	_ =	sdelay $0x1  }
0x149: {  	v19 =	vor.u32 $0x3, v17;
	_ =	sdelay $0x3  }
0x14a: {  	[tilespmem:s14+$0xFFFFF100] =	vst v18  }
0x14b: {  	v18 =	vld.idx.msk [tilespmem:v19+s6+$0x0], $0xffff;
	_ =	sdelay $0x1  }
0x14c: {  	v19 =	vor.u32 $0x4, v17;
	_ =	sdelay $0x3  }
0x14d: {  	[tilespmem:s14+$0xFFFFF380] =	vst v18  }
0x14e: {  	v18 =	vld.idx.msk [tilespmem:v19+s6+$0x0], $0xffff;
	_ =	sdelay $0x1  }
0x14f: {  	v19 =	vor.u32 $0x5, v17;
	_ =	sdelay $0x3  }
0x150: {  	[tilespmem:s14+$0xFFFFF600] =	vst v18  }
0x151: {  	v18 =	vld.idx.msk [tilespmem:v19+s6+$0x0], $0xffff;
	_ =	sdelay $0x1  }
0x152: {  	v19 =	vor.u32 $0x6, v17;
	_ =	sdelay $0x3  }
0x153: {  	[tilespmem:s14+$0xFFFFF880] =	vst v18  }
0x154: {  	v18 =	vld.idx.msk [tilespmem:v19+s6+$0x0], $0xffff;
	_ =	sdelay $0x1  }
0x155: {  	v19 =	vor.u32 $0x7, v17;
	_ =	sdelay $0x3  }
0x156: {  	[tilespmem:s14+$0xFFFFFB00] =	vst v18  }
0x157: {  	v18 =	vld.idx.msk [tilespmem:v19+s6+$0x0], $0xffff;
	_ =	sdelay $0x1  }
0x158: {  	v19 =	vor.u32 $0x8, v17;
	_ =	sdelay $0x3  }
0x159: {  	[tilespmem:s14+$0xFFFFFD80] =	vst v18  }
0x15a: {  	v18 =	vld.idx.msk [tilespmem:v19+s6+$0x0], $0xffff;
	_ =	sdelay $0x1  }
0x15b: {  	v19 =	vor.u32 $0x9, v17;
	_ =	sdelay $0x3  }
0x15c: {  	[tilespmem:s14+$0x0] =	vst v18  }
0x15d: {  	v18 =	vld.idx.msk [tilespmem:v19+s6+$0x0], $0xffff;
	_ =	sdelay $0x1  }
0x15e: {  	v19 =	vor.u32 $0xA, v17;
	_ =	sdelay $0x3  }
0x15f: {  	[tilespmem:s14+$0x280] =	vst v18  }
0x160: {  	v18 =	vld.idx.msk [tilespmem:v19+s6+$0x0], $0xffff;
	_ =	sdelay $0x1  }
0x161: {  	v19 =	vor.u32 $0xB, v17;
	_ =	sdelay $0x3  }
0x162: {  	[tilespmem:s14+$0x500] =	vst v18  }
0x163: {  	v18 =	vld.idx.msk [tilespmem:v19+s6+$0x0], $0xffff;
	_ =	sdelay $0x1  }
0x164: {  	v19 =	vor.u32 $0xC, v17;
	_ =	sdelay $0x3  }
0x165: {  	[tilespmem:s14+$0x780] =	vst v18  }
0x166: {  	v18 =	vld.idx.msk [tilespmem:v19+s6+$0x0], $0xffff;
	_ =	sdelay $0x1  }
0x167: {  	v19 =	vor.u32 $0xD, v17;
	_ =	sdelay $0x3  }
0x168: {  	[tilespmem:s14+$0xA00] =	vst v18  }
0x169: {  	v18 =	vld.idx.msk [tilespmem:v19+s6+$0x0], $0xffff;
	_ =	sdelay $0x1  }
0x16a: {  	v19 =	vor.u32 $0xE, v17;
	_ =	sdelay $0x3  }
0x16b: {  	[tilespmem:s14+$0xC80] =	vst v18  }
0x16c: {  	v18 =	vld.idx.msk [tilespmem:v19+s6+$0x0], $0xffff;
	_ =	sdelay $0x1  }
0x16d: {  	v19 =	vor.u32 $0xF, v17  }
.Ltmp11:
0x16e: {  	(pc) =	sbr.rel @p4 .LBB2_15-.Ltmp11, $3  }
0x16f: {  	_ =	sdelay $0x1  }
0x170: {  	[tilespmem:s14+$0xF00] =	vst v18  }
0x171: {  	v17 =	vmov s11;
	s11 =	sadd.s32 $0x10, s11;
	v18 =	vld.idx.msk [tilespmem:v19+s6+$0x0], $0xffff  }
0x172: {  	v17 =	vshll.u32 v17, $0x4  }
0x173: {  	v17 =	vor.u32 v16, v17;
	_ =	sdelay $0x3  }
0x174: {  	[tilespmem:s14+$0x1180] =	vst v18  }
0x175: {  	v18 =	vld.idx.msk [tilespmem:v17+s6+$0x0], $0xffff  }
0x176: {  	v19 =	vor.u32 $0x1, v17;
	_ =	sdelay $0x2  }
0x177: {  	s4 =	sadd.s32 $0x10, s14  }
0x178: {  	[tilespmem:s4+$0xFFFFEC00] =	vst v18  }
0x179: {  	v18 =	vld.idx.msk [tilespmem:v19+s6+$0x0], $0xffff  }
0x17a: {  	v19 =	vor.u32 $0x2, v17;
	_ =	sdelay $0x3  }
0x17b: {  	[tilespmem:s4+$0xFFFFEE80] =	vst v18  }
0x17c: {  	v18 =	vld.idx.msk [tilespmem:v19+s6+$0x0], $0xffff  }
0x17d: {  	v19 =	vor.u32 $0x3, v17;
	_ =	sdelay $0x3  }
0x17e: {  	[tilespmem:s4+$0xFFFFF100] =	vst v18  }
0x17f: {  	v18 =	vld.idx.msk [tilespmem:v19+s6+$0x0], $0xffff  }
0x180: {  	v19 =	vor.u32 $0x4, v17;
	_ =	sdelay $0x3  }
0x181: {  	[tilespmem:s4+$0xFFFFF380] =	vst v18  }
0x182: {  	v18 =	vld.idx.msk [tilespmem:v19+s6+$0x0], $0xffff  }
0x183: {  	v19 =	vor.u32 $0x5, v17;
	_ =	sdelay $0x3  }
0x184: {  	[tilespmem:s4+$0xFFFFF600] =	vst v18  }
0x185: {  	v18 =	vld.idx.msk [tilespmem:v19+s6+$0x0], $0xffff  }
0x186: {  	v19 =	vor.u32 $0x6, v17;
	_ =	sdelay $0x3  }
0x187: {  	[tilespmem:s4+$0xFFFFF880] =	vst v18  }
0x188: {  	v18 =	vld.idx.msk [tilespmem:v19+s6+$0x0], $0xffff  }
0x189: {  	v19 =	vor.u32 $0x7, v17;
	_ =	sdelay $0x3  }
0x18a: {  	[tilespmem:s4+$0xFFFFFB00] =	vst v18  }
0x18b: {  	v18 =	vld.idx.msk [tilespmem:v19+s6+$0x0], $0xffff  }
0x18c: {  	v19 =	vor.u32 $0x8, v17;
	_ =	sdelay $0x3  }
0x18d: {  	[tilespmem:s4+$0xFFFFFD80] =	vst v18  }
0x18e: {  	v18 =	vld.idx.msk [tilespmem:v19+s6+$0x0], $0xffff  }
0x18f: {  	v19 =	vor.u32 $0x9, v17;
	_ =	sdelay $0x3  }
0x190: {  	[tilespmem:s4+$0x0] =	vst v18  }
0x191: {  	v18 =	vld.idx.msk [tilespmem:v19+s6+$0x0], $0xffff  }
0x192: {  	v19 =	vor.u32 $0xA, v17;
	_ =	sdelay $0x3  }
0x193: {  	[tilespmem:s4+$0x280] =	vst v18  }
0x194: {  	v18 =	vld.idx.msk [tilespmem:v19+s6+$0x0], $0xffff  }
0x195: {  	v19 =	vor.u32 $0xB, v17;
	_ =	sdelay $0x3  }
0x196: {  	[tilespmem:s4+$0x500] =	vst v18  }
0x197: {  	v18 =	vld.idx.msk [tilespmem:v19+s6+$0x0], $0xffff  }
0x198: {  	v19 =	vor.u32 $0xC, v17;
	_ =	sdelay $0x3  }
0x199: {  	[tilespmem:s4+$0x780] =	vst v18  }
0x19a: {  	v18 =	vld.idx.msk [tilespmem:v19+s6+$0x0], $0xffff  }
0x19b: {  	v19 =	vor.u32 $0xD, v17;
	_ =	sdelay $0x3  }
0x19c: {  	[tilespmem:s4+$0xA00] =	vst v18  }
0x19d: {  	v18 =	vld.idx.msk [tilespmem:v19+s6+$0x0], $0xffff  }
0x19e: {  	v19 =	vor.u32 $0xE, v17;
	_ =	sdelay $0x3  }
0x19f: {  	[tilespmem:s4+$0xC80] =	vst v18  }
0x1a0: {  	v18 =	vld.idx.msk [tilespmem:v19+s6+$0x0], $0xffff  }
0x1a1: {  	v17 =	vor.u32 $0xF, v17;
	_ =	sdelay $0x3  }
0x1a2: {  	s9 =	smul.u32 $0x271000, s12;
	s11 =	rddreg [dreg:$0x15];
	[tilespmem:s4+$0xF00] =	vst v18  }
0x1a3: {  	s11 =	smul.u32 $0x9C400, s11;
	v17 =	vld.idx.msk [tilespmem:v17+s6+$0x0], $0xffff;
	_ =	sdelay $0x1  }
0x1a4: {  	s12 =	sadd.s32 s11, s9  }
0x1a5: {  	s15 =	simm.s32 $0x0;
	s16 =	rddreg [dreg:$0x8];
	s9 =	sadd.s32 s25, s12  }
0x1a6: {  	s11 =	simm.s32 $0x280;
	s14 =	simm.s32 $0x9C40;
	s9 =	sshrl.u32 s9, $0x3;
	v18 =	vmov s15  }
0x1a7: {  	s15 =	simm.s32 $0x101C0;
	[tilespmem:s4+$0x1180] =	vst v17;
	s4 =	sadd.s32 s16, s9;
	v17 =	vshll.u32 v18, $0x4;
	s16 =	simm.s32 $0x3  }
0x1a8: {  	[hbm4b:s4+s11] =	stream.strided.scatter [tilespmem:s15], [sflag:$0x4], $0x2800, s14, s11, $0x38;
	v17 =	vor.u32 v16, v17;
	[tilespmem:$0x1F1C0] =	vst v63  }
0x1a9: {  	_ =	swait.ge [sflag:s16], $0x2800  }
0x1aa: {  	[sflag:s16] =	ssyncset.done $0x0  }
0x1ab: {  	s4 =	simm.s32 @!p3 $0xB1C0;
	s9 =	rddreg [dreg:$0xc];
	[sflag:s16] =	ssyncadd.s32 $0xFFFFD800  }
0x1ac: {  	[tilespmem:s4], [sflag:$0x3] =	stream.linear.gather @!p3 [spmem:s9], $0x2800, $0x38;
	[tilespmem:$0x1F1C0] =	vst v63  }
0x1ad: {  	v18 =	vld.idx.msk [tilespmem:v17+s10+$0x0], $0xffff  }
0x1ae: {  	v19 =	vor.u32 $0x1, v17;
	_ =	sdelay $0x2  }
0x1af: {  	s14 =	simm.s32 $0x0  }
0x1b0: {  	[tilespmem:s14+$0x129C0] =	vst v18  }
0x1b1: {  	v18 =	vld.idx.msk [tilespmem:v19+s10+$0x0], $0xffff  }
0x1b2: {  	v19 =	vor.u32 $0x2, v17;
	_ =	sdelay $0x3  }
0x1b3: {  	[tilespmem:s14+$0x12C40] =	vst v18  }
0x1b4: {  	v18 =	vld.idx.msk [tilespmem:v19+s10+$0x0], $0xffff  }
0x1b5: {  	v19 =	vor.u32 $0x3, v17;
	_ =	sdelay $0x3  }
0x1b6: {  	[tilespmem:s14+$0x12EC0] =	vst v18  }
0x1b7: {  	v18 =	vld.idx.msk [tilespmem:v19+s10+$0x0], $0xffff  }
0x1b8: {  	v19 =	vor.u32 $0x4, v17;
	_ =	sdelay $0x3  }
0x1b9: {  	[tilespmem:s14+$0x13140] =	vst v18  }
0x1ba: {  	v18 =	vld.idx.msk [tilespmem:v19+s10+$0x0], $0xffff  }
0x1bb: {  	v19 =	vor.u32 $0x5, v17;
	_ =	sdelay $0x3  }
0x1bc: {  	[tilespmem:s14+$0x133C0] =	vst v18  }
0x1bd: {  	v18 =	vld.idx.msk [tilespmem:v19+s10+$0x0], $0xffff  }
0x1be: {  	v19 =	vor.u32 $0x6, v17;
	_ =	sdelay $0x3  }
0x1bf: {  	[tilespmem:s14+$0x13640] =	vst v18  }
0x1c0: {  	v18 =	vld.idx.msk [tilespmem:v19+s10+$0x0], $0xffff  }
0x1c1: {  	v19 =	vor.u32 $0x7, v17;
	_ =	sdelay $0x3  }
0x1c2: {  	[tilespmem:s14+$0x138C0] =	vst v18  }
0x1c3: {  	v18 =	vld.idx.msk [tilespmem:v19+s10+$0x0], $0xffff  }
0x1c4: {  	v19 =	vor.u32 $0x8, v17;
	_ =	sdelay $0x3  }
0x1c5: {  	[tilespmem:s14+$0x13B40] =	vst v18  }
0x1c6: {  	v18 =	vld.idx.msk [tilespmem:v19+s10+$0x0], $0xffff  }
0x1c7: {  	v19 =	vor.u32 $0x9, v17;
	_ =	sdelay $0x3  }
0x1c8: {  	[tilespmem:s14+$0x13DC0] =	vst v18  }
0x1c9: {  	v18 =	vld.idx.msk [tilespmem:v19+s10+$0x0], $0xffff  }
0x1ca: {  	v19 =	vor.u32 $0xA, v17;
	_ =	sdelay $0x3  }
0x1cb: {  	[tilespmem:s14+$0x14040] =	vst v18  }
0x1cc: {  	v18 =	vld.idx.msk [tilespmem:v19+s10+$0x0], $0xffff  }
0x1cd: {  	v19 =	vor.u32 $0xB, v17;
	_ =	sdelay $0x3  }
0x1ce: {  	[tilespmem:s14+$0x142C0] =	vst v18  }
0x1cf: {  	v18 =	vld.idx.msk [tilespmem:v19+s10+$0x0], $0xffff  }
0x1d0: {  	v19 =	vor.u32 $0xC, v17;
	_ =	sdelay $0x3  }
0x1d1: {  	[tilespmem:s14+$0x14540] =	vst v18  }
0x1d2: {  	v18 =	vld.idx.msk [tilespmem:v19+s10+$0x0], $0xffff  }
0x1d3: {  	v19 =	vor.u32 $0xD, v17;
	_ =	sdelay $0x3  }
0x1d4: {  	[tilespmem:s14+$0x147C0] =	vst v18  }
0x1d5: {  	v18 =	vld.idx.msk [tilespmem:v19+s10+$0x0], $0xffff  }
0x1d6: {  	v19 =	vor.u32 $0xE, v17;
	_ =	sdelay $0x3  }
0x1d7: {  	[tilespmem:s14+$0x14A40] =	vst v18  }
0x1d8: {  	v18 =	vld.idx.msk [tilespmem:v19+s10+$0x0], $0xffff  }
0x1d9: {  	v19 =	vor.u32 $0xF, v17;
	_ =	sdelay $0x3  }
0x1da: {  	s15 =	simm.s32 $0x10;
	[tilespmem:s14+$0x14CC0] =	vst v18  }
0x1db: {  	s11 =	simm.s32 $0x40;
	s16 =	simm.s32 $0x80;
	v17 =	vmov s15;
	v18 =	vld.idx.msk [tilespmem:v19+s10+$0x0], $0xffff  }
.LBB2_17:
0x1dc: {  	p4 =	sne.s32 s16, $0x9C0;
	v17 =	vshll.u32 v17, $0x4  }
0x1dd: {  	v17 =	vor.u32 v16, v17;
	_ =	sdelay $0x3  }
0x1de: {  	[tilespmem:s14+$0x14F40] =	vst v18  }
0x1df: {  	v18 =	vld.idx.msk [tilespmem:v17+s10+$0x0], $0xffff;
	_ =	sdelay $0x1  }
0x1e0: {  	v19 =	vor.u32 $0x1, v17;
	_ =	sdelay $0x2  }
0x1e1: {  	s14 =	sshra.s32 s11, $0x2;
	s11 =	smov.u32 s16  }
0x1e2: {  	[tilespmem:s14+$0x129C0] =	vst v18  }
0x1e3: {  	v18 =	vld.idx.msk [tilespmem:v19+s10+$0x0], $0xffff;
	_ =	sdelay $0x1  }
0x1e4: {  	v19 =	vor.u32 $0x2, v17;
	_ =	sdelay $0x3  }
0x1e5: {  	[tilespmem:s14+$0x12C40] =	vst v18  }
0x1e6: {  	v18 =	vld.idx.msk [tilespmem:v19+s10+$0x0], $0xffff;
	_ =	sdelay $0x1  }
0x1e7: {  	v19 =	vor.u32 $0x3, v17;
	_ =	sdelay $0x3  }
0x1e8: {  	[tilespmem:s14+$0x12EC0] =	vst v18  }
0x1e9: {  	v18 =	vld.idx.msk [tilespmem:v19+s10+$0x0], $0xffff;
	_ =	sdelay $0x1  }
0x1ea: {  	v19 =	vor.u32 $0x4, v17;
	_ =	sdelay $0x3  }
0x1eb: {  	[tilespmem:s14+$0x13140] =	vst v18  }
0x1ec: {  	v18 =	vld.idx.msk [tilespmem:v19+s10+$0x0], $0xffff;
	_ =	sdelay $0x1  }
0x1ed: {  	v19 =	vor.u32 $0x5, v17;
	_ =	sdelay $0x3  }
0x1ee: {  	[tilespmem:s14+$0x133C0] =	vst v18  }
0x1ef: {  	v18 =	vld.idx.msk [tilespmem:v19+s10+$0x0], $0xffff;
	_ =	sdelay $0x1  }
0x1f0: {  	v19 =	vor.u32 $0x6, v17;
	_ =	sdelay $0x3  }
0x1f1: {  	[tilespmem:s14+$0x13640] =	vst v18  }
0x1f2: {  	v18 =	vld.idx.msk [tilespmem:v19+s10+$0x0], $0xffff;
	_ =	sdelay $0x1  }
0x1f3: {  	v19 =	vor.u32 $0x7, v17;
	_ =	sdelay $0x3  }
0x1f4: {  	[tilespmem:s14+$0x138C0] =	vst v18  }
0x1f5: {  	v18 =	vld.idx.msk [tilespmem:v19+s10+$0x0], $0xffff;
	_ =	sdelay $0x1  }
0x1f6: {  	v19 =	vor.u32 $0x8, v17;
	_ =	sdelay $0x3  }
0x1f7: {  	[tilespmem:s14+$0x13B40] =	vst v18  }
0x1f8: {  	v18 =	vld.idx.msk [tilespmem:v19+s10+$0x0], $0xffff;
	_ =	sdelay $0x1  }
0x1f9: {  	v19 =	vor.u32 $0x9, v17;
	_ =	sdelay $0x3  }
0x1fa: {  	[tilespmem:s14+$0x13DC0] =	vst v18  }
0x1fb: {  	v18 =	vld.idx.msk [tilespmem:v19+s10+$0x0], $0xffff;
	_ =	sdelay $0x1  }
0x1fc: {  	v19 =	vor.u32 $0xA, v17;
	_ =	sdelay $0x3  }
0x1fd: {  	[tilespmem:s14+$0x14040] =	vst v18  }
0x1fe: {  	v18 =	vld.idx.msk [tilespmem:v19+s10+$0x0], $0xffff;
	_ =	sdelay $0x1  }
0x1ff: {  	v19 =	vor.u32 $0xB, v17;
	_ =	sdelay $0x3  }
0x200: {  	[tilespmem:s14+$0x142C0] =	vst v18  }
0x201: {  	v18 =	vld.idx.msk [tilespmem:v19+s10+$0x0], $0xffff;
	_ =	sdelay $0x1  }
0x202: {  	v19 =	vor.u32 $0xC, v17;
	_ =	sdelay $0x3  }
0x203: {  	[tilespmem:s14+$0x14540] =	vst v18  }
0x204: {  	v18 =	vld.idx.msk [tilespmem:v19+s10+$0x0], $0xffff;
	_ =	sdelay $0x1  }
0x205: {  	v19 =	vor.u32 $0xD, v17;
	_ =	sdelay $0x3  }
0x206: {  	[tilespmem:s14+$0x147C0] =	vst v18  }
0x207: {  	v18 =	vld.idx.msk [tilespmem:v19+s10+$0x0], $0xffff;
	_ =	sdelay $0x1  }
0x208: {  	v19 =	vor.u32 $0xE, v17;
	_ =	sdelay $0x3  }
0x209: {  	[tilespmem:s14+$0x14A40] =	vst v18  }
0x20a: {  	v18 =	vld.idx.msk [tilespmem:v19+s10+$0x0], $0xffff;
	_ =	sdelay $0x1  }
0x20b: {  	v19 =	vor.u32 $0xF, v17  }
.Ltmp12:
0x20c: {  	(pc) =	sbr.rel @p4 .LBB2_17-.Ltmp12, $3  }
0x20d: {  	_ =	sdelay $0x1  }
0x20e: {  	s15 =	sadd.s32 $0x10, s15;
	[tilespmem:s14+$0x14CC0] =	vst v18  }
0x20f: {  	s16 =	sadd.s32 $0x40, s16;
	v17 =	vmov s15;
	v18 =	vld.idx.msk [tilespmem:v19+s10+$0x0], $0xffff  }
0x210: {  	v17 =	vshll.u32 v17, $0x4  }
0x211: {  	v17 =	vor.u32 v16, v17;
	_ =	sdelay $0x3  }
0x212: {  	[tilespmem:s14+$0x14F40] =	vst v18  }
0x213: {  	v18 =	vld.idx.msk [tilespmem:v17+s10+$0x0], $0xffff  }
0x214: {  	v19 =	vor.u32 $0x1, v17;
	_ =	sdelay $0x2  }
0x215: {  	s4 =	sshra.s32 s11, $0x2  }
0x216: {  	[tilespmem:s4+$0x129C0] =	vst v18  }
0x217: {  	v18 =	vld.idx.msk [tilespmem:v19+s10+$0x0], $0xffff  }
0x218: {  	v19 =	vor.u32 $0x2, v17;
	_ =	sdelay $0x3  }
0x219: {  	[tilespmem:s4+$0x12C40] =	vst v18  }
0x21a: {  	v18 =	vld.idx.msk [tilespmem:v19+s10+$0x0], $0xffff  }
0x21b: {  	v19 =	vor.u32 $0x3, v17;
	_ =	sdelay $0x3  }
0x21c: {  	[tilespmem:s4+$0x12EC0] =	vst v18  }
0x21d: {  	v18 =	vld.idx.msk [tilespmem:v19+s10+$0x0], $0xffff  }
0x21e: {  	v19 =	vor.u32 $0x4, v17;
	_ =	sdelay $0x3  }
0x21f: {  	[tilespmem:s4+$0x13140] =	vst v18  }
0x220: {  	v18 =	vld.idx.msk [tilespmem:v19+s10+$0x0], $0xffff  }
0x221: {  	v19 =	vor.u32 $0x5, v17;
	_ =	sdelay $0x3  }
0x222: {  	[tilespmem:s4+$0x133C0] =	vst v18  }
0x223: {  	v18 =	vld.idx.msk [tilespmem:v19+s10+$0x0], $0xffff  }
0x224: {  	v19 =	vor.u32 $0x6, v17;
	_ =	sdelay $0x3  }
0x225: {  	[tilespmem:s4+$0x13640] =	vst v18  }
0x226: {  	v18 =	vld.idx.msk [tilespmem:v19+s10+$0x0], $0xffff  }
0x227: {  	v19 =	vor.u32 $0x7, v17;
	_ =	sdelay $0x3  }
0x228: {  	[tilespmem:s4+$0x138C0] =	vst v18  }
0x229: {  	v18 =	vld.idx.msk [tilespmem:v19+s10+$0x0], $0xffff  }
0x22a: {  	v19 =	vor.u32 $0x8, v17;
	_ =	sdelay $0x3  }
0x22b: {  	[tilespmem:s4+$0x13B40] =	vst v18  }
0x22c: {  	v18 =	vld.idx.msk [tilespmem:v19+s10+$0x0], $0xffff  }
0x22d: {  	v19 =	vor.u32 $0x9, v17;
	_ =	sdelay $0x3  }
0x22e: {  	[tilespmem:s4+$0x13DC0] =	vst v18  }
0x22f: {  	v18 =	vld.idx.msk [tilespmem:v19+s10+$0x0], $0xffff  }
0x230: {  	v19 =	vor.u32 $0xA, v17;
	_ =	sdelay $0x3  }
0x231: {  	[tilespmem:s4+$0x14040] =	vst v18  }
0x232: {  	v18 =	vld.idx.msk [tilespmem:v19+s10+$0x0], $0xffff  }
0x233: {  	v19 =	vor.u32 $0xB, v17;
	_ =	sdelay $0x3  }
0x234: {  	[tilespmem:s4+$0x142C0] =	vst v18  }
0x235: {  	v18 =	vld.idx.msk [tilespmem:v19+s10+$0x0], $0xffff  }
0x236: {  	v19 =	vor.u32 $0xC, v17;
	_ =	sdelay $0x3  }
0x237: {  	[tilespmem:s4+$0x14540] =	vst v18  }
0x238: {  	v18 =	vld.idx.msk [tilespmem:v19+s10+$0x0], $0xffff  }
0x239: {  	v19 =	vor.u32 $0xD, v17;
	_ =	sdelay $0x3  }
0x23a: {  	[tilespmem:s4+$0x147C0] =	vst v18  }
0x23b: {  	v18 =	vld.idx.msk [tilespmem:v19+s10+$0x0], $0xffff  }
0x23c: {  	v19 =	vor.u32 $0xE, v17;
	_ =	sdelay $0x3  }
0x23d: {  	[tilespmem:s4+$0x14A40] =	vst v18  }
0x23e: {  	v18 =	vld.idx.msk [tilespmem:v19+s10+$0x0], $0xffff  }
0x23f: {  	v17 =	vor.u32 $0xF, v17;
	_ =	sdelay $0x3  }
0x240: {  	[tilespmem:s4+$0x14CC0] =	vst v18  }
0x241: {  	v17 =	vld.idx.msk [tilespmem:v17+s10+$0x0], $0xffff;
	_ =	sdelay $0x1  }
.Ltmp13:
0x242: {  	s9 =	rddreg [dreg:$0xd];
	(pc) =	sbr.rel @!p3 .LBB2_19-.Ltmp13, $4  }
0x243: {  	s9 =	sadd.s32 s9, s12  }
0x244: {  	s11 =	rddreg [dreg:$0x8];
	s15 =	simm.s32 $0x9C40;
	s9 =	sshrl.u32 s9, $0x3  }
0x245: {  	s16 =	simm.s32 $0x129C0;
	s14 =	simm.s32 $0x280;
	[tilespmem:s4+$0x14F40] =	vst v17;
	s4 =	sadd.s32 s11, s9  }
0x246: {  	[hbm4b:s4+s14] =	stream.strided.scatter [tilespmem:s16], [sflag:$0x4], $0x2800, s15, s14, $0x38;
	[tilespmem:$0x1F1C0] =	vst v63  }
0x247: {  	s9 =	simm.s32 $0x4  }
0x248: {  	_ =	swait.ge [sflag:s9], $0x2800  }
0x249: {  	[sflag:s9] =	ssyncset.done $0x0  }
0x24a: {  	s4 =	simm.s32 $0x0;
	[sflag:s9] =	ssyncadd.s32 $0xFFFFD800  }
0x24b: {  	v17 =	vmov s4;
	_ =	swait.ge [sflag:s9], $0x2800  }
0x24c: {  	v17 =	vshll.u32 v17, $0x4;
	[sflag:s9] =	ssyncset.done $0x0  }
0x24d: {  	s15 =	simm.s32 $0x5;
	v17 =	vor.u32 v16, v17;
	s14 =	rddreg [dreg:$0x12];
	[sflag:s9] =	ssyncadd.s32 $0xFFFFD800  }
0x24e: {  	[tilespmem:s6], [sflag:$0x5] =	stream.linear.gather [spmem:s14], $0x1400, $0x38;
	[tilespmem:$0x1F1C0] =	vst v63  }
0x24f: {  	_ =	swait.ge [sflag:s15], $0x1400  }
0x250: {  	[sflag:s15] =	ssyncset.done $0x0  }
0x251: {  	[sflag:s15] =	ssyncadd.s32 $0xFFFFEC00  }
0x252: {  	v18 =	vld.idx.msk [tilespmem:v17+s6+$0x0], $0xffff  }
0x253: {  	v19 =	vor.u32 $0x1, v17;
	_ =	sdelay $0x2  }
0x254: {  	s14 =	simm.s32 $0x115C0  }
0x255: {  	[tilespmem:s14+$0xFFFFEC00] =	vst v18  }
0x256: {  	v18 =	vld.idx.msk [tilespmem:v19+s6+$0x0], $0xffff  }
0x257: {  	v19 =	vor.u32 $0x2, v17;
	_ =	sdelay $0x3  }
0x258: {  	[tilespmem:s14+$0xFFFFEE80] =	vst v18  }
0x259: {  	v18 =	vld.idx.msk [tilespmem:v19+s6+$0x0], $0xffff  }
0x25a: {  	v19 =	vor.u32 $0x3, v17;
	_ =	sdelay $0x3  }
0x25b: {  	[tilespmem:s14+$0xFFFFF100] =	vst v18  }
0x25c: {  	v18 =	vld.idx.msk [tilespmem:v19+s6+$0x0], $0xffff  }
0x25d: {  	v19 =	vor.u32 $0x4, v17;
	_ =	sdelay $0x3  }
0x25e: {  	[tilespmem:s14+$0xFFFFF380] =	vst v18  }
0x25f: {  	v18 =	vld.idx.msk [tilespmem:v19+s6+$0x0], $0xffff  }
0x260: {  	v19 =	vor.u32 $0x5, v17;
	_ =	sdelay $0x3  }
0x261: {  	[tilespmem:s14+$0xFFFFF600] =	vst v18  }
0x262: {  	v18 =	vld.idx.msk [tilespmem:v19+s6+$0x0], $0xffff  }
0x263: {  	v19 =	vor.u32 $0x6, v17;
	_ =	sdelay $0x3  }
0x264: {  	[tilespmem:s14+$0xFFFFF880] =	vst v18  }
0x265: {  	v18 =	vld.idx.msk [tilespmem:v19+s6+$0x0], $0xffff  }
0x266: {  	v19 =	vor.u32 $0x7, v17;
	_ =	sdelay $0x3  }
0x267: {  	[tilespmem:s14+$0xFFFFFB00] =	vst v18  }
0x268: {  	v18 =	vld.idx.msk [tilespmem:v19+s6+$0x0], $0xffff  }
0x269: {  	v19 =	vor.u32 $0x8, v17;
	_ =	sdelay $0x3  }
0x26a: {  	[tilespmem:s14+$0xFFFFFD80] =	vst v18  }
0x26b: {  	v18 =	vld.idx.msk [tilespmem:v19+s6+$0x0], $0xffff  }
0x26c: {  	v19 =	vor.u32 $0x9, v17;
	_ =	sdelay $0x3  }
0x26d: {  	[tilespmem:s14+$0x0] =	vst v18  }
0x26e: {  	v18 =	vld.idx.msk [tilespmem:v19+s6+$0x0], $0xffff  }
0x26f: {  	v19 =	vor.u32 $0xA, v17;
	_ =	sdelay $0x3  }
0x270: {  	[tilespmem:s14+$0x280] =	vst v18  }
0x271: {  	v18 =	vld.idx.msk [tilespmem:v19+s6+$0x0], $0xffff  }
0x272: {  	v19 =	vor.u32 $0xB, v17;
	_ =	sdelay $0x3  }
0x273: {  	[tilespmem:s14+$0x500] =	vst v18  }
0x274: {  	v18 =	vld.idx.msk [tilespmem:v19+s6+$0x0], $0xffff  }
0x275: {  	v19 =	vor.u32 $0xC, v17;
	_ =	sdelay $0x3  }
0x276: {  	[tilespmem:s14+$0x780] =	vst v18  }
0x277: {  	v18 =	vld.idx.msk [tilespmem:v19+s6+$0x0], $0xffff  }
0x278: {  	v19 =	vor.u32 $0xD, v17;
	_ =	sdelay $0x3  }
0x279: {  	[tilespmem:s14+$0xA00] =	vst v18  }
0x27a: {  	v18 =	vld.idx.msk [tilespmem:v19+s6+$0x0], $0xffff  }
0x27b: {  	v19 =	vor.u32 $0xE, v17;
	_ =	sdelay $0x3  }
0x27c: {  	[tilespmem:s14+$0xC80] =	vst v18  }
0x27d: {  	v18 =	vld.idx.msk [tilespmem:v19+s6+$0x0], $0xffff  }
0x27e: {  	v19 =	vor.u32 $0xF, v17;
	_ =	sdelay $0x3  }
0x27f: {  	s16 =	simm.s32 $0x10;
	[tilespmem:s14+$0xF00] =	vst v18  }
0x280: {  	s11 =	simm.s32 $0x20;
	v17 =	vmov s16;
	v18 =	vld.idx.msk [tilespmem:v19+s6+$0x0], $0xffff  }
.LBB2_25:
0x281: {  	p4 =	sne.s32 s11, $0x130;
	v17 =	vshll.u32 v17, $0x4  }
0x282: {  	v17 =	vor.u32 v16, v17;
	_ =	sdelay $0x3  }
0x283: {  	[tilespmem:s14+$0x1180] =	vst v18  }
0x284: {  	v18 =	vld.idx.msk [tilespmem:v17+s6+$0x0], $0xffff;
	_ =	sdelay $0x1  }
0x285: {  	v19 =	vor.u32 $0x1, v17;
	_ =	sdelay $0x2  }
0x286: {  	s14 =	sadd.s32 $0x10, s14  }
0x287: {  	[tilespmem:s14+$0xFFFFEC00] =	vst v18  }
0x288: {  	v18 =	vld.idx.msk [tilespmem:v19+s6+$0x0], $0xffff;
	_ =	sdelay $0x1  }
0x289: {  	v19 =	vor.u32 $0x2, v17;
	_ =	sdelay $0x3  }
0x28a: {  	[tilespmem:s14+$0xFFFFEE80] =	vst v18  }
0x28b: {  	v18 =	vld.idx.msk [tilespmem:v19+s6+$0x0], $0xffff;
	_ =	sdelay $0x1  }
0x28c: {  	v19 =	vor.u32 $0x3, v17;
	_ =	sdelay $0x3  }
0x28d: {  	[tilespmem:s14+$0xFFFFF100] =	vst v18  }
0x28e: {  	v18 =	vld.idx.msk [tilespmem:v19+s6+$0x0], $0xffff;
	_ =	sdelay $0x1  }
0x28f: {  	v19 =	vor.u32 $0x4, v17;
	_ =	sdelay $0x3  }
0x290: {  	[tilespmem:s14+$0xFFFFF380] =	vst v18  }
0x291: {  	v18 =	vld.idx.msk [tilespmem:v19+s6+$0x0], $0xffff;
	_ =	sdelay $0x1  }
0x292: {  	v19 =	vor.u32 $0x5, v17;
	_ =	sdelay $0x3  }
0x293: {  	[tilespmem:s14+$0xFFFFF600] =	vst v18  }
0x294: {  	v18 =	vld.idx.msk [tilespmem:v19+s6+$0x0], $0xffff;
	_ =	sdelay $0x1  }
0x295: {  	v19 =	vor.u32 $0x6, v17;
	_ =	sdelay $0x3  }
0x296: {  	[tilespmem:s14+$0xFFFFF880] =	vst v18  }
0x297: {  	v18 =	vld.idx.msk [tilespmem:v19+s6+$0x0], $0xffff;
	_ =	sdelay $0x1  }
0x298: {  	v19 =	vor.u32 $0x7, v17;
	_ =	sdelay $0x3  }
0x299: {  	[tilespmem:s14+$0xFFFFFB00] =	vst v18  }
0x29a: {  	v18 =	vld.idx.msk [tilespmem:v19+s6+$0x0], $0xffff;
	_ =	sdelay $0x1  }
0x29b: {  	v19 =	vor.u32 $0x8, v17;
	_ =	sdelay $0x3  }
0x29c: {  	[tilespmem:s14+$0xFFFFFD80] =	vst v18  }
0x29d: {  	v18 =	vld.idx.msk [tilespmem:v19+s6+$0x0], $0xffff;
	_ =	sdelay $0x1  }
0x29e: {  	v19 =	vor.u32 $0x9, v17;
	_ =	sdelay $0x3  }
0x29f: {  	[tilespmem:s14+$0x0] =	vst v18  }
0x2a0: {  	v18 =	vld.idx.msk [tilespmem:v19+s6+$0x0], $0xffff;
	_ =	sdelay $0x1  }
0x2a1: {  	v19 =	vor.u32 $0xA, v17;
	_ =	sdelay $0x3  }
0x2a2: {  	[tilespmem:s14+$0x280] =	vst v18  }
0x2a3: {  	v18 =	vld.idx.msk [tilespmem:v19+s6+$0x0], $0xffff;
	_ =	sdelay $0x1  }
0x2a4: {  	v19 =	vor.u32 $0xB, v17;
	_ =	sdelay $0x3  }
0x2a5: {  	[tilespmem:s14+$0x500] =	vst v18  }
0x2a6: {  	v18 =	vld.idx.msk [tilespmem:v19+s6+$0x0], $0xffff;
	_ =	sdelay $0x1  }
0x2a7: {  	v19 =	vor.u32 $0xC, v17;
	_ =	sdelay $0x3  }
0x2a8: {  	[tilespmem:s14+$0x780] =	vst v18  }
0x2a9: {  	v18 =	vld.idx.msk [tilespmem:v19+s6+$0x0], $0xffff;
	_ =	sdelay $0x1  }
0x2aa: {  	v19 =	vor.u32 $0xD, v17;
	_ =	sdelay $0x3  }
0x2ab: {  	[tilespmem:s14+$0xA00] =	vst v18  }
0x2ac: {  	v18 =	vld.idx.msk [tilespmem:v19+s6+$0x0], $0xffff;
	_ =	sdelay $0x1  }
0x2ad: {  	v19 =	vor.u32 $0xE, v17;
	_ =	sdelay $0x3  }
0x2ae: {  	[tilespmem:s14+$0xC80] =	vst v18  }
0x2af: {  	v18 =	vld.idx.msk [tilespmem:v19+s6+$0x0], $0xffff;
	_ =	sdelay $0x1  }
0x2b0: {  	v19 =	vor.u32 $0xF, v17  }
.Ltmp14:
0x2b1: {  	(pc) =	sbr.rel @p4 .LBB2_25-.Ltmp14, $3  }
0x2b2: {  	_ =	sdelay $0x1  }
0x2b3: {  	[tilespmem:s14+$0xF00] =	vst v18  }
0x2b4: {  	v17 =	vmov s11;
	s11 =	sadd.s32 $0x10, s11;
	v18 =	vld.idx.msk [tilespmem:v19+s6+$0x0], $0xffff  }
0x2b5: {  	v17 =	vshll.u32 v17, $0x4  }
0x2b6: {  	v17 =	vor.u32 v16, v17;
	_ =	sdelay $0x3  }
0x2b7: {  	[tilespmem:s14+$0x1180] =	vst v18  }
0x2b8: {  	v18 =	vld.idx.msk [tilespmem:v17+s6+$0x0], $0xffff  }
0x2b9: {  	v19 =	vor.u32 $0x1, v17;
	_ =	sdelay $0x2  }
0x2ba: {  	s4 =	sadd.s32 $0x10, s14  }
0x2bb: {  	[tilespmem:s4+$0xFFFFEC00] =	vst v18  }
0x2bc: {  	v18 =	vld.idx.msk [tilespmem:v19+s6+$0x0], $0xffff  }
0x2bd: {  	v19 =	vor.u32 $0x2, v17;
	_ =	sdelay $0x3  }
0x2be: {  	[tilespmem:s4+$0xFFFFEE80] =	vst v18  }
0x2bf: {  	v18 =	vld.idx.msk [tilespmem:v19+s6+$0x0], $0xffff  }
0x2c0: {  	v19 =	vor.u32 $0x3, v17;
	_ =	sdelay $0x3  }
0x2c1: {  	[tilespmem:s4+$0xFFFFF100] =	vst v18  }
0x2c2: {  	v18 =	vld.idx.msk [tilespmem:v19+s6+$0x0], $0xffff  }
0x2c3: {  	v19 =	vor.u32 $0x4, v17;
	_ =	sdelay $0x3  }
0x2c4: {  	[tilespmem:s4+$0xFFFFF380] =	vst v18  }
0x2c5: {  	v18 =	vld.idx.msk [tilespmem:v19+s6+$0x0], $0xffff  }
0x2c6: {  	v19 =	vor.u32 $0x5, v17;
	_ =	sdelay $0x3  }
0x2c7: {  	[tilespmem:s4+$0xFFFFF600] =	vst v18  }
0x2c8: {  	v18 =	vld.idx.msk [tilespmem:v19+s6+$0x0], $0xffff  }
0x2c9: {  	v19 =	vor.u32 $0x6, v17;
	_ =	sdelay $0x3  }
0x2ca: {  	[tilespmem:s4+$0xFFFFF880] =	vst v18  }
0x2cb: {  	v18 =	vld.idx.msk [tilespmem:v19+s6+$0x0], $0xffff  }
0x2cc: {  	v19 =	vor.u32 $0x7, v17;
	_ =	sdelay $0x3  }
0x2cd: {  	[tilespmem:s4+$0xFFFFFB00] =	vst v18  }
0x2ce: {  	v18 =	vld.idx.msk [tilespmem:v19+s6+$0x0], $0xffff  }
0x2cf: {  	v19 =	vor.u32 $0x8, v17;
	_ =	sdelay $0x3  }
0x2d0: {  	[tilespmem:s4+$0xFFFFFD80] =	vst v18  }
0x2d1: {  	v18 =	vld.idx.msk [tilespmem:v19+s6+$0x0], $0xffff  }
0x2d2: {  	v19 =	vor.u32 $0x9, v17;
	_ =	sdelay $0x3  }
0x2d3: {  	[tilespmem:s4+$0x0] =	vst v18  }
0x2d4: {  	v18 =	vld.idx.msk [tilespmem:v19+s6+$0x0], $0xffff  }
0x2d5: {  	v19 =	vor.u32 $0xA, v17;
	_ =	sdelay $0x3  }
0x2d6: {  	[tilespmem:s4+$0x280] =	vst v18  }
0x2d7: {  	v18 =	vld.idx.msk [tilespmem:v19+s6+$0x0], $0xffff  }
0x2d8: {  	v19 =	vor.u32 $0xB, v17;
	_ =	sdelay $0x3  }
0x2d9: {  	[tilespmem:s4+$0x500] =	vst v18  }
0x2da: {  	v18 =	vld.idx.msk [tilespmem:v19+s6+$0x0], $0xffff  }
0x2db: {  	v19 =	vor.u32 $0xC, v17;
	_ =	sdelay $0x3  }
0x2dc: {  	[tilespmem:s4+$0x780] =	vst v18  }
0x2dd: {  	v18 =	vld.idx.msk [tilespmem:v19+s6+$0x0], $0xffff  }
0x2de: {  	v19 =	vor.u32 $0xD, v17;
	_ =	sdelay $0x3  }
0x2df: {  	[tilespmem:s4+$0xA00] =	vst v18  }
0x2e0: {  	v18 =	vld.idx.msk [tilespmem:v19+s6+$0x0], $0xffff  }
0x2e1: {  	v19 =	vor.u32 $0xE, v17;
	_ =	sdelay $0x3  }
0x2e2: {  	[tilespmem:s4+$0xC80] =	vst v18  }
0x2e3: {  	v18 =	vld.idx.msk [tilespmem:v19+s6+$0x0], $0xffff  }
0x2e4: {  	v17 =	vor.u32 $0xF, v17;
	_ =	sdelay $0x3  }
0x2e5: {  	[tilespmem:s4+$0xF00] =	vst v18  }
0x2e6: {  	v17 =	vld.idx.msk [tilespmem:v17+s6+$0x0], $0xffff;
	_ =	sdelay $0x2  }
0x2e7: {  	s9 =	sshrl.u32 s12, $0x3;
	s11 =	rddreg [dreg:$0x8]  }
0x2e8: {  	s9 =	sadd.s32 s11, s9  }
0x2e9: {  	s14 =	simm.s32 $0x101C0;
	[tilespmem:s4+$0x1180] =	vst v17;
	s4 =	sadd.s32 $0x1360, s9  }
0x2ea: {  	[hbm4b:s4+s19] =	stream.linear.scatter [tilespmem:s14], [sflag:$0x5], $0x140, $0x38;
	[tilespmem:$0x1F1C0] =	vst v63  }
0x2eb: {  	s16 =	simm.s32 $0x10440;
	s15 =	sadd.s32 $0x26E8, s9  }
0x2ec: {  	[hbm4b:s15+s19] =	stream.linear.scatter [tilespmem:s16], [sflag:$0x5], $0x140, $0x38;
	[tilespmem:$0x1F1C0] =	vst v63  }
0x2ed: {  	s12 =	sadd.s32 $0x3A70, s9;
	s14 =	simm.s32 $0x106C0  }
0x2ee: {  	[hbm4b:s12+s19] =	stream.linear.scatter [tilespmem:s14], [sflag:$0x5], $0x140, $0x38;
	[tilespmem:$0x1F1C0] =	vst v63  }
0x2ef: {  	s15 =	sadd.s32 $0x4DF8, s9;
	s16 =	simm.s32 $0x10940  }
0x2f0: {  	[hbm4b:s15+s19] =	stream.linear.scatter [tilespmem:s16], [sflag:$0x5], $0x140, $0x38;
	[tilespmem:$0x1F1C0] =	vst v63  }
0x2f1: {  	s12 =	sadd.s32 $0x6180, s9;
	s14 =	simm.s32 $0x10BC0  }
0x2f2: {  	[hbm4b:s12+s19] =	stream.linear.scatter [tilespmem:s14], [sflag:$0x5], $0x140, $0x38;
	[tilespmem:$0x1F1C0] =	vst v63  }
0x2f3: {  	s15 =	sadd.s32 $0x7508, s9;
	s16 =	simm.s32 $0x10E40  }
0x2f4: {  	[hbm4b:s15+s19] =	stream.linear.scatter [tilespmem:s16], [sflag:$0x5], $0x140, $0x38;
	[tilespmem:$0x1F1C0] =	vst v63  }
0x2f5: {  	s12 =	sadd.s32 $0x8890, s9;
	s14 =	simm.s32 $0x110C0  }
0x2f6: {  	[hbm4b:s12+s19] =	stream.linear.scatter [tilespmem:s14], [sflag:$0x5], $0x140, $0x38;
	[tilespmem:$0x1F1C0] =	vst v63  }
0x2f7: {  	s15 =	sadd.s32 $0x9C18, s9;
	s16 =	simm.s32 $0x11340  }
0x2f8: {  	[hbm4b:s15+s19] =	stream.linear.scatter [tilespmem:s16], [sflag:$0x5], $0x140, $0x38;
	[tilespmem:$0x1F1C0] =	vst v63  }
0x2f9: {  	s12 =	sadd.s32 $0xAFA0, s9;
	s14 =	simm.s32 $0x115C0  }
0x2fa: {  	[hbm4b:s12+s19] =	stream.linear.scatter [tilespmem:s14], [sflag:$0x5], $0x140, $0x38;
	[tilespmem:$0x1F1C0] =	vst v63  }
0x2fb: {  	s15 =	sadd.s32 $0xC328, s9;
	s16 =	simm.s32 $0x11840  }
0x2fc: {  	[hbm4b:s15+s19] =	stream.linear.scatter [tilespmem:s16], [sflag:$0x5], $0x140, $0x38;
	[tilespmem:$0x1F1C0] =	vst v63  }
0x2fd: {  	s12 =	sadd.s32 $0xD6B0, s9;
	s14 =	simm.s32 $0x11AC0  }
0x2fe: {  	[hbm4b:s12+s19] =	stream.linear.scatter [tilespmem:s14], [sflag:$0x5], $0x140, $0x38;
	[tilespmem:$0x1F1C0] =	vst v63  }
0x2ff: {  	s15 =	sadd.s32 $0xEA38, s9;
	s16 =	simm.s32 $0x11D40  }
0x300: {  	[hbm4b:s15+s19] =	stream.linear.scatter [tilespmem:s16], [sflag:$0x5], $0x140, $0x38;
	[tilespmem:$0x1F1C0] =	vst v63  }
0x301: {  	s14 =	sadd.s32 $0xFDC0, s9;
	s15 =	simm.s32 $0x11FC0  }
0x302: {  	[hbm4b:s14+s19] =	stream.linear.scatter [tilespmem:s15], [sflag:$0x5], $0x140, $0x38;
	[tilespmem:$0x1F1C0] =	vst v63  }
0x303: {  	s4 =	sadd.s32 $0xFDE8, s4;
	s16 =	simm.s32 $0x12240  }
0x304: {  	[hbm4b:s4+s19] =	stream.linear.scatter [tilespmem:s16], [sflag:$0x5], $0x140, $0x38;
	[tilespmem:$0x1F1C0] =	vst v63  }
0x305: {  	s11 =	sadd.s32 $0x124D0, s9;
	s12 =	simm.s32 $0x124C0;
	s14 =	sadd.s32 $0x13858, s9  }
0x306: {  	[hbm4b:s11+s19] =	stream.linear.scatter [tilespmem:s12], [sflag:$0x5], $0x140, $0x38;
	[tilespmem:$0x1F1C0] =	vst v63  }
.Ltmp15:
0x307: {  	s15 =	simm.s32 $0x12740;
	s16 =	simm.s32 $0x5;
	(pc) =	sbr.rel .LBB2_27-.Ltmp15, $4  }
0x308: {  	[hbm4b:s14+s19] =	stream.linear.scatter [tilespmem:s15], [sflag:$0x5], $0x140, $0x38;
	[tilespmem:$0x1F1C0] =	vst v63  }
0x309: {  	_ =	swait.ge [sflag:s16], $0x1400  }
0x30a: {  	[sflag:s16] =	ssyncset.done $0x0  }
0x30b: {  	[sflag:s16] =	ssyncadd.s32 $0xFFFFEC00  }
.LBB2_19:
0x30c: {  	s4 =	simm.s32 $0x0;
	s9 =	simm.s32 $0x3  }
0x30d: {  	_ =	swait.ge [sflag:s9], $0x2800;
	v17 =	vmov s4  }
0x30e: {  	[sflag:s9] =	ssyncset.done $0x0;
	v17 =	vshll.u32 v17, $0x4  }
0x30f: {  	s15 =	simm.s32 $0x4;
	s14 =	rddreg [dreg:$0x11];
	[sflag:s9] =	ssyncadd.s32 $0xFFFFD800;
	v17 =	vor.u32 v16, v17  }
0x310: {  	[tilespmem:s10], [sflag:$0x3] =	stream.linear.gather [spmem:s14], $0x2800, $0x38;
	[tilespmem:$0x1F1C0] =	vst v63  }
0x311: {  	_ =	swait.ge [sflag:s15], $0x2800  }
0x312: {  	[sflag:s15] =	ssyncset.done $0x0  }
0x313: {  	[sflag:s15] =	ssyncadd.s32 $0xFFFFD800  }
0x314: {  	v18 =	vld.idx.msk [tilespmem:v17+s6+$0x0], $0xffff  }
0x315: {  	v19 =	vor.u32 $0x1, v17;
	_ =	sdelay $0x2  }
0x316: {  	s14 =	simm.s32 $0x115C0  }
0x317: {  	[tilespmem:s14+$0xFFFFEC00] =	vst v18  }
0x318: {  	v18 =	vld.idx.msk [tilespmem:v19+s6+$0x0], $0xffff  }
0x319: {  	v19 =	vor.u32 $0x2, v17;
	_ =	sdelay $0x3  }
0x31a: {  	[tilespmem:s14+$0xFFFFEE80] =	vst v18  }
0x31b: {  	v18 =	vld.idx.msk [tilespmem:v19+s6+$0x0], $0xffff  }
0x31c: {  	v19 =	vor.u32 $0x3, v17;
	_ =	sdelay $0x3  }
0x31d: {  	[tilespmem:s14+$0xFFFFF100] =	vst v18  }
0x31e: {  	v18 =	vld.idx.msk [tilespmem:v19+s6+$0x0], $0xffff  }
0x31f: {  	v19 =	vor.u32 $0x4, v17;
	_ =	sdelay $0x3  }
0x320: {  	[tilespmem:s14+$0xFFFFF380] =	vst v18  }
0x321: {  	v18 =	vld.idx.msk [tilespmem:v19+s6+$0x0], $0xffff  }
0x322: {  	v19 =	vor.u32 $0x5, v17;
	_ =	sdelay $0x3  }
0x323: {  	[tilespmem:s14+$0xFFFFF600] =	vst v18  }
0x324: {  	v18 =	vld.idx.msk [tilespmem:v19+s6+$0x0], $0xffff  }
0x325: {  	v19 =	vor.u32 $0x6, v17;
	_ =	sdelay $0x3  }
0x326: {  	[tilespmem:s14+$0xFFFFF880] =	vst v18  }
0x327: {  	v18 =	vld.idx.msk [tilespmem:v19+s6+$0x0], $0xffff  }
0x328: {  	v19 =	vor.u32 $0x7, v17;
	_ =	sdelay $0x3  }
0x329: {  	[tilespmem:s14+$0xFFFFFB00] =	vst v18  }
0x32a: {  	v18 =	vld.idx.msk [tilespmem:v19+s6+$0x0], $0xffff  }
0x32b: {  	v19 =	vor.u32 $0x8, v17;
	_ =	sdelay $0x3  }
0x32c: {  	[tilespmem:s14+$0xFFFFFD80] =	vst v18  }
0x32d: {  	v18 =	vld.idx.msk [tilespmem:v19+s6+$0x0], $0xffff  }
0x32e: {  	v19 =	vor.u32 $0x9, v17;
	_ =	sdelay $0x3  }
0x32f: {  	[tilespmem:s14+$0x0] =	vst v18  }
0x330: {  	v18 =	vld.idx.msk [tilespmem:v19+s6+$0x0], $0xffff  }
0x331: {  	v19 =	vor.u32 $0xA, v17;
	_ =	sdelay $0x3  }
0x332: {  	[tilespmem:s14+$0x280] =	vst v18  }
0x333: {  	v18 =	vld.idx.msk [tilespmem:v19+s6+$0x0], $0xffff  }
0x334: {  	v19 =	vor.u32 $0xB, v17;
	_ =	sdelay $0x3  }
0x335: {  	[tilespmem:s14+$0x500] =	vst v18  }
0x336: {  	v18 =	vld.idx.msk [tilespmem:v19+s6+$0x0], $0xffff  }
0x337: {  	v19 =	vor.u32 $0xC, v17;
	_ =	sdelay $0x3  }
0x338: {  	[tilespmem:s14+$0x780] =	vst v18  }
0x339: {  	v18 =	vld.idx.msk [tilespmem:v19+s6+$0x0], $0xffff  }
0x33a: {  	v19 =	vor.u32 $0xD, v17;
	_ =	sdelay $0x3  }
0x33b: {  	[tilespmem:s14+$0xA00] =	vst v18  }
0x33c: {  	v18 =	vld.idx.msk [tilespmem:v19+s6+$0x0], $0xffff  }
0x33d: {  	v19 =	vor.u32 $0xE, v17;
	_ =	sdelay $0x3  }
0x33e: {  	[tilespmem:s14+$0xC80] =	vst v18  }
0x33f: {  	v18 =	vld.idx.msk [tilespmem:v19+s6+$0x0], $0xffff  }
0x340: {  	v19 =	vor.u32 $0xF, v17;
	_ =	sdelay $0x3  }
0x341: {  	s16 =	simm.s32 $0x10;
	[tilespmem:s14+$0xF00] =	vst v18  }
0x342: {  	s11 =	simm.s32 $0x20;
	v17 =	vmov s16;
	v18 =	vld.idx.msk [tilespmem:v19+s6+$0x0], $0xffff  }
.LBB2_20:
0x343: {  	p4 =	sne.s32 s11, $0x270;
	v17 =	vshll.u32 v17, $0x4  }
0x344: {  	v17 =	vor.u32 v16, v17;
	_ =	sdelay $0x3  }
0x345: {  	[tilespmem:s14+$0x1180] =	vst v18  }
0x346: {  	v18 =	vld.idx.msk [tilespmem:v17+s6+$0x0], $0xffff;
	_ =	sdelay $0x1  }
0x347: {  	v19 =	vor.u32 $0x1, v17;
	_ =	sdelay $0x2  }
0x348: {  	s14 =	sadd.s32 $0x10, s14  }
0x349: {  	[tilespmem:s14+$0xFFFFEC00] =	vst v18  }
0x34a: {  	v18 =	vld.idx.msk [tilespmem:v19+s6+$0x0], $0xffff;
	_ =	sdelay $0x1  }
0x34b: {  	v19 =	vor.u32 $0x2, v17;
	_ =	sdelay $0x3  }
0x34c: {  	[tilespmem:s14+$0xFFFFEE80] =	vst v18  }
0x34d: {  	v18 =	vld.idx.msk [tilespmem:v19+s6+$0x0], $0xffff;
	_ =	sdelay $0x1  }
0x34e: {  	v19 =	vor.u32 $0x3, v17;
	_ =	sdelay $0x3  }
0x34f: {  	[tilespmem:s14+$0xFFFFF100] =	vst v18  }
0x350: {  	v18 =	vld.idx.msk [tilespmem:v19+s6+$0x0], $0xffff;
	_ =	sdelay $0x1  }
0x351: {  	v19 =	vor.u32 $0x4, v17;
	_ =	sdelay $0x3  }
0x352: {  	[tilespmem:s14+$0xFFFFF380] =	vst v18  }
0x353: {  	v18 =	vld.idx.msk [tilespmem:v19+s6+$0x0], $0xffff;
	_ =	sdelay $0x1  }
0x354: {  	v19 =	vor.u32 $0x5, v17;
	_ =	sdelay $0x3  }
0x355: {  	[tilespmem:s14+$0xFFFFF600] =	vst v18  }
0x356: {  	v18 =	vld.idx.msk [tilespmem:v19+s6+$0x0], $0xffff;
	_ =	sdelay $0x1  }
0x357: {  	v19 =	vor.u32 $0x6, v17;
	_ =	sdelay $0x3  }
0x358: {  	[tilespmem:s14+$0xFFFFF880] =	vst v18  }
0x359: {  	v18 =	vld.idx.msk [tilespmem:v19+s6+$0x0], $0xffff;
	_ =	sdelay $0x1  }
0x35a: {  	v19 =	vor.u32 $0x7, v17;
	_ =	sdelay $0x3  }
0x35b: {  	[tilespmem:s14+$0xFFFFFB00] =	vst v18  }
0x35c: {  	v18 =	vld.idx.msk [tilespmem:v19+s6+$0x0], $0xffff;
	_ =	sdelay $0x1  }
0x35d: {  	v19 =	vor.u32 $0x8, v17;
	_ =	sdelay $0x3  }
0x35e: {  	[tilespmem:s14+$0xFFFFFD80] =	vst v18  }
0x35f: {  	v18 =	vld.idx.msk [tilespmem:v19+s6+$0x0], $0xffff;
	_ =	sdelay $0x1  }
0x360: {  	v19 =	vor.u32 $0x9, v17;
	_ =	sdelay $0x3  }
0x361: {  	[tilespmem:s14+$0x0] =	vst v18  }
0x362: {  	v18 =	vld.idx.msk [tilespmem:v19+s6+$0x0], $0xffff;
	_ =	sdelay $0x1  }
0x363: {  	v19 =	vor.u32 $0xA, v17;
	_ =	sdelay $0x3  }
0x364: {  	[tilespmem:s14+$0x280] =	vst v18  }
0x365: {  	v18 =	vld.idx.msk [tilespmem:v19+s6+$0x0], $0xffff;
	_ =	sdelay $0x1  }
0x366: {  	v19 =	vor.u32 $0xB, v17;
	_ =	sdelay $0x3  }
0x367: {  	[tilespmem:s14+$0x500] =	vst v18  }
0x368: {  	v18 =	vld.idx.msk [tilespmem:v19+s6+$0x0], $0xffff;
	_ =	sdelay $0x1  }
0x369: {  	v19 =	vor.u32 $0xC, v17;
	_ =	sdelay $0x3  }
0x36a: {  	[tilespmem:s14+$0x780] =	vst v18  }
0x36b: {  	v18 =	vld.idx.msk [tilespmem:v19+s6+$0x0], $0xffff;
	_ =	sdelay $0x1  }
0x36c: {  	v19 =	vor.u32 $0xD, v17;
	_ =	sdelay $0x3  }
0x36d: {  	[tilespmem:s14+$0xA00] =	vst v18  }
0x36e: {  	v18 =	vld.idx.msk [tilespmem:v19+s6+$0x0], $0xffff;
	_ =	sdelay $0x1  }
0x36f: {  	v19 =	vor.u32 $0xE, v17;
	_ =	sdelay $0x3  }
0x370: {  	[tilespmem:s14+$0xC80] =	vst v18  }
0x371: {  	v18 =	vld.idx.msk [tilespmem:v19+s6+$0x0], $0xffff;
	_ =	sdelay $0x1  }
0x372: {  	v19 =	vor.u32 $0xF, v17  }
.Ltmp16:
0x373: {  	(pc) =	sbr.rel @p4 .LBB2_20-.Ltmp16, $3  }
0x374: {  	_ =	sdelay $0x1  }
0x375: {  	[tilespmem:s14+$0xF00] =	vst v18  }
0x376: {  	v17 =	vmov s11;
	s11 =	sadd.s32 $0x10, s11;
	v18 =	vld.idx.msk [tilespmem:v19+s6+$0x0], $0xffff  }
0x377: {  	v17 =	vshll.u32 v17, $0x4  }
0x378: {  	v17 =	vor.u32 v16, v17;
	_ =	sdelay $0x3  }
0x379: {  	[tilespmem:s14+$0x1180] =	vst v18  }
0x37a: {  	v18 =	vld.idx.msk [tilespmem:v17+s6+$0x0], $0xffff  }
0x37b: {  	v19 =	vor.u32 $0x1, v17;
	_ =	sdelay $0x2  }
0x37c: {  	s4 =	sadd.s32 $0x10, s14  }
0x37d: {  	[tilespmem:s4+$0xFFFFEC00] =	vst v18  }
0x37e: {  	v18 =	vld.idx.msk [tilespmem:v19+s6+$0x0], $0xffff  }
0x37f: {  	v19 =	vor.u32 $0x2, v17;
	_ =	sdelay $0x3  }
0x380: {  	[tilespmem:s4+$0xFFFFEE80] =	vst v18  }
0x381: {  	v18 =	vld.idx.msk [tilespmem:v19+s6+$0x0], $0xffff  }
0x382: {  	v19 =	vor.u32 $0x3, v17;
	_ =	sdelay $0x3  }
0x383: {  	[tilespmem:s4+$0xFFFFF100] =	vst v18  }
0x384: {  	v18 =	vld.idx.msk [tilespmem:v19+s6+$0x0], $0xffff  }
0x385: {  	v19 =	vor.u32 $0x4, v17;
	_ =	sdelay $0x3  }
0x386: {  	[tilespmem:s4+$0xFFFFF380] =	vst v18  }
0x387: {  	v18 =	vld.idx.msk [tilespmem:v19+s6+$0x0], $0xffff  }
0x388: {  	v19 =	vor.u32 $0x5, v17;
	_ =	sdelay $0x3  }
0x389: {  	[tilespmem:s4+$0xFFFFF600] =	vst v18  }
0x38a: {  	v18 =	vld.idx.msk [tilespmem:v19+s6+$0x0], $0xffff  }
0x38b: {  	v19 =	vor.u32 $0x6, v17;
	_ =	sdelay $0x3  }
0x38c: {  	[tilespmem:s4+$0xFFFFF880] =	vst v18  }
0x38d: {  	v18 =	vld.idx.msk [tilespmem:v19+s6+$0x0], $0xffff  }
0x38e: {  	v19 =	vor.u32 $0x7, v17;
	_ =	sdelay $0x3  }
0x38f: {  	[tilespmem:s4+$0xFFFFFB00] =	vst v18  }
0x390: {  	v18 =	vld.idx.msk [tilespmem:v19+s6+$0x0], $0xffff  }
0x391: {  	v19 =	vor.u32 $0x8, v17;
	_ =	sdelay $0x3  }
0x392: {  	[tilespmem:s4+$0xFFFFFD80] =	vst v18  }
0x393: {  	v18 =	vld.idx.msk [tilespmem:v19+s6+$0x0], $0xffff  }
0x394: {  	v19 =	vor.u32 $0x9, v17;
	_ =	sdelay $0x3  }
0x395: {  	[tilespmem:s4+$0x0] =	vst v18  }
0x396: {  	v18 =	vld.idx.msk [tilespmem:v19+s6+$0x0], $0xffff  }
0x397: {  	v19 =	vor.u32 $0xA, v17;
	_ =	sdelay $0x3  }
0x398: {  	[tilespmem:s4+$0x280] =	vst v18  }
0x399: {  	v18 =	vld.idx.msk [tilespmem:v19+s6+$0x0], $0xffff  }
0x39a: {  	v19 =	vor.u32 $0xB, v17;
	_ =	sdelay $0x3  }
0x39b: {  	[tilespmem:s4+$0x500] =	vst v18  }
0x39c: {  	v18 =	vld.idx.msk [tilespmem:v19+s6+$0x0], $0xffff  }
0x39d: {  	v19 =	vor.u32 $0xC, v17;
	_ =	sdelay $0x3  }
0x39e: {  	[tilespmem:s4+$0x780] =	vst v18  }
0x39f: {  	v18 =	vld.idx.msk [tilespmem:v19+s6+$0x0], $0xffff  }
0x3a0: {  	v19 =	vor.u32 $0xD, v17;
	_ =	sdelay $0x3  }
0x3a1: {  	[tilespmem:s4+$0xA00] =	vst v18  }
0x3a2: {  	v18 =	vld.idx.msk [tilespmem:v19+s6+$0x0], $0xffff  }
0x3a3: {  	v19 =	vor.u32 $0xE, v17;
	_ =	sdelay $0x3  }
0x3a4: {  	[tilespmem:s4+$0xC80] =	vst v18  }
0x3a5: {  	v18 =	vld.idx.msk [tilespmem:v19+s6+$0x0], $0xffff  }
0x3a6: {  	v17 =	vor.u32 $0xF, v17;
	_ =	sdelay $0x3  }
0x3a7: {  	[tilespmem:s4+$0xF00] =	vst v18  }
0x3a8: {  	v17 =	vld.idx.msk [tilespmem:v17+s6+$0x0], $0xffff;
	_ =	sdelay $0x1  }
0x3a9: {  	s9 =	rddreg [dreg:$0xa]  }
0x3aa: {  	s15 =	rddreg [dreg:$0x8];
	s9 =	sadd.s32 s9, s12  }
0x3ab: {  	s11 =	simm.s32 $0x280;
	s16 =	simm.s32 $0x9C40;
	s9 =	sshrl.u32 s9, $0x3  }
0x3ac: {  	[tilespmem:s4+$0x1180] =	vst v17;
	s4 =	sadd.s32 s15, s9;
	s9 =	simm.s32 $0x0;
	s15 =	simm.s32 $0x101C0  }
0x3ad: {  	[hbm4b:s4+s11] =	stream.strided.scatter [tilespmem:s15], [sflag:$0x4], $0x2800, s16, s11, $0x38;
	[tilespmem:$0x1F1C0] =	vst v63  }
0x3ae: {  	v17 =	vmov s9;
	s15 =	simm.s32 $0x3  }
0x3af: {  	_ =	swait.ge [sflag:s15], $0x2800;
	v17 =	vshll.u32 v17, $0x4  }
0x3b0: {  	[sflag:s15] =	ssyncset.done $0x0;
	v17 =	vor.u32 v16, v17  }
0x3b1: {  	s16 =	simm.s32 $0x4;
	[sflag:s15] =	ssyncadd.s32 $0xFFFFD800  }
0x3b2: {  	_ =	swait.ge [sflag:s16], $0x2800  }
0x3b3: {  	[sflag:s16] =	ssyncset.done $0x0  }
0x3b4: {  	[sflag:s16] =	ssyncadd.s32 $0xFFFFD800  }
0x3b5: {  	v18 =	vld.idx.msk [tilespmem:v17+s10+$0x0], $0xffff  }
0x3b6: {  	v19 =	vor.u32 $0x1, v17;
	_ =	sdelay $0x2  }
0x3b7: {  	s14 =	simm.s32 $0x0  }
0x3b8: {  	[tilespmem:s14+$0x129C0] =	vst v18  }
0x3b9: {  	v18 =	vld.idx.msk [tilespmem:v19+s10+$0x0], $0xffff  }
0x3ba: {  	v19 =	vor.u32 $0x2, v17;
	_ =	sdelay $0x3  }
0x3bb: {  	[tilespmem:s14+$0x12C40] =	vst v18  }
0x3bc: {  	v18 =	vld.idx.msk [tilespmem:v19+s10+$0x0], $0xffff  }
0x3bd: {  	v19 =	vor.u32 $0x3, v17;
	_ =	sdelay $0x3  }
0x3be: {  	[tilespmem:s14+$0x12EC0] =	vst v18  }
0x3bf: {  	v18 =	vld.idx.msk [tilespmem:v19+s10+$0x0], $0xffff  }
0x3c0: {  	v19 =	vor.u32 $0x4, v17;
	_ =	sdelay $0x3  }
0x3c1: {  	[tilespmem:s14+$0x13140] =	vst v18  }
0x3c2: {  	v18 =	vld.idx.msk [tilespmem:v19+s10+$0x0], $0xffff  }
0x3c3: {  	v19 =	vor.u32 $0x5, v17;
	_ =	sdelay $0x3  }
0x3c4: {  	[tilespmem:s14+$0x133C0] =	vst v18  }
0x3c5: {  	v18 =	vld.idx.msk [tilespmem:v19+s10+$0x0], $0xffff  }
0x3c6: {  	v19 =	vor.u32 $0x6, v17;
	_ =	sdelay $0x3  }
0x3c7: {  	[tilespmem:s14+$0x13640] =	vst v18  }
0x3c8: {  	v18 =	vld.idx.msk [tilespmem:v19+s10+$0x0], $0xffff  }
0x3c9: {  	v19 =	vor.u32 $0x7, v17;
	_ =	sdelay $0x3  }
0x3ca: {  	[tilespmem:s14+$0x138C0] =	vst v18  }
0x3cb: {  	v18 =	vld.idx.msk [tilespmem:v19+s10+$0x0], $0xffff  }
0x3cc: {  	v19 =	vor.u32 $0x8, v17;
	_ =	sdelay $0x3  }
0x3cd: {  	[tilespmem:s14+$0x13B40] =	vst v18  }
0x3ce: {  	v18 =	vld.idx.msk [tilespmem:v19+s10+$0x0], $0xffff  }
0x3cf: {  	v19 =	vor.u32 $0x9, v17;
	_ =	sdelay $0x3  }
0x3d0: {  	[tilespmem:s14+$0x13DC0] =	vst v18  }
0x3d1: {  	v18 =	vld.idx.msk [tilespmem:v19+s10+$0x0], $0xffff  }
0x3d2: {  	v19 =	vor.u32 $0xA, v17;
	_ =	sdelay $0x3  }
0x3d3: {  	[tilespmem:s14+$0x14040] =	vst v18  }
0x3d4: {  	v18 =	vld.idx.msk [tilespmem:v19+s10+$0x0], $0xffff  }
0x3d5: {  	v19 =	vor.u32 $0xB, v17;
	_ =	sdelay $0x3  }
0x3d6: {  	[tilespmem:s14+$0x142C0] =	vst v18  }
0x3d7: {  	v18 =	vld.idx.msk [tilespmem:v19+s10+$0x0], $0xffff  }
0x3d8: {  	v19 =	vor.u32 $0xC, v17;
	_ =	sdelay $0x3  }
0x3d9: {  	[tilespmem:s14+$0x14540] =	vst v18  }
0x3da: {  	v18 =	vld.idx.msk [tilespmem:v19+s10+$0x0], $0xffff  }
0x3db: {  	v19 =	vor.u32 $0xD, v17;
	_ =	sdelay $0x3  }
0x3dc: {  	[tilespmem:s14+$0x147C0] =	vst v18  }
0x3dd: {  	v18 =	vld.idx.msk [tilespmem:v19+s10+$0x0], $0xffff  }
0x3de: {  	v19 =	vor.u32 $0xE, v17;
	_ =	sdelay $0x3  }
0x3df: {  	[tilespmem:s14+$0x14A40] =	vst v18  }
0x3e0: {  	v18 =	vld.idx.msk [tilespmem:v19+s10+$0x0], $0xffff  }
0x3e1: {  	v19 =	vor.u32 $0xF, v17;
	_ =	sdelay $0x3  }
0x3e2: {  	s15 =	simm.s32 $0x10;
	[tilespmem:s14+$0x14CC0] =	vst v18  }
0x3e3: {  	s11 =	simm.s32 $0x40;
	s16 =	simm.s32 $0x80;
	v17 =	vmov s15;
	v18 =	vld.idx.msk [tilespmem:v19+s10+$0x0], $0xffff  }
.LBB2_22:
0x3e4: {  	p4 =	sne.s32 s16, $0x9C0;
	v17 =	vshll.u32 v17, $0x4  }
0x3e5: {  	v17 =	vor.u32 v16, v17;
	_ =	sdelay $0x3  }
0x3e6: {  	[tilespmem:s14+$0x14F40] =	vst v18  }
0x3e7: {  	v18 =	vld.idx.msk [tilespmem:v17+s10+$0x0], $0xffff;
	_ =	sdelay $0x1  }
0x3e8: {  	v19 =	vor.u32 $0x1, v17;
	_ =	sdelay $0x2  }
0x3e9: {  	s14 =	sshra.s32 s11, $0x2;
	s11 =	smov.u32 s16  }
0x3ea: {  	[tilespmem:s14+$0x129C0] =	vst v18  }
0x3eb: {  	v18 =	vld.idx.msk [tilespmem:v19+s10+$0x0], $0xffff;
	_ =	sdelay $0x1  }
0x3ec: {  	v19 =	vor.u32 $0x2, v17;
	_ =	sdelay $0x3  }
0x3ed: {  	[tilespmem:s14+$0x12C40] =	vst v18  }
0x3ee: {  	v18 =	vld.idx.msk [tilespmem:v19+s10+$0x0], $0xffff;
	_ =	sdelay $0x1  }
0x3ef: {  	v19 =	vor.u32 $0x3, v17;
	_ =	sdelay $0x3  }
0x3f0: {  	[tilespmem:s14+$0x12EC0] =	vst v18  }
0x3f1: {  	v18 =	vld.idx.msk [tilespmem:v19+s10+$0x0], $0xffff;
	_ =	sdelay $0x1  }
0x3f2: {  	v19 =	vor.u32 $0x4, v17;
	_ =	sdelay $0x3  }
0x3f3: {  	[tilespmem:s14+$0x13140] =	vst v18  }
0x3f4: {  	v18 =	vld.idx.msk [tilespmem:v19+s10+$0x0], $0xffff;
	_ =	sdelay $0x1  }
0x3f5: {  	v19 =	vor.u32 $0x5, v17;
	_ =	sdelay $0x3  }
0x3f6: {  	[tilespmem:s14+$0x133C0] =	vst v18  }
0x3f7: {  	v18 =	vld.idx.msk [tilespmem:v19+s10+$0x0], $0xffff;
	_ =	sdelay $0x1  }
0x3f8: {  	v19 =	vor.u32 $0x6, v17;
	_ =	sdelay $0x3  }
0x3f9: {  	[tilespmem:s14+$0x13640] =	vst v18  }
0x3fa: {  	v18 =	vld.idx.msk [tilespmem:v19+s10+$0x0], $0xffff;
	_ =	sdelay $0x1  }
0x3fb: {  	v19 =	vor.u32 $0x7, v17;
	_ =	sdelay $0x3  }
0x3fc: {  	[tilespmem:s14+$0x138C0] =	vst v18  }
0x3fd: {  	v18 =	vld.idx.msk [tilespmem:v19+s10+$0x0], $0xffff;
	_ =	sdelay $0x1  }
0x3fe: {  	v19 =	vor.u32 $0x8, v17;
	_ =	sdelay $0x3  }
0x3ff: {  	[tilespmem:s14+$0x13B40] =	vst v18  }
0x400: {  	v18 =	vld.idx.msk [tilespmem:v19+s10+$0x0], $0xffff;
	_ =	sdelay $0x1  }
0x401: {  	v19 =	vor.u32 $0x9, v17;
	_ =	sdelay $0x3  }
0x402: {  	[tilespmem:s14+$0x13DC0] =	vst v18  }
0x403: {  	v18 =	vld.idx.msk [tilespmem:v19+s10+$0x0], $0xffff;
	_ =	sdelay $0x1  }
0x404: {  	v19 =	vor.u32 $0xA, v17;
	_ =	sdelay $0x3  }
0x405: {  	[tilespmem:s14+$0x14040] =	vst v18  }
0x406: {  	v18 =	vld.idx.msk [tilespmem:v19+s10+$0x0], $0xffff;
	_ =	sdelay $0x1  }
0x407: {  	v19 =	vor.u32 $0xB, v17;
	_ =	sdelay $0x3  }
0x408: {  	[tilespmem:s14+$0x142C0] =	vst v18  }
0x409: {  	v18 =	vld.idx.msk [tilespmem:v19+s10+$0x0], $0xffff;
	_ =	sdelay $0x1  }
0x40a: {  	v19 =	vor.u32 $0xC, v17;
	_ =	sdelay $0x3  }
0x40b: {  	[tilespmem:s14+$0x14540] =	vst v18  }
0x40c: {  	v18 =	vld.idx.msk [tilespmem:v19+s10+$0x0], $0xffff;
	_ =	sdelay $0x1  }
0x40d: {  	v19 =	vor.u32 $0xD, v17;
	_ =	sdelay $0x3  }
0x40e: {  	[tilespmem:s14+$0x147C0] =	vst v18  }
0x40f: {  	v18 =	vld.idx.msk [tilespmem:v19+s10+$0x0], $0xffff;
	_ =	sdelay $0x1  }
0x410: {  	v19 =	vor.u32 $0xE, v17;
	_ =	sdelay $0x3  }
0x411: {  	[tilespmem:s14+$0x14A40] =	vst v18  }
0x412: {  	v18 =	vld.idx.msk [tilespmem:v19+s10+$0x0], $0xffff;
	_ =	sdelay $0x1  }
0x413: {  	v19 =	vor.u32 $0xF, v17  }
.Ltmp17:
0x414: {  	(pc) =	sbr.rel @p4 .LBB2_22-.Ltmp17, $3  }
0x415: {  	_ =	sdelay $0x1  }
0x416: {  	s15 =	sadd.s32 $0x10, s15;
	[tilespmem:s14+$0x14CC0] =	vst v18  }
0x417: {  	s16 =	sadd.s32 $0x40, s16;
	v17 =	vmov s15;
	v18 =	vld.idx.msk [tilespmem:v19+s10+$0x0], $0xffff  }
0x418: {  	v17 =	vshll.u32 v17, $0x4  }
0x419: {  	v17 =	vor.u32 v16, v17;
	_ =	sdelay $0x3  }
0x41a: {  	[tilespmem:s14+$0x14F40] =	vst v18  }
0x41b: {  	v18 =	vld.idx.msk [tilespmem:v17+s10+$0x0], $0xffff  }
0x41c: {  	v19 =	vor.u32 $0x1, v17;
	_ =	sdelay $0x2  }
0x41d: {  	s4 =	sshra.s32 s11, $0x2  }
0x41e: {  	[tilespmem:s4+$0x129C0] =	vst v18  }
0x41f: {  	v18 =	vld.idx.msk [tilespmem:v19+s10+$0x0], $0xffff  }
0x420: {  	v19 =	vor.u32 $0x2, v17;
	_ =	sdelay $0x3  }
0x421: {  	[tilespmem:s4+$0x12C40] =	vst v18  }
0x422: {  	v18 =	vld.idx.msk [tilespmem:v19+s10+$0x0], $0xffff  }
0x423: {  	v19 =	vor.u32 $0x3, v17;
	_ =	sdelay $0x3  }
0x424: {  	[tilespmem:s4+$0x12EC0] =	vst v18  }
0x425: {  	v18 =	vld.idx.msk [tilespmem:v19+s10+$0x0], $0xffff  }
0x426: {  	v19 =	vor.u32 $0x4, v17;
	_ =	sdelay $0x3  }
0x427: {  	[tilespmem:s4+$0x13140] =	vst v18  }
0x428: {  	v18 =	vld.idx.msk [tilespmem:v19+s10+$0x0], $0xffff  }
0x429: {  	v19 =	vor.u32 $0x5, v17;
	_ =	sdelay $0x3  }
0x42a: {  	[tilespmem:s4+$0x133C0] =	vst v18  }
0x42b: {  	v18 =	vld.idx.msk [tilespmem:v19+s10+$0x0], $0xffff  }
0x42c: {  	v19 =	vor.u32 $0x6, v17;
	_ =	sdelay $0x3  }
0x42d: {  	[tilespmem:s4+$0x13640] =	vst v18  }
0x42e: {  	v18 =	vld.idx.msk [tilespmem:v19+s10+$0x0], $0xffff  }
0x42f: {  	v19 =	vor.u32 $0x7, v17;
	_ =	sdelay $0x3  }
0x430: {  	[tilespmem:s4+$0x138C0] =	vst v18  }
0x431: {  	v18 =	vld.idx.msk [tilespmem:v19+s10+$0x0], $0xffff  }
0x432: {  	v19 =	vor.u32 $0x8, v17;
	_ =	sdelay $0x3  }
0x433: {  	[tilespmem:s4+$0x13B40] =	vst v18  }
0x434: {  	v18 =	vld.idx.msk [tilespmem:v19+s10+$0x0], $0xffff  }
0x435: {  	v19 =	vor.u32 $0x9, v17;
	_ =	sdelay $0x3  }
0x436: {  	[tilespmem:s4+$0x13DC0] =	vst v18  }
0x437: {  	v18 =	vld.idx.msk [tilespmem:v19+s10+$0x0], $0xffff  }
0x438: {  	v19 =	vor.u32 $0xA, v17;
	_ =	sdelay $0x3  }
0x439: {  	[tilespmem:s4+$0x14040] =	vst v18  }
0x43a: {  	v18 =	vld.idx.msk [tilespmem:v19+s10+$0x0], $0xffff  }
0x43b: {  	v19 =	vor.u32 $0xB, v17;
	_ =	sdelay $0x3  }
0x43c: {  	[tilespmem:s4+$0x142C0] =	vst v18  }
0x43d: {  	v18 =	vld.idx.msk [tilespmem:v19+s10+$0x0], $0xffff  }
0x43e: {  	v19 =	vor.u32 $0xC, v17;
	_ =	sdelay $0x3  }
0x43f: {  	[tilespmem:s4+$0x14540] =	vst v18  }
0x440: {  	v18 =	vld.idx.msk [tilespmem:v19+s10+$0x0], $0xffff  }
0x441: {  	v19 =	vor.u32 $0xD, v17;
	_ =	sdelay $0x3  }
0x442: {  	[tilespmem:s4+$0x147C0] =	vst v18  }
0x443: {  	v18 =	vld.idx.msk [tilespmem:v19+s10+$0x0], $0xffff  }
0x444: {  	v19 =	vor.u32 $0xE, v17;
	_ =	sdelay $0x3  }
0x445: {  	[tilespmem:s4+$0x14A40] =	vst v18  }
0x446: {  	v18 =	vld.idx.msk [tilespmem:v19+s10+$0x0], $0xffff  }
0x447: {  	v17 =	vor.u32 $0xF, v17;
	_ =	sdelay $0x3  }
0x448: {  	[tilespmem:s4+$0x14CC0] =	vst v18  }
0x449: {  	v17 =	vld.idx.msk [tilespmem:v17+s10+$0x0], $0xffff;
	_ =	sdelay $0x1  }
0x44a: {  	s9 =	rddreg [dreg:$0xe]  }
0x44b: {  	s11 =	rddreg [dreg:$0x8];
	s9 =	sadd.s32 s9, s12  }
0x44c: {  	s15 =	simm.s32 $0x129C0;
	s16 =	simm.s32 $0x4;
	s9 =	sshrl.u32 s9, $0x3  }
0x44d: {  	s12 =	simm.s32 $0x280;
	s14 =	simm.s32 $0x9C40;
	[tilespmem:s4+$0x14F40] =	vst v17;
	s4 =	sadd.s32 s11, s9  }
0x44e: {  	[hbm4b:s4+s12] =	stream.strided.scatter [tilespmem:s15], [sflag:$0x4], $0x2800, s14, s12, $0x38;
	[tilespmem:$0x1F1C0] =	vst v63  }
0x44f: {  	_ =	swait.ge [sflag:s16], $0x2800  }
.Ltmp18:
0x450: {  	[sflag:s16] =	ssyncset.done $0x0;
	(pc) =	sbr.rel .LBB2_27-.Ltmp18, $4  }
0x451: {  	[sflag:s16] =	ssyncadd.s32 $0xFFFFD800  }
0x452: {  	_ =	swait.ge [sflag:s16], $0x2800  }
0x453: {  	[sflag:s16] =	ssyncset.done $0x0  }
0x454: {  	[sflag:s16] =	ssyncadd.s32 $0xFFFFD800  }
.LBB2_29:
0x455: {  	_ =	sfence.sel $0x180000  }
0x456: {  	[bflag:$0x0] =	sbarrier.arrive $0xFFFF  }
0x457: {  	_ =	strace $0x90000047  }
0x458: {  	s0 =	stileid.u32;
	[bflag:$0x2] =	sbarrier.arrive $0xFFFF  }
0x459: {  	p0 =	sne.s32 s0, $0x0;
	s0 =	rddreg [dreg:$0x3]  }
0x45a: {  	s0 =	sadd.s32 @!p0 $0x100000, s0  }
0x45b: {  	[sflag:s0] =	ssyncadd.tile.s32 @!p0 $0x1;
	_ =	shalt  }
.Lfunc_end2:
_tile_overlayer_lowered:
.L_overlay_start_2:
0x45c: {  	(tag) =	ssettag $0x2  }
0x45d: {  	s0 =	rddreg [dreg:$0x0];
	s2 =	stileid.u32  }
0x45e: {  	s1 =	rddreg [dreg:$0x1];
	p0 =	sne.s32 s2, $0x0  }
0x45f: {  	s3 =	rddreg [dreg:$0x2];
	[bflag:$0x3] =	sbarrier.arrive $0xFFFF;
	s2 =	simm.s32 @!p0 $0x1C05  }
0x460: {  	[timem:s3], [sflag:s2] =	dma.local @!p0 [hbm:s0], s1  }
0x461: {  	s0 =	simm.s32 @!p0 $0x5  }
0x462: {  	_ =	swait.ge @!p0 [sflag:s0], s1  }
0x463: {  	s1 =	ssub.s32 @!p0 $0x0, s1;
	[sflag:s0] =	ssyncset.done @!p0 $0x0  }
0x464: {  	[sflag:s0] =	ssyncadd.s32 @!p0 s1  }
0x465: {  	[bflag:$0x3] =	sbarrier.arrive $0xFFFF  }
0x466: {  	_ =	shalt  }

</sc_bundles>
